<compile_context>
chip_gen: v7x
topology: tpu7x:2x2x1
jax: 0.10.2.dev20260603
libtpu: 0.0.44.dev20260713+nightly
codegen_flags: <defaults>
</compile_context>

<pallas_src>
import functools

import jax
import jax.numpy as jnp
from jax import lax
from jax.experimental import pallas as pl
from jax.experimental.pallas import tpu as pltpu
from jax.experimental.pallas import tpu_sc as plsc

N = 10000
NNZ = 320000
DIN = 128
DOUT = 128
L = 16
NC = 2
NS = 16
NDH = 5000

EPT = NNZ // NS
CHUNK = 160
NCHUNK = EPT // CHUNK
SUB = 80
NSUB = CHUNK // SUB
NGRP = CHUNK // L
GPS = SUB // L

AUXA = N
AUXB = N + 16
DUMMY = N + 32
FLAGR = N + 48
ACC_ROWS = 10240
RPT = ACC_ROWS // NS
NZCH = RPT // CHUNK
MPT = N // NS
FG = DIN // L

ODIAG = 11000
OAUXA = N
OAUXB = 16128
OUT_ROWS = 18000


def _zero_rows(buf, nrows):
    def _zrow(i, carry):
        for g in range(FG):
            buf[i, pl.ds(g * L, L)] = jnp.zeros((L,), jnp.float32)
        return carry
    lax.fori_loop(0, nrows, _zrow, 0)


def _sc_body(values, rows, cols, out, vbuf, rbuf, cbuf, midx, didx,
             auxv, auxi, dflag, acc, lsem0, lsem1, ssem0, ssem1):
    c = lax.axis_index("c")
    s = lax.axis_index("s")
    lanes = lax.iota(jnp.int32, L)
    base = s * RPT
    ebase = s * EPT
    lsem = (lsem0, lsem1)
    ssem = (ssem0, ssem1)
    stage = vbuf.at[0]

    def _zero_acc():
        for k in range(NZCH):
            pltpu.sync_copy(stage, acc.at[pl.ds(base + k * CHUNK, CHUNK)])

    def _fire_loads(j, w):
        e0 = ebase + j * CHUNK
        pltpu.async_copy(rows.at[pl.ds(e0, CHUNK)], rbuf, lsem[w])
        pltpu.async_copy(cols.at[pl.ds(e0, CHUNK)], cbuf, lsem[w])
        pltpu.async_copy(values.at[pl.ds(e0, CHUNK)], vbuf.at[w], lsem[w])

    def _wait_loads(j, w):
        e0 = ebase + j * CHUNK
        pltpu.make_async_copy(rows.at[pl.ds(e0, CHUNK)], rbuf, lsem[w]).wait()
        pltpu.make_async_copy(cols.at[pl.ds(e0, CHUNK)], cbuf, lsem[w]).wait()
        pltpu.make_async_copy(values.at[pl.ds(e0, CHUNK)], vbuf.at[w],
                              lsem[w]).wait()

    def _compute(j, w):
        anyd = jnp.zeros((L,), jnp.int32)
        for g in range(NGRP):
            r = rbuf[pl.ds(g * L, L)]
            cc = cbuf[pl.ds(g * L, L)]
            midx[w, g // GPS, pl.ds((g % GPS) * L, L)] = r + c * (cc - r)
            anyd = anyd | jnp.where(r == cc, 1, 0)
        dflag[pl.ds(j * L, L)] = anyd
        return anyd

    def _fire_scatters(w):
        for k in range(NSUB):
            pltpu.async_copy(vbuf.at[w, pl.ds(k * SUB, SUB)],
                             acc.at[midx.at[w, k]], ssem[w], add=True)

    def _wait_scatters(w):
        for k in range(NSUB):
            pltpu.make_async_copy(vbuf.at[w, pl.ds(k * SUB, SUB)],
                                  acc.at[midx.at[w, k]], ssem[w]).wait()

    def _totals(row0, sizes, target):
        def _rrow(i, t):
            return tuple(t[g] + vbuf[0, i, pl.ds(g * L, L)] for g in range(FG))
        tot = (jnp.zeros((L,), jnp.float32),) * FG
        off = 0
        for sz in sizes:
            pltpu.sync_copy(acc.at[pl.ds(row0 + off, sz)],
                            stage.at[pl.ds(0, sz)])
            tot = lax.fori_loop(0, sz, _rrow, tot)
            off += sz
        _zero_rows(auxv, L)
        for g in range(FG):
            auxv[0, pl.ds(g * L, L)] = tot[g]
        auxi[...] = lanes + target
        pltpu.sync_copy(auxv, acc.at[auxi], add=True)

    def _copy_out(dst_base, nch):
        for k in range(nch):
            pltpu.sync_copy(acc.at[pl.ds(base + k * CHUNK, CHUNK)], stage)
            pltpu.sync_copy(stage, out.at[c, pl.ds(dst_base + base + k * CHUNK,
                                                   CHUNK)])

    _zero_rows(stage, CHUNK)
    _zero_acc()
    plsc.subcore_barrier()

    _fire_loads(0, 0)
    _wait_loads(0, 0)
    gany0 = _compute(0, 0)
    _fire_scatters(0)
    _fire_loads(1, 1)

    @pl.loop(0, (NCHUNK - 1) // 2, init_carry=gany0)
    def _pipe(g, gany):
        k1 = 2 * g + 1
        _wait_loads(k1, 1)
        gany = gany | _compute(k1, 1)
        _fire_scatters(1)
        _wait_scatters(0)
        _fire_loads(k1 + 1, 0)
        k2 = 2 * g + 2
        _wait_loads(k2, 0)
        gany = gany | _compute(k2, 0)
        _fire_scatters(0)
        _wait_scatters(1)

        @pl.when(g < (NCHUNK - 1) // 2 - 1)
        def _():
            _fire_loads(k2 + 1, 1)
        return gany

    _wait_scatters(0)
    _zero_rows(auxv, L)
    auxv[0, pl.ds(0, L)] = _pipe.astype(jnp.float32)
    auxi[...] = lanes + FLAGR
    pltpu.sync_copy(auxv, acc.at[auxi], add=True)
    plsc.subcore_barrier()

    _totals(s * MPT, (160, 160, 160, 145), AUXA)
    pltpu.sync_copy(acc.at[pl.ds(FLAGR, L)], auxv)
    fvec = auxv[0, pl.ds(0, L)]
    fs = fvec[0]
    for q in range(1, L):
        fs = fs + fvec[q]
    gf = fs != 0.0
    plsc.subcore_barrier()

    _copy_out(0, NZCH)
    _zero_rows(stage, CHUNK)

    @pl.when(gf)
    def _():
        _zero_acc()
    plsc.subcore_barrier()

    def _dchunk(j, carry):
        fv = dflag[pl.ds(j * L, L)]
        f = fv[0]
        for q in range(1, L):
            f = f | fv[q]

        @pl.when(f != 0)
        def _():
            e0 = ebase + j * CHUNK
            pltpu.sync_copy(rows.at[pl.ds(e0, CHUNK)], rbuf)
            pltpu.sync_copy(cols.at[pl.ds(e0, CHUNK)], cbuf)
            pltpu.sync_copy(values.at[pl.ds(e0, CHUNK)], stage)
            for g in range(NGRP):
                r = rbuf[pl.ds(g * L, L)]
                cc = cbuf[pl.ds(g * L, L)]
                eq = jnp.where(r == cc, 1, 0)
                half = jnp.where(r < NDH, 1 - c, c)
                m = eq * half
                dt = r - c * NDH
                didx[g // GPS, pl.ds((g % GPS) * L, L)] = (
                    jnp.where(m == 1, dt, DUMMY + lanes))
            for k in range(NSUB):
                pltpu.sync_copy(stage.at[pl.ds(k * SUB, SUB)],
                                acc.at[didx.at[k]], add=True)
        return carry

    @pl.when(gf)
    def _():
        lax.fori_loop(0, NCHUNK, _dchunk, 0)
    plsc.subcore_barrier()

    @pl.when(gf)
    def _():
        _totals(s * 320, (160, 160), AUXB)
    plsc.subcore_barrier()

    for k in range(2):
        r0 = s * 320 + k * CHUNK

        @pl.when(gf)
        def _():
            pltpu.sync_copy(acc.at[pl.ds(r0, CHUNK)], stage)
        pltpu.sync_copy(stage, out.at[c, pl.ds(ODIAG + r0, CHUNK)])

    @pl.when(s == 0)
    def _():
        _zero_rows(auxv, L)

        @pl.when(gf)
        def _():
            pltpu.sync_copy(acc.at[pl.ds(AUXB, L)], auxv)
        pltpu.sync_copy(auxv, out.at[c, pl.ds(OAUXB, L)])


@functools.cache
def _sc_scatter():
    mesh = plsc.VectorSubcoreMesh(
        core_axis_name="c", subcore_axis_name="s",
        num_cores=NC, num_subcores=NS)
    return pl.kernel(
        _sc_body,
        out_type=jax.ShapeDtypeStruct((NC, OUT_ROWS, DIN), jnp.float32),
        mesh=mesh,
        scratch_types=[
            pltpu.VMEM((2, CHUNK, DIN), jnp.float32),
            pltpu.VMEM((CHUNK,), jnp.int32),
            pltpu.VMEM((CHUNK,), jnp.int32),
            pltpu.VMEM((2, NSUB, SUB), jnp.int32),
            pltpu.VMEM((NSUB, SUB), jnp.int32),
            pltpu.VMEM((L, DIN), jnp.float32),
            pltpu.VMEM((L,), jnp.int32),
            pltpu.VMEM((NCHUNK * L,), jnp.int32),
            pltpu.VMEM_SHARED((ACC_ROWS, DIN), jnp.float32),
            pltpu.SemaphoreType.DMA,
            pltpu.SemaphoreType.DMA,
            pltpu.SemaphoreType.DMA,
            pltpu.SemaphoreType.DMA,
        ],
    )


BLK = 1000
GRID = N // BLK


def _tc_body(mr, mc, dg, auxa, auxb, w, b, out):
    f32 = jnp.float32
    y = jnp.dot(mr[0], w[2], preferred_element_type=f32)
    y = y + jnp.dot(mc[0], w[3], preferred_element_type=f32)
    y = y + jnp.dot(dg[0], w[0], preferred_element_type=f32)
    dtot = auxb[0, 0:1, :] + auxb[1, 0:1, :]
    cv = jnp.dot(dtot, w[1], preferred_element_type=f32)
    cv = cv + jnp.dot(auxa[0, 0:1, :], w[4], preferred_element_type=f32)
    out[...] = y + cv + b[0]


@functools.cache
def _tc_matmul():
    return pl.pallas_call(
        _tc_body,
        grid=(GRID,),
        in_specs=[
            pl.BlockSpec((1, BLK, DIN), lambda i: (0, i, 0)),
            pl.BlockSpec((1, BLK, DIN), lambda i: (1, i, 0)),
            pl.BlockSpec((1, BLK, DIN),
                         lambda i: (i // (NDH // BLK),
                                    ODIAG // BLK + i % (NDH // BLK), 0)),
            pl.BlockSpec((1, L, DIN), lambda i: (0, OAUXA // L, 0)),
            pl.BlockSpec((NC, L, DIN), lambda i: (0, OAUXB // L, 0)),
            pl.BlockSpec((5, DIN, DOUT), lambda i: (0, 0, 0)),
            pl.BlockSpec(memory_space=pltpu.SMEM),
        ],
        out_specs=pl.BlockSpec((BLK, DOUT), lambda i: (i, 0)),
        out_shape=jax.ShapeDtypeStruct((N, DOUT), jnp.float32),
    )


def kernel(values, row, col, weights, bias):
    row = row.astype(jnp.int32)
    col = col.astype(jnp.int32)
    acc = _sc_scatter()(values, row, col)
    return _tc_matmul()(acc, acc, acc, acc, acc, weights, bias)

# --- scband reference (transcript-rebuilt; emitter-appended) ---
"""Pipeline reference for scband-sparse-equivariant-layer-block-18425409699998 (READ-ONLY COPY).

The authoritative reference and input builder live on the scoring server;
editing this copy changes nothing except your own understanding.
"""

import jax, jax.numpy as jnp
import numpy as np

N = 10000      # n_instances of the 'node' entity
NNZ = 320000   # nonzero entries of the sparse rank-2 input relation
DIN = 128
DOUT = 128
NP = 5         # Bell(3) = 5 equivariant basis ops for rank-2 -> rank-1


def setup_inputs(seed: int = 0) -> dict:
    key = jax.random.key(seed)
    k1, k2, k3, k4 = jax.random.split(key, 4)
    values = jax.random.normal(k1, (NNZ, DIN), dtype=jnp.float32)
    row = jax.random.randint(k2, (NNZ,), 0, N)
    col = jax.random.randint(k3, (NNZ,), 0, N)
    stdv = 0.1 / np.sqrt(DIN)
    weights = jax.random.uniform(k4, (NP, DIN, DOUT), dtype=jnp.float32, minval=-stdv, maxval=stdv)
    bias = jnp.ones((1,), dtype=jnp.float32)
    return {"values": values, "row": row, "col": col, "weights": weights, "bias": bias}


def reference(values, row, col, weights, bias):
    # Sparse equivariant layer block, rank-2 relation (i,j) -> rank-1 relation (k)
    # over a single entity of size N. The Bell(3)=5 input/output partitions give
    # 5 basis ops, each a diag/pool/broadcast composition (as in the torch module's
    # diag -> pool -> broadcast -> undiag -> reindex pipeline), followed by a
    # per-op linear map and summation, plus a scalar bias.
    row = row.astype(jnp.int32)
    col = col.astype(jnp.int32)
    # op1: {{i,j,k}} -- take diagonal i==j, map to output index k
    diag_mask = (row == col).astype(values.dtype)[:, None]
    diag_vals = jax.ops.segment_sum(values * diag_mask, row, num_segments=N)  # [N, DIN]
    op1 = diag_vals
    # op2: {{i,j},{k}} -- diagonal, pool over it, broadcast to all k
    op2 = jnp.broadcast_to(jnp.sum(diag_vals, axis=0, keepdims=True), (N, DIN))
    # op3: {{i,k},{j}} -- pool over j (scatter-add by row), output at k=i
    op3 = jax.ops.segment_sum(values, row, num_segments=N)
    # op4: {{j,k},{i}} -- pool over i (scatter-add by col), output at k=j
    op4 = jax.ops.segment_sum(values, col, num_segments=N)
    # op5: {{i},{j},{k}} -- pool over everything, broadcast to all k
    op5 = jnp.broadcast_to(jnp.sum(values, axis=0, keepdims=True), (N, DIN))
    ops = jnp.stack([op1, op2, op3, op4, op5], axis=0)  # [NP, N, DIN]
    Y = jnp.einsum('pnd,pde->ne', ops, weights) + bias[0]
    return Y


if False:  # reference __main__ guard neutralized (emitter)
    inp = setup_inputs()
    out = reference(**inp)
    print(out.shape, out.dtype)

if __name__ == "__main__":
    import jax
    _d = setup_inputs()
    print(jax.jit(kernel)(*tuple(_d.values())))

</pallas_src>

<mosaic_0001>
#map = affine_map<(d0, d1) -> (0, 0)>
#map1 = affine_map<(d0, d1) -> (0)>
#map2 = affine_map<(d0, d1) -> (0, 0, 0)>
module attributes {stable_mosaic.version = 14 : i64} {
  func.func @_sc_body(%arg0: i32, %arg1: i32, %arg2: memref<320000x128xf32, #tpu.memory_space<hbm>>, %arg3: memref<320000xi32, #tpu.memory_space<hbm>>, %arg4: memref<320000xi32, #tpu.memory_space<hbm>>, %arg5: memref<2x18000x128xf32, #tpu.memory_space<hbm>>, %arg6: memref<2x160x128xf32, #tpu.memory_space<vmem>>, %arg7: memref<160xi32, #tpu.memory_space<vmem>>, %arg8: memref<160xi32, #tpu.memory_space<vmem>>, %arg9: memref<2x2x80xi32, #tpu.memory_space<vmem>>, %arg10: memref<2x80xi32, #tpu.memory_space<vmem>>, %arg11: memref<16x128xf32, #tpu.memory_space<vmem>>, %arg12: memref<16xi32, #tpu.memory_space<vmem>>, %arg13: memref<2000xi32, #tpu.memory_space<vmem>>, %arg14: memref<10240x128xf32, #tpu.memory_space<vmem_shared>>, %arg15: memref<!tpu.dma_semaphore, #tpu.memory_space<semaphore_mem>>, %arg16: memref<!tpu.dma_semaphore, #tpu.memory_space<semaphore_mem>>, %arg17: memref<!tpu.dma_semaphore, #tpu.memory_space<semaphore_mem>>, %arg18: memref<!tpu.dma_semaphore, #tpu.memory_space<semaphore_mem>>) attributes {dimension_semantics = [#tpu.dimension_semantics<core_parallel>, #tpu.dimension_semantics<subcore_parallel>], iteration_bounds = array<i64: 2, 16>, scalar_prefetch = 0 : i64, scratch_operands = 13 : i64, tpu.core_type = #tpu.core_type<sc_vector_subcore>, window_params = [{transform_indices = #map}, {transform_indices = #map1}, {transform_indices = #map1}, {transform_indices = #map2}]} {
    %iota3A = tpu.iota {dimensions = array<i32: 0>} : vector<16xi32>
    %mul3A = arith.constant 640 : i32
    %mul3A_0 = arith.muli %arg1, %mul3A : i32
    %mul3A_1 = arith.constant 20000 : i32
    %mul3A_2 = arith.muli %arg1, %mul3A_1 : i32
    %scan3A = arith.constant 0 : i32
    %scan3A_3 = arith.constant 0 : i32
    %scan3A_4 = arith.constant 0 : i32
    %scan3A_5 = arith.constant 160 : i32
    %scan3A_6 = arith.addi %scan3A_4, %scan3A_5 : i32
    %scan3A_7 = arith.constant 1 : i32
    scf.for %scan3A_633 = %scan3A_4 to %scan3A_6 step %scan3A_7  : i32 {
      %broadcast_in_dim3A_634 = arith.constant 0.000000e+00 : f32
      %broadcast_in_dim3A_635 = vector.broadcast %broadcast_in_dim3A_634 : f32 to vector<16xf32>
      %swap3A_636 = arith.constant 0 : i32
      %swap3A_637 = arith.constant 0 : i32
      %swap3A_638 = tpu.memref_slice %arg6[%scan3A_3, %swap3A_636, %swap3A_637] : memref<2x160x128xf32, #tpu.memory_space<vmem>> -> memref<1x160x128xf32, #tpu.memory_space<vmem>>
      %swap3A_639 = tpu.memref_squeeze %swap3A_638 : memref<1x160x128xf32, #tpu.memory_space<vmem>> -> memref<160x128xf32, #tpu.memory_space<vmem>>
      %swap3A_640 = arith.index_cast %scan3A_633 : i32 to index
      %swap3A_641 = arith.constant 0 : index
      %swap3A_642 = tpu.vector_load %swap3A_639[%swap3A_640, %swap3A_641] {strides = array<i32>} : memref<160x128xf32, #tpu.memory_space<vmem>>, vector<1x16xf32>,
      %swap3A_643 = vector.shape_cast %swap3A_642 : vector<1x16xf32> to vector<16xf32>
      %swap3A_644 = vector.shape_cast %broadcast_in_dim3A_635 : vector<16xf32> to vector<1x16xf32>
      tpu.vector_store %swap3A_639[%swap3A_640, %swap3A_641], %swap3A_644 {strides = array<i32>} : memref<160x128xf32, #tpu.memory_space<vmem>>, vector<1x16xf32>,
      %broadcast_in_dim3A_645 = arith.constant 0.000000e+00 : f32
      %broadcast_in_dim3A_646 = vector.broadcast %broadcast_in_dim3A_645 : f32 to vector<16xf32>
      %swap3A_647 = arith.constant 0 : i32
      %swap3A_648 = arith.constant 0 : i32
      %swap3A_649 = tpu.memref_slice %arg6[%scan3A_3, %swap3A_647, %swap3A_648] : memref<2x160x128xf32, #tpu.memory_space<vmem>> -> memref<1x160x128xf32, #tpu.memory_space<vmem>>
      %swap3A_650 = tpu.memref_squeeze %swap3A_649 : memref<1x160x128xf32, #tpu.memory_space<vmem>> -> memref<160x128xf32, #tpu.memory_space<vmem>>
      %swap3A_651 = arith.index_cast %scan3A_633 : i32 to index
      %swap3A_652 = arith.constant 16 : index
      %swap3A_653 = tpu.vector_load %swap3A_650[%swap3A_651, %swap3A_652] {strides = array<i32>} : memref<160x128xf32, #tpu.memory_space<vmem>>, vector<1x16xf32>,
      %swap3A_654 = vector.shape_cast %swap3A_653 : vector<1x16xf32> to vector<16xf32>
      %swap3A_655 = vector.shape_cast %broadcast_in_dim3A_646 : vector<16xf32> to vector<1x16xf32>
      tpu.vector_store %swap3A_650[%swap3A_651, %swap3A_652], %swap3A_655 {strides = array<i32>} : memref<160x128xf32, #tpu.memory_space<vmem>>, vector<1x16xf32>,
      %broadcast_in_dim3A_656 = arith.constant 0.000000e+00 : f32
      %broadcast_in_dim3A_657 = vector.broadcast %broadcast_in_dim3A_656 : f32 to vector<16xf32>
      %swap3A_658 = arith.constant 0 : i32
      %swap3A_659 = arith.constant 0 : i32
      %swap3A_660 = tpu.memref_slice %arg6[%scan3A_3, %swap3A_658, %swap3A_659] : memref<2x160x128xf32, #tpu.memory_space<vmem>> -> memref<1x160x128xf32, #tpu.memory_space<vmem>>
      %swap3A_661 = tpu.memref_squeeze %swap3A_660 : memref<1x160x128xf32, #tpu.memory_space<vmem>> -> memref<160x128xf32, #tpu.memory_space<vmem>>
      %swap3A_662 = arith.index_cast %scan3A_633 : i32 to index
      %swap3A_663 = arith.constant 32 : index
      %swap3A_664 = tpu.vector_load %swap3A_661[%swap3A_662, %swap3A_663] {strides = array<i32>} : memref<160x128xf32, #tpu.memory_space<vmem>>, vector<1x16xf32>,
      %swap3A_665 = vector.shape_cast %swap3A_664 : vector<1x16xf32> to vector<16xf32>
      %swap3A_666 = vector.shape_cast %broadcast_in_dim3A_657 : vector<16xf32> to vector<1x16xf32>
      tpu.vector_store %swap3A_661[%swap3A_662, %swap3A_663], %swap3A_666 {strides = array<i32>} : memref<160x128xf32, #tpu.memory_space<vmem>>, vector<1x16xf32>,
      %broadcast_in_dim3A_667 = arith.constant 0.000000e+00 : f32
      %broadcast_in_dim3A_668 = vector.broadcast %broadcast_in_dim3A_667 : f32 to vector<16xf32>
      %swap3A_669 = arith.constant 0 : i32
      %swap3A_670 = arith.constant 0 : i32
      %swap3A_671 = tpu.memref_slice %arg6[%scan3A_3, %swap3A_669, %swap3A_670] : memref<2x160x128xf32, #tpu.memory_space<vmem>> -> memref<1x160x128xf32, #tpu.memory_space<vmem>>
      %swap3A_672 = tpu.memref_squeeze %swap3A_671 : memref<1x160x128xf32, #tpu.memory_space<vmem>> -> memref<160x128xf32, #tpu.memory_space<vmem>>
      %swap3A_673 = arith.index_cast %scan3A_633 : i32 to index
      %swap3A_674 = arith.constant 48 : index
      %swap3A_675 = tpu.vector_load %swap3A_672[%swap3A_673, %swap3A_674] {strides = array<i32>} : memref<160x128xf32, #tpu.memory_space<vmem>>, vector<1x16xf32>,
      %swap3A_676 = vector.shape_cast %swap3A_675 : vector<1x16xf32> to vector<16xf32>
      %swap3A_677 = vector.shape_cast %broadcast_in_dim3A_668 : vector<16xf32> to vector<1x16xf32>
      tpu.vector_store %swap3A_672[%swap3A_673, %swap3A_674], %swap3A_677 {strides = array<i32>} : memref<160x128xf32, #tpu.memory_space<vmem>>, vector<1x16xf32>,
      %broadcast_in_dim3A_678 = arith.constant 0.000000e+00 : f32
      %broadcast_in_dim3A_679 = vector.broadcast %broadcast_in_dim3A_678 : f32 to vector<16xf32>
      %swap3A_680 = arith.constant 0 : i32
      %swap3A_681 = arith.constant 0 : i32
      %swap3A_682 = tpu.memref_slice %arg6[%scan3A_3, %swap3A_680, %swap3A_681] : memref<2x160x128xf32, #tpu.memory_space<vmem>> -> memref<1x160x128xf32, #tpu.memory_space<vmem>>
      %swap3A_683 = tpu.memref_squeeze %swap3A_682 : memref<1x160x128xf32, #tpu.memory_space<vmem>> -> memref<160x128xf32, #tpu.memory_space<vmem>>
      %swap3A_684 = arith.index_cast %scan3A_633 : i32 to index
      %swap3A_685 = arith.constant 64 : index
      %swap3A_686 = tpu.vector_load %swap3A_683[%swap3A_684, %swap3A_685] {strides = array<i32>} : memref<160x128xf32, #tpu.memory_space<vmem>>, vector<1x16xf32>,
      %swap3A_687 = vector.shape_cast %swap3A_686 : vector<1x16xf32> to vector<16xf32>
      %swap3A_688 = vector.shape_cast %broadcast_in_dim3A_679 : vector<16xf32> to vector<1x16xf32>
      tpu.vector_store %swap3A_683[%swap3A_684, %swap3A_685], %swap3A_688 {strides = array<i32>} : memref<160x128xf32, #tpu.memory_space<vmem>>, vector<1x16xf32>,
      %broadcast_in_dim3A_689 = arith.constant 0.000000e+00 : f32
      %broadcast_in_dim3A_690 = vector.broadcast %broadcast_in_dim3A_689 : f32 to vector<16xf32>
      %swap3A_691 = arith.constant 0 : i32
      %swap3A_692 = arith.constant 0 : i32
      %swap3A_693 = tpu.memref_slice %arg6[%scan3A_3, %swap3A_691, %swap3A_692] : memref<2x160x128xf32, #tpu.memory_space<vmem>> -> memref<1x160x128xf32, #tpu.memory_space<vmem>>
      %swap3A_694 = tpu.memref_squeeze %swap3A_693 : memref<1x160x128xf32, #tpu.memory_space<vmem>> -> memref<160x128xf32, #tpu.memory_space<vmem>>
      %swap3A_695 = arith.index_cast %scan3A_633 : i32 to index
      %swap3A_696 = arith.constant 80 : index
      %swap3A_697 = tpu.vector_load %swap3A_694[%swap3A_695, %swap3A_696] {strides = array<i32>} : memref<160x128xf32, #tpu.memory_space<vmem>>, vector<1x16xf32>,
      %swap3A_698 = vector.shape_cast %swap3A_697 : vector<1x16xf32> to vector<16xf32>
      %swap3A_699 = vector.shape_cast %broadcast_in_dim3A_690 : vector<16xf32> to vector<1x16xf32>
      tpu.vector_store %swap3A_694[%swap3A_695, %swap3A_696], %swap3A_699 {strides = array<i32>} : memref<160x128xf32, #tpu.memory_space<vmem>>, vector<1x16xf32>,
      %broadcast_in_dim3A_700 = arith.constant 0.000000e+00 : f32
      %broadcast_in_dim3A_701 = vector.broadcast %broadcast_in_dim3A_700 : f32 to vector<16xf32>
      %swap3A_702 = arith.constant 0 : i32
      %swap3A_703 = arith.constant 0 : i32
      %swap3A_704 = tpu.memref_slice %arg6[%scan3A_3, %swap3A_702, %swap3A_703] : memref<2x160x128xf32, #tpu.memory_space<vmem>> -> memref<1x160x128xf32, #tpu.memory_space<vmem>>
      %swap3A_705 = tpu.memref_squeeze %swap3A_704 : memref<1x160x128xf32, #tpu.memory_space<vmem>> -> memref<160x128xf32, #tpu.memory_space<vmem>>
      %swap3A_706 = arith.index_cast %scan3A_633 : i32 to index
      %swap3A_707 = arith.constant 96 : index
      %swap3A_708 = tpu.vector_load %swap3A_705[%swap3A_706, %swap3A_707] {strides = array<i32>} : memref<160x128xf32, #tpu.memory_space<vmem>>, vector<1x16xf32>,
      %swap3A_709 = vector.shape_cast %swap3A_708 : vector<1x16xf32> to vector<16xf32>
      %swap3A_710 = vector.shape_cast %broadcast_in_dim3A_701 : vector<16xf32> to vector<1x16xf32>
      tpu.vector_store %swap3A_705[%swap3A_706, %swap3A_707], %swap3A_710 {strides = array<i32>} : memref<160x128xf32, #tpu.memory_space<vmem>>, vector<1x16xf32>,
      %broadcast_in_dim3A_711 = arith.constant 0.000000e+00 : f32
      %broadcast_in_dim3A_712 = vector.broadcast %broadcast_in_dim3A_711 : f32 to vector<16xf32>
      %swap3A_713 = arith.constant 0 : i32
      %swap3A_714 = arith.constant 0 : i32
      %swap3A_715 = tpu.memref_slice %arg6[%scan3A_3, %swap3A_713, %swap3A_714] : memref<2x160x128xf32, #tpu.memory_space<vmem>> -> memref<1x160x128xf32, #tpu.memory_space<vmem>>
      %swap3A_716 = tpu.memref_squeeze %swap3A_715 : memref<1x160x128xf32, #tpu.memory_space<vmem>> -> memref<160x128xf32, #tpu.memory_space<vmem>>
      %swap3A_717 = arith.index_cast %scan3A_633 : i32 to index
      %swap3A_718 = arith.constant 112 : index
      %swap3A_719 = tpu.vector_load %swap3A_716[%swap3A_717, %swap3A_718] {strides = array<i32>} : memref<160x128xf32, #tpu.memory_space<vmem>>, vector<1x16xf32>,
      %swap3A_720 = vector.shape_cast %swap3A_719 : vector<1x16xf32> to vector<16xf32>
      %swap3A_721 = vector.shape_cast %broadcast_in_dim3A_712 : vector<16xf32> to vector<1x16xf32>
      tpu.vector_store %swap3A_716[%swap3A_717, %swap3A_718], %swap3A_721 {strides = array<i32>} : memref<160x128xf32, #tpu.memory_space<vmem>>, vector<1x16xf32>,
    }
    %scan3A_8 = arith.constant 160 : i32
    %add3A = arith.constant 0 : i32
    %add3A_9 = arith.addi %mul3A_0, %add3A : i32
    %run_scoped3A = arith.constant 0 : i32
    "tpu.region"() ({
      %run_scoped3A_633 = tpu.sem_alloc : memref<!tpu.dma_semaphore, #tpu.memory_space<semaphore_mem>>
      %dma_start3A_634 = arith.constant 0 : i32
      %dma_start3A_635 = arith.constant 0 : i32
      %dma_start3A_636 = tpu.memref_slice %arg6[%run_scoped3A, %dma_start3A_634, %dma_start3A_635] : memref<2x160x128xf32, #tpu.memory_space<vmem>> -> memref<1x160x128xf32, #tpu.memory_space<vmem>>
      %dma_start3A_637 = tpu.memref_squeeze %dma_start3A_636 : memref<1x160x128xf32, #tpu.memory_space<vmem>> -> memref<160x128xf32, #tpu.memory_space<vmem>>
      %dma_start3A_638 = arith.constant 0 : i32
      %dma_start3A_639 = tpu.memref_slice %arg14[%add3A_9, %dma_start3A_638] : memref<10240x128xf32, #tpu.memory_space<vmem_shared>> -> memref<160x128xf32, #tpu.memory_space<vmem_shared>>
      %dma_start3A_640 = arith.constant 0 : i32
      %dma_start3A_641 = tpu.memref_slice %arg14[%add3A_9, %dma_start3A_640] : memref<10240x128xf32, #tpu.memory_space<vmem_shared>> -> memref<160x128xf32, #tpu.memory_space<vmem_shared>>
      %dma_start3A_642 = arith.constant 0 : i32
      %dma_start3A_643 = arith.constant 0 : i32
      %dma_start3A_644 = tpu.memref_slice %arg6[%run_scoped3A, %dma_start3A_642, %dma_start3A_643] : memref<2x160x128xf32, #tpu.memory_space<vmem>> -> memref<1x160x128xf32, #tpu.memory_space<vmem>>
      %dma_start3A_645 = tpu.memref_squeeze %dma_start3A_644 : memref<1x160x128xf32, #tpu.memory_space<vmem>> -> memref<160x128xf32, #tpu.memory_space<vmem>>
      tpu.enqueue_dma source(%dma_start3A_645 : memref<160x128xf32, #tpu.memory_space<vmem>>) target(%dma_start3A_641 : memref<160x128xf32, #tpu.memory_space<vmem_shared>>) target_semaphore(%run_scoped3A_633 : memref<!tpu.dma_semaphore, #tpu.memory_space<semaphore_mem>>)
      %dma_wait3A_646 = arith.constant 0 : i32
      %dma_wait3A_647 = arith.constant 0 : i32
      %dma_wait3A_648 = tpu.memref_slice %arg6[%run_scoped3A, %dma_wait3A_646, %dma_wait3A_647] : memref<2x160x128xf32, #tpu.memory_space<vmem>> -> memref<1x160x128xf32, #tpu.memory_space<vmem>>
      %dma_wait3A_649 = tpu.memref_squeeze %dma_wait3A_648 : memref<1x160x128xf32, #tpu.memory_space<vmem>> -> memref<160x128xf32, #tpu.memory_space<vmem>>
      %dma_wait3A_650 = arith.constant 0 : i32
      %dma_wait3A_651 = tpu.memref_slice %arg14[%add3A_9, %dma_wait3A_650] : memref<10240x128xf32, #tpu.memory_space<vmem_shared>> -> memref<160x128xf32, #tpu.memory_space<vmem_shared>>
      %dma_wait3A_652 = arith.constant 0 : i32
      %dma_wait3A_653 = tpu.memref_slice %arg14[%add3A_9, %dma_wait3A_652] : memref<10240x128xf32, #tpu.memory_space<vmem_shared>> -> memref<160x128xf32, #tpu.memory_space<vmem_shared>>
      %dma_wait3A_654 = arith.constant 0 : i32
      %dma_wait3A_655 = arith.constant 0 : i32
      %dma_wait3A_656 = tpu.memref_slice %arg6[%run_scoped3A, %dma_wait3A_654, %dma_wait3A_655] : memref<2x160x128xf32, #tpu.memory_space<vmem>> -> memref<1x160x128xf32, #tpu.memory_space<vmem>>
      %dma_wait3A_657 = tpu.memref_squeeze %dma_wait3A_656 : memref<1x160x128xf32, #tpu.memory_space<vmem>> -> memref<160x128xf32, #tpu.memory_space<vmem>>
      tpu.wait_dma2 semaphore(%run_scoped3A_633 : memref<!tpu.dma_semaphore, #tpu.memory_space<semaphore_mem>>) src(%dma_wait3A_657 : memref<160x128xf32, #tpu.memory_space<vmem>>) dst(%dma_wait3A_653 : memref<160x128xf32, #tpu.memory_space<vmem_shared>>)
      tpu.yield
    }) : () -> ()
    %add3A_10 = arith.constant 160 : i32
    %add3A_11 = arith.addi %mul3A_0, %add3A_10 : i32
    %run_scoped3A_12 = arith.constant 0 : i32
    "tpu.region"() ({
      %run_scoped3A_633 = tpu.sem_alloc : memref<!tpu.dma_semaphore, #tpu.memory_space<semaphore_mem>>
      %dma_start3A_634 = arith.constant 0 : i32
      %dma_start3A_635 = arith.constant 0 : i32
      %dma_start3A_636 = tpu.memref_slice %arg6[%run_scoped3A_12, %dma_start3A_634, %dma_start3A_635] : memref<2x160x128xf32, #tpu.memory_space<vmem>> -> memref<1x160x128xf32, #tpu.memory_space<vmem>>
      %dma_start3A_637 = tpu.memref_squeeze %dma_start3A_636 : memref<1x160x128xf32, #tpu.memory_space<vmem>> -> memref<160x128xf32, #tpu.memory_space<vmem>>
      %dma_start3A_638 = arith.constant 0 : i32
      %dma_start3A_639 = tpu.memref_slice %arg14[%add3A_11, %dma_start3A_638] : memref<10240x128xf32, #tpu.memory_space<vmem_shared>> -> memref<160x128xf32, #tpu.memory_space<vmem_shared>>
      %dma_start3A_640 = arith.constant 0 : i32
      %dma_start3A_641 = tpu.memref_slice %arg14[%add3A_11, %dma_start3A_640] : memref<10240x128xf32, #tpu.memory_space<vmem_shared>> -> memref<160x128xf32, #tpu.memory_space<vmem_shared>>
      %dma_start3A_642 = arith.constant 0 : i32
      %dma_start3A_643 = arith.constant 0 : i32
      %dma_start3A_644 = tpu.memref_slice %arg6[%run_scoped3A_12, %dma_start3A_642, %dma_start3A_643] : memref<2x160x128xf32, #tpu.memory_space<vmem>> -> memref<1x160x128xf32, #tpu.memory_space<vmem>>
      %dma_start3A_645 = tpu.memref_squeeze %dma_start3A_644 : memref<1x160x128xf32, #tpu.memory_space<vmem>> -> memref<160x128xf32, #tpu.memory_space<vmem>>
      tpu.enqueue_dma source(%dma_start3A_645 : memref<160x128xf32, #tpu.memory_space<vmem>>) target(%dma_start3A_641 : memref<160x128xf32, #tpu.memory_space<vmem_shared>>) target_semaphore(%run_scoped3A_633 : memref<!tpu.dma_semaphore, #tpu.memory_space<semaphore_mem>>)
      %dma_wait3A_646 = arith.constant 0 : i32
      %dma_wait3A_647 = arith.constant 0 : i32
      %dma_wait3A_648 = tpu.memref_slice %arg6[%run_scoped3A_12, %dma_wait3A_646, %dma_wait3A_647] : memref<2x160x128xf32, #tpu.memory_space<vmem>> -> memref<1x160x128xf32, #tpu.memory_space<vmem>>
      %dma_wait3A_649 = tpu.memref_squeeze %dma_wait3A_648 : memref<1x160x128xf32, #tpu.memory_space<vmem>> -> memref<160x128xf32, #tpu.memory_space<vmem>>
      %dma_wait3A_650 = arith.constant 0 : i32
      %dma_wait3A_651 = tpu.memref_slice %arg14[%add3A_11, %dma_wait3A_650] : memref<10240x128xf32, #tpu.memory_space<vmem_shared>> -> memref<160x128xf32, #tpu.memory_space<vmem_shared>>
      %dma_wait3A_652 = arith.constant 0 : i32
      %dma_wait3A_653 = tpu.memref_slice %arg14[%add3A_11, %dma_wait3A_652] : memref<10240x128xf32, #tpu.memory_space<vmem_shared>> -> memref<160x128xf32, #tpu.memory_space<vmem_shared>>
      %dma_wait3A_654 = arith.constant 0 : i32
      %dma_wait3A_655 = arith.constant 0 : i32
      %dma_wait3A_656 = tpu.memref_slice %arg6[%run_scoped3A_12, %dma_wait3A_654, %dma_wait3A_655] : memref<2x160x128xf32, #tpu.memory_space<vmem>> -> memref<1x160x128xf32, #tpu.memory_space<vmem>>
      %dma_wait3A_657 = tpu.memref_squeeze %dma_wait3A_656 : memref<1x160x128xf32, #tpu.memory_space<vmem>> -> memref<160x128xf32, #tpu.memory_space<vmem>>
      tpu.wait_dma2 semaphore(%run_scoped3A_633 : memref<!tpu.dma_semaphore, #tpu.memory_space<semaphore_mem>>) src(%dma_wait3A_657 : memref<160x128xf32, #tpu.memory_space<vmem>>) dst(%dma_wait3A_653 : memref<160x128xf32, #tpu.memory_space<vmem_shared>>)
      tpu.yield
    }) : () -> ()
    %add3A_13 = arith.constant 320 : i32
    %add3A_14 = arith.addi %mul3A_0, %add3A_13 : i32
    %run_scoped3A_15 = arith.constant 0 : i32
    "tpu.region"() ({
      %run_scoped3A_633 = tpu.sem_alloc : memref<!tpu.dma_semaphore, #tpu.memory_space<semaphore_mem>>
      %dma_start3A_634 = arith.constant 0 : i32
      %dma_start3A_635 = arith.constant 0 : i32
      %dma_start3A_636 = tpu.memref_slice %arg6[%run_scoped3A_15, %dma_start3A_634, %dma_start3A_635] : memref<2x160x128xf32, #tpu.memory_space<vmem>> -> memref<1x160x128xf32, #tpu.memory_space<vmem>>
      %dma_start3A_637 = tpu.memref_squeeze %dma_start3A_636 : memref<1x160x128xf32, #tpu.memory_space<vmem>> -> memref<160x128xf32, #tpu.memory_space<vmem>>
      %dma_start3A_638 = arith.constant 0 : i32
      %dma_start3A_639 = tpu.memref_slice %arg14[%add3A_14, %dma_start3A_638] : memref<10240x128xf32, #tpu.memory_space<vmem_shared>> -> memref<160x128xf32, #tpu.memory_space<vmem_shared>>
      %dma_start3A_640 = arith.constant 0 : i32
      %dma_start3A_641 = tpu.memref_slice %arg14[%add3A_14, %dma_start3A_640] : memref<10240x128xf32, #tpu.memory_space<vmem_shared>> -> memref<160x128xf32, #tpu.memory_space<vmem_shared>>
      %dma_start3A_642 = arith.constant 0 : i32
      %dma_start3A_643 = arith.constant 0 : i32
      %dma_start3A_644 = tpu.memref_slice %arg6[%run_scoped3A_15, %dma_start3A_642, %dma_start3A_643] : memref<2x160x128xf32, #tpu.memory_space<vmem>> -> memref<1x160x128xf32, #tpu.memory_space<vmem>>
      %dma_start3A_645 = tpu.memref_squeeze %dma_start3A_644 : memref<1x160x128xf32, #tpu.memory_space<vmem>> -> memref<160x128xf32, #tpu.memory_space<vmem>>
      tpu.enqueue_dma source(%dma_start3A_645 : memref<160x128xf32, #tpu.memory_space<vmem>>) target(%dma_start3A_641 : memref<160x128xf32, #tpu.memory_space<vmem_shared>>) target_semaphore(%run_scoped3A_633 : memref<!tpu.dma_semaphore, #tpu.memory_space<semaphore_mem>>)
      %dma_wait3A_646 = arith.constant 0 : i32
      %dma_wait3A_647 = arith.constant 0 : i32
      %dma_wait3A_648 = tpu.memref_slice %arg6[%run_scoped3A_15, %dma_wait3A_646, %dma_wait3A_647] : memref<2x160x128xf32, #tpu.memory_space<vmem>> -> memref<1x160x128xf32, #tpu.memory_space<vmem>>
      %dma_wait3A_649 = tpu.memref_squeeze %dma_wait3A_648 : memref<1x160x128xf32, #tpu.memory_space<vmem>> -> memref<160x128xf32, #tpu.memory_space<vmem>>
      %dma_wait3A_650 = arith.constant 0 : i32
      %dma_wait3A_651 = tpu.memref_slice %arg14[%add3A_14, %dma_wait3A_650] : memref<10240x128xf32, #tpu.memory_space<vmem_shared>> -> memref<160x128xf32, #tpu.memory_space<vmem_shared>>
      %dma_wait3A_652 = arith.constant 0 : i32
      %dma_wait3A_653 = tpu.memref_slice %arg14[%add3A_14, %dma_wait3A_652] : memref<10240x128xf32, #tpu.memory_space<vmem_shared>> -> memref<160x128xf32, #tpu.memory_space<vmem_shared>>
      %dma_wait3A_654 = arith.constant 0 : i32
      %dma_wait3A_655 = arith.constant 0 : i32
      %dma_wait3A_656 = tpu.memref_slice %arg6[%run_scoped3A_15, %dma_wait3A_654, %dma_wait3A_655] : memref<2x160x128xf32, #tpu.memory_space<vmem>> -> memref<1x160x128xf32, #tpu.memory_space<vmem>>
      %dma_wait3A_657 = tpu.memref_squeeze %dma_wait3A_656 : memref<1x160x128xf32, #tpu.memory_space<vmem>> -> memref<160x128xf32, #tpu.memory_space<vmem>>
      tpu.wait_dma2 semaphore(%run_scoped3A_633 : memref<!tpu.dma_semaphore, #tpu.memory_space<semaphore_mem>>) src(%dma_wait3A_657 : memref<160x128xf32, #tpu.memory_space<vmem>>) dst(%dma_wait3A_653 : memref<160x128xf32, #tpu.memory_space<vmem_shared>>)
      tpu.yield
    }) : () -> ()
    %add3A_16 = arith.constant 480 : i32
    %add3A_17 = arith.addi %mul3A_0, %add3A_16 : i32
    %run_scoped3A_18 = arith.constant 0 : i32
    "tpu.region"() ({
      %run_scoped3A_633 = tpu.sem_alloc : memref<!tpu.dma_semaphore, #tpu.memory_space<semaphore_mem>>
      %dma_start3A_634 = arith.constant 0 : i32
      %dma_start3A_635 = arith.constant 0 : i32
      %dma_start3A_636 = tpu.memref_slice %arg6[%run_scoped3A_18, %dma_start3A_634, %dma_start3A_635] : memref<2x160x128xf32, #tpu.memory_space<vmem>> -> memref<1x160x128xf32, #tpu.memory_space<vmem>>
      %dma_start3A_637 = tpu.memref_squeeze %dma_start3A_636 : memref<1x160x128xf32, #tpu.memory_space<vmem>> -> memref<160x128xf32, #tpu.memory_space<vmem>>
      %dma_start3A_638 = arith.constant 0 : i32
      %dma_start3A_639 = tpu.memref_slice %arg14[%add3A_17, %dma_start3A_638] : memref<10240x128xf32, #tpu.memory_space<vmem_shared>> -> memref<160x128xf32, #tpu.memory_space<vmem_shared>>
      %dma_start3A_640 = arith.constant 0 : i32
      %dma_start3A_641 = tpu.memref_slice %arg14[%add3A_17, %dma_start3A_640] : memref<10240x128xf32, #tpu.memory_space<vmem_shared>> -> memref<160x128xf32, #tpu.memory_space<vmem_shared>>
      %dma_start3A_642 = arith.constant 0 : i32
      %dma_start3A_643 = arith.constant 0 : i32
      %dma_start3A_644 = tpu.memref_slice %arg6[%run_scoped3A_18, %dma_start3A_642, %dma_start3A_643] : memref<2x160x128xf32, #tpu.memory_space<vmem>> -> memref<1x160x128xf32, #tpu.memory_space<vmem>>
      %dma_start3A_645 = tpu.memref_squeeze %dma_start3A_644 : memref<1x160x128xf32, #tpu.memory_space<vmem>> -> memref<160x128xf32, #tpu.memory_space<vmem>>
      tpu.enqueue_dma source(%dma_start3A_645 : memref<160x128xf32, #tpu.memory_space<vmem>>) target(%dma_start3A_641 : memref<160x128xf32, #tpu.memory_space<vmem_shared>>) target_semaphore(%run_scoped3A_633 : memref<!tpu.dma_semaphore, #tpu.memory_space<semaphore_mem>>)
      %dma_wait3A_646 = arith.constant 0 : i32
      %dma_wait3A_647 = arith.constant 0 : i32
      %dma_wait3A_648 = tpu.memref_slice %arg6[%run_scoped3A_18, %dma_wait3A_646, %dma_wait3A_647] : memref<2x160x128xf32, #tpu.memory_space<vmem>> -> memref<1x160x128xf32, #tpu.memory_space<vmem>>
      %dma_wait3A_649 = tpu.memref_squeeze %dma_wait3A_648 : memref<1x160x128xf32, #tpu.memory_space<vmem>> -> memref<160x128xf32, #tpu.memory_space<vmem>>
      %dma_wait3A_650 = arith.constant 0 : i32
      %dma_wait3A_651 = tpu.memref_slice %arg14[%add3A_17, %dma_wait3A_650] : memref<10240x128xf32, #tpu.memory_space<vmem_shared>> -> memref<160x128xf32, #tpu.memory_space<vmem_shared>>
      %dma_wait3A_652 = arith.constant 0 : i32
      %dma_wait3A_653 = tpu.memref_slice %arg14[%add3A_17, %dma_wait3A_652] : memref<10240x128xf32, #tpu.memory_space<vmem_shared>> -> memref<160x128xf32, #tpu.memory_space<vmem_shared>>
      %dma_wait3A_654 = arith.constant 0 : i32
      %dma_wait3A_655 = arith.constant 0 : i32
      %dma_wait3A_656 = tpu.memref_slice %arg6[%run_scoped3A_18, %dma_wait3A_654, %dma_wait3A_655] : memref<2x160x128xf32, #tpu.memory_space<vmem>> -> memref<1x160x128xf32, #tpu.memory_space<vmem>>
      %dma_wait3A_657 = tpu.memref_squeeze %dma_wait3A_656 : memref<1x160x128xf32, #tpu.memory_space<vmem>> -> memref<160x128xf32, #tpu.memory_space<vmem>>
      tpu.wait_dma2 semaphore(%run_scoped3A_633 : memref<!tpu.dma_semaphore, #tpu.memory_space<semaphore_mem>>) src(%dma_wait3A_657 : memref<160x128xf32, #tpu.memory_space<vmem>>) dst(%dma_wait3A_653 : memref<160x128xf32, #tpu.memory_space<vmem_shared>>)
      tpu.yield
    }) : () -> ()
    %barrier3A = arith.constant 0 : index
    tpu.barrier barrier_id(%barrier3A)
    %add3A_19 = arith.constant 0 : i32
    %add3A_20 = arith.addi %mul3A_2, %add3A_19 : i32
    %dma_start3A = tpu.memref_slice %arg3[%add3A_20] : memref<320000xi32, #tpu.memory_space<hbm>> -> memref<160xi32, #tpu.memory_space<hbm>>
    %dma_start3A_21 = tpu.memref_slice %arg3[%add3A_20] : memref<320000xi32, #tpu.memory_space<hbm>> -> memref<160xi32, #tpu.memory_space<hbm>>
    tpu.enqueue_dma source(%dma_start3A_21 : memref<160xi32, #tpu.memory_space<hbm>>) target(%arg7 : memref<160xi32, #tpu.memory_space<vmem>>) target_semaphore(%arg15 : memref<!tpu.dma_semaphore, #tpu.memory_space<semaphore_mem>>)
    %dma_start3A_22 = tpu.memref_slice %arg4[%add3A_20] : memref<320000xi32, #tpu.memory_space<hbm>> -> memref<160xi32, #tpu.memory_space<hbm>>
    %dma_start3A_23 = tpu.memref_slice %arg4[%add3A_20] : memref<320000xi32, #tpu.memory_space<hbm>> -> memref<160xi32, #tpu.memory_space<hbm>>
    tpu.enqueue_dma source(%dma_start3A_23 : memref<160xi32, #tpu.memory_space<hbm>>) target(%arg8 : memref<160xi32, #tpu.memory_space<vmem>>) target_semaphore(%arg15 : memref<!tpu.dma_semaphore, #tpu.memory_space<semaphore_mem>>)
    %dma_start3A_24 = arith.constant 0 : i32
    %dma_start3A_25 = arith.constant 0 : i32
    %dma_start3A_26 = arith.constant 0 : i32
    %dma_start3A_27 = tpu.memref_slice %arg6[%dma_start3A_24, %dma_start3A_25, %dma_start3A_26] : memref<2x160x128xf32, #tpu.memory_space<vmem>> -> memref<1x160x128xf32, #tpu.memory_space<vmem>>
    %dma_start3A_28 = tpu.memref_squeeze %dma_start3A_27 : memref<1x160x128xf32, #tpu.memory_space<vmem>> -> memref<160x128xf32, #tpu.memory_space<vmem>>
    %dma_start3A_29 = arith.constant 0 : i32
    %dma_start3A_30 = tpu.memref_slice %arg2[%add3A_20, %dma_start3A_29] : memref<320000x128xf32, #tpu.memory_space<hbm>> -> memref<160x128xf32, #tpu.memory_space<hbm>>
    %dma_start3A_31 = arith.constant 0 : i32
    %dma_start3A_32 = arith.constant 0 : i32
    %dma_start3A_33 = tpu.memref_slice %arg6[%dma_start3A_24, %dma_start3A_31, %dma_start3A_32] : memref<2x160x128xf32, #tpu.memory_space<vmem>> -> memref<1x160x128xf32, #tpu.memory_space<vmem>>
    %dma_start3A_34 = tpu.memref_squeeze %dma_start3A_33 : memref<1x160x128xf32, #tpu.memory_space<vmem>> -> memref<160x128xf32, #tpu.memory_space<vmem>>
    %dma_start3A_35 = arith.constant 0 : i32
    %dma_start3A_36 = tpu.memref_slice %arg2[%add3A_20, %dma_start3A_35] : memref<320000x128xf32, #tpu.memory_space<hbm>> -> memref<160x128xf32, #tpu.memory_space<hbm>>
    tpu.enqueue_dma source(%dma_start3A_36 : memref<160x128xf32, #tpu.memory_space<hbm>>) target(%dma_start3A_34 : memref<160x128xf32, #tpu.memory_space<vmem>>) target_semaphore(%arg15 : memref<!tpu.dma_semaphore, #tpu.memory_space<semaphore_mem>>)
    %add3A_37 = arith.constant 0 : i32
    %add3A_38 = arith.addi %mul3A_2, %add3A_37 : i32
    %dma_wait3A = tpu.memref_slice %arg3[%add3A_38] : memref<320000xi32, #tpu.memory_space<hbm>> -> memref<160xi32, #tpu.memory_space<hbm>>
    %dma_wait3A_39 = tpu.memref_slice %arg3[%add3A_38] : memref<320000xi32, #tpu.memory_space<hbm>> -> memref<160xi32, #tpu.memory_space<hbm>>
    tpu.wait_dma2 semaphore(%arg15 : memref<!tpu.dma_semaphore, #tpu.memory_space<semaphore_mem>>) src(%dma_wait3A_39 : memref<160xi32, #tpu.memory_space<hbm>>) dst(%arg7 : memref<160xi32, #tpu.memory_space<vmem>>)
    %dma_wait3A_40 = tpu.memref_slice %arg4[%add3A_38] : memref<320000xi32, #tpu.memory_space<hbm>> -> memref<160xi32, #tpu.memory_space<hbm>>
    %dma_wait3A_41 = tpu.memref_slice %arg4[%add3A_38] : memref<320000xi32, #tpu.memory_space<hbm>> -> memref<160xi32, #tpu.memory_space<hbm>>
    tpu.wait_dma2 semaphore(%arg15 : memref<!tpu.dma_semaphore, #tpu.memory_space<semaphore_mem>>) src(%dma_wait3A_41 : memref<160xi32, #tpu.memory_space<hbm>>) dst(%arg8 : memref<160xi32, #tpu.memory_space<vmem>>)
    %dma_wait3A_42 = arith.constant 0 : i32
    %dma_wait3A_43 = arith.constant 0 : i32
    %dma_wait3A_44 = arith.constant 0 : i32
    %dma_wait3A_45 = tpu.memref_slice %arg6[%dma_wait3A_42, %dma_wait3A_43, %dma_wait3A_44] : memref<2x160x128xf32, #tpu.memory_space<vmem>> -> memref<1x160x128xf32, #tpu.memory_space<vmem>>
    %dma_wait3A_46 = tpu.memref_squeeze %dma_wait3A_45 : memref<1x160x128xf32, #tpu.memory_space<vmem>> -> memref<160x128xf32, #tpu.memory_space<vmem>>
    %dma_wait3A_47 = arith.constant 0 : i32
    %dma_wait3A_48 = tpu.memref_slice %arg2[%add3A_38, %dma_wait3A_47] : memref<320000x128xf32, #tpu.memory_space<hbm>> -> memref<160x128xf32, #tpu.memory_space<hbm>>
    %dma_wait3A_49 = arith.constant 0 : i32
    %dma_wait3A_50 = arith.constant 0 : i32
    %dma_wait3A_51 = tpu.memref_slice %arg6[%dma_wait3A_42, %dma_wait3A_49, %dma_wait3A_50] : memref<2x160x128xf32, #tpu.memory_space<vmem>> -> memref<1x160x128xf32, #tpu.memory_space<vmem>>
    %dma_wait3A_52 = tpu.memref_squeeze %dma_wait3A_51 : memref<1x160x128xf32, #tpu.memory_space<vmem>> -> memref<160x128xf32, #tpu.memory_space<vmem>>
    %dma_wait3A_53 = arith.constant 0 : i32
    %dma_wait3A_54 = tpu.memref_slice %arg2[%add3A_38, %dma_wait3A_53] : memref<320000x128xf32, #tpu.memory_space<hbm>> -> memref<160x128xf32, #tpu.memory_space<hbm>>
    tpu.wait_dma2 semaphore(%arg15 : memref<!tpu.dma_semaphore, #tpu.memory_space<semaphore_mem>>) src(%dma_wait3A_54 : memref<160x128xf32, #tpu.memory_space<hbm>>) dst(%dma_wait3A_52 : memref<160x128xf32, #tpu.memory_space<vmem>>)
    %broadcast_in_dim3A = arith.constant 0 : i32
    %broadcast_in_dim3A_55 = vector.broadcast %broadcast_in_dim3A : i32 to vector<16xi32>
    %get3A = arith.constant 0 : index
    %get3A_56 = tpu.vector_load %arg7[%get3A] {strides = array<i32>} : memref<160xi32, #tpu.memory_space<vmem>>, vector<16xi32>,
    %get3A_57 = vector.shape_cast %get3A_56 : vector<16xi32> to vector<16xi32>
    %get3A_58 = arith.constant 0 : index
    %get3A_59 = tpu.vector_load %arg8[%get3A_58] {strides = array<i32>} : memref<160xi32, #tpu.memory_space<vmem>>, vector<16xi32>,
    %get3A_60 = vector.shape_cast %get3A_59 : vector<16xi32> to vector<16xi32>
    %sub3A = arith.subi %get3A_60, %get3A_57 : vector<16xi32>
    %mul3A_61 = vector.broadcast %arg0 : i32 to vector<16xi32>
    %mul3A_62 = arith.muli %mul3A_61, %sub3A : vector<16xi32>
    %add3A_63 = arith.addi %get3A_57, %mul3A_62 : vector<16xi32>
    %swap3A = arith.constant 0 : i32
    %swap3A_64 = arith.constant 0 : i32
    %swap3A_65 = arith.index_cast %swap3A : i32 to index
    %swap3A_66 = arith.index_cast %swap3A_64 : i32 to index
    %swap3A_67 = arith.constant 0 : index
    %swap3A_68 = tpu.vector_load %arg9[%swap3A_65, %swap3A_66, %swap3A_67] {strides = array<i32>} : memref<2x2x80xi32, #tpu.memory_space<vmem>>, vector<1x1x16xi32>,
    %swap3A_69 = vector.shape_cast %swap3A_68 : vector<1x1x16xi32> to vector<16xi32>
    %swap3A_70 = vector.shape_cast %add3A_63 : vector<16xi32> to vector<1x1x16xi32>
    tpu.vector_store %arg9[%swap3A_65, %swap3A_66, %swap3A_67], %swap3A_70 {strides = array<i32>} : memref<2x2x80xi32, #tpu.memory_space<vmem>>, vector<1x1x16xi32>,
    %eq3A = arith.cmpi eq, %get3A_57, %get3A_60 : vector<16xi32>
    %jit3A = arith.constant 1 : i32
    %jit3A_71 = arith.constant 0 : i32
    %broadcast_in_dim3A_72 = vector.broadcast %jit3A : i32 to vector<16xi32>
    %broadcast_in_dim3A_73 = vector.broadcast %jit3A_71 : i32 to vector<16xi32>
    %select_n3A = arith.select %eq3A, %broadcast_in_dim3A_72, %broadcast_in_dim3A_73 : vector<16xi1>, vector<16xi32>
    %or3A = arith.ori %broadcast_in_dim3A_55, %select_n3A : vector<16xi32>
    %get3A_74 = arith.constant 16 : index
    %get3A_75 = tpu.vector_load %arg7[%get3A_74] {strides = array<i32>} : memref<160xi32, #tpu.memory_space<vmem>>, vector<16xi32>,
    %get3A_76 = vector.shape_cast %get3A_75 : vector<16xi32> to vector<16xi32>
    %get3A_77 = arith.constant 16 : index
    %get3A_78 = tpu.vector_load %arg8[%get3A_77] {strides = array<i32>} : memref<160xi32, #tpu.memory_space<vmem>>, vector<16xi32>,
    %get3A_79 = vector.shape_cast %get3A_78 : vector<16xi32> to vector<16xi32>
    %sub3A_80 = arith.subi %get3A_79, %get3A_76 : vector<16xi32>
    %mul3A_81 = vector.broadcast %arg0 : i32 to vector<16xi32>
    %mul3A_82 = arith.muli %mul3A_81, %sub3A_80 : vector<16xi32>
    %add3A_83 = arith.addi %get3A_76, %mul3A_82 : vector<16xi32>
    %swap3A_84 = arith.constant 0 : i32
    %swap3A_85 = arith.constant 0 : i32
    %swap3A_86 = arith.index_cast %swap3A_84 : i32 to index
    %swap3A_87 = arith.index_cast %swap3A_85 : i32 to index
    %swap3A_88 = arith.constant 16 : index
    %swap3A_89 = tpu.vector_load %arg9[%swap3A_86, %swap3A_87, %swap3A_88] {strides = array<i32>} : memref<2x2x80xi32, #tpu.memory_space<vmem>>, vector<1x1x16xi32>,
    %swap3A_90 = vector.shape_cast %swap3A_89 : vector<1x1x16xi32> to vector<16xi32>
    %swap3A_91 = vector.shape_cast %add3A_83 : vector<16xi32> to vector<1x1x16xi32>
    tpu.vector_store %arg9[%swap3A_86, %swap3A_87, %swap3A_88], %swap3A_91 {strides = array<i32>} : memref<2x2x80xi32, #tpu.memory_space<vmem>>, vector<1x1x16xi32>,
    %eq3A_92 = arith.cmpi eq, %get3A_76, %get3A_79 : vector<16xi32>
    %jit3A_93 = arith.constant 1 : i32
    %jit3A_94 = arith.constant 0 : i32
    %broadcast_in_dim3A_95 = vector.broadcast %jit3A_93 : i32 to vector<16xi32>
    %broadcast_in_dim3A_96 = vector.broadcast %jit3A_94 : i32 to vector<16xi32>
    %select_n3A_97 = arith.select %eq3A_92, %broadcast_in_dim3A_95, %broadcast_in_dim3A_96 : vector<16xi1>, vector<16xi32>
    %or3A_98 = arith.ori %or3A, %select_n3A_97 : vector<16xi32>
    %get3A_99 = arith.constant 32 : index
    %get3A_100 = tpu.vector_load %arg7[%get3A_99] {strides = array<i32>} : memref<160xi32, #tpu.memory_space<vmem>>, vector<16xi32>,
    %get3A_101 = vector.shape_cast %get3A_100 : vector<16xi32> to vector<16xi32>
    %get3A_102 = arith.constant 32 : index
    %get3A_103 = tpu.vector_load %arg8[%get3A_102] {strides = array<i32>} : memref<160xi32, #tpu.memory_space<vmem>>, vector<16xi32>,
    %get3A_104 = vector.shape_cast %get3A_103 : vector<16xi32> to vector<16xi32>
    %sub3A_105 = arith.subi %get3A_104, %get3A_101 : vector<16xi32>
    %mul3A_106 = vector.broadcast %arg0 : i32 to vector<16xi32>
    %mul3A_107 = arith.muli %mul3A_106, %sub3A_105 : vector<16xi32>
    %add3A_108 = arith.addi %get3A_101, %mul3A_107 : vector<16xi32>
    %swap3A_109 = arith.constant 0 : i32
    %swap3A_110 = arith.constant 0 : i32
    %swap3A_111 = arith.index_cast %swap3A_109 : i32 to index
    %swap3A_112 = arith.index_cast %swap3A_110 : i32 to index
    %swap3A_113 = arith.constant 32 : index
    %swap3A_114 = tpu.vector_load %arg9[%swap3A_111, %swap3A_112, %swap3A_113] {strides = array<i32>} : memref<2x2x80xi32, #tpu.memory_space<vmem>>, vector<1x1x16xi32>,
    %swap3A_115 = vector.shape_cast %swap3A_114 : vector<1x1x16xi32> to vector<16xi32>
    %swap3A_116 = vector.shape_cast %add3A_108 : vector<16xi32> to vector<1x1x16xi32>
    tpu.vector_store %arg9[%swap3A_111, %swap3A_112, %swap3A_113], %swap3A_116 {strides = array<i32>} : memref<2x2x80xi32, #tpu.memory_space<vmem>>, vector<1x1x16xi32>,
    %eq3A_117 = arith.cmpi eq, %get3A_101, %get3A_104 : vector<16xi32>
    %jit3A_118 = arith.constant 1 : i32
    %jit3A_119 = arith.constant 0 : i32
    %broadcast_in_dim3A_120 = vector.broadcast %jit3A_118 : i32 to vector<16xi32>
    %broadcast_in_dim3A_121 = vector.broadcast %jit3A_119 : i32 to vector<16xi32>
    %select_n3A_122 = arith.select %eq3A_117, %broadcast_in_dim3A_120, %broadcast_in_dim3A_121 : vector<16xi1>, vector<16xi32>
    %or3A_123 = arith.ori %or3A_98, %select_n3A_122 : vector<16xi32>
    %get3A_124 = arith.constant 48 : index
    %get3A_125 = tpu.vector_load %arg7[%get3A_124] {strides = array<i32>} : memref<160xi32, #tpu.memory_space<vmem>>, vector<16xi32>,
    %get3A_126 = vector.shape_cast %get3A_125 : vector<16xi32> to vector<16xi32>
    %get3A_127 = arith.constant 48 : index
    %get3A_128 = tpu.vector_load %arg8[%get3A_127] {strides = array<i32>} : memref<160xi32, #tpu.memory_space<vmem>>, vector<16xi32>,
    %get3A_129 = vector.shape_cast %get3A_128 : vector<16xi32> to vector<16xi32>
    %sub3A_130 = arith.subi %get3A_129, %get3A_126 : vector<16xi32>
    %mul3A_131 = vector.broadcast %arg0 : i32 to vector<16xi32>
    %mul3A_132 = arith.muli %mul3A_131, %sub3A_130 : vector<16xi32>
    %add3A_133 = arith.addi %get3A_126, %mul3A_132 : vector<16xi32>
    %swap3A_134 = arith.constant 0 : i32
    %swap3A_135 = arith.constant 0 : i32
    %swap3A_136 = arith.index_cast %swap3A_134 : i32 to index
    %swap3A_137 = arith.index_cast %swap3A_135 : i32 to index
    %swap3A_138 = arith.constant 48 : index
    %swap3A_139 = tpu.vector_load %arg9[%swap3A_136, %swap3A_137, %swap3A_138] {strides = array<i32>} : memref<2x2x80xi32, #tpu.memory_space<vmem>>, vector<1x1x16xi32>,
    %swap3A_140 = vector.shape_cast %swap3A_139 : vector<1x1x16xi32> to vector<16xi32>
    %swap3A_141 = vector.shape_cast %add3A_133 : vector<16xi32> to vector<1x1x16xi32>
    tpu.vector_store %arg9[%swap3A_136, %swap3A_137, %swap3A_138], %swap3A_141 {strides = array<i32>} : memref<2x2x80xi32, #tpu.memory_space<vmem>>, vector<1x1x16xi32>,
    %eq3A_142 = arith.cmpi eq, %get3A_126, %get3A_129 : vector<16xi32>
    %jit3A_143 = arith.constant 1 : i32
    %jit3A_144 = arith.constant 0 : i32
    %broadcast_in_dim3A_145 = vector.broadcast %jit3A_143 : i32 to vector<16xi32>
    %broadcast_in_dim3A_146 = vector.broadcast %jit3A_144 : i32 to vector<16xi32>
    %select_n3A_147 = arith.select %eq3A_142, %broadcast_in_dim3A_145, %broadcast_in_dim3A_146 : vector<16xi1>, vector<16xi32>
    %or3A_148 = arith.ori %or3A_123, %select_n3A_147 : vector<16xi32>
    %get3A_149 = arith.constant 64 : index
    %get3A_150 = tpu.vector_load %arg7[%get3A_149] {strides = array<i32>} : memref<160xi32, #tpu.memory_space<vmem>>, vector<16xi32>,
    %get3A_151 = vector.shape_cast %get3A_150 : vector<16xi32> to vector<16xi32>
    %get3A_152 = arith.constant 64 : index
    %get3A_153 = tpu.vector_load %arg8[%get3A_152] {strides = array<i32>} : memref<160xi32, #tpu.memory_space<vmem>>, vector<16xi32>,
    %get3A_154 = vector.shape_cast %get3A_153 : vector<16xi32> to vector<16xi32>
    %sub3A_155 = arith.subi %get3A_154, %get3A_151 : vector<16xi32>
    %mul3A_156 = vector.broadcast %arg0 : i32 to vector<16xi32>
    %mul3A_157 = arith.muli %mul3A_156, %sub3A_155 : vector<16xi32>
    %add3A_158 = arith.addi %get3A_151, %mul3A_157 : vector<16xi32>
    %swap3A_159 = arith.constant 0 : i32
    %swap3A_160 = arith.constant 0 : i32
    %swap3A_161 = arith.index_cast %swap3A_159 : i32 to index
    %swap3A_162 = arith.index_cast %swap3A_160 : i32 to index
    %swap3A_163 = arith.constant 64 : index
    %swap3A_164 = tpu.vector_load %arg9[%swap3A_161, %swap3A_162, %swap3A_163] {strides = array<i32>} : memref<2x2x80xi32, #tpu.memory_space<vmem>>, vector<1x1x16xi32>,
    %swap3A_165 = vector.shape_cast %swap3A_164 : vector<1x1x16xi32> to vector<16xi32>
    %swap3A_166 = vector.shape_cast %add3A_158 : vector<16xi32> to vector<1x1x16xi32>
    tpu.vector_store %arg9[%swap3A_161, %swap3A_162, %swap3A_163], %swap3A_166 {strides = array<i32>} : memref<2x2x80xi32, #tpu.memory_space<vmem>>, vector<1x1x16xi32>,
    %eq3A_167 = arith.cmpi eq, %get3A_151, %get3A_154 : vector<16xi32>
    %jit3A_168 = arith.constant 1 : i32
    %jit3A_169 = arith.constant 0 : i32
    %broadcast_in_dim3A_170 = vector.broadcast %jit3A_168 : i32 to vector<16xi32>
    %broadcast_in_dim3A_171 = vector.broadcast %jit3A_169 : i32 to vector<16xi32>
    %select_n3A_172 = arith.select %eq3A_167, %broadcast_in_dim3A_170, %broadcast_in_dim3A_171 : vector<16xi1>, vector<16xi32>
    %or3A_173 = arith.ori %or3A_148, %select_n3A_172 : vector<16xi32>
    %get3A_174 = arith.constant 80 : index
    %get3A_175 = tpu.vector_load %arg7[%get3A_174] {strides = array<i32>} : memref<160xi32, #tpu.memory_space<vmem>>, vector<16xi32>,
    %get3A_176 = vector.shape_cast %get3A_175 : vector<16xi32> to vector<16xi32>
    %get3A_177 = arith.constant 80 : index
    %get3A_178 = tpu.vector_load %arg8[%get3A_177] {strides = array<i32>} : memref<160xi32, #tpu.memory_space<vmem>>, vector<16xi32>,
    %get3A_179 = vector.shape_cast %get3A_178 : vector<16xi32> to vector<16xi32>
    %sub3A_180 = arith.subi %get3A_179, %get3A_176 : vector<16xi32>
    %mul3A_181 = vector.broadcast %arg0 : i32 to vector<16xi32>
    %mul3A_182 = arith.muli %mul3A_181, %sub3A_180 : vector<16xi32>
    %add3A_183 = arith.addi %get3A_176, %mul3A_182 : vector<16xi32>
    %swap3A_184 = arith.constant 0 : i32
    %swap3A_185 = arith.constant 1 : i32
    %swap3A_186 = arith.index_cast %swap3A_184 : i32 to index
    %swap3A_187 = arith.index_cast %swap3A_185 : i32 to index
    %swap3A_188 = arith.constant 0 : index
    %swap3A_189 = tpu.vector_load %arg9[%swap3A_186, %swap3A_187, %swap3A_188] {strides = array<i32>} : memref<2x2x80xi32, #tpu.memory_space<vmem>>, vector<1x1x16xi32>,
    %swap3A_190 = vector.shape_cast %swap3A_189 : vector<1x1x16xi32> to vector<16xi32>
    %swap3A_191 = vector.shape_cast %add3A_183 : vector<16xi32> to vector<1x1x16xi32>
    tpu.vector_store %arg9[%swap3A_186, %swap3A_187, %swap3A_188], %swap3A_191 {strides = array<i32>} : memref<2x2x80xi32, #tpu.memory_space<vmem>>, vector<1x1x16xi32>,
    %eq3A_192 = arith.cmpi eq, %get3A_176, %get3A_179 : vector<16xi32>
    %jit3A_193 = arith.constant 1 : i32
    %jit3A_194 = arith.constant 0 : i32
    %broadcast_in_dim3A_195 = vector.broadcast %jit3A_193 : i32 to vector<16xi32>
    %broadcast_in_dim3A_196 = vector.broadcast %jit3A_194 : i32 to vector<16xi32>
    %select_n3A_197 = arith.select %eq3A_192, %broadcast_in_dim3A_195, %broadcast_in_dim3A_196 : vector<16xi1>, vector<16xi32>
    %or3A_198 = arith.ori %or3A_173, %select_n3A_197 : vector<16xi32>
    %get3A_199 = arith.constant 96 : index
    %get3A_200 = tpu.vector_load %arg7[%get3A_199] {strides = array<i32>} : memref<160xi32, #tpu.memory_space<vmem>>, vector<16xi32>,
    %get3A_201 = vector.shape_cast %get3A_200 : vector<16xi32> to vector<16xi32>
    %get3A_202 = arith.constant 96 : index
    %get3A_203 = tpu.vector_load %arg8[%get3A_202] {strides = array<i32>} : memref<160xi32, #tpu.memory_space<vmem>>, vector<16xi32>,
    %get3A_204 = vector.shape_cast %get3A_203 : vector<16xi32> to vector<16xi32>
    %sub3A_205 = arith.subi %get3A_204, %get3A_201 : vector<16xi32>
    %mul3A_206 = vector.broadcast %arg0 : i32 to vector<16xi32>
    %mul3A_207 = arith.muli %mul3A_206, %sub3A_205 : vector<16xi32>
    %add3A_208 = arith.addi %get3A_201, %mul3A_207 : vector<16xi32>
    %swap3A_209 = arith.constant 0 : i32
    %swap3A_210 = arith.constant 1 : i32
    %swap3A_211 = arith.index_cast %swap3A_209 : i32 to index
    %swap3A_212 = arith.index_cast %swap3A_210 : i32 to index
    %swap3A_213 = arith.constant 16 : index
    %swap3A_214 = tpu.vector_load %arg9[%swap3A_211, %swap3A_212, %swap3A_213] {strides = array<i32>} : memref<2x2x80xi32, #tpu.memory_space<vmem>>, vector<1x1x16xi32>,
    %swap3A_215 = vector.shape_cast %swap3A_214 : vector<1x1x16xi32> to vector<16xi32>
    %swap3A_216 = vector.shape_cast %add3A_208 : vector<16xi32> to vector<1x1x16xi32>
    tpu.vector_store %arg9[%swap3A_211, %swap3A_212, %swap3A_213], %swap3A_216 {strides = array<i32>} : memref<2x2x80xi32, #tpu.memory_space<vmem>>, vector<1x1x16xi32>,
    %eq3A_217 = arith.cmpi eq, %get3A_201, %get3A_204 : vector<16xi32>
    %jit3A_218 = arith.constant 1 : i32
    %jit3A_219 = arith.constant 0 : i32
    %broadcast_in_dim3A_220 = vector.broadcast %jit3A_218 : i32 to vector<16xi32>
    %broadcast_in_dim3A_221 = vector.broadcast %jit3A_219 : i32 to vector<16xi32>
    %select_n3A_222 = arith.select %eq3A_217, %broadcast_in_dim3A_220, %broadcast_in_dim3A_221 : vector<16xi1>, vector<16xi32>
    %or3A_223 = arith.ori %or3A_198, %select_n3A_222 : vector<16xi32>
    %get3A_224 = arith.constant 112 : index
    %get3A_225 = tpu.vector_load %arg7[%get3A_224] {strides = array<i32>} : memref<160xi32, #tpu.memory_space<vmem>>, vector<16xi32>,
    %get3A_226 = vector.shape_cast %get3A_225 : vector<16xi32> to vector<16xi32>
    %get3A_227 = arith.constant 112 : index
    %get3A_228 = tpu.vector_load %arg8[%get3A_227] {strides = array<i32>} : memref<160xi32, #tpu.memory_space<vmem>>, vector<16xi32>,
    %get3A_229 = vector.shape_cast %get3A_228 : vector<16xi32> to vector<16xi32>
    %sub3A_230 = arith.subi %get3A_229, %get3A_226 : vector<16xi32>
    %mul3A_231 = vector.broadcast %arg0 : i32 to vector<16xi32>
    %mul3A_232 = arith.muli %mul3A_231, %sub3A_230 : vector<16xi32>
    %add3A_233 = arith.addi %get3A_226, %mul3A_232 : vector<16xi32>
    %swap3A_234 = arith.constant 0 : i32
    %swap3A_235 = arith.constant 1 : i32
    %swap3A_236 = arith.index_cast %swap3A_234 : i32 to index
    %swap3A_237 = arith.index_cast %swap3A_235 : i32 to index
    %swap3A_238 = arith.constant 32 : index
    %swap3A_239 = tpu.vector_load %arg9[%swap3A_236, %swap3A_237, %swap3A_238] {strides = array<i32>} : memref<2x2x80xi32, #tpu.memory_space<vmem>>, vector<1x1x16xi32>,
    %swap3A_240 = vector.shape_cast %swap3A_239 : vector<1x1x16xi32> to vector<16xi32>
    %swap3A_241 = vector.shape_cast %add3A_233 : vector<16xi32> to vector<1x1x16xi32>
    tpu.vector_store %arg9[%swap3A_236, %swap3A_237, %swap3A_238], %swap3A_241 {strides = array<i32>} : memref<2x2x80xi32, #tpu.memory_space<vmem>>, vector<1x1x16xi32>,
    %eq3A_242 = arith.cmpi eq, %get3A_226, %get3A_229 : vector<16xi32>
    %jit3A_243 = arith.constant 1 : i32
    %jit3A_244 = arith.constant 0 : i32
    %broadcast_in_dim3A_245 = vector.broadcast %jit3A_243 : i32 to vector<16xi32>
    %broadcast_in_dim3A_246 = vector.broadcast %jit3A_244 : i32 to vector<16xi32>
    %select_n3A_247 = arith.select %eq3A_242, %broadcast_in_dim3A_245, %broadcast_in_dim3A_246 : vector<16xi1>, vector<16xi32>
    %or3A_248 = arith.ori %or3A_223, %select_n3A_247 : vector<16xi32>
    %get3A_249 = arith.constant 128 : index
    %get3A_250 = tpu.vector_load %arg7[%get3A_249] {strides = array<i32>} : memref<160xi32, #tpu.memory_space<vmem>>, vector<16xi32>,
    %get3A_251 = vector.shape_cast %get3A_250 : vector<16xi32> to vector<16xi32>
    %get3A_252 = arith.constant 128 : index
    %get3A_253 = tpu.vector_load %arg8[%get3A_252] {strides = array<i32>} : memref<160xi32, #tpu.memory_space<vmem>>, vector<16xi32>,
    %get3A_254 = vector.shape_cast %get3A_253 : vector<16xi32> to vector<16xi32>
    %sub3A_255 = arith.subi %get3A_254, %get3A_251 : vector<16xi32>
    %mul3A_256 = vector.broadcast %arg0 : i32 to vector<16xi32>
    %mul3A_257 = arith.muli %mul3A_256, %sub3A_255 : vector<16xi32>
    %add3A_258 = arith.addi %get3A_251, %mul3A_257 : vector<16xi32>
    %swap3A_259 = arith.constant 0 : i32
    %swap3A_260 = arith.constant 1 : i32
    %swap3A_261 = arith.index_cast %swap3A_259 : i32 to index
    %swap3A_262 = arith.index_cast %swap3A_260 : i32 to index
    %swap3A_263 = arith.constant 48 : index
    %swap3A_264 = tpu.vector_load %arg9[%swap3A_261, %swap3A_262, %swap3A_263] {strides = array<i32>} : memref<2x2x80xi32, #tpu.memory_space<vmem>>, vector<1x1x16xi32>,
    %swap3A_265 = vector.shape_cast %swap3A_264 : vector<1x1x16xi32> to vector<16xi32>
    %swap3A_266 = vector.shape_cast %add3A_258 : vector<16xi32> to vector<1x1x16xi32>
    tpu.vector_store %arg9[%swap3A_261, %swap3A_262, %swap3A_263], %swap3A_266 {strides = array<i32>} : memref<2x2x80xi32, #tpu.memory_space<vmem>>, vector<1x1x16xi32>,
    %eq3A_267 = arith.cmpi eq, %get3A_251, %get3A_254 : vector<16xi32>
    %jit3A_268 = arith.constant 1 : i32
    %jit3A_269 = arith.constant 0 : i32
    %broadcast_in_dim3A_270 = vector.broadcast %jit3A_268 : i32 to vector<16xi32>
    %broadcast_in_dim3A_271 = vector.broadcast %jit3A_269 : i32 to vector<16xi32>
    %select_n3A_272 = arith.select %eq3A_267, %broadcast_in_dim3A_270, %broadcast_in_dim3A_271 : vector<16xi1>, vector<16xi32>
    %or3A_273 = arith.ori %or3A_248, %select_n3A_272 : vector<16xi32>
    %get3A_274 = arith.constant 144 : index
    %get3A_275 = tpu.vector_load %arg7[%get3A_274] {strides = array<i32>} : memref<160xi32, #tpu.memory_space<vmem>>, vector<16xi32>,
    %get3A_276 = vector.shape_cast %get3A_275 : vector<16xi32> to vector<16xi32>
    %get3A_277 = arith.constant 144 : index
    %get3A_278 = tpu.vector_load %arg8[%get3A_277] {strides = array<i32>} : memref<160xi32, #tpu.memory_space<vmem>>, vector<16xi32>,
    %get3A_279 = vector.shape_cast %get3A_278 : vector<16xi32> to vector<16xi32>
    %sub3A_280 = arith.subi %get3A_279, %get3A_276 : vector<16xi32>
    %mul3A_281 = vector.broadcast %arg0 : i32 to vector<16xi32>
    %mul3A_282 = arith.muli %mul3A_281, %sub3A_280 : vector<16xi32>
    %add3A_283 = arith.addi %get3A_276, %mul3A_282 : vector<16xi32>
    %swap3A_284 = arith.constant 0 : i32
    %swap3A_285 = arith.constant 1 : i32
    %swap3A_286 = arith.index_cast %swap3A_284 : i32 to index
    %swap3A_287 = arith.index_cast %swap3A_285 : i32 to index
    %swap3A_288 = arith.constant 64 : index
    %swap3A_289 = tpu.vector_load %arg9[%swap3A_286, %swap3A_287, %swap3A_288] {strides = array<i32>} : memref<2x2x80xi32, #tpu.memory_space<vmem>>, vector<1x1x16xi32>,
    %swap3A_290 = vector.shape_cast %swap3A_289 : vector<1x1x16xi32> to vector<16xi32>
    %swap3A_291 = vector.shape_cast %add3A_283 : vector<16xi32> to vector<1x1x16xi32>
    tpu.vector_store %arg9[%swap3A_286, %swap3A_287, %swap3A_288], %swap3A_291 {strides = array<i32>} : memref<2x2x80xi32, #tpu.memory_space<vmem>>, vector<1x1x16xi32>,
    %eq3A_292 = arith.cmpi eq, %get3A_276, %get3A_279 : vector<16xi32>
    %jit3A_293 = arith.constant 1 : i32
    %jit3A_294 = arith.constant 0 : i32
    %broadcast_in_dim3A_295 = vector.broadcast %jit3A_293 : i32 to vector<16xi32>
    %broadcast_in_dim3A_296 = vector.broadcast %jit3A_294 : i32 to vector<16xi32>
    %select_n3A_297 = arith.select %eq3A_292, %broadcast_in_dim3A_295, %broadcast_in_dim3A_296 : vector<16xi1>, vector<16xi32>
    %or3A_298 = arith.ori %or3A_273, %select_n3A_297 : vector<16xi32>
    %swap3A_299 = arith.constant 0 : index
    %swap3A_300 = tpu.vector_load %arg13[%swap3A_299] {strides = array<i32>} : memref<2000xi32, #tpu.memory_space<vmem>>, vector<16xi32>,
    %swap3A_301 = vector.shape_cast %swap3A_300 : vector<16xi32> to vector<16xi32>
    %swap3A_302 = vector.shape_cast %or3A_298 : vector<16xi32> to vector<16xi32>
    tpu.vector_store %arg13[%swap3A_299], %swap3A_302 {strides = array<i32>} : memref<2000xi32, #tpu.memory_space<vmem>>, vector<16xi32>,
    %dma_start3A_303 = arith.constant 0 : i32
    %dma_start3A_304 = arith.constant 0 : i32
    %dma_start3A_305 = arith.constant 0 : i32
    %dma_start3A_306 = arith.constant 0 : i32
    %dma_start3A_307 = arith.constant 0 : i32
    %dma_start3A_308 = tpu.memref_slice %arg6[%dma_start3A_303, %dma_start3A_306, %dma_start3A_307] : memref<2x160x128xf32, #tpu.memory_space<vmem>> -> memref<1x80x128xf32, #tpu.memory_space<vmem>>
    %dma_start3A_309 = tpu.memref_squeeze %dma_start3A_308 : memref<1x80x128xf32, #tpu.memory_space<vmem>> -> memref<80x128xf32, #tpu.memory_space<vmem>>
    %dma_start3A_310 = arith.constant 0 : i32
    %dma_start3A_311 = tpu.memref_slice %arg9[%dma_start3A_304, %dma_start3A_305, %dma_start3A_310] : memref<2x2x80xi32, #tpu.memory_space<vmem>> -> memref<1x1x80xi32, #tpu.memory_space<vmem>>
    %dma_start3A_312 = tpu.memref_squeeze %dma_start3A_311 : memref<1x1x80xi32, #tpu.memory_space<vmem>> -> memref<80xi32, #tpu.memory_space<vmem>>
    %dma_start3A_313 = arith.constant 0 : i32
    %dma_start3A_314 = arith.constant 0 : i32
    %dma_start3A_315 = tpu.memref_slice %arg14[%dma_start3A_313, %dma_start3A_314] : memref<10240x128xf32, #tpu.memory_space<vmem_shared>> -> memref<10240x128xf32, #tpu.memory_space<vmem_shared>>
    tpu.enqueue_indirect_dma source(%dma_start3A_309 : memref<80x128xf32, #tpu.memory_space<vmem>>) target(%dma_start3A_315 : memref<10240x128xf32, #tpu.memory_space<vmem_shared>>) offsets(%dma_start3A_312 : memref<80xi32, #tpu.memory_space<vmem>>) semaphore(%arg17 : memref<!tpu.dma_semaphore, #tpu.memory_space<semaphore_mem>>) {add = true}
    %dma_start3A_316 = arith.constant 0 : i32
    %dma_start3A_317 = arith.constant 0 : i32
    %dma_start3A_318 = arith.constant 1 : i32
    %dma_start3A_319 = arith.constant 80 : i32
    %dma_start3A_320 = arith.constant 0 : i32
    %dma_start3A_321 = tpu.memref_slice %arg6[%dma_start3A_316, %dma_start3A_319, %dma_start3A_320] : memref<2x160x128xf32, #tpu.memory_space<vmem>> -> memref<1x80x128xf32, #tpu.memory_space<vmem>>
    %dma_start3A_322 = tpu.memref_squeeze %dma_start3A_321 : memref<1x80x128xf32, #tpu.memory_space<vmem>> -> memref<80x128xf32, #tpu.memory_space<vmem>>
    %dma_start3A_323 = arith.constant 0 : i32
    %dma_start3A_324 = tpu.memref_slice %arg9[%dma_start3A_317, %dma_start3A_318, %dma_start3A_323] : memref<2x2x80xi32, #tpu.memory_space<vmem>> -> memref<1x1x80xi32, #tpu.memory_space<vmem>>
    %dma_start3A_325 = tpu.memref_squeeze %dma_start3A_324 : memref<1x1x80xi32, #tpu.memory_space<vmem>> -> memref<80xi32, #tpu.memory_space<vmem>>
    %dma_start3A_326 = arith.constant 0 : i32
    %dma_start3A_327 = arith.constant 0 : i32
    %dma_start3A_328 = tpu.memref_slice %arg14[%dma_start3A_326, %dma_start3A_327] : memref<10240x128xf32, #tpu.memory_space<vmem_shared>> -> memref<10240x128xf32, #tpu.memory_space<vmem_shared>>
    tpu.enqueue_indirect_dma source(%dma_start3A_322 : memref<80x128xf32, #tpu.memory_space<vmem>>) target(%dma_start3A_328 : memref<10240x128xf32, #tpu.memory_space<vmem_shared>>) offsets(%dma_start3A_325 : memref<80xi32, #tpu.memory_space<vmem>>) semaphore(%arg17 : memref<!tpu.dma_semaphore, #tpu.memory_space<semaphore_mem>>) {add = true}
    %add3A_329 = arith.constant 160 : i32
    %add3A_330 = arith.addi %mul3A_2, %add3A_329 : i32
    %dma_start3A_331 = tpu.memref_slice %arg3[%add3A_330] : memref<320000xi32, #tpu.memory_space<hbm>> -> memref<160xi32, #tpu.memory_space<hbm>>
    %dma_start3A_332 = tpu.memref_slice %arg3[%add3A_330] : memref<320000xi32, #tpu.memory_space<hbm>> -> memref<160xi32, #tpu.memory_space<hbm>>
    tpu.enqueue_dma source(%dma_start3A_332 : memref<160xi32, #tpu.memory_space<hbm>>) target(%arg7 : memref<160xi32, #tpu.memory_space<vmem>>) target_semaphore(%arg16 : memref<!tpu.dma_semaphore, #tpu.memory_space<semaphore_mem>>)
    %dma_start3A_333 = tpu.memref_slice %arg4[%add3A_330] : memref<320000xi32, #tpu.memory_space<hbm>> -> memref<160xi32, #tpu.memory_space<hbm>>
    %dma_start3A_334 = tpu.memref_slice %arg4[%add3A_330] : memref<320000xi32, #tpu.memory_space<hbm>> -> memref<160xi32, #tpu.memory_space<hbm>>
    tpu.enqueue_dma source(%dma_start3A_334 : memref<160xi32, #tpu.memory_space<hbm>>) target(%arg8 : memref<160xi32, #tpu.memory_space<vmem>>) target_semaphore(%arg16 : memref<!tpu.dma_semaphore, #tpu.memory_space<semaphore_mem>>)
    %dma_start3A_335 = arith.constant 1 : i32
    %dma_start3A_336 = arith.constant 0 : i32
    %dma_start3A_337 = arith.constant 0 : i32
    %dma_start3A_338 = tpu.memref_slice %arg6[%dma_start3A_335, %dma_start3A_336, %dma_start3A_337] : memref<2x160x128xf32, #tpu.memory_space<vmem>> -> memref<1x160x128xf32, #tpu.memory_space<vmem>>
    %dma_start3A_339 = tpu.memref_squeeze %dma_start3A_338 : memref<1x160x128xf32, #tpu.memory_space<vmem>> -> memref<160x128xf32, #tpu.memory_space<vmem>>
    %dma_start3A_340 = arith.constant 0 : i32
    %dma_start3A_341 = tpu.memref_slice %arg2[%add3A_330, %dma_start3A_340] : memref<320000x128xf32, #tpu.memory_space<hbm>> -> memref<160x128xf32, #tpu.memory_space<hbm>>
    %dma_start3A_342 = arith.constant 0 : i32
    %dma_start3A_343 = arith.constant 0 : i32
    %dma_start3A_344 = tpu.memref_slice %arg6[%dma_start3A_335, %dma_start3A_342, %dma_start3A_343] : memref<2x160x128xf32, #tpu.memory_space<vmem>> -> memref<1x160x128xf32, #tpu.memory_space<vmem>>
    %dma_start3A_345 = tpu.memref_squeeze %dma_start3A_344 : memref<1x160x128xf32, #tpu.memory_space<vmem>> -> memref<160x128xf32, #tpu.memory_space<vmem>>
    %dma_start3A_346 = arith.constant 0 : i32
    %dma_start3A_347 = tpu.memref_slice %arg2[%add3A_330, %dma_start3A_346] : memref<320000x128xf32, #tpu.memory_space<hbm>> -> memref<160x128xf32, #tpu.memory_space<hbm>>
    tpu.enqueue_dma source(%dma_start3A_347 : memref<160x128xf32, #tpu.memory_space<hbm>>) target(%dma_start3A_345 : memref<160x128xf32, #tpu.memory_space<vmem>>) target_semaphore(%arg16 : memref<!tpu.dma_semaphore, #tpu.memory_space<semaphore_mem>>)
    %scan3A_348 = arith.constant 0 : i32
    %scan3A_349 = arith.constant 62 : i32
    %scan3A_350 = arith.addi %scan3A_348, %scan3A_349 : i32
    %scan3A_351 = arith.constant 1 : i32
    %scan3A_352 = scf.for %scan3A_633 = %scan3A_348 to %scan3A_350 step %scan3A_351 iter_args(%scan3A_634 = %or3A_298) -> (vector<16xi32>)  : i32 {
      %mul3A_635 = arith.constant 1 : i32
      %mul3A_636 = arith.muli %scan3A_633, %mul3A_635 : i32
      %add3A_637 = arith.constant 0 : i32
      %add3A_638 = arith.addi %add3A_637, %mul3A_636 : i32
      %mul3A_639 = arith.constant 2 : i32
      %mul3A_640 = arith.muli %mul3A_639, %add3A_638 : i32
      %add3A_641 = arith.constant 1 : i32
      %add3A_642 = arith.addi %mul3A_640, %add3A_641 : i32
      %mul3A_643 = arith.constant 160 : i32
      %mul3A_644 = arith.muli %add3A_642, %mul3A_643 : i32
      %add3A_645 = arith.addi %mul3A_2, %mul3A_644 : i32
      %dma_wait3A_646 = tpu.memref_slice %arg3[%add3A_645] : memref<320000xi32, #tpu.memory_space<hbm>> -> memref<160xi32, #tpu.memory_space<hbm>>
      %dma_wait3A_647 = tpu.memref_slice %arg3[%add3A_645] : memref<320000xi32, #tpu.memory_space<hbm>> -> memref<160xi32, #tpu.memory_space<hbm>>
      tpu.wait_dma2 semaphore(%arg16 : memref<!tpu.dma_semaphore, #tpu.memory_space<semaphore_mem>>) src(%dma_wait3A_647 : memref<160xi32, #tpu.memory_space<hbm>>) dst(%arg7 : memref<160xi32, #tpu.memory_space<vmem>>)
      %dma_wait3A_648 = tpu.memref_slice %arg4[%add3A_645] : memref<320000xi32, #tpu.memory_space<hbm>> -> memref<160xi32, #tpu.memory_space<hbm>>
      %dma_wait3A_649 = tpu.memref_slice %arg4[%add3A_645] : memref<320000xi32, #tpu.memory_space<hbm>> -> memref<160xi32, #tpu.memory_space<hbm>>
      tpu.wait_dma2 semaphore(%arg16 : memref<!tpu.dma_semaphore, #tpu.memory_space<semaphore_mem>>) src(%dma_wait3A_649 : memref<160xi32, #tpu.memory_space<hbm>>) dst(%arg8 : memref<160xi32, #tpu.memory_space<vmem>>)
      %dma_wait3A_650 = arith.constant 1 : i32
      %dma_wait3A_651 = arith.constant 0 : i32
      %dma_wait3A_652 = arith.constant 0 : i32
      %dma_wait3A_653 = tpu.memref_slice %arg6[%dma_wait3A_650, %dma_wait3A_651, %dma_wait3A_652] : memref<2x160x128xf32, #tpu.memory_space<vmem>> -> memref<1x160x128xf32, #tpu.memory_space<vmem>>
      %dma_wait3A_654 = tpu.memref_squeeze %dma_wait3A_653 : memref<1x160x128xf32, #tpu.memory_space<vmem>> -> memref<160x128xf32, #tpu.memory_space<vmem>>
      %dma_wait3A_655 = arith.constant 0 : i32
      %dma_wait3A_656 = tpu.memref_slice %arg2[%add3A_645, %dma_wait3A_655] : memref<320000x128xf32, #tpu.memory_space<hbm>> -> memref<160x128xf32, #tpu.memory_space<hbm>>
      %dma_wait3A_657 = arith.constant 0 : i32
      %dma_wait3A_658 = arith.constant 0 : i32
      %dma_wait3A_659 = tpu.memref_slice %arg6[%dma_wait3A_650, %dma_wait3A_657, %dma_wait3A_658] : memref<2x160x128xf32, #tpu.memory_space<vmem>> -> memref<1x160x128xf32, #tpu.memory_space<vmem>>
      %dma_wait3A_660 = tpu.memref_squeeze %dma_wait3A_659 : memref<1x160x128xf32, #tpu.memory_space<vmem>> -> memref<160x128xf32, #tpu.memory_space<vmem>>
      %dma_wait3A_661 = arith.constant 0 : i32
      %dma_wait3A_662 = tpu.memref_slice %arg2[%add3A_645, %dma_wait3A_661] : memref<320000x128xf32, #tpu.memory_space<hbm>> -> memref<160x128xf32, #tpu.memory_space<hbm>>
      tpu.wait_dma2 semaphore(%arg16 : memref<!tpu.dma_semaphore, #tpu.memory_space<semaphore_mem>>) src(%dma_wait3A_662 : memref<160x128xf32, #tpu.memory_space<hbm>>) dst(%dma_wait3A_660 : memref<160x128xf32, #tpu.memory_space<vmem>>)
      %broadcast_in_dim3A_663 = arith.constant 0 : i32
      %broadcast_in_dim3A_664 = vector.broadcast %broadcast_in_dim3A_663 : i32 to vector<16xi32>
      %get3A_665 = arith.constant 0 : index
      %get3A_666 = tpu.vector_load %arg7[%get3A_665] {strides = array<i32>} : memref<160xi32, #tpu.memory_space<vmem>>, vector<16xi32>,
      %get3A_667 = vector.shape_cast %get3A_666 : vector<16xi32> to vector<16xi32>
      %get3A_668 = arith.constant 0 : index
      %get3A_669 = tpu.vector_load %arg8[%get3A_668] {strides = array<i32>} : memref<160xi32, #tpu.memory_space<vmem>>, vector<16xi32>,
      %get3A_670 = vector.shape_cast %get3A_669 : vector<16xi32> to vector<16xi32>
      %sub3A_671 = arith.subi %get3A_670, %get3A_667 : vector<16xi32>
      %mul3A_672 = vector.broadcast %arg0 : i32 to vector<16xi32>
      %mul3A_673 = arith.muli %mul3A_672, %sub3A_671 : vector<16xi32>
      %add3A_674 = arith.addi %get3A_667, %mul3A_673 : vector<16xi32>
      %swap3A_675 = arith.constant 1 : i32
      %swap3A_676 = arith.constant 0 : i32
      %swap3A_677 = arith.index_cast %swap3A_675 : i32 to index
      %swap3A_678 = arith.index_cast %swap3A_676 : i32 to index
      %swap3A_679 = arith.constant 0 : index
      %swap3A_680 = tpu.vector_load %arg9[%swap3A_677, %swap3A_678, %swap3A_679] {strides = array<i32>} : memref<2x2x80xi32, #tpu.memory_space<vmem>>, vector<1x1x16xi32>,
      %swap3A_681 = vector.shape_cast %swap3A_680 : vector<1x1x16xi32> to vector<16xi32>
      %swap3A_682 = vector.shape_cast %add3A_674 : vector<16xi32> to vector<1x1x16xi32>
      tpu.vector_store %arg9[%swap3A_677, %swap3A_678, %swap3A_679], %swap3A_682 {strides = array<i32>} : memref<2x2x80xi32, #tpu.memory_space<vmem>>, vector<1x1x16xi32>,
      %eq3A_683 = arith.cmpi eq, %get3A_667, %get3A_670 : vector<16xi32>
      %jit3A_684 = arith.constant 1 : i32
      %jit3A_685 = arith.constant 0 : i32
      %broadcast_in_dim3A_686 = vector.broadcast %jit3A_684 : i32 to vector<16xi32>
      %broadcast_in_dim3A_687 = vector.broadcast %jit3A_685 : i32 to vector<16xi32>
      %select_n3A_688 = arith.select %eq3A_683, %broadcast_in_dim3A_686, %broadcast_in_dim3A_687 : vector<16xi1>, vector<16xi32>
      %or3A_689 = arith.ori %broadcast_in_dim3A_664, %select_n3A_688 : vector<16xi32>
      %get3A_690 = arith.constant 16 : index
      %get3A_691 = tpu.vector_load %arg7[%get3A_690] {strides = array<i32>} : memref<160xi32, #tpu.memory_space<vmem>>, vector<16xi32>,
      %get3A_692 = vector.shape_cast %get3A_691 : vector<16xi32> to vector<16xi32>
      %get3A_693 = arith.constant 16 : index
      %get3A_694 = tpu.vector_load %arg8[%get3A_693] {strides = array<i32>} : memref<160xi32, #tpu.memory_space<vmem>>, vector<16xi32>,
      %get3A_695 = vector.shape_cast %get3A_694 : vector<16xi32> to vector<16xi32>
      %sub3A_696 = arith.subi %get3A_695, %get3A_692 : vector<16xi32>
      %mul3A_697 = vector.broadcast %arg0 : i32 to vector<16xi32>
      %mul3A_698 = arith.muli %mul3A_697, %sub3A_696 : vector<16xi32>
      %add3A_699 = arith.addi %get3A_692, %mul3A_698 : vector<16xi32>
      %swap3A_700 = arith.constant 1 : i32
      %swap3A_701 = arith.constant 0 : i32
      %swap3A_702 = arith.index_cast %swap3A_700 : i32 to index
      %swap3A_703 = arith.index_cast %swap3A_701 : i32 to index
      %swap3A_704 = arith.constant 16 : index
      %swap3A_705 = tpu.vector_load %arg9[%swap3A_702, %swap3A_703, %swap3A_704] {strides = array<i32>} : memref<2x2x80xi32, #tpu.memory_space<vmem>>, vector<1x1x16xi32>,
      %swap3A_706 = vector.shape_cast %swap3A_705 : vector<1x1x16xi32> to vector<16xi32>
      %swap3A_707 = vector.shape_cast %add3A_699 : vector<16xi32> to vector<1x1x16xi32>
      tpu.vector_store %arg9[%swap3A_702, %swap3A_703, %swap3A_704], %swap3A_707 {strides = array<i32>} : memref<2x2x80xi32, #tpu.memory_space<vmem>>, vector<1x1x16xi32>,
      %eq3A_708 = arith.cmpi eq, %get3A_692, %get3A_695 : vector<16xi32>
      %jit3A_709 = arith.constant 1 : i32
      %jit3A_710 = arith.constant 0 : i32
      %broadcast_in_dim3A_711 = vector.broadcast %jit3A_709 : i32 to vector<16xi32>
      %broadcast_in_dim3A_712 = vector.broadcast %jit3A_710 : i32 to vector<16xi32>
      %select_n3A_713 = arith.select %eq3A_708, %broadcast_in_dim3A_711, %broadcast_in_dim3A_712 : vector<16xi1>, vector<16xi32>
      %or3A_714 = arith.ori %or3A_689, %select_n3A_713 : vector<16xi32>
      %get3A_715 = arith.constant 32 : index
      %get3A_716 = tpu.vector_load %arg7[%get3A_715] {strides = array<i32>} : memref<160xi32, #tpu.memory_space<vmem>>, vector<16xi32>,
      %get3A_717 = vector.shape_cast %get3A_716 : vector<16xi32> to vector<16xi32>
      %get3A_718 = arith.constant 32 : index
      %get3A_719 = tpu.vector_load %arg8[%get3A_718] {strides = array<i32>} : memref<160xi32, #tpu.memory_space<vmem>>, vector<16xi32>,
      %get3A_720 = vector.shape_cast %get3A_719 : vector<16xi32> to vector<16xi32>
      %sub3A_721 = arith.subi %get3A_720, %get3A_717 : vector<16xi32>
      %mul3A_722 = vector.broadcast %arg0 : i32 to vector<16xi32>
      %mul3A_723 = arith.muli %mul3A_722, %sub3A_721 : vector<16xi32>
      %add3A_724 = arith.addi %get3A_717, %mul3A_723 : vector<16xi32>
      %swap3A_725 = arith.constant 1 : i32
      %swap3A_726 = arith.constant 0 : i32
      %swap3A_727 = arith.index_cast %swap3A_725 : i32 to index
      %swap3A_728 = arith.index_cast %swap3A_726 : i32 to index
      %swap3A_729 = arith.constant 32 : index
      %swap3A_730 = tpu.vector_load %arg9[%swap3A_727, %swap3A_728, %swap3A_729] {strides = array<i32>} : memref<2x2x80xi32, #tpu.memory_space<vmem>>, vector<1x1x16xi32>,
      %swap3A_731 = vector.shape_cast %swap3A_730 : vector<1x1x16xi32> to vector<16xi32>
      %swap3A_732 = vector.shape_cast %add3A_724 : vector<16xi32> to vector<1x1x16xi32>
      tpu.vector_store %arg9[%swap3A_727, %swap3A_728, %swap3A_729], %swap3A_732 {strides = array<i32>} : memref<2x2x80xi32, #tpu.memory_space<vmem>>, vector<1x1x16xi32>,
      %eq3A_733 = arith.cmpi eq, %get3A_717, %get3A_720 : vector<16xi32>
      %jit3A_734 = arith.constant 1 : i32
      %jit3A_735 = arith.constant 0 : i32
      %broadcast_in_dim3A_736 = vector.broadcast %jit3A_734 : i32 to vector<16xi32>
      %broadcast_in_dim3A_737 = vector.broadcast %jit3A_735 : i32 to vector<16xi32>
      %select_n3A_738 = arith.select %eq3A_733, %broadcast_in_dim3A_736, %broadcast_in_dim3A_737 : vector<16xi1>, vector<16xi32>
      %or3A_739 = arith.ori %or3A_714, %select_n3A_738 : vector<16xi32>
      %get3A_740 = arith.constant 48 : index
      %get3A_741 = tpu.vector_load %arg7[%get3A_740] {strides = array<i32>} : memref<160xi32, #tpu.memory_space<vmem>>, vector<16xi32>,
      %get3A_742 = vector.shape_cast %get3A_741 : vector<16xi32> to vector<16xi32>
      %get3A_743 = arith.constant 48 : index
      %get3A_744 = tpu.vector_load %arg8[%get3A_743] {strides = array<i32>} : memref<160xi32, #tpu.memory_space<vmem>>, vector<16xi32>,
      %get3A_745 = vector.shape_cast %get3A_744 : vector<16xi32> to vector<16xi32>
      %sub3A_746 = arith.subi %get3A_745, %get3A_742 : vector<16xi32>
      %mul3A_747 = vector.broadcast %arg0 : i32 to vector<16xi32>
      %mul3A_748 = arith.muli %mul3A_747, %sub3A_746 : vector<16xi32>
      %add3A_749 = arith.addi %get3A_742, %mul3A_748 : vector<16xi32>
      %swap3A_750 = arith.constant 1 : i32
      %swap3A_751 = arith.constant 0 : i32
      %swap3A_752 = arith.index_cast %swap3A_750 : i32 to index
      %swap3A_753 = arith.index_cast %swap3A_751 : i32 to index
      %swap3A_754 = arith.constant 48 : index
      %swap3A_755 = tpu.vector_load %arg9[%swap3A_752, %swap3A_753, %swap3A_754] {strides = array<i32>} : memref<2x2x80xi32, #tpu.memory_space<vmem>>, vector<1x1x16xi32>,
      %swap3A_756 = vector.shape_cast %swap3A_755 : vector<1x1x16xi32> to vector<16xi32>
      %swap3A_757 = vector.shape_cast %add3A_749 : vector<16xi32> to vector<1x1x16xi32>
      tpu.vector_store %arg9[%swap3A_752, %swap3A_753, %swap3A_754], %swap3A_757 {strides = array<i32>} : memref<2x2x80xi32, #tpu.memory_space<vmem>>, vector<1x1x16xi32>,
      %eq3A_758 = arith.cmpi eq, %get3A_742, %get3A_745 : vector<16xi32>
      %jit3A_759 = arith.constant 1 : i32
      %jit3A_760 = arith.constant 0 : i32
      %broadcast_in_dim3A_761 = vector.broadcast %jit3A_759 : i32 to vector<16xi32>
      %broadcast_in_dim3A_762 = vector.broadcast %jit3A_760 : i32 to vector<16xi32>
      %select_n3A_763 = arith.select %eq3A_758, %broadcast_in_dim3A_761, %broadcast_in_dim3A_762 : vector<16xi1>, vector<16xi32>
      %or3A_764 = arith.ori %or3A_739, %select_n3A_763 : vector<16xi32>
      %get3A_765 = arith.constant 64 : index
      %get3A_766 = tpu.vector_load %arg7[%get3A_765] {strides = array<i32>} : memref<160xi32, #tpu.memory_space<vmem>>, vector<16xi32>,
      %get3A_767 = vector.shape_cast %get3A_766 : vector<16xi32> to vector<16xi32>
      %get3A_768 = arith.constant 64 : index
      %get3A_769 = tpu.vector_load %arg8[%get3A_768] {strides = array<i32>} : memref<160xi32, #tpu.memory_space<vmem>>, vector<16xi32>,
      %get3A_770 = vector.shape_cast %get3A_769 : vector<16xi32> to vector<16xi32>
      %sub3A_771 = arith.subi %get3A_770, %get3A_767 : vector<16xi32>
      %mul3A_772 = vector.broadcast %arg0 : i32 to vector<16xi32>
      %mul3A_773 = arith.muli %mul3A_772, %sub3A_771 : vector<16xi32>
      %add3A_774 = arith.addi %get3A_767, %mul3A_773 : vector<16xi32>
      %swap3A_775 = arith.constant 1 : i32
      %swap3A_776 = arith.constant 0 : i32
      %swap3A_777 = arith.index_cast %swap3A_775 : i32 to index
      %swap3A_778 = arith.index_cast %swap3A_776 : i32 to index
      %swap3A_779 = arith.constant 64 : index
      %swap3A_780 = tpu.vector_load %arg9[%swap3A_777, %swap3A_778, %swap3A_779] {strides = array<i32>} : memref<2x2x80xi32, #tpu.memory_space<vmem>>, vector<1x1x16xi32>,
      %swap3A_781 = vector.shape_cast %swap3A_780 : vector<1x1x16xi32> to vector<16xi32>
      %swap3A_782 = vector.shape_cast %add3A_774 : vector<16xi32> to vector<1x1x16xi32>
      tpu.vector_store %arg9[%swap3A_777, %swap3A_778, %swap3A_779], %swap3A_782 {strides = array<i32>} : memref<2x2x80xi32, #tpu.memory_space<vmem>>, vector<1x1x16xi32>,
      %eq3A_783 = arith.cmpi eq, %get3A_767, %get3A_770 : vector<16xi32>
      %jit3A_784 = arith.constant 1 : i32
      %jit3A_785 = arith.constant 0 : i32
      %broadcast_in_dim3A_786 = vector.broadcast %jit3A_784 : i32 to vector<16xi32>
      %broadcast_in_dim3A_787 = vector.broadcast %jit3A_785 : i32 to vector<16xi32>
      %select_n3A_788 = arith.select %eq3A_783, %broadcast_in_dim3A_786, %broadcast_in_dim3A_787 : vector<16xi1>, vector<16xi32>
      %or3A_789 = arith.ori %or3A_764, %select_n3A_788 : vector<16xi32>
      %get3A_790 = arith.constant 80 : index
      %get3A_791 = tpu.vector_load %arg7[%get3A_790] {strides = array<i32>} : memref<160xi32, #tpu.memory_space<vmem>>, vector<16xi32>,
      %get3A_792 = vector.shape_cast %get3A_791 : vector<16xi32> to vector<16xi32>
      %get3A_793 = arith.constant 80 : index
      %get3A_794 = tpu.vector_load %arg8[%get3A_793] {strides = array<i32>} : memref<160xi32, #tpu.memory_space<vmem>>, vector<16xi32>,
      %get3A_795 = vector.shape_cast %get3A_794 : vector<16xi32> to vector<16xi32>
      %sub3A_796 = arith.subi %get3A_795, %get3A_792 : vector<16xi32>
      %mul3A_797 = vector.broadcast %arg0 : i32 to vector<16xi32>
      %mul3A_798 = arith.muli %mul3A_797, %sub3A_796 : vector<16xi32>
      %add3A_799 = arith.addi %get3A_792, %mul3A_798 : vector<16xi32>
      %swap3A_800 = arith.constant 1 : i32
      %swap3A_801 = arith.constant 1 : i32
      %swap3A_802 = arith.index_cast %swap3A_800 : i32 to index
      %swap3A_803 = arith.index_cast %swap3A_801 : i32 to index
      %swap3A_804 = arith.constant 0 : index
      %swap3A_805 = tpu.vector_load %arg9[%swap3A_802, %swap3A_803, %swap3A_804] {strides = array<i32>} : memref<2x2x80xi32, #tpu.memory_space<vmem>>, vector<1x1x16xi32>,
      %swap3A_806 = vector.shape_cast %swap3A_805 : vector<1x1x16xi32> to vector<16xi32>
      %swap3A_807 = vector.shape_cast %add3A_799 : vector<16xi32> to vector<1x1x16xi32>
      tpu.vector_store %arg9[%swap3A_802, %swap3A_803, %swap3A_804], %swap3A_807 {strides = array<i32>} : memref<2x2x80xi32, #tpu.memory_space<vmem>>, vector<1x1x16xi32>,
      %eq3A_808 = arith.cmpi eq, %get3A_792, %get3A_795 : vector<16xi32>
      %jit3A_809 = arith.constant 1 : i32
      %jit3A_810 = arith.constant 0 : i32
      %broadcast_in_dim3A_811 = vector.broadcast %jit3A_809 : i32 to vector<16xi32>
      %broadcast_in_dim3A_812 = vector.broadcast %jit3A_810 : i32 to vector<16xi32>
      %select_n3A_813 = arith.select %eq3A_808, %broadcast_in_dim3A_811, %broadcast_in_dim3A_812 : vector<16xi1>, vector<16xi32>
      %or3A_814 = arith.ori %or3A_789, %select_n3A_813 : vector<16xi32>
      %get3A_815 = arith.constant 96 : index
      %get3A_816 = tpu.vector_load %arg7[%get3A_815] {strides = array<i32>} : memref<160xi32, #tpu.memory_space<vmem>>, vector<16xi32>,
      %get3A_817 = vector.shape_cast %get3A_816 : vector<16xi32> to vector<16xi32>
      %get3A_818 = arith.constant 96 : index
      %get3A_819 = tpu.vector_load %arg8[%get3A_818] {strides = array<i32>} : memref<160xi32, #tpu.memory_space<vmem>>, vector<16xi32>,
      %get3A_820 = vector.shape_cast %get3A_819 : vector<16xi32> to vector<16xi32>
      %sub3A_821 = arith.subi %get3A_820, %get3A_817 : vector<16xi32>
      %mul3A_822 = vector.broadcast %arg0 : i32 to vector<16xi32>
      %mul3A_823 = arith.muli %mul3A_822, %sub3A_821 : vector<16xi32>
      %add3A_824 = arith.addi %get3A_817, %mul3A_823 : vector<16xi32>
      %swap3A_825 = arith.constant 1 : i32
      %swap3A_826 = arith.constant 1 : i32
      %swap3A_827 = arith.index_cast %swap3A_825 : i32 to index
      %swap3A_828 = arith.index_cast %swap3A_826 : i32 to index
      %swap3A_829 = arith.constant 16 : index
      %swap3A_830 = tpu.vector_load %arg9[%swap3A_827, %swap3A_828, %swap3A_829] {strides = array<i32>} : memref<2x2x80xi32, #tpu.memory_space<vmem>>, vector<1x1x16xi32>,
      %swap3A_831 = vector.shape_cast %swap3A_830 : vector<1x1x16xi32> to vector<16xi32>
      %swap3A_832 = vector.shape_cast %add3A_824 : vector<16xi32> to vector<1x1x16xi32>
      tpu.vector_store %arg9[%swap3A_827, %swap3A_828, %swap3A_829], %swap3A_832 {strides = array<i32>} : memref<2x2x80xi32, #tpu.memory_space<vmem>>, vector<1x1x16xi32>,
      %eq3A_833 = arith.cmpi eq, %get3A_817, %get3A_820 : vector<16xi32>
      %jit3A_834 = arith.constant 1 : i32
      %jit3A_835 = arith.constant 0 : i32
      %broadcast_in_dim3A_836 = vector.broadcast %jit3A_834 : i32 to vector<16xi32>
      %broadcast_in_dim3A_837 = vector.broadcast %jit3A_835 : i32 to vector<16xi32>
      %select_n3A_838 = arith.select %eq3A_833, %broadcast_in_dim3A_836, %broadcast_in_dim3A_837 : vector<16xi1>, vector<16xi32>
      %or3A_839 = arith.ori %or3A_814, %select_n3A_838 : vector<16xi32>
      %get3A_840 = arith.constant 112 : index
      %get3A_841 = tpu.vector_load %arg7[%get3A_840] {strides = array<i32>} : memref<160xi32, #tpu.memory_space<vmem>>, vector<16xi32>,
      %get3A_842 = vector.shape_cast %get3A_841 : vector<16xi32> to vector<16xi32>
      %get3A_843 = arith.constant 112 : index
      %get3A_844 = tpu.vector_load %arg8[%get3A_843] {strides = array<i32>} : memref<160xi32, #tpu.memory_space<vmem>>, vector<16xi32>,
      %get3A_845 = vector.shape_cast %get3A_844 : vector<16xi32> to vector<16xi32>
      %sub3A_846 = arith.subi %get3A_845, %get3A_842 : vector<16xi32>
      %mul3A_847 = vector.broadcast %arg0 : i32 to vector<16xi32>
      %mul3A_848 = arith.muli %mul3A_847, %sub3A_846 : vector<16xi32>
      %add3A_849 = arith.addi %get3A_842, %mul3A_848 : vector<16xi32>
      %swap3A_850 = arith.constant 1 : i32
      %swap3A_851 = arith.constant 1 : i32
      %swap3A_852 = arith.index_cast %swap3A_850 : i32 to index
      %swap3A_853 = arith.index_cast %swap3A_851 : i32 to index
      %swap3A_854 = arith.constant 32 : index
      %swap3A_855 = tpu.vector_load %arg9[%swap3A_852, %swap3A_853, %swap3A_854] {strides = array<i32>} : memref<2x2x80xi32, #tpu.memory_space<vmem>>, vector<1x1x16xi32>,
      %swap3A_856 = vector.shape_cast %swap3A_855 : vector<1x1x16xi32> to vector<16xi32>
      %swap3A_857 = vector.shape_cast %add3A_849 : vector<16xi32> to vector<1x1x16xi32>
      tpu.vector_store %arg9[%swap3A_852, %swap3A_853, %swap3A_854], %swap3A_857 {strides = array<i32>} : memref<2x2x80xi32, #tpu.memory_space<vmem>>, vector<1x1x16xi32>,
      %eq3A_858 = arith.cmpi eq, %get3A_842, %get3A_845 : vector<16xi32>
      %jit3A_859 = arith.constant 1 : i32
      %jit3A_860 = arith.constant 0 : i32
      %broadcast_in_dim3A_861 = vector.broadcast %jit3A_859 : i32 to vector<16xi32>
      %broadcast_in_dim3A_862 = vector.broadcast %jit3A_860 : i32 to vector<16xi32>
      %select_n3A_863 = arith.select %eq3A_858, %broadcast_in_dim3A_861, %broadcast_in_dim3A_862 : vector<16xi1>, vector<16xi32>
      %or3A_864 = arith.ori %or3A_839, %select_n3A_863 : vector<16xi32>
      %get3A_865 = arith.constant 128 : index
      %get3A_866 = tpu.vector_load %arg7[%get3A_865] {strides = array<i32>} : memref<160xi32, #tpu.memory_space<vmem>>, vector<16xi32>,
      %get3A_867 = vector.shape_cast %get3A_866 : vector<16xi32> to vector<16xi32>
      %get3A_868 = arith.constant 128 : index
      %get3A_869 = tpu.vector_load %arg8[%get3A_868] {strides = array<i32>} : memref<160xi32, #tpu.memory_space<vmem>>, vector<16xi32>,
      %get3A_870 = vector.shape_cast %get3A_869 : vector<16xi32> to vector<16xi32>
      %sub3A_871 = arith.subi %get3A_870, %get3A_867 : vector<16xi32>
      %mul3A_872 = vector.broadcast %arg0 : i32 to vector<16xi32>
      %mul3A_873 = arith.muli %mul3A_872, %sub3A_871 : vector<16xi32>
      %add3A_874 = arith.addi %get3A_867, %mul3A_873 : vector<16xi32>
      %swap3A_875 = arith.constant 1 : i32
      %swap3A_876 = arith.constant 1 : i32
      %swap3A_877 = arith.index_cast %swap3A_875 : i32 to index
      %swap3A_878 = arith.index_cast %swap3A_876 : i32 to index
      %swap3A_879 = arith.constant 48 : index
      %swap3A_880 = tpu.vector_load %arg9[%swap3A_877, %swap3A_878, %swap3A_879] {strides = array<i32>} : memref<2x2x80xi32, #tpu.memory_space<vmem>>, vector<1x1x16xi32>,
      %swap3A_881 = vector.shape_cast %swap3A_880 : vector<1x1x16xi32> to vector<16xi32>
      %swap3A_882 = vector.shape_cast %add3A_874 : vector<16xi32> to vector<1x1x16xi32>
      tpu.vector_store %arg9[%swap3A_877, %swap3A_878, %swap3A_879], %swap3A_882 {strides = array<i32>} : memref<2x2x80xi32, #tpu.memory_space<vmem>>, vector<1x1x16xi32>,
      %eq3A_883 = arith.cmpi eq, %get3A_867, %get3A_870 : vector<16xi32>
      %jit3A_884 = arith.constant 1 : i32
      %jit3A_885 = arith.constant 0 : i32
      %broadcast_in_dim3A_886 = vector.broadcast %jit3A_884 : i32 to vector<16xi32>
      %broadcast_in_dim3A_887 = vector.broadcast %jit3A_885 : i32 to vector<16xi32>
      %select_n3A_888 = arith.select %eq3A_883, %broadcast_in_dim3A_886, %broadcast_in_dim3A_887 : vector<16xi1>, vector<16xi32>
      %or3A_889 = arith.ori %or3A_864, %select_n3A_888 : vector<16xi32>
      %get3A_890 = arith.constant 144 : index
      %get3A_891 = tpu.vector_load %arg7[%get3A_890] {strides = array<i32>} : memref<160xi32, #tpu.memory_space<vmem>>, vector<16xi32>,
      %get3A_892 = vector.shape_cast %get3A_891 : vector<16xi32> to vector<16xi32>
      %get3A_893 = arith.constant 144 : index
      %get3A_894 = tpu.vector_load %arg8[%get3A_893] {strides = array<i32>} : memref<160xi32, #tpu.memory_space<vmem>>, vector<16xi32>,
      %get3A_895 = vector.shape_cast %get3A_894 : vector<16xi32> to vector<16xi32>
      %sub3A_896 = arith.subi %get3A_895, %get3A_892 : vector<16xi32>
      %mul3A_897 = vector.broadcast %arg0 : i32 to vector<16xi32>
      %mul3A_898 = arith.muli %mul3A_897, %sub3A_896 : vector<16xi32>
      %add3A_899 = arith.addi %get3A_892, %mul3A_898 : vector<16xi32>
      %swap3A_900 = arith.constant 1 : i32
      %swap3A_901 = arith.constant 1 : i32
      %swap3A_902 = arith.index_cast %swap3A_900 : i32 to index
      %swap3A_903 = arith.index_cast %swap3A_901 : i32 to index
      %swap3A_904 = arith.constant 64 : index
      %swap3A_905 = tpu.vector_load %arg9[%swap3A_902, %swap3A_903, %swap3A_904] {strides = array<i32>} : memref<2x2x80xi32, #tpu.memory_space<vmem>>, vector<1x1x16xi32>,
      %swap3A_906 = vector.shape_cast %swap3A_905 : vector<1x1x16xi32> to vector<16xi32>
      %swap3A_907 = vector.shape_cast %add3A_899 : vector<16xi32> to vector<1x1x16xi32>
      tpu.vector_store %arg9[%swap3A_902, %swap3A_903, %swap3A_904], %swap3A_907 {strides = array<i32>} : memref<2x2x80xi32, #tpu.memory_space<vmem>>, vector<1x1x16xi32>,
      %eq3A_908 = arith.cmpi eq, %get3A_892, %get3A_895 : vector<16xi32>
      %jit3A_909 = arith.constant 1 : i32
      %jit3A_910 = arith.constant 0 : i32
      %broadcast_in_dim3A_911 = vector.broadcast %jit3A_909 : i32 to vector<16xi32>
      %broadcast_in_dim3A_912 = vector.broadcast %jit3A_910 : i32 to vector<16xi32>
      %select_n3A_913 = arith.select %eq3A_908, %broadcast_in_dim3A_911, %broadcast_in_dim3A_912 : vector<16xi1>, vector<16xi32>
      %or3A_914 = arith.ori %or3A_889, %select_n3A_913 : vector<16xi32>
      %mul3A_915 = arith.constant 16 : i32
      %mul3A_916 = arith.muli %add3A_642, %mul3A_915 : i32
      %swap3A_917 = arith.index_cast %mul3A_916 : i32 to index
      %swap3A_918 = tpu.vector_load %arg13[%swap3A_917] {strides = array<i32>} : memref<2000xi32, #tpu.memory_space<vmem>>, vector<16xi32>,
      %swap3A_919 = vector.shape_cast %swap3A_918 : vector<16xi32> to vector<16xi32>
      %swap3A_920 = vector.shape_cast %or3A_914 : vector<16xi32> to vector<16xi32>
      tpu.vector_store %arg13[%swap3A_917], %swap3A_920 {strides = array<i32>} : memref<2000xi32, #tpu.memory_space<vmem>>, vector<16xi32>,
      %or3A_921 = arith.ori %scan3A_634, %or3A_914 : vector<16xi32>
      %dma_start3A_922 = arith.constant 1 : i32
      %dma_start3A_923 = arith.constant 1 : i32
      %dma_start3A_924 = arith.constant 0 : i32
      %dma_start3A_925 = arith.constant 0 : i32
      %dma_start3A_926 = arith.constant 0 : i32
      %dma_start3A_927 = tpu.memref_slice %arg6[%dma_start3A_922, %dma_start3A_925, %dma_start3A_926] : memref<2x160x128xf32, #tpu.memory_space<vmem>> -> memref<1x80x128xf32, #tpu.memory_space<vmem>>
      %dma_start3A_928 = tpu.memref_squeeze %dma_start3A_927 : memref<1x80x128xf32, #tpu.memory_space<vmem>> -> memref<80x128xf32, #tpu.memory_space<vmem>>
      %dma_start3A_929 = arith.constant 0 : i32
      %dma_start3A_930 = tpu.memref_slice %arg9[%dma_start3A_923, %dma_start3A_924, %dma_start3A_929] : memref<2x2x80xi32, #tpu.memory_space<vmem>> -> memref<1x1x80xi32, #tpu.memory_space<vmem>>
      %dma_start3A_931 = tpu.memref_squeeze %dma_start3A_930 : memref<1x1x80xi32, #tpu.memory_space<vmem>> -> memref<80xi32, #tpu.memory_space<vmem>>
      %dma_start3A_932 = arith.constant 0 : i32
      %dma_start3A_933 = arith.constant 0 : i32
      %dma_start3A_934 = tpu.memref_slice %arg14[%dma_start3A_932, %dma_start3A_933] : memref<10240x128xf32, #tpu.memory_space<vmem_shared>> -> memref<10240x128xf32, #tpu.memory_space<vmem_shared>>
      tpu.enqueue_indirect_dma source(%dma_start3A_928 : memref<80x128xf32, #tpu.memory_space<vmem>>) target(%dma_start3A_934 : memref<10240x128xf32, #tpu.memory_space<vmem_shared>>) offsets(%dma_start3A_931 : memref<80xi32, #tpu.memory_space<vmem>>) semaphore(%arg18 : memref<!tpu.dma_semaphore, #tpu.memory_space<semaphore_mem>>) {add = true}
      %dma_start3A_935 = arith.constant 1 : i32
      %dma_start3A_936 = arith.constant 1 : i32
      %dma_start3A_937 = arith.constant 1 : i32
      %dma_start3A_938 = arith.constant 80 : i32
      %dma_start3A_939 = arith.constant 0 : i32
      %dma_start3A_940 = tpu.memref_slice %arg6[%dma_start3A_935, %dma_start3A_938, %dma_start3A_939] : memref<2x160x128xf32, #tpu.memory_space<vmem>> -> memref<1x80x128xf32, #tpu.memory_space<vmem>>
      %dma_start3A_941 = tpu.memref_squeeze %dma_start3A_940 : memref<1x80x128xf32, #tpu.memory_space<vmem>> -> memref<80x128xf32, #tpu.memory_space<vmem>>
      %dma_start3A_942 = arith.constant 0 : i32
      %dma_start3A_943 = tpu.memref_slice %arg9[%dma_start3A_936, %dma_start3A_937, %dma_start3A_942] : memref<2x2x80xi32, #tpu.memory_space<vmem>> -> memref<1x1x80xi32, #tpu.memory_space<vmem>>
      %dma_start3A_944 = tpu.memref_squeeze %dma_start3A_943 : memref<1x1x80xi32, #tpu.memory_space<vmem>> -> memref<80xi32, #tpu.memory_space<vmem>>
      %dma_start3A_945 = arith.constant 0 : i32
      %dma_start3A_946 = arith.constant 0 : i32
      %dma_start3A_947 = tpu.memref_slice %arg14[%dma_start3A_945, %dma_start3A_946] : memref<10240x128xf32, #tpu.memory_space<vmem_shared>> -> memref<10240x128xf32, #tpu.memory_space<vmem_shared>>
      tpu.enqueue_indirect_dma source(%dma_start3A_941 : memref<80x128xf32, #tpu.memory_space<vmem>>) target(%dma_start3A_947 : memref<10240x128xf32, #tpu.memory_space<vmem_shared>>) offsets(%dma_start3A_944 : memref<80xi32, #tpu.memory_space<vmem>>) semaphore(%arg18 : memref<!tpu.dma_semaphore, #tpu.memory_space<semaphore_mem>>) {add = true}
      %dma_wait3A_948 = arith.constant 0 : i32
      %dma_wait3A_949 = arith.constant 0 : i32
      %dma_wait3A_950 = arith.constant 0 : i32
      %dma_wait3A_951 = arith.constant 0 : i32
      %dma_wait3A_952 = arith.constant 0 : i32
      %dma_wait3A_953 = tpu.memref_slice %arg6[%dma_wait3A_948, %dma_wait3A_951, %dma_wait3A_952] : memref<2x160x128xf32, #tpu.memory_space<vmem>> -> memref<1x80x128xf32, #tpu.memory_space<vmem>>
      %dma_wait3A_954 = tpu.memref_squeeze %dma_wait3A_953 : memref<1x80x128xf32, #tpu.memory_space<vmem>> -> memref<80x128xf32, #tpu.memory_space<vmem>>
      %dma_wait3A_955 = arith.constant 0 : i32
      %dma_wait3A_956 = tpu.memref_slice %arg9[%dma_wait3A_949, %dma_wait3A_950, %dma_wait3A_955] : memref<2x2x80xi32, #tpu.memory_space<vmem>> -> memref<1x1x80xi32, #tpu.memory_space<vmem>>
      %dma_wait3A_957 = tpu.memref_squeeze %dma_wait3A_956 : memref<1x1x80xi32, #tpu.memory_space<vmem>> -> memref<80xi32, #tpu.memory_space<vmem>>
      %dma_wait3A_958 = arith.constant 0 : i32
      %dma_wait3A_959 = arith.constant 0 : i32
      %dma_wait3A_960 = tpu.memref_slice %arg14[%dma_wait3A_958, %dma_wait3A_959] : memref<10240x128xf32, #tpu.memory_space<vmem_shared>> -> memref<10240x128xf32, #tpu.memory_space<vmem_shared>>
      tpu.wait_indirect_dma semaphore(%arg17 : memref<!tpu.dma_semaphore, #tpu.memory_space<semaphore_mem>>) src(%dma_wait3A_954 : memref<80x128xf32, #tpu.memory_space<vmem>>) dst(%dma_wait3A_960 : memref<10240x128xf32, #tpu.memory_space<vmem_shared>>)
      %dma_wait3A_961 = arith.constant 0 : i32
      %dma_wait3A_962 = arith.constant 0 : i32
      %dma_wait3A_963 = arith.constant 1 : i32
      %dma_wait3A_964 = arith.constant 80 : i32
      %dma_wait3A_965 = arith.constant 0 : i32
      %dma_wait3A_966 = tpu.memref_slice %arg6[%dma_wait3A_961, %dma_wait3A_964, %dma_wait3A_965] : memref<2x160x128xf32, #tpu.memory_space<vmem>> -> memref<1x80x128xf32, #tpu.memory_space<vmem>>
      %dma_wait3A_967 = tpu.memref_squeeze %dma_wait3A_966 : memref<1x80x128xf32, #tpu.memory_space<vmem>> -> memref<80x128xf32, #tpu.memory_space<vmem>>
      %dma_wait3A_968 = arith.constant 0 : i32
      %dma_wait3A_969 = tpu.memref_slice %arg9[%dma_wait3A_962, %dma_wait3A_963, %dma_wait3A_968] : memref<2x2x80xi32, #tpu.memory_space<vmem>> -> memref<1x1x80xi32, #tpu.memory_space<vmem>>
      %dma_wait3A_970 = tpu.memref_squeeze %dma_wait3A_969 : memref<1x1x80xi32, #tpu.memory_space<vmem>> -> memref<80xi32, #tpu.memory_space<vmem>>
      %dma_wait3A_971 = arith.constant 0 : i32
      %dma_wait3A_972 = arith.constant 0 : i32
      %dma_wait3A_973 = tpu.memref_slice %arg14[%dma_wait3A_971, %dma_wait3A_972] : memref<10240x128xf32, #tpu.memory_space<vmem_shared>> -> memref<10240x128xf32, #tpu.memory_space<vmem_shared>>
      tpu.wait_indirect_dma semaphore(%arg17 : memref<!tpu.dma_semaphore, #tpu.memory_space<semaphore_mem>>) src(%dma_wait3A_967 : memref<80x128xf32, #tpu.memory_space<vmem>>) dst(%dma_wait3A_973 : memref<10240x128xf32, #tpu.memory_space<vmem_shared>>)
      %add3A_974 = arith.constant 1 : i32
      %add3A_975 = arith.addi %add3A_642, %add3A_974 : i32
      %mul3A_976 = arith.constant 160 : i32
      %mul3A_977 = arith.muli %add3A_975, %mul3A_976 : i32
      %add3A_978 = arith.addi %mul3A_2, %mul3A_977 : i32
      %dma_start3A_979 = tpu.memref_slice %arg3[%add3A_978] : memref<320000xi32, #tpu.memory_space<hbm>> -> memref<160xi32, #tpu.memory_space<hbm>>
      %dma_start3A_980 = tpu.memref_slice %arg3[%add3A_978] : memref<320000xi32, #tpu.memory_space<hbm>> -> memref<160xi32, #tpu.memory_space<hbm>>
      tpu.enqueue_dma source(%dma_start3A_980 : memref<160xi32, #tpu.memory_space<hbm>>) target(%arg7 : memref<160xi32, #tpu.memory_space<vmem>>) target_semaphore(%arg15 : memref<!tpu.dma_semaphore, #tpu.memory_space<semaphore_mem>>)
      %dma_start3A_981 = tpu.memref_slice %arg4[%add3A_978] : memref<320000xi32, #tpu.memory_space<hbm>> -> memref<160xi32, #tpu.memory_space<hbm>>
      %dma_start3A_982 = tpu.memref_slice %arg4[%add3A_978] : memref<320000xi32, #tpu.memory_space<hbm>> -> memref<160xi32, #tpu.memory_space<hbm>>
      tpu.enqueue_dma source(%dma_start3A_982 : memref<160xi32, #tpu.memory_space<hbm>>) target(%arg8 : memref<160xi32, #tpu.memory_space<vmem>>) target_semaphore(%arg15 : memref<!tpu.dma_semaphore, #tpu.memory_space<semaphore_mem>>)
      %dma_start3A_983 = arith.constant 0 : i32
      %dma_start3A_984 = arith.constant 0 : i32
      %dma_start3A_985 = arith.constant 0 : i32
      %dma_start3A_986 = tpu.memref_slice %arg6[%dma_start3A_983, %dma_start3A_984, %dma_start3A_985] : memref<2x160x128xf32, #tpu.memory_space<vmem>> -> memref<1x160x128xf32, #tpu.memory_space<vmem>>
      %dma_start3A_987 = tpu.memref_squeeze %dma_start3A_986 : memref<1x160x128xf32, #tpu.memory_space<vmem>> -> memref<160x128xf32, #tpu.memory_space<vmem>>
      %dma_start3A_988 = arith.constant 0 : i32
      %dma_start3A_989 = tpu.memref_slice %arg2[%add3A_978, %dma_start3A_988] : memref<320000x128xf32, #tpu.memory_space<hbm>> -> memref<160x128xf32, #tpu.memory_space<hbm>>
      %dma_start3A_990 = arith.constant 0 : i32
      %dma_start3A_991 = arith.constant 0 : i32
      %dma_start3A_992 = tpu.memref_slice %arg6[%dma_start3A_983, %dma_start3A_990, %dma_start3A_991] : memref<2x160x128xf32, #tpu.memory_space<vmem>> -> memref<1x160x128xf32, #tpu.memory_space<vmem>>
      %dma_start3A_993 = tpu.memref_squeeze %dma_start3A_992 : memref<1x160x128xf32, #tpu.memory_space<vmem>> -> memref<160x128xf32, #tpu.memory_space<vmem>>
      %dma_start3A_994 = arith.constant 0 : i32
      %dma_start3A_995 = tpu.memref_slice %arg2[%add3A_978, %dma_start3A_994] : memref<320000x128xf32, #tpu.memory_space<hbm>> -> memref<160x128xf32, #tpu.memory_space<hbm>>
      tpu.enqueue_dma source(%dma_start3A_995 : memref<160x128xf32, #tpu.memory_space<hbm>>) target(%dma_start3A_993 : memref<160x128xf32, #tpu.memory_space<vmem>>) target_semaphore(%arg15 : memref<!tpu.dma_semaphore, #tpu.memory_space<semaphore_mem>>)
      %mul3A_996 = arith.constant 2 : i32
      %mul3A_997 = arith.muli %mul3A_996, %add3A_638 : i32
      %add3A_998 = arith.constant 2 : i32
      %add3A_999 = arith.addi %mul3A_997, %add3A_998 : i32
      %mul3A_1000 = arith.constant 160 : i32
      %mul3A_1001 = arith.muli %add3A_999, %mul3A_1000 : i32
      %add3A_1002 = arith.addi %mul3A_2, %mul3A_1001 : i32
      %dma_wait3A_1003 = tpu.memref_slice %arg3[%add3A_1002] : memref<320000xi32, #tpu.memory_space<hbm>> -> memref<160xi32, #tpu.memory_space<hbm>>
      %dma_wait3A_1004 = tpu.memref_slice %arg3[%add3A_1002] : memref<320000xi32, #tpu.memory_space<hbm>> -> memref<160xi32, #tpu.memory_space<hbm>>
      tpu.wait_dma2 semaphore(%arg15 : memref<!tpu.dma_semaphore, #tpu.memory_space<semaphore_mem>>) src(%dma_wait3A_1004 : memref<160xi32, #tpu.memory_space<hbm>>) dst(%arg7 : memref<160xi32, #tpu.memory_space<vmem>>)
      %dma_wait3A_1005 = tpu.memref_slice %arg4[%add3A_1002] : memref<320000xi32, #tpu.memory_space<hbm>> -> memref<160xi32, #tpu.memory_space<hbm>>
      %dma_wait3A_1006 = tpu.memref_slice %arg4[%add3A_1002] : memref<320000xi32, #tpu.memory_space<hbm>> -> memref<160xi32, #tpu.memory_space<hbm>>
      tpu.wait_dma2 semaphore(%arg15 : memref<!tpu.dma_semaphore, #tpu.memory_space<semaphore_mem>>) src(%dma_wait3A_1006 : memref<160xi32, #tpu.memory_space<hbm>>) dst(%arg8 : memref<160xi32, #tpu.memory_space<vmem>>)
      %dma_wait3A_1007 = arith.constant 0 : i32
      %dma_wait3A_1008 = arith.constant 0 : i32
      %dma_wait3A_1009 = arith.constant 0 : i32
      %dma_wait3A_1010 = tpu.memref_slice %arg6[%dma_wait3A_1007, %dma_wait3A_1008, %dma_wait3A_1009] : memref<2x160x128xf32, #tpu.memory_space<vmem>> -> memref<1x160x128xf32, #tpu.memory_space<vmem>>
      %dma_wait3A_1011 = tpu.memref_squeeze %dma_wait3A_1010 : memref<1x160x128xf32, #tpu.memory_space<vmem>> -> memref<160x128xf32, #tpu.memory_space<vmem>>
      %dma_wait3A_1012 = arith.constant 0 : i32
      %dma_wait3A_1013 = tpu.memref_slice %arg2[%add3A_1002, %dma_wait3A_1012] : memref<320000x128xf32, #tpu.memory_space<hbm>> -> memref<160x128xf32, #tpu.memory_space<hbm>>
      %dma_wait3A_1014 = arith.constant 0 : i32
      %dma_wait3A_1015 = arith.constant 0 : i32
      %dma_wait3A_1016 = tpu.memref_slice %arg6[%dma_wait3A_1007, %dma_wait3A_1014, %dma_wait3A_1015] : memref<2x160x128xf32, #tpu.memory_space<vmem>> -> memref<1x160x128xf32, #tpu.memory_space<vmem>>
      %dma_wait3A_1017 = tpu.memref_squeeze %dma_wait3A_1016 : memref<1x160x128xf32, #tpu.memory_space<vmem>> -> memref<160x128xf32, #tpu.memory_space<vmem>>
      %dma_wait3A_1018 = arith.constant 0 : i32
      %dma_wait3A_1019 = tpu.memref_slice %arg2[%add3A_1002, %dma_wait3A_1018] : memref<320000x128xf32, #tpu.memory_space<hbm>> -> memref<160x128xf32, #tpu.memory_space<hbm>>
      tpu.wait_dma2 semaphore(%arg15 : memref<!tpu.dma_semaphore, #tpu.memory_space<semaphore_mem>>) src(%dma_wait3A_1019 : memref<160x128xf32, #tpu.memory_space<hbm>>) dst(%dma_wait3A_1017 : memref<160x128xf32, #tpu.memory_space<vmem>>)
      %broadcast_in_dim3A_1020 = arith.constant 0 : i32
      %broadcast_in_dim3A_1021 = vector.broadcast %broadcast_in_dim3A_1020 : i32 to vector<16xi32>
      %get3A_1022 = arith.constant 0 : index
      %get3A_1023 = tpu.vector_load %arg7[%get3A_1022] {strides = array<i32>} : memref<160xi32, #tpu.memory_space<vmem>>, vector<16xi32>,
      %get3A_1024 = vector.shape_cast %get3A_1023 : vector<16xi32> to vector<16xi32>
      %get3A_1025 = arith.constant 0 : index
      %get3A_1026 = tpu.vector_load %arg8[%get3A_1025] {strides = array<i32>} : memref<160xi32, #tpu.memory_space<vmem>>, vector<16xi32>,
      %get3A_1027 = vector.shape_cast %get3A_1026 : vector<16xi32> to vector<16xi32>
      %sub3A_1028 = arith.subi %get3A_1027, %get3A_1024 : vector<16xi32>
      %mul3A_1029 = vector.broadcast %arg0 : i32 to vector<16xi32>
      %mul3A_1030 = arith.muli %mul3A_1029, %sub3A_1028 : vector<16xi32>
      %add3A_1031 = arith.addi %get3A_1024, %mul3A_1030 : vector<16xi32>
      %swap3A_1032 = arith.constant 0 : i32
      %swap3A_1033 = arith.constant 0 : i32
      %swap3A_1034 = arith.index_cast %swap3A_1032 : i32 to index
      %swap3A_1035 = arith.index_cast %swap3A_1033 : i32 to index
      %swap3A_1036 = arith.constant 0 : index
      %swap3A_1037 = tpu.vector_load %arg9[%swap3A_1034, %swap3A_1035, %swap3A_1036] {strides = array<i32>} : memref<2x2x80xi32, #tpu.memory_space<vmem>>, vector<1x1x16xi32>,
      %swap3A_1038 = vector.shape_cast %swap3A_1037 : vector<1x1x16xi32> to vector<16xi32>
      %swap3A_1039 = vector.shape_cast %add3A_1031 : vector<16xi32> to vector<1x1x16xi32>
      tpu.vector_store %arg9[%swap3A_1034, %swap3A_1035, %swap3A_1036], %swap3A_1039 {strides = array<i32>} : memref<2x2x80xi32, #tpu.memory_space<vmem>>, vector<1x1x16xi32>,
      %eq3A_1040 = arith.cmpi eq, %get3A_1024, %get3A_1027 : vector<16xi32>
      %jit3A_1041 = arith.constant 1 : i32
      %jit3A_1042 = arith.constant 0 : i32
      %broadcast_in_dim3A_1043 = vector.broadcast %jit3A_1041 : i32 to vector<16xi32>
      %broadcast_in_dim3A_1044 = vector.broadcast %jit3A_1042 : i32 to vector<16xi32>
      %select_n3A_1045 = arith.select %eq3A_1040, %broadcast_in_dim3A_1043, %broadcast_in_dim3A_1044 : vector<16xi1>, vector<16xi32>
      %or3A_1046 = arith.ori %broadcast_in_dim3A_1021, %select_n3A_1045 : vector<16xi32>
      %get3A_1047 = arith.constant 16 : index
      %get3A_1048 = tpu.vector_load %arg7[%get3A_1047] {strides = array<i32>} : memref<160xi32, #tpu.memory_space<vmem>>, vector<16xi32>,
      %get3A_1049 = vector.shape_cast %get3A_1048 : vector<16xi32> to vector<16xi32>
      %get3A_1050 = arith.constant 16 : index
      %get3A_1051 = tpu.vector_load %arg8[%get3A_1050] {strides = array<i32>} : memref<160xi32, #tpu.memory_space<vmem>>, vector<16xi32>,
      %get3A_1052 = vector.shape_cast %get3A_1051 : vector<16xi32> to vector<16xi32>
      %sub3A_1053 = arith.subi %get3A_1052, %get3A_1049 : vector<16xi32>
      %mul3A_1054 = vector.broadcast %arg0 : i32 to vector<16xi32>
      %mul3A_1055 = arith.muli %mul3A_1054, %sub3A_1053 : vector<16xi32>
      %add3A_1056 = arith.addi %get3A_1049, %mul3A_1055 : vector<16xi32>
      %swap3A_1057 = arith.constant 0 : i32
      %swap3A_1058 = arith.constant 0 : i32
      %swap3A_1059 = arith.index_cast %swap3A_1057 : i32 to index
      %swap3A_1060 = arith.index_cast %swap3A_1058 : i32 to index
      %swap3A_1061 = arith.constant 16 : index
      %swap3A_1062 = tpu.vector_load %arg9[%swap3A_1059, %swap3A_1060, %swap3A_1061] {strides = array<i32>} : memref<2x2x80xi32, #tpu.memory_space<vmem>>, vector<1x1x16xi32>,
      %swap3A_1063 = vector.shape_cast %swap3A_1062 : vector<1x1x16xi32> to vector<16xi32>
      %swap3A_1064 = vector.shape_cast %add3A_1056 : vector<16xi32> to vector<1x1x16xi32>
      tpu.vector_store %arg9[%swap3A_1059, %swap3A_1060, %swap3A_1061], %swap3A_1064 {strides = array<i32>} : memref<2x2x80xi32, #tpu.memory_space<vmem>>, vector<1x1x16xi32>,
      %eq3A_1065 = arith.cmpi eq, %get3A_1049, %get3A_1052 : vector<16xi32>
      %jit3A_1066 = arith.constant 1 : i32
      %jit3A_1067 = arith.constant 0 : i32
      %broadcast_in_dim3A_1068 = vector.broadcast %jit3A_1066 : i32 to vector<16xi32>
      %broadcast_in_dim3A_1069 = vector.broadcast %jit3A_1067 : i32 to vector<16xi32>
      %select_n3A_1070 = arith.select %eq3A_1065, %broadcast_in_dim3A_1068, %broadcast_in_dim3A_1069 : vector<16xi1>, vector<16xi32>
      %or3A_1071 = arith.ori %or3A_1046, %select_n3A_1070 : vector<16xi32>
      %get3A_1072 = arith.constant 32 : index
      %get3A_1073 = tpu.vector_load %arg7[%get3A_1072] {strides = array<i32>} : memref<160xi32, #tpu.memory_space<vmem>>, vector<16xi32>,
      %get3A_1074 = vector.shape_cast %get3A_1073 : vector<16xi32> to vector<16xi32>
      %get3A_1075 = arith.constant 32 : index
      %get3A_1076 = tpu.vector_load %arg8[%get3A_1075] {strides = array<i32>} : memref<160xi32, #tpu.memory_space<vmem>>, vector<16xi32>,
      %get3A_1077 = vector.shape_cast %get3A_1076 : vector<16xi32> to vector<16xi32>
      %sub3A_1078 = arith.subi %get3A_1077, %get3A_1074 : vector<16xi32>
      %mul3A_1079 = vector.broadcast %arg0 : i32 to vector<16xi32>
      %mul3A_1080 = arith.muli %mul3A_1079, %sub3A_1078 : vector<16xi32>
      %add3A_1081 = arith.addi %get3A_1074, %mul3A_1080 : vector<16xi32>
      %swap3A_1082 = arith.constant 0 : i32
      %swap3A_1083 = arith.constant 0 : i32
      %swap3A_1084 = arith.index_cast %swap3A_1082 : i32 to index
      %swap3A_1085 = arith.index_cast %swap3A_1083 : i32 to index
      %swap3A_1086 = arith.constant 32 : index
      %swap3A_1087 = tpu.vector_load %arg9[%swap3A_1084, %swap3A_1085, %swap3A_1086] {strides = array<i32>} : memref<2x2x80xi32, #tpu.memory_space<vmem>>, vector<1x1x16xi32>,
      %swap3A_1088 = vector.shape_cast %swap3A_1087 : vector<1x1x16xi32> to vector<16xi32>
      %swap3A_1089 = vector.shape_cast %add3A_1081 : vector<16xi32> to vector<1x1x16xi32>
      tpu.vector_store %arg9[%swap3A_1084, %swap3A_1085, %swap3A_1086], %swap3A_1089 {strides = array<i32>} : memref<2x2x80xi32, #tpu.memory_space<vmem>>, vector<1x1x16xi32>,
      %eq3A_1090 = arith.cmpi eq, %get3A_1074, %get3A_1077 : vector<16xi32>
      %jit3A_1091 = arith.constant 1 : i32
      %jit3A_1092 = arith.constant 0 : i32
      %broadcast_in_dim3A_1093 = vector.broadcast %jit3A_1091 : i32 to vector<16xi32>
      %broadcast_in_dim3A_1094 = vector.broadcast %jit3A_1092 : i32 to vector<16xi32>
      %select_n3A_1095 = arith.select %eq3A_1090, %broadcast_in_dim3A_1093, %broadcast_in_dim3A_1094 : vector<16xi1>, vector<16xi32>
      %or3A_1096 = arith.ori %or3A_1071, %select_n3A_1095 : vector<16xi32>
      %get3A_1097 = arith.constant 48 : index
      %get3A_1098 = tpu.vector_load %arg7[%get3A_1097] {strides = array<i32>} : memref<160xi32, #tpu.memory_space<vmem>>, vector<16xi32>,
      %get3A_1099 = vector.shape_cast %get3A_1098 : vector<16xi32> to vector<16xi32>
      %get3A_1100 = arith.constant 48 : index
      %get3A_1101 = tpu.vector_load %arg8[%get3A_1100] {strides = array<i32>} : memref<160xi32, #tpu.memory_space<vmem>>, vector<16xi32>,
      %get3A_1102 = vector.shape_cast %get3A_1101 : vector<16xi32> to vector<16xi32>
      %sub3A_1103 = arith.subi %get3A_1102, %get3A_1099 : vector<16xi32>
      %mul3A_1104 = vector.broadcast %arg0 : i32 to vector<16xi32>
      %mul3A_1105 = arith.muli %mul3A_1104, %sub3A_1103 : vector<16xi32>
      %add3A_1106 = arith.addi %get3A_1099, %mul3A_1105 : vector<16xi32>
      %swap3A_1107 = arith.constant 0 : i32
      %swap3A_1108 = arith.constant 0 : i32
      %swap3A_1109 = arith.index_cast %swap3A_1107 : i32 to index
      %swap3A_1110 = arith.index_cast %swap3A_1108 : i32 to index
      %swap3A_1111 = arith.constant 48 : index
      %swap3A_1112 = tpu.vector_load %arg9[%swap3A_1109, %swap3A_1110, %swap3A_1111] {strides = array<i32>} : memref<2x2x80xi32, #tpu.memory_space<vmem>>, vector<1x1x16xi32>,
      %swap3A_1113 = vector.shape_cast %swap3A_1112 : vector<1x1x16xi32> to vector<16xi32>
      %swap3A_1114 = vector.shape_cast %add3A_1106 : vector<16xi32> to vector<1x1x16xi32>
      tpu.vector_store %arg9[%swap3A_1109, %swap3A_1110, %swap3A_1111], %swap3A_1114 {strides = array<i32>} : memref<2x2x80xi32, #tpu.memory_space<vmem>>, vector<1x1x16xi32>,
      %eq3A_1115 = arith.cmpi eq, %get3A_1099, %get3A_1102 : vector<16xi32>
      %jit3A_1116 = arith.constant 1 : i32
      %jit3A_1117 = arith.constant 0 : i32
      %broadcast_in_dim3A_1118 = vector.broadcast %jit3A_1116 : i32 to vector<16xi32>
      %broadcast_in_dim3A_1119 = vector.broadcast %jit3A_1117 : i32 to vector<16xi32>
      %select_n3A_1120 = arith.select %eq3A_1115, %broadcast_in_dim3A_1118, %broadcast_in_dim3A_1119 : vector<16xi1>, vector<16xi32>
      %or3A_1121 = arith.ori %or3A_1096, %select_n3A_1120 : vector<16xi32>
      %get3A_1122 = arith.constant 64 : index
      %get3A_1123 = tpu.vector_load %arg7[%get3A_1122] {strides = array<i32>} : memref<160xi32, #tpu.memory_space<vmem>>, vector<16xi32>,
      %get3A_1124 = vector.shape_cast %get3A_1123 : vector<16xi32> to vector<16xi32>
      %get3A_1125 = arith.constant 64 : index
      %get3A_1126 = tpu.vector_load %arg8[%get3A_1125] {strides = array<i32>} : memref<160xi32, #tpu.memory_space<vmem>>, vector<16xi32>,
      %get3A_1127 = vector.shape_cast %get3A_1126 : vector<16xi32> to vector<16xi32>
      %sub3A_1128 = arith.subi %get3A_1127, %get3A_1124 : vector<16xi32>
      %mul3A_1129 = vector.broadcast %arg0 : i32 to vector<16xi32>
      %mul3A_1130 = arith.muli %mul3A_1129, %sub3A_1128 : vector<16xi32>
      %add3A_1131 = arith.addi %get3A_1124, %mul3A_1130 : vector<16xi32>
      %swap3A_1132 = arith.constant 0 : i32
      %swap3A_1133 = arith.constant 0 : i32
      %swap3A_1134 = arith.index_cast %swap3A_1132 : i32 to index
      %swap3A_1135 = arith.index_cast %swap3A_1133 : i32 to index
      %swap3A_1136 = arith.constant 64 : index
      %swap3A_1137 = tpu.vector_load %arg9[%swap3A_1134, %swap3A_1135, %swap3A_1136] {strides = array<i32>} : memref<2x2x80xi32, #tpu.memory_space<vmem>>, vector<1x1x16xi32>,
      %swap3A_1138 = vector.shape_cast %swap3A_1137 : vector<1x1x16xi32> to vector<16xi32>
      %swap3A_1139 = vector.shape_cast %add3A_1131 : vector<16xi32> to vector<1x1x16xi32>
      tpu.vector_store %arg9[%swap3A_1134, %swap3A_1135, %swap3A_1136], %swap3A_1139 {strides = array<i32>} : memref<2x2x80xi32, #tpu.memory_space<vmem>>, vector<1x1x16xi32>,
      %eq3A_1140 = arith.cmpi eq, %get3A_1124, %get3A_1127 : vector<16xi32>
      %jit3A_1141 = arith.constant 1 : i32
      %jit3A_1142 = arith.constant 0 : i32
      %broadcast_in_dim3A_1143 = vector.broadcast %jit3A_1141 : i32 to vector<16xi32>
      %broadcast_in_dim3A_1144 = vector.broadcast %jit3A_1142 : i32 to vector<16xi32>
      %select_n3A_1145 = arith.select %eq3A_1140, %broadcast_in_dim3A_1143, %broadcast_in_dim3A_1144 : vector<16xi1>, vector<16xi32>
      %or3A_1146 = arith.ori %or3A_1121, %select_n3A_1145 : vector<16xi32>
      %get3A_1147 = arith.constant 80 : index
      %get3A_1148 = tpu.vector_load %arg7[%get3A_1147] {strides = array<i32>} : memref<160xi32, #tpu.memory_space<vmem>>, vector<16xi32>,
      %get3A_1149 = vector.shape_cast %get3A_1148 : vector<16xi32> to vector<16xi32>
      %get3A_1150 = arith.constant 80 : index
      %get3A_1151 = tpu.vector_load %arg8[%get3A_1150] {strides = array<i32>} : memref<160xi32, #tpu.memory_space<vmem>>, vector<16xi32>,
      %get3A_1152 = vector.shape_cast %get3A_1151 : vector<16xi32> to vector<16xi32>
      %sub3A_1153 = arith.subi %get3A_1152, %get3A_1149 : vector<16xi32>
      %mul3A_1154 = vector.broadcast %arg0 : i32 to vector<16xi32>
      %mul3A_1155 = arith.muli %mul3A_1154, %sub3A_1153 : vector<16xi32>
      %add3A_1156 = arith.addi %get3A_1149, %mul3A_1155 : vector<16xi32>
      %swap3A_1157 = arith.constant 0 : i32
      %swap3A_1158 = arith.constant 1 : i32
      %swap3A_1159 = arith.index_cast %swap3A_1157 : i32 to index
      %swap3A_1160 = arith.index_cast %swap3A_1158 : i32 to index
      %swap3A_1161 = arith.constant 0 : index
      %swap3A_1162 = tpu.vector_load %arg9[%swap3A_1159, %swap3A_1160, %swap3A_1161] {strides = array<i32>} : memref<2x2x80xi32, #tpu.memory_space<vmem>>, vector<1x1x16xi32>,
      %swap3A_1163 = vector.shape_cast %swap3A_1162 : vector<1x1x16xi32> to vector<16xi32>
      %swap3A_1164 = vector.shape_cast %add3A_1156 : vector<16xi32> to vector<1x1x16xi32>
      tpu.vector_store %arg9[%swap3A_1159, %swap3A_1160, %swap3A_1161], %swap3A_1164 {strides = array<i32>} : memref<2x2x80xi32, #tpu.memory_space<vmem>>, vector<1x1x16xi32>,
      %eq3A_1165 = arith.cmpi eq, %get3A_1149, %get3A_1152 : vector<16xi32>
      %jit3A_1166 = arith.constant 1 : i32
      %jit3A_1167 = arith.constant 0 : i32
      %broadcast_in_dim3A_1168 = vector.broadcast %jit3A_1166 : i32 to vector<16xi32>
      %broadcast_in_dim3A_1169 = vector.broadcast %jit3A_1167 : i32 to vector<16xi32>
      %select_n3A_1170 = arith.select %eq3A_1165, %broadcast_in_dim3A_1168, %broadcast_in_dim3A_1169 : vector<16xi1>, vector<16xi32>
      %or3A_1171 = arith.ori %or3A_1146, %select_n3A_1170 : vector<16xi32>
      %get3A_1172 = arith.constant 96 : index
      %get3A_1173 = tpu.vector_load %arg7[%get3A_1172] {strides = array<i32>} : memref<160xi32, #tpu.memory_space<vmem>>, vector<16xi32>,
      %get3A_1174 = vector.shape_cast %get3A_1173 : vector<16xi32> to vector<16xi32>
      %get3A_1175 = arith.constant 96 : index
      %get3A_1176 = tpu.vector_load %arg8[%get3A_1175] {strides = array<i32>} : memref<160xi32, #tpu.memory_space<vmem>>, vector<16xi32>,
      %get3A_1177 = vector.shape_cast %get3A_1176 : vector<16xi32> to vector<16xi32>
      %sub3A_1178 = arith.subi %get3A_1177, %get3A_1174 : vector<16xi32>
      %mul3A_1179 = vector.broadcast %arg0 : i32 to vector<16xi32>
      %mul3A_1180 = arith.muli %mul3A_1179, %sub3A_1178 : vector<16xi32>
      %add3A_1181 = arith.addi %get3A_1174, %mul3A_1180 : vector<16xi32>
      %swap3A_1182 = arith.constant 0 : i32
      %swap3A_1183 = arith.constant 1 : i32
      %swap3A_1184 = arith.index_cast %swap3A_1182 : i32 to index
      %swap3A_1185 = arith.index_cast %swap3A_1183 : i32 to index
      %swap3A_1186 = arith.constant 16 : index
      %swap3A_1187 = tpu.vector_load %arg9[%swap3A_1184, %swap3A_1185, %swap3A_1186] {strides = array<i32>} : memref<2x2x80xi32, #tpu.memory_space<vmem>>, vector<1x1x16xi32>,
      %swap3A_1188 = vector.shape_cast %swap3A_1187 : vector<1x1x16xi32> to vector<16xi32>
      %swap3A_1189 = vector.shape_cast %add3A_1181 : vector<16xi32> to vector<1x1x16xi32>
      tpu.vector_store %arg9[%swap3A_1184, %swap3A_1185, %swap3A_1186], %swap3A_1189 {strides = array<i32>} : memref<2x2x80xi32, #tpu.memory_space<vmem>>, vector<1x1x16xi32>,
      %eq3A_1190 = arith.cmpi eq, %get3A_1174, %get3A_1177 : vector<16xi32>
      %jit3A_1191 = arith.constant 1 : i32
      %jit3A_1192 = arith.constant 0 : i32
      %broadcast_in_dim3A_1193 = vector.broadcast %jit3A_1191 : i32 to vector<16xi32>
      %broadcast_in_dim3A_1194 = vector.broadcast %jit3A_1192 : i32 to vector<16xi32>
      %select_n3A_1195 = arith.select %eq3A_1190, %broadcast_in_dim3A_1193, %broadcast_in_dim3A_1194 : vector<16xi1>, vector<16xi32>
      %or3A_1196 = arith.ori %or3A_1171, %select_n3A_1195 : vector<16xi32>
      %get3A_1197 = arith.constant 112 : index
      %get3A_1198 = tpu.vector_load %arg7[%get3A_1197] {strides = array<i32>} : memref<160xi32, #tpu.memory_space<vmem>>, vector<16xi32>,
      %get3A_1199 = vector.shape_cast %get3A_1198 : vector<16xi32> to vector<16xi32>
      %get3A_1200 = arith.constant 112 : index
      %get3A_1201 = tpu.vector_load %arg8[%get3A_1200] {strides = array<i32>} : memref<160xi32, #tpu.memory_space<vmem>>, vector<16xi32>,
      %get3A_1202 = vector.shape_cast %get3A_1201 : vector<16xi32> to vector<16xi32>
      %sub3A_1203 = arith.subi %get3A_1202, %get3A_1199 : vector<16xi32>
      %mul3A_1204 = vector.broadcast %arg0 : i32 to vector<16xi32>
      %mul3A_1205 = arith.muli %mul3A_1204, %sub3A_1203 : vector<16xi32>
      %add3A_1206 = arith.addi %get3A_1199, %mul3A_1205 : vector<16xi32>
      %swap3A_1207 = arith.constant 0 : i32
      %swap3A_1208 = arith.constant 1 : i32
      %swap3A_1209 = arith.index_cast %swap3A_1207 : i32 to index
      %swap3A_1210 = arith.index_cast %swap3A_1208 : i32 to index
      %swap3A_1211 = arith.constant 32 : index
      %swap3A_1212 = tpu.vector_load %arg9[%swap3A_1209, %swap3A_1210, %swap3A_1211] {strides = array<i32>} : memref<2x2x80xi32, #tpu.memory_space<vmem>>, vector<1x1x16xi32>,
      %swap3A_1213 = vector.shape_cast %swap3A_1212 : vector<1x1x16xi32> to vector<16xi32>
      %swap3A_1214 = vector.shape_cast %add3A_1206 : vector<16xi32> to vector<1x1x16xi32>
      tpu.vector_store %arg9[%swap3A_1209, %swap3A_1210, %swap3A_1211], %swap3A_1214 {strides = array<i32>} : memref<2x2x80xi32, #tpu.memory_space<vmem>>, vector<1x1x16xi32>,
      %eq3A_1215 = arith.cmpi eq, %get3A_1199, %get3A_1202 : vector<16xi32>
      %jit3A_1216 = arith.constant 1 : i32
      %jit3A_1217 = arith.constant 0 : i32
      %broadcast_in_dim3A_1218 = vector.broadcast %jit3A_1216 : i32 to vector<16xi32>
      %broadcast_in_dim3A_1219 = vector.broadcast %jit3A_1217 : i32 to vector<16xi32>
      %select_n3A_1220 = arith.select %eq3A_1215, %broadcast_in_dim3A_1218, %broadcast_in_dim3A_1219 : vector<16xi1>, vector<16xi32>
      %or3A_1221 = arith.ori %or3A_1196, %select_n3A_1220 : vector<16xi32>
      %get3A_1222 = arith.constant 128 : index
      %get3A_1223 = tpu.vector_load %arg7[%get3A_1222] {strides = array<i32>} : memref<160xi32, #tpu.memory_space<vmem>>, vector<16xi32>,
      %get3A_1224 = vector.shape_cast %get3A_1223 : vector<16xi32> to vector<16xi32>
      %get3A_1225 = arith.constant 128 : index
      %get3A_1226 = tpu.vector_load %arg8[%get3A_1225] {strides = array<i32>} : memref<160xi32, #tpu.memory_space<vmem>>, vector<16xi32>,
      %get3A_1227 = vector.shape_cast %get3A_1226 : vector<16xi32> to vector<16xi32>
      %sub3A_1228 = arith.subi %get3A_1227, %get3A_1224 : vector<16xi32>
      %mul3A_1229 = vector.broadcast %arg0 : i32 to vector<16xi32>
      %mul3A_1230 = arith.muli %mul3A_1229, %sub3A_1228 : vector<16xi32>
      %add3A_1231 = arith.addi %get3A_1224, %mul3A_1230 : vector<16xi32>
      %swap3A_1232 = arith.constant 0 : i32
      %swap3A_1233 = arith.constant 1 : i32
      %swap3A_1234 = arith.index_cast %swap3A_1232 : i32 to index
      %swap3A_1235 = arith.index_cast %swap3A_1233 : i32 to index
      %swap3A_1236 = arith.constant 48 : index
      %swap3A_1237 = tpu.vector_load %arg9[%swap3A_1234, %swap3A_1235, %swap3A_1236] {strides = array<i32>} : memref<2x2x80xi32, #tpu.memory_space<vmem>>, vector<1x1x16xi32>,
      %swap3A_1238 = vector.shape_cast %swap3A_1237 : vector<1x1x16xi32> to vector<16xi32>
      %swap3A_1239 = vector.shape_cast %add3A_1231 : vector<16xi32> to vector<1x1x16xi32>
      tpu.vector_store %arg9[%swap3A_1234, %swap3A_1235, %swap3A_1236], %swap3A_1239 {strides = array<i32>} : memref<2x2x80xi32, #tpu.memory_space<vmem>>, vector<1x1x16xi32>,
      %eq3A_1240 = arith.cmpi eq, %get3A_1224, %get3A_1227 : vector<16xi32>
      %jit3A_1241 = arith.constant 1 : i32
      %jit3A_1242 = arith.constant 0 : i32
      %broadcast_in_dim3A_1243 = vector.broadcast %jit3A_1241 : i32 to vector<16xi32>
      %broadcast_in_dim3A_1244 = vector.broadcast %jit3A_1242 : i32 to vector<16xi32>
      %select_n3A_1245 = arith.select %eq3A_1240, %broadcast_in_dim3A_1243, %broadcast_in_dim3A_1244 : vector<16xi1>, vector<16xi32>
      %or3A_1246 = arith.ori %or3A_1221, %select_n3A_1245 : vector<16xi32>
      %get3A_1247 = arith.constant 144 : index
      %get3A_1248 = tpu.vector_load %arg7[%get3A_1247] {strides = array<i32>} : memref<160xi32, #tpu.memory_space<vmem>>, vector<16xi32>,
      %get3A_1249 = vector.shape_cast %get3A_1248 : vector<16xi32> to vector<16xi32>
      %get3A_1250 = arith.constant 144 : index
      %get3A_1251 = tpu.vector_load %arg8[%get3A_1250] {strides = array<i32>} : memref<160xi32, #tpu.memory_space<vmem>>, vector<16xi32>,
      %get3A_1252 = vector.shape_cast %get3A_1251 : vector<16xi32> to vector<16xi32>
      %sub3A_1253 = arith.subi %get3A_1252, %get3A_1249 : vector<16xi32>
      %mul3A_1254 = vector.broadcast %arg0 : i32 to vector<16xi32>
      %mul3A_1255 = arith.muli %mul3A_1254, %sub3A_1253 : vector<16xi32>
      %add3A_1256 = arith.addi %get3A_1249, %mul3A_1255 : vector<16xi32>
      %swap3A_1257 = arith.constant 0 : i32
      %swap3A_1258 = arith.constant 1 : i32
      %swap3A_1259 = arith.index_cast %swap3A_1257 : i32 to index
      %swap3A_1260 = arith.index_cast %swap3A_1258 : i32 to index
      %swap3A_1261 = arith.constant 64 : index
      %swap3A_1262 = tpu.vector_load %arg9[%swap3A_1259, %swap3A_1260, %swap3A_1261] {strides = array<i32>} : memref<2x2x80xi32, #tpu.memory_space<vmem>>, vector<1x1x16xi32>,
      %swap3A_1263 = vector.shape_cast %swap3A_1262 : vector<1x1x16xi32> to vector<16xi32>
      %swap3A_1264 = vector.shape_cast %add3A_1256 : vector<16xi32> to vector<1x1x16xi32>
      tpu.vector_store %arg9[%swap3A_1259, %swap3A_1260, %swap3A_1261], %swap3A_1264 {strides = array<i32>} : memref<2x2x80xi32, #tpu.memory_space<vmem>>, vector<1x1x16xi32>,
      %eq3A_1265 = arith.cmpi eq, %get3A_1249, %get3A_1252 : vector<16xi32>
      %jit3A_1266 = arith.constant 1 : i32
      %jit3A_1267 = arith.constant 0 : i32
      %broadcast_in_dim3A_1268 = vector.broadcast %jit3A_1266 : i32 to vector<16xi32>
      %broadcast_in_dim3A_1269 = vector.broadcast %jit3A_1267 : i32 to vector<16xi32>
      %select_n3A_1270 = arith.select %eq3A_1265, %broadcast_in_dim3A_1268, %broadcast_in_dim3A_1269 : vector<16xi1>, vector<16xi32>
      %or3A_1271 = arith.ori %or3A_1246, %select_n3A_1270 : vector<16xi32>
      %mul3A_1272 = arith.constant 16 : i32
      %mul3A_1273 = arith.muli %add3A_999, %mul3A_1272 : i32
      %swap3A_1274 = arith.index_cast %mul3A_1273 : i32 to index
      %swap3A_1275 = tpu.vector_load %arg13[%swap3A_1274] {strides = array<i32>} : memref<2000xi32, #tpu.memory_space<vmem>>, vector<16xi32>,
      %swap3A_1276 = vector.shape_cast %swap3A_1275 : vector<16xi32> to vector<16xi32>
      %swap3A_1277 = vector.shape_cast %or3A_1271 : vector<16xi32> to vector<16xi32>
      tpu.vector_store %arg13[%swap3A_1274], %swap3A_1277 {strides = array<i32>} : memref<2000xi32, #tpu.memory_space<vmem>>, vector<16xi32>,
      %or3A_1278 = arith.ori %or3A_921, %or3A_1271 : vector<16xi32>
      %dma_start3A_1279 = arith.constant 0 : i32
      %dma_start3A_1280 = arith.constant 0 : i32
      %dma_start3A_1281 = arith.constant 0 : i32
      %dma_start3A_1282 = arith.constant 0 : i32
      %dma_start3A_1283 = arith.constant 0 : i32
      %dma_start3A_1284 = tpu.memref_slice %arg6[%dma_start3A_1279, %dma_start3A_1282, %dma_start3A_1283] : memref<2x160x128xf32, #tpu.memory_space<vmem>> -> memref<1x80x128xf32, #tpu.memory_space<vmem>>
      %dma_start3A_1285 = tpu.memref_squeeze %dma_start3A_1284 : memref<1x80x128xf32, #tpu.memory_space<vmem>> -> memref<80x128xf32, #tpu.memory_space<vmem>>
      %dma_start3A_1286 = arith.constant 0 : i32
      %dma_start3A_1287 = tpu.memref_slice %arg9[%dma_start3A_1280, %dma_start3A_1281, %dma_start3A_1286] : memref<2x2x80xi32, #tpu.memory_space<vmem>> -> memref<1x1x80xi32, #tpu.memory_space<vmem>>
      %dma_start3A_1288 = tpu.memref_squeeze %dma_start3A_1287 : memref<1x1x80xi32, #tpu.memory_space<vmem>> -> memref<80xi32, #tpu.memory_space<vmem>>
      %dma_start3A_1289 = arith.constant 0 : i32
      %dma_start3A_1290 = arith.constant 0 : i32
      %dma_start3A_1291 = tpu.memref_slice %arg14[%dma_start3A_1289, %dma_start3A_1290] : memref<10240x128xf32, #tpu.memory_space<vmem_shared>> -> memref<10240x128xf32, #tpu.memory_space<vmem_shared>>
      tpu.enqueue_indirect_dma source(%dma_start3A_1285 : memref<80x128xf32, #tpu.memory_space<vmem>>) target(%dma_start3A_1291 : memref<10240x128xf32, #tpu.memory_space<vmem_shared>>) offsets(%dma_start3A_1288 : memref<80xi32, #tpu.memory_space<vmem>>) semaphore(%arg17 : memref<!tpu.dma_semaphore, #tpu.memory_space<semaphore_mem>>) {add = true}
      %dma_start3A_1292 = arith.constant 0 : i32
      %dma_start3A_1293 = arith.constant 0 : i32
      %dma_start3A_1294 = arith.constant 1 : i32
      %dma_start3A_1295 = arith.constant 80 : i32
      %dma_start3A_1296 = arith.constant 0 : i32
      %dma_start3A_1297 = tpu.memref_slice %arg6[%dma_start3A_1292, %dma_start3A_1295, %dma_start3A_1296] : memref<2x160x128xf32, #tpu.memory_space<vmem>> -> memref<1x80x128xf32, #tpu.memory_space<vmem>>
      %dma_start3A_1298 = tpu.memref_squeeze %dma_start3A_1297 : memref<1x80x128xf32, #tpu.memory_space<vmem>> -> memref<80x128xf32, #tpu.memory_space<vmem>>
      %dma_start3A_1299 = arith.constant 0 : i32
      %dma_start3A_1300 = tpu.memref_slice %arg9[%dma_start3A_1293, %dma_start3A_1294, %dma_start3A_1299] : memref<2x2x80xi32, #tpu.memory_space<vmem>> -> memref<1x1x80xi32, #tpu.memory_space<vmem>>
      %dma_start3A_1301 = tpu.memref_squeeze %dma_start3A_1300 : memref<1x1x80xi32, #tpu.memory_space<vmem>> -> memref<80xi32, #tpu.memory_space<vmem>>
      %dma_start3A_1302 = arith.constant 0 : i32
      %dma_start3A_1303 = arith.constant 0 : i32
      %dma_start3A_1304 = tpu.memref_slice %arg14[%dma_start3A_1302, %dma_start3A_1303] : memref<10240x128xf32, #tpu.memory_space<vmem_shared>> -> memref<10240x128xf32, #tpu.memory_space<vmem_shared>>
      tpu.enqueue_indirect_dma source(%dma_start3A_1298 : memref<80x128xf32, #tpu.memory_space<vmem>>) target(%dma_start3A_1304 : memref<10240x128xf32, #tpu.memory_space<vmem_shared>>) offsets(%dma_start3A_1301 : memref<80xi32, #tpu.memory_space<vmem>>) semaphore(%arg17 : memref<!tpu.dma_semaphore, #tpu.memory_space<semaphore_mem>>) {add = true}
      %dma_wait3A_1305 = arith.constant 1 : i32
      %dma_wait3A_1306 = arith.constant 1 : i32
      %dma_wait3A_1307 = arith.constant 0 : i32
      %dma_wait3A_1308 = arith.constant 0 : i32
      %dma_wait3A_1309 = arith.constant 0 : i32
      %dma_wait3A_1310 = tpu.memref_slice %arg6[%dma_wait3A_1305, %dma_wait3A_1308, %dma_wait3A_1309] : memref<2x160x128xf32, #tpu.memory_space<vmem>> -> memref<1x80x128xf32, #tpu.memory_space<vmem>>
      %dma_wait3A_1311 = tpu.memref_squeeze %dma_wait3A_1310 : memref<1x80x128xf32, #tpu.memory_space<vmem>> -> memref<80x128xf32, #tpu.memory_space<vmem>>
      %dma_wait3A_1312 = arith.constant 0 : i32
      %dma_wait3A_1313 = tpu.memref_slice %arg9[%dma_wait3A_1306, %dma_wait3A_1307, %dma_wait3A_1312] : memref<2x2x80xi32, #tpu.memory_space<vmem>> -> memref<1x1x80xi32, #tpu.memory_space<vmem>>
      %dma_wait3A_1314 = tpu.memref_squeeze %dma_wait3A_1313 : memref<1x1x80xi32, #tpu.memory_space<vmem>> -> memref<80xi32, #tpu.memory_space<vmem>>
      %dma_wait3A_1315 = arith.constant 0 : i32
      %dma_wait3A_1316 = arith.constant 0 : i32
      %dma_wait3A_1317 = tpu.memref_slice %arg14[%dma_wait3A_1315, %dma_wait3A_1316] : memref<10240x128xf32, #tpu.memory_space<vmem_shared>> -> memref<10240x128xf32, #tpu.memory_space<vmem_shared>>
      tpu.wait_indirect_dma semaphore(%arg18 : memref<!tpu.dma_semaphore, #tpu.memory_space<semaphore_mem>>) src(%dma_wait3A_1311 : memref<80x128xf32, #tpu.memory_space<vmem>>) dst(%dma_wait3A_1317 : memref<10240x128xf32, #tpu.memory_space<vmem_shared>>)
      %dma_wait3A_1318 = arith.constant 1 : i32
      %dma_wait3A_1319 = arith.constant 1 : i32
      %dma_wait3A_1320 = arith.constant 1 : i32
      %dma_wait3A_1321 = arith.constant 80 : i32
      %dma_wait3A_1322 = arith.constant 0 : i32
      %dma_wait3A_1323 = tpu.memref_slice %arg6[%dma_wait3A_1318, %dma_wait3A_1321, %dma_wait3A_1322] : memref<2x160x128xf32, #tpu.memory_space<vmem>> -> memref<1x80x128xf32, #tpu.memory_space<vmem>>
      %dma_wait3A_1324 = tpu.memref_squeeze %dma_wait3A_1323 : memref<1x80x128xf32, #tpu.memory_space<vmem>> -> memref<80x128xf32, #tpu.memory_space<vmem>>
      %dma_wait3A_1325 = arith.constant 0 : i32
      %dma_wait3A_1326 = tpu.memref_slice %arg9[%dma_wait3A_1319, %dma_wait3A_1320, %dma_wait3A_1325] : memref<2x2x80xi32, #tpu.memory_space<vmem>> -> memref<1x1x80xi32, #tpu.memory_space<vmem>>
      %dma_wait3A_1327 = tpu.memref_squeeze %dma_wait3A_1326 : memref<1x1x80xi32, #tpu.memory_space<vmem>> -> memref<80xi32, #tpu.memory_space<vmem>>
      %dma_wait3A_1328 = arith.constant 0 : i32
      %dma_wait3A_1329 = arith.constant 0 : i32
      %dma_wait3A_1330 = tpu.memref_slice %arg14[%dma_wait3A_1328, %dma_wait3A_1329] : memref<10240x128xf32, #tpu.memory_space<vmem_shared>> -> memref<10240x128xf32, #tpu.memory_space<vmem_shared>>
      tpu.wait_indirect_dma semaphore(%arg18 : memref<!tpu.dma_semaphore, #tpu.memory_space<semaphore_mem>>) src(%dma_wait3A_1324 : memref<80x128xf32, #tpu.memory_space<vmem>>) dst(%dma_wait3A_1330 : memref<10240x128xf32, #tpu.memory_space<vmem_shared>>)
      %lt3A = arith.constant 61 : i32
      %lt3A_1331 = arith.cmpi slt, %add3A_638, %lt3A : i32
      %convert_element_type3A_1332 = arith.extui %lt3A_1331 : i1 to i32
      %cond3A_1333 = arith.constant 0 : i32
      %cond3A_1334 = arith.cmpi ne, %convert_element_type3A_1332, %cond3A_1333 : i32
      scf.if %cond3A_1334 {
        %add3A_1335 = arith.constant 1 : i32
        %add3A_1336 = arith.addi %add3A_999, %add3A_1335 : i32
        %mul3A_1337 = arith.constant 160 : i32
        %mul3A_1338 = arith.muli %add3A_1336, %mul3A_1337 : i32
        %add3A_1339 = arith.addi %mul3A_2, %mul3A_1338 : i32
        %dma_start3A_1340 = tpu.memref_slice %arg3[%add3A_1339] : memref<320000xi32, #tpu.memory_space<hbm>> -> memref<160xi32, #tpu.memory_space<hbm>>
        %dma_start3A_1341 = tpu.memref_slice %arg3[%add3A_1339] : memref<320000xi32, #tpu.memory_space<hbm>> -> memref<160xi32, #tpu.memory_space<hbm>>
        tpu.enqueue_dma source(%dma_start3A_1341 : memref<160xi32, #tpu.memory_space<hbm>>) target(%arg7 : memref<160xi32, #tpu.memory_space<vmem>>) target_semaphore(%arg16 : memref<!tpu.dma_semaphore, #tpu.memory_space<semaphore_mem>>)
        %dma_start3A_1342 = tpu.memref_slice %arg4[%add3A_1339] : memref<320000xi32, #tpu.memory_space<hbm>> -> memref<160xi32, #tpu.memory_space<hbm>>
        %dma_start3A_1343 = tpu.memref_slice %arg4[%add3A_1339] : memref<320000xi32, #tpu.memory_space<hbm>> -> memref<160xi32, #tpu.memory_space<hbm>>
        tpu.enqueue_dma source(%dma_start3A_1343 : memref<160xi32, #tpu.memory_space<hbm>>) target(%arg8 : memref<160xi32, #tpu.memory_space<vmem>>) target_semaphore(%arg16 : memref<!tpu.dma_semaphore, #tpu.memory_space<semaphore_mem>>)
        %dma_start3A_1344 = arith.constant 1 : i32
        %dma_start3A_1345 = arith.constant 0 : i32
        %dma_start3A_1346 = arith.constant 0 : i32
        %dma_start3A_1347 = tpu.memref_slice %arg6[%dma_start3A_1344, %dma_start3A_1345, %dma_start3A_1346] : memref<2x160x128xf32, #tpu.memory_space<vmem>> -> memref<1x160x128xf32, #tpu.memory_space<vmem>>
        %dma_start3A_1348 = tpu.memref_squeeze %dma_start3A_1347 : memref<1x160x128xf32, #tpu.memory_space<vmem>> -> memref<160x128xf32, #tpu.memory_space<vmem>>
        %dma_start3A_1349 = arith.constant 0 : i32
        %dma_start3A_1350 = tpu.memref_slice %arg2[%add3A_1339, %dma_start3A_1349] : memref<320000x128xf32, #tpu.memory_space<hbm>> -> memref<160x128xf32, #tpu.memory_space<hbm>>
        %dma_start3A_1351 = arith.constant 0 : i32
        %dma_start3A_1352 = arith.constant 0 : i32
        %dma_start3A_1353 = tpu.memref_slice %arg6[%dma_start3A_1344, %dma_start3A_1351, %dma_start3A_1352] : memref<2x160x128xf32, #tpu.memory_space<vmem>> -> memref<1x160x128xf32, #tpu.memory_space<vmem>>
        %dma_start3A_1354 = tpu.memref_squeeze %dma_start3A_1353 : memref<1x160x128xf32, #tpu.memory_space<vmem>> -> memref<160x128xf32, #tpu.memory_space<vmem>>
        %dma_start3A_1355 = arith.constant 0 : i32
        %dma_start3A_1356 = tpu.memref_slice %arg2[%add3A_1339, %dma_start3A_1355] : memref<320000x128xf32, #tpu.memory_space<hbm>> -> memref<160x128xf32, #tpu.memory_space<hbm>>
        tpu.enqueue_dma source(%dma_start3A_1356 : memref<160x128xf32, #tpu.memory_space<hbm>>) target(%dma_start3A_1354 : memref<160x128xf32, #tpu.memory_space<vmem>>) target_semaphore(%arg16 : memref<!tpu.dma_semaphore, #tpu.memory_space<semaphore_mem>>)
      } else {
      }
      scf.yield %or3A_1278 : vector<16xi32>
    }
    %scan3A_353 = arith.constant 62 : i32
    %dma_wait3A_354 = arith.constant 0 : i32
    %dma_wait3A_355 = arith.constant 0 : i32
    %dma_wait3A_356 = arith.constant 0 : i32
    %dma_wait3A_357 = arith.constant 0 : i32
    %dma_wait3A_358 = arith.constant 0 : i32
    %dma_wait3A_359 = tpu.memref_slice %arg6[%dma_wait3A_354, %dma_wait3A_357, %dma_wait3A_358] : memref<2x160x128xf32, #tpu.memory_space<vmem>> -> memref<1x80x128xf32, #tpu.memory_space<vmem>>
    %dma_wait3A_360 = tpu.memref_squeeze %dma_wait3A_359 : memref<1x80x128xf32, #tpu.memory_space<vmem>> -> memref<80x128xf32, #tpu.memory_space<vmem>>
    %dma_wait3A_361 = arith.constant 0 : i32
    %dma_wait3A_362 = tpu.memref_slice %arg9[%dma_wait3A_355, %dma_wait3A_356, %dma_wait3A_361] : memref<2x2x80xi32, #tpu.memory_space<vmem>> -> memref<1x1x80xi32, #tpu.memory_space<vmem>>
    %dma_wait3A_363 = tpu.memref_squeeze %dma_wait3A_362 : memref<1x1x80xi32, #tpu.memory_space<vmem>> -> memref<80xi32, #tpu.memory_space<vmem>>
    %dma_wait3A_364 = arith.constant 0 : i32
    %dma_wait3A_365 = arith.constant 0 : i32
    %dma_wait3A_366 = tpu.memref_slice %arg14[%dma_wait3A_364, %dma_wait3A_365] : memref<10240x128xf32, #tpu.memory_space<vmem_shared>> -> memref<10240x128xf32, #tpu.memory_space<vmem_shared>>
    tpu.wait_indirect_dma semaphore(%arg17 : memref<!tpu.dma_semaphore, #tpu.memory_space<semaphore_mem>>) src(%dma_wait3A_360 : memref<80x128xf32, #tpu.memory_space<vmem>>) dst(%dma_wait3A_366 : memref<10240x128xf32, #tpu.memory_space<vmem_shared>>)
    %dma_wait3A_367 = arith.constant 0 : i32
    %dma_wait3A_368 = arith.constant 0 : i32
    %dma_wait3A_369 = arith.constant 1 : i32
    %dma_wait3A_370 = arith.constant 80 : i32
    %dma_wait3A_371 = arith.constant 0 : i32
    %dma_wait3A_372 = tpu.memref_slice %arg6[%dma_wait3A_367, %dma_wait3A_370, %dma_wait3A_371] : memref<2x160x128xf32, #tpu.memory_space<vmem>> -> memref<1x80x128xf32, #tpu.memory_space<vmem>>
    %dma_wait3A_373 = tpu.memref_squeeze %dma_wait3A_372 : memref<1x80x128xf32, #tpu.memory_space<vmem>> -> memref<80x128xf32, #tpu.memory_space<vmem>>
    %dma_wait3A_374 = arith.constant 0 : i32
    %dma_wait3A_375 = tpu.memref_slice %arg9[%dma_wait3A_368, %dma_wait3A_369, %dma_wait3A_374] : memref<2x2x80xi32, #tpu.memory_space<vmem>> -> memref<1x1x80xi32, #tpu.memory_space<vmem>>
    %dma_wait3A_376 = tpu.memref_squeeze %dma_wait3A_375 : memref<1x1x80xi32, #tpu.memory_space<vmem>> -> memref<80xi32, #tpu.memory_space<vmem>>
    %dma_wait3A_377 = arith.constant 0 : i32
    %dma_wait3A_378 = arith.constant 0 : i32
    %dma_wait3A_379 = tpu.memref_slice %arg14[%dma_wait3A_377, %dma_wait3A_378] : memref<10240x128xf32, #tpu.memory_space<vmem_shared>> -> memref<10240x128xf32, #tpu.memory_space<vmem_shared>>
    tpu.wait_indirect_dma semaphore(%arg17 : memref<!tpu.dma_semaphore, #tpu.memory_space<semaphore_mem>>) src(%dma_wait3A_373 : memref<80x128xf32, #tpu.memory_space<vmem>>) dst(%dma_wait3A_379 : memref<10240x128xf32, #tpu.memory_space<vmem_shared>>)
    %scan3A_380 = arith.constant 0 : i32
    %scan3A_381 = arith.constant 0 : i32
    %scan3A_382 = arith.constant 16 : i32
    %scan3A_383 = arith.addi %scan3A_381, %scan3A_382 : i32
    %scan3A_384 = arith.constant 1 : i32
    scf.for %scan3A_633 = %scan3A_381 to %scan3A_383 step %scan3A_384  : i32 {
      %broadcast_in_dim3A_634 = arith.constant 0.000000e+00 : f32
      %broadcast_in_dim3A_635 = vector.broadcast %broadcast_in_dim3A_634 : f32 to vector<16xf32>
      %swap3A_636 = arith.index_cast %scan3A_633 : i32 to index
      %swap3A_637 = arith.constant 0 : index
      %swap3A_638 = tpu.vector_load %arg11[%swap3A_636, %swap3A_637] {strides = array<i32>} : memref<16x128xf32, #tpu.memory_space<vmem>>, vector<1x16xf32>,
      %swap3A_639 = vector.shape_cast %swap3A_638 : vector<1x16xf32> to vector<16xf32>
      %swap3A_640 = vector.shape_cast %broadcast_in_dim3A_635 : vector<16xf32> to vector<1x16xf32>
      tpu.vector_store %arg11[%swap3A_636, %swap3A_637], %swap3A_640 {strides = array<i32>} : memref<16x128xf32, #tpu.memory_space<vmem>>, vector<1x16xf32>,
      %broadcast_in_dim3A_641 = arith.constant 0.000000e+00 : f32
      %broadcast_in_dim3A_642 = vector.broadcast %broadcast_in_dim3A_641 : f32 to vector<16xf32>
      %swap3A_643 = arith.index_cast %scan3A_633 : i32 to index
      %swap3A_644 = arith.constant 16 : index
      %swap3A_645 = tpu.vector_load %arg11[%swap3A_643, %swap3A_644] {strides = array<i32>} : memref<16x128xf32, #tpu.memory_space<vmem>>, vector<1x16xf32>,
      %swap3A_646 = vector.shape_cast %swap3A_645 : vector<1x16xf32> to vector<16xf32>
      %swap3A_647 = vector.shape_cast %broadcast_in_dim3A_642 : vector<16xf32> to vector<1x16xf32>
      tpu.vector_store %arg11[%swap3A_643, %swap3A_644], %swap3A_647 {strides = array<i32>} : memref<16x128xf32, #tpu.memory_space<vmem>>, vector<1x16xf32>,
      %broadcast_in_dim3A_648 = arith.constant 0.000000e+00 : f32
      %broadcast_in_dim3A_649 = vector.broadcast %broadcast_in_dim3A_648 : f32 to vector<16xf32>
      %swap3A_650 = arith.index_cast %scan3A_633 : i32 to index
      %swap3A_651 = arith.constant 32 : index
      %swap3A_652 = tpu.vector_load %arg11[%swap3A_650, %swap3A_651] {strides = array<i32>} : memref<16x128xf32, #tpu.memory_space<vmem>>, vector<1x16xf32>,
      %swap3A_653 = vector.shape_cast %swap3A_652 : vector<1x16xf32> to vector<16xf32>
      %swap3A_654 = vector.shape_cast %broadcast_in_dim3A_649 : vector<16xf32> to vector<1x16xf32>
      tpu.vector_store %arg11[%swap3A_650, %swap3A_651], %swap3A_654 {strides = array<i32>} : memref<16x128xf32, #tpu.memory_space<vmem>>, vector<1x16xf32>,
      %broadcast_in_dim3A_655 = arith.constant 0.000000e+00 : f32
      %broadcast_in_dim3A_656 = vector.broadcast %broadcast_in_dim3A_655 : f32 to vector<16xf32>
      %swap3A_657 = arith.index_cast %scan3A_633 : i32 to index
      %swap3A_658 = arith.constant 48 : index
      %swap3A_659 = tpu.vector_load %arg11[%swap3A_657, %swap3A_658] {strides = array<i32>} : memref<16x128xf32, #tpu.memory_space<vmem>>, vector<1x16xf32>,
      %swap3A_660 = vector.shape_cast %swap3A_659 : vector<1x16xf32> to vector<16xf32>
      %swap3A_661 = vector.shape_cast %broadcast_in_dim3A_656 : vector<16xf32> to vector<1x16xf32>
      tpu.vector_store %arg11[%swap3A_657, %swap3A_658], %swap3A_661 {strides = array<i32>} : memref<16x128xf32, #tpu.memory_space<vmem>>, vector<1x16xf32>,
      %broadcast_in_dim3A_662 = arith.constant 0.000000e+00 : f32
      %broadcast_in_dim3A_663 = vector.broadcast %broadcast_in_dim3A_662 : f32 to vector<16xf32>
      %swap3A_664 = arith.index_cast %scan3A_633 : i32 to index
      %swap3A_665 = arith.constant 64 : index
      %swap3A_666 = tpu.vector_load %arg11[%swap3A_664, %swap3A_665] {strides = array<i32>} : memref<16x128xf32, #tpu.memory_space<vmem>>, vector<1x16xf32>,
      %swap3A_667 = vector.shape_cast %swap3A_666 : vector<1x16xf32> to vector<16xf32>
      %swap3A_668 = vector.shape_cast %broadcast_in_dim3A_663 : vector<16xf32> to vector<1x16xf32>
      tpu.vector_store %arg11[%swap3A_664, %swap3A_665], %swap3A_668 {strides = array<i32>} : memref<16x128xf32, #tpu.memory_space<vmem>>, vector<1x16xf32>,
      %broadcast_in_dim3A_669 = arith.constant 0.000000e+00 : f32
      %broadcast_in_dim3A_670 = vector.broadcast %broadcast_in_dim3A_669 : f32 to vector<16xf32>
      %swap3A_671 = arith.index_cast %scan3A_633 : i32 to index
      %swap3A_672 = arith.constant 80 : index
      %swap3A_673 = tpu.vector_load %arg11[%swap3A_671, %swap3A_672] {strides = array<i32>} : memref<16x128xf32, #tpu.memory_space<vmem>>, vector<1x16xf32>,
      %swap3A_674 = vector.shape_cast %swap3A_673 : vector<1x16xf32> to vector<16xf32>
      %swap3A_675 = vector.shape_cast %broadcast_in_dim3A_670 : vector<16xf32> to vector<1x16xf32>
      tpu.vector_store %arg11[%swap3A_671, %swap3A_672], %swap3A_675 {strides = array<i32>} : memref<16x128xf32, #tpu.memory_space<vmem>>, vector<1x16xf32>,
      %broadcast_in_dim3A_676 = arith.constant 0.000000e+00 : f32
      %broadcast_in_dim3A_677 = vector.broadcast %broadcast_in_dim3A_676 : f32 to vector<16xf32>
      %swap3A_678 = arith.index_cast %scan3A_633 : i32 to index
      %swap3A_679 = arith.constant 96 : index
      %swap3A_680 = tpu.vector_load %arg11[%swap3A_678, %swap3A_679] {strides = array<i32>} : memref<16x128xf32, #tpu.memory_space<vmem>>, vector<1x16xf32>,
      %swap3A_681 = vector.shape_cast %swap3A_680 : vector<1x16xf32> to vector<16xf32>
      %swap3A_682 = vector.shape_cast %broadcast_in_dim3A_677 : vector<16xf32> to vector<1x16xf32>
      tpu.vector_store %arg11[%swap3A_678, %swap3A_679], %swap3A_682 {strides = array<i32>} : memref<16x128xf32, #tpu.memory_space<vmem>>, vector<1x16xf32>,
      %broadcast_in_dim3A_683 = arith.constant 0.000000e+00 : f32
      %broadcast_in_dim3A_684 = vector.broadcast %broadcast_in_dim3A_683 : f32 to vector<16xf32>
      %swap3A_685 = arith.index_cast %scan3A_633 : i32 to index
      %swap3A_686 = arith.constant 112 : index
      %swap3A_687 = tpu.vector_load %arg11[%swap3A_685, %swap3A_686] {strides = array<i32>} : memref<16x128xf32, #tpu.memory_space<vmem>>, vector<1x16xf32>,
      %swap3A_688 = vector.shape_cast %swap3A_687 : vector<1x16xf32> to vector<16xf32>
      %swap3A_689 = vector.shape_cast %broadcast_in_dim3A_684 : vector<16xf32> to vector<1x16xf32>
      tpu.vector_store %arg11[%swap3A_685, %swap3A_686], %swap3A_689 {strides = array<i32>} : memref<16x128xf32, #tpu.memory_space<vmem>>, vector<1x16xf32>,
    }
    %scan3A_385 = arith.constant 16 : i32
    %convert_element_type3A = arith.sitofp %scan3A_352 : vector<16xi32> to vector<16xf32>
    %swap3A_386 = arith.constant 0 : i32
    %swap3A_387 = arith.index_cast %swap3A_386 : i32 to index
    %swap3A_388 = arith.constant 0 : index
    %swap3A_389 = tpu.vector_load %arg11[%swap3A_387, %swap3A_388] {strides = array<i32>} : memref<16x128xf32, #tpu.memory_space<vmem>>, vector<1x16xf32>,
    %swap3A_390 = vector.shape_cast %swap3A_389 : vector<1x16xf32> to vector<16xf32>
    %swap3A_391 = vector.shape_cast %convert_element_type3A : vector<16xf32> to vector<1x16xf32>
    tpu.vector_store %arg11[%swap3A_387, %swap3A_388], %swap3A_391 {strides = array<i32>} : memref<16x128xf32, #tpu.memory_space<vmem>>, vector<1x16xf32>,
    %add3A_392 = arith.constant 10048 : i32
    %add3A_393 = vector.broadcast %add3A_392 : i32 to vector<16xi32>
    %add3A_394 = arith.addi %iota3A, %add3A_393 : vector<16xi32>
    %swap3A_395 = arith.constant 0 : index
    %swap3A_396 = tpu.vector_load %arg12[%swap3A_395] {strides = array<i32>} : memref<16xi32, #tpu.memory_space<vmem>>, vector<16xi32>,
    %swap3A_397 = vector.shape_cast %swap3A_396 : vector<16xi32> to vector<16xi32>
    %swap3A_398 = vector.shape_cast %add3A_394 : vector<16xi32> to vector<16xi32>
    tpu.vector_store %arg12[%swap3A_395], %swap3A_398 {strides = array<i32>} : memref<16xi32, #tpu.memory_space<vmem>>, vector<16xi32>,
    "tpu.region"() ({
      %run_scoped3A_633 = tpu.sem_alloc : memref<!tpu.dma_semaphore, #tpu.memory_space<semaphore_mem>>
      %dma_start3A_634 = arith.constant 0 : i32
      %dma_start3A_635 = arith.constant 0 : i32
      %dma_start3A_636 = tpu.memref_slice %arg14[%dma_start3A_634, %dma_start3A_635] : memref<10240x128xf32, #tpu.memory_space<vmem_shared>> -> memref<10240x128xf32, #tpu.memory_space<vmem_shared>>
      tpu.enqueue_indirect_dma source(%arg11 : memref<16x128xf32, #tpu.memory_space<vmem>>) target(%dma_start3A_636 : memref<10240x128xf32, #tpu.memory_space<vmem_shared>>) offsets(%arg12 : memref<16xi32, #tpu.memory_space<vmem>>) semaphore(%run_scoped3A_633 : memref<!tpu.dma_semaphore, #tpu.memory_space<semaphore_mem>>) {add = true}
      %dma_wait3A_637 = arith.constant 0 : i32
      %dma_wait3A_638 = arith.constant 0 : i32
      %dma_wait3A_639 = tpu.memref_slice %arg14[%dma_wait3A_637, %dma_wait3A_638] : memref<10240x128xf32, #tpu.memory_space<vmem_shared>> -> memref<10240x128xf32, #tpu.memory_space<vmem_shared>>
      tpu.wait_indirect_dma semaphore(%run_scoped3A_633 : memref<!tpu.dma_semaphore, #tpu.memory_space<semaphore_mem>>) src(%arg11 : memref<16x128xf32, #tpu.memory_space<vmem>>) dst(%dma_wait3A_639 : memref<10240x128xf32, #tpu.memory_space<vmem_shared>>)
      tpu.yield
    }) : () -> ()
    %barrier3A_399 = arith.constant 0 : index
    tpu.barrier barrier_id(%barrier3A_399)
    %mul3A_400 = arith.constant 625 : i32
    %mul3A_401 = arith.muli %arg1, %mul3A_400 : i32
    %broadcast_in_dim3A_402 = arith.constant 0.000000e+00 : f32
    %broadcast_in_dim3A_403 = vector.broadcast %broadcast_in_dim3A_402 : f32 to vector<16xf32>
    %add3A_404 = arith.constant 0 : i32
    %add3A_405 = arith.addi %mul3A_401, %add3A_404 : i32
    %run_scoped3A_406 = arith.constant 0 : i32
    "tpu.region"() ({
      %run_scoped3A_633 = tpu.sem_alloc : memref<!tpu.dma_semaphore, #tpu.memory_space<semaphore_mem>>
      %dma_start3A_634 = arith.constant 0 : i32
      %dma_start3A_635 = arith.constant 0 : i32
      %dma_start3A_636 = tpu.memref_slice %arg6[%run_scoped3A_406, %dma_start3A_634, %dma_start3A_635] : memref<2x160x128xf32, #tpu.memory_space<vmem>> -> memref<1x160x128xf32, #tpu.memory_space<vmem>>
      %dma_start3A_637 = tpu.memref_squeeze %dma_start3A_636 : memref<1x160x128xf32, #tpu.memory_space<vmem>> -> memref<160x128xf32, #tpu.memory_space<vmem>>
      %dma_start3A_638 = arith.constant 0 : i32
      %dma_start3A_639 = arith.constant 0 : i32
      %dma_start3A_640 = tpu.memref_slice %dma_start3A_637[%dma_start3A_638, %dma_start3A_639] : memref<160x128xf32, #tpu.memory_space<vmem>> -> memref<160x128xf32, #tpu.memory_space<vmem>>
      %dma_start3A_641 = arith.constant 0 : i32
      %dma_start3A_642 = tpu.memref_slice %arg14[%add3A_405, %dma_start3A_641] : memref<10240x128xf32, #tpu.memory_space<vmem_shared>> -> memref<160x128xf32, #tpu.memory_space<vmem_shared>>
      %dma_start3A_643 = arith.constant 0 : i32
      %dma_start3A_644 = arith.constant 0 : i32
      %dma_start3A_645 = tpu.memref_slice %arg6[%run_scoped3A_406, %dma_start3A_643, %dma_start3A_644] : memref<2x160x128xf32, #tpu.memory_space<vmem>> -> memref<1x160x128xf32, #tpu.memory_space<vmem>>
      %dma_start3A_646 = tpu.memref_squeeze %dma_start3A_645 : memref<1x160x128xf32, #tpu.memory_space<vmem>> -> memref<160x128xf32, #tpu.memory_space<vmem>>
      %dma_start3A_647 = arith.constant 0 : i32
      %dma_start3A_648 = arith.constant 0 : i32
      %dma_start3A_649 = tpu.memref_slice %dma_start3A_646[%dma_start3A_647, %dma_start3A_648] : memref<160x128xf32, #tpu.memory_space<vmem>> -> memref<160x128xf32, #tpu.memory_space<vmem>>
      %dma_start3A_650 = arith.constant 0 : i32
      %dma_start3A_651 = tpu.memref_slice %arg14[%add3A_405, %dma_start3A_650] : memref<10240x128xf32, #tpu.memory_space<vmem_shared>> -> memref<160x128xf32, #tpu.memory_space<vmem_shared>>
      tpu.enqueue_dma source(%dma_start3A_651 : memref<160x128xf32, #tpu.memory_space<vmem_shared>>) target(%dma_start3A_649 : memref<160x128xf32, #tpu.memory_space<vmem>>) target_semaphore(%run_scoped3A_633 : memref<!tpu.dma_semaphore, #tpu.memory_space<semaphore_mem>>)
      %dma_wait3A_652 = arith.constant 0 : i32
      %dma_wait3A_653 = arith.constant 0 : i32
      %dma_wait3A_654 = tpu.memref_slice %arg6[%run_scoped3A_406, %dma_wait3A_652, %dma_wait3A_653] : memref<2x160x128xf32, #tpu.memory_space<vmem>> -> memref<1x160x128xf32, #tpu.memory_space<vmem>>
      %dma_wait3A_655 = tpu.memref_squeeze %dma_wait3A_654 : memref<1x160x128xf32, #tpu.memory_space<vmem>> -> memref<160x128xf32, #tpu.memory_space<vmem>>
      %dma_wait3A_656 = arith.constant 0 : i32
      %dma_wait3A_657 = arith.constant 0 : i32
      %dma_wait3A_658 = tpu.memref_slice %dma_wait3A_655[%dma_wait3A_656, %dma_wait3A_657] : memref<160x128xf32, #tpu.memory_space<vmem>> -> memref<160x128xf32, #tpu.memory_space<vmem>>
      %dma_wait3A_659 = arith.constant 0 : i32
      %dma_wait3A_660 = tpu.memref_slice %arg14[%add3A_405, %dma_wait3A_659] : memref<10240x128xf32, #tpu.memory_space<vmem_shared>> -> memref<160x128xf32, #tpu.memory_space<vmem_shared>>
      %dma_wait3A_661 = arith.constant 0 : i32
      %dma_wait3A_662 = arith.constant 0 : i32
      %dma_wait3A_663 = tpu.memref_slice %arg6[%run_scoped3A_406, %dma_wait3A_661, %dma_wait3A_662] : memref<2x160x128xf32, #tpu.memory_space<vmem>> -> memref<1x160x128xf32, #tpu.memory_space<vmem>>
      %dma_wait3A_664 = tpu.memref_squeeze %dma_wait3A_663 : memref<1x160x128xf32, #tpu.memory_space<vmem>> -> memref<160x128xf32, #tpu.memory_space<vmem>>
      %dma_wait3A_665 = arith.constant 0 : i32
      %dma_wait3A_666 = arith.constant 0 : i32
      %dma_wait3A_667 = tpu.memref_slice %dma_wait3A_664[%dma_wait3A_665, %dma_wait3A_666] : memref<160x128xf32, #tpu.memory_space<vmem>> -> memref<160x128xf32, #tpu.memory_space<vmem>>
      %dma_wait3A_668 = arith.constant 0 : i32
      %dma_wait3A_669 = tpu.memref_slice %arg14[%add3A_405, %dma_wait3A_668] : memref<10240x128xf32, #tpu.memory_space<vmem_shared>> -> memref<160x128xf32, #tpu.memory_space<vmem_shared>>
      tpu.wait_dma2 semaphore(%run_scoped3A_633 : memref<!tpu.dma_semaphore, #tpu.memory_space<semaphore_mem>>) src(%dma_wait3A_669 : memref<160x128xf32, #tpu.memory_space<vmem_shared>>) dst(%dma_wait3A_667 : memref<160x128xf32, #tpu.memory_space<vmem>>)
      tpu.yield
    }) : () -> ()
    %scan3A_407 = arith.constant 0 : i32
    %scan3A_408 = arith.constant 160 : i32
    %scan3A_409 = arith.addi %scan3A_407, %scan3A_408 : i32
    %scan3A_410 = arith.constant 1 : i32
    %scan3A_411:8 = scf.for %scan3A_633 = %scan3A_407 to %scan3A_409 step %scan3A_410 iter_args(%scan3A_634 = %broadcast_in_dim3A_403, %scan3A_635 = %broadcast_in_dim3A_403, %scan3A_636 = %broadcast_in_dim3A_403, %scan3A_637 = %broadcast_in_dim3A_403, %scan3A_638 = %broadcast_in_dim3A_403, %scan3A_639 = %broadcast_in_dim3A_403, %scan3A_640 = %broadcast_in_dim3A_403, %scan3A_641 = %broadcast_in_dim3A_403) -> (vector<16xf32>, vector<16xf32>, vector<16xf32>, vector<16xf32>, vector<16xf32>, vector<16xf32>, vector<16xf32>, vector<16xf32>)  : i32 {
      %get3A_642 = arith.constant 0 : i32
      %get3A_643 = arith.index_cast %get3A_642 : i32 to index
      %get3A_644 = arith.index_cast %scan3A_633 : i32 to index
      %get3A_645 = arith.constant 0 : index
      %get3A_646 = tpu.vector_load %arg6[%get3A_643, %get3A_644, %get3A_645] {strides = array<i32>} : memref<2x160x128xf32, #tpu.memory_space<vmem>>, vector<1x1x16xf32>,
      %get3A_647 = vector.shape_cast %get3A_646 : vector<1x1x16xf32> to vector<16xf32>
      %add3A_648 = arith.addf %scan3A_634, %get3A_647 : vector<16xf32>
      %get3A_649 = arith.constant 0 : i32
      %get3A_650 = arith.index_cast %get3A_649 : i32 to index
      %get3A_651 = arith.index_cast %scan3A_633 : i32 to index
      %get3A_652 = arith.constant 16 : index
      %get3A_653 = tpu.vector_load %arg6[%get3A_650, %get3A_651, %get3A_652] {strides = array<i32>} : memref<2x160x128xf32, #tpu.memory_space<vmem>>, vector<1x1x16xf32>,
      %get3A_654 = vector.shape_cast %get3A_653 : vector<1x1x16xf32> to vector<16xf32>
      %add3A_655 = arith.addf %scan3A_635, %get3A_654 : vector<16xf32>
      %get3A_656 = arith.constant 0 : i32
      %get3A_657 = arith.index_cast %get3A_656 : i32 to index
      %get3A_658 = arith.index_cast %scan3A_633 : i32 to index
      %get3A_659 = arith.constant 32 : index
      %get3A_660 = tpu.vector_load %arg6[%get3A_657, %get3A_658, %get3A_659] {strides = array<i32>} : memref<2x160x128xf32, #tpu.memory_space<vmem>>, vector<1x1x16xf32>,
      %get3A_661 = vector.shape_cast %get3A_660 : vector<1x1x16xf32> to vector<16xf32>
      %add3A_662 = arith.addf %scan3A_636, %get3A_661 : vector<16xf32>
      %get3A_663 = arith.constant 0 : i32
      %get3A_664 = arith.index_cast %get3A_663 : i32 to index
      %get3A_665 = arith.index_cast %scan3A_633 : i32 to index
      %get3A_666 = arith.constant 48 : index
      %get3A_667 = tpu.vector_load %arg6[%get3A_664, %get3A_665, %get3A_666] {strides = array<i32>} : memref<2x160x128xf32, #tpu.memory_space<vmem>>, vector<1x1x16xf32>,
      %get3A_668 = vector.shape_cast %get3A_667 : vector<1x1x16xf32> to vector<16xf32>
      %add3A_669 = arith.addf %scan3A_637, %get3A_668 : vector<16xf32>
      %get3A_670 = arith.constant 0 : i32
      %get3A_671 = arith.index_cast %get3A_670 : i32 to index
      %get3A_672 = arith.index_cast %scan3A_633 : i32 to index
      %get3A_673 = arith.constant 64 : index
      %get3A_674 = tpu.vector_load %arg6[%get3A_671, %get3A_672, %get3A_673] {strides = array<i32>} : memref<2x160x128xf32, #tpu.memory_space<vmem>>, vector<1x1x16xf32>,
      %get3A_675 = vector.shape_cast %get3A_674 : vector<1x1x16xf32> to vector<16xf32>
      %add3A_676 = arith.addf %scan3A_638, %get3A_675 : vector<16xf32>
      %get3A_677 = arith.constant 0 : i32
      %get3A_678 = arith.index_cast %get3A_677 : i32 to index
      %get3A_679 = arith.index_cast %scan3A_633 : i32 to index
      %get3A_680 = arith.constant 80 : index
      %get3A_681 = tpu.vector_load %arg6[%get3A_678, %get3A_679, %get3A_680] {strides = array<i32>} : memref<2x160x128xf32, #tpu.memory_space<vmem>>, vector<1x1x16xf32>,
      %get3A_682 = vector.shape_cast %get3A_681 : vector<1x1x16xf32> to vector<16xf32>
      %add3A_683 = arith.addf %scan3A_639, %get3A_682 : vector<16xf32>
      %get3A_684 = arith.constant 0 : i32
      %get3A_685 = arith.index_cast %get3A_684 : i32 to index
      %get3A_686 = arith.index_cast %scan3A_633 : i32 to index
      %get3A_687 = arith.constant 96 : index
      %get3A_688 = tpu.vector_load %arg6[%get3A_685, %get3A_686, %get3A_687] {strides = array<i32>} : memref<2x160x128xf32, #tpu.memory_space<vmem>>, vector<1x1x16xf32>,
      %get3A_689 = vector.shape_cast %get3A_688 : vector<1x1x16xf32> to vector<16xf32>
      %add3A_690 = arith.addf %scan3A_640, %get3A_689 : vector<16xf32>
      %get3A_691 = arith.constant 0 : i32
      %get3A_692 = arith.index_cast %get3A_691 : i32 to index
      %get3A_693 = arith.index_cast %scan3A_633 : i32 to index
      %get3A_694 = arith.constant 112 : index
      %get3A_695 = tpu.vector_load %arg6[%get3A_692, %get3A_693, %get3A_694] {strides = array<i32>} : memref<2x160x128xf32, #tpu.memory_space<vmem>>, vector<1x1x16xf32>,
      %get3A_696 = vector.shape_cast %get3A_695 : vector<1x1x16xf32> to vector<16xf32>
      %add3A_697 = arith.addf %scan3A_641, %get3A_696 : vector<16xf32>
      scf.yield %add3A_648, %add3A_655, %add3A_662, %add3A_669, %add3A_676, %add3A_683, %add3A_690, %add3A_697 : vector<16xf32>, vector<16xf32>, vector<16xf32>, vector<16xf32>, vector<16xf32>, vector<16xf32>, vector<16xf32>, vector<16xf32>
    }
    %scan3A_412 = arith.constant 160 : i32
    %add3A_413 = arith.constant 160 : i32
    %add3A_414 = arith.addi %mul3A_401, %add3A_413 : i32
    %run_scoped3A_415 = arith.constant 0 : i32
    "tpu.region"() ({
      %run_scoped3A_633 = tpu.sem_alloc : memref<!tpu.dma_semaphore, #tpu.memory_space<semaphore_mem>>
      %dma_start3A_634 = arith.constant 0 : i32
      %dma_start3A_635 = arith.constant 0 : i32
      %dma_start3A_636 = tpu.memref_slice %arg6[%run_scoped3A_415, %dma_start3A_634, %dma_start3A_635] : memref<2x160x128xf32, #tpu.memory_space<vmem>> -> memref<1x160x128xf32, #tpu.memory_space<vmem>>
      %dma_start3A_637 = tpu.memref_squeeze %dma_start3A_636 : memref<1x160x128xf32, #tpu.memory_space<vmem>> -> memref<160x128xf32, #tpu.memory_space<vmem>>
      %dma_start3A_638 = arith.constant 0 : i32
      %dma_start3A_639 = arith.constant 0 : i32
      %dma_start3A_640 = tpu.memref_slice %dma_start3A_637[%dma_start3A_638, %dma_start3A_639] : memref<160x128xf32, #tpu.memory_space<vmem>> -> memref<160x128xf32, #tpu.memory_space<vmem>>
      %dma_start3A_641 = arith.constant 0 : i32
      %dma_start3A_642 = tpu.memref_slice %arg14[%add3A_414, %dma_start3A_641] : memref<10240x128xf32, #tpu.memory_space<vmem_shared>> -> memref<160x128xf32, #tpu.memory_space<vmem_shared>>
      %dma_start3A_643 = arith.constant 0 : i32
      %dma_start3A_644 = arith.constant 0 : i32
      %dma_start3A_645 = tpu.memref_slice %arg6[%run_scoped3A_415, %dma_start3A_643, %dma_start3A_644] : memref<2x160x128xf32, #tpu.memory_space<vmem>> -> memref<1x160x128xf32, #tpu.memory_space<vmem>>
      %dma_start3A_646 = tpu.memref_squeeze %dma_start3A_645 : memref<1x160x128xf32, #tpu.memory_space<vmem>> -> memref<160x128xf32, #tpu.memory_space<vmem>>
      %dma_start3A_647 = arith.constant 0 : i32
      %dma_start3A_648 = arith.constant 0 : i32
      %dma_start3A_649 = tpu.memref_slice %dma_start3A_646[%dma_start3A_647, %dma_start3A_648] : memref<160x128xf32, #tpu.memory_space<vmem>> -> memref<160x128xf32, #tpu.memory_space<vmem>>
      %dma_start3A_650 = arith.constant 0 : i32
      %dma_start3A_651 = tpu.memref_slice %arg14[%add3A_414, %dma_start3A_650] : memref<10240x128xf32, #tpu.memory_space<vmem_shared>> -> memref<160x128xf32, #tpu.memory_space<vmem_shared>>
      tpu.enqueue_dma source(%dma_start3A_651 : memref<160x128xf32, #tpu.memory_space<vmem_shared>>) target(%dma_start3A_649 : memref<160x128xf32, #tpu.memory_space<vmem>>) target_semaphore(%run_scoped3A_633 : memref<!tpu.dma_semaphore, #tpu.memory_space<semaphore_mem>>)
      %dma_wait3A_652 = arith.constant 0 : i32
      %dma_wait3A_653 = arith.constant 0 : i32
      %dma_wait3A_654 = tpu.memref_slice %arg6[%run_scoped3A_415, %dma_wait3A_652, %dma_wait3A_653] : memref<2x160x128xf32, #tpu.memory_space<vmem>> -> memref<1x160x128xf32, #tpu.memory_space<vmem>>
      %dma_wait3A_655 = tpu.memref_squeeze %dma_wait3A_654 : memref<1x160x128xf32, #tpu.memory_space<vmem>> -> memref<160x128xf32, #tpu.memory_space<vmem>>
      %dma_wait3A_656 = arith.constant 0 : i32
      %dma_wait3A_657 = arith.constant 0 : i32
      %dma_wait3A_658 = tpu.memref_slice %dma_wait3A_655[%dma_wait3A_656, %dma_wait3A_657] : memref<160x128xf32, #tpu.memory_space<vmem>> -> memref<160x128xf32, #tpu.memory_space<vmem>>
      %dma_wait3A_659 = arith.constant 0 : i32
      %dma_wait3A_660 = tpu.memref_slice %arg14[%add3A_414, %dma_wait3A_659] : memref<10240x128xf32, #tpu.memory_space<vmem_shared>> -> memref<160x128xf32, #tpu.memory_space<vmem_shared>>
      %dma_wait3A_661 = arith.constant 0 : i32
      %dma_wait3A_662 = arith.constant 0 : i32
      %dma_wait3A_663 = tpu.memref_slice %arg6[%run_scoped3A_415, %dma_wait3A_661, %dma_wait3A_662] : memref<2x160x128xf32, #tpu.memory_space<vmem>> -> memref<1x160x128xf32, #tpu.memory_space<vmem>>
      %dma_wait3A_664 = tpu.memref_squeeze %dma_wait3A_663 : memref<1x160x128xf32, #tpu.memory_space<vmem>> -> memref<160x128xf32, #tpu.memory_space<vmem>>
      %dma_wait3A_665 = arith.constant 0 : i32
      %dma_wait3A_666 = arith.constant 0 : i32
      %dma_wait3A_667 = tpu.memref_slice %dma_wait3A_664[%dma_wait3A_665, %dma_wait3A_666] : memref<160x128xf32, #tpu.memory_space<vmem>> -> memref<160x128xf32, #tpu.memory_space<vmem>>
      %dma_wait3A_668 = arith.constant 0 : i32
      %dma_wait3A_669 = tpu.memref_slice %arg14[%add3A_414, %dma_wait3A_668] : memref<10240x128xf32, #tpu.memory_space<vmem_shared>> -> memref<160x128xf32, #tpu.memory_space<vmem_shared>>
      tpu.wait_dma2 semaphore(%run_scoped3A_633 : memref<!tpu.dma_semaphore, #tpu.memory_space<semaphore_mem>>) src(%dma_wait3A_669 : memref<160x128xf32, #tpu.memory_space<vmem_shared>>) dst(%dma_wait3A_667 : memref<160x128xf32, #tpu.memory_space<vmem>>)
      tpu.yield
    }) : () -> ()
    %scan3A_416 = arith.constant 0 : i32
    %scan3A_417 = arith.constant 160 : i32
    %scan3A_418 = arith.addi %scan3A_416, %scan3A_417 : i32
    %scan3A_419 = arith.constant 1 : i32
    %scan3A_420:8 = scf.for %scan3A_633 = %scan3A_416 to %scan3A_418 step %scan3A_419 iter_args(%scan3A_634 = %scan3A_411#0, %scan3A_635 = %scan3A_411#1, %scan3A_636 = %scan3A_411#2, %scan3A_637 = %scan3A_411#3, %scan3A_638 = %scan3A_411#4, %scan3A_639 = %scan3A_411#5, %scan3A_640 = %scan3A_411#6, %scan3A_641 = %scan3A_411#7) -> (vector<16xf32>, vector<16xf32>, vector<16xf32>, vector<16xf32>, vector<16xf32>, vector<16xf32>, vector<16xf32>, vector<16xf32>)  : i32 {
      %get3A_642 = arith.constant 0 : i32
      %get3A_643 = arith.index_cast %get3A_642 : i32 to index
      %get3A_644 = arith.index_cast %scan3A_633 : i32 to index
      %get3A_645 = arith.constant 0 : index
      %get3A_646 = tpu.vector_load %arg6[%get3A_643, %get3A_644, %get3A_645] {strides = array<i32>} : memref<2x160x128xf32, #tpu.memory_space<vmem>>, vector<1x1x16xf32>,
      %get3A_647 = vector.shape_cast %get3A_646 : vector<1x1x16xf32> to vector<16xf32>
      %add3A_648 = arith.addf %scan3A_634, %get3A_647 : vector<16xf32>
      %get3A_649 = arith.constant 0 : i32
      %get3A_650 = arith.index_cast %get3A_649 : i32 to index
      %get3A_651 = arith.index_cast %scan3A_633 : i32 to index
      %get3A_652 = arith.constant 16 : index
      %get3A_653 = tpu.vector_load %arg6[%get3A_650, %get3A_651, %get3A_652] {strides = array<i32>} : memref<2x160x128xf32, #tpu.memory_space<vmem>>, vector<1x1x16xf32>,
      %get3A_654 = vector.shape_cast %get3A_653 : vector<1x1x16xf32> to vector<16xf32>
      %add3A_655 = arith.addf %scan3A_635, %get3A_654 : vector<16xf32>
      %get3A_656 = arith.constant 0 : i32
      %get3A_657 = arith.index_cast %get3A_656 : i32 to index
      %get3A_658 = arith.index_cast %scan3A_633 : i32 to index
      %get3A_659 = arith.constant 32 : index
      %get3A_660 = tpu.vector_load %arg6[%get3A_657, %get3A_658, %get3A_659] {strides = array<i32>} : memref<2x160x128xf32, #tpu.memory_space<vmem>>, vector<1x1x16xf32>,
      %get3A_661 = vector.shape_cast %get3A_660 : vector<1x1x16xf32> to vector<16xf32>
      %add3A_662 = arith.addf %scan3A_636, %get3A_661 : vector<16xf32>
      %get3A_663 = arith.constant 0 : i32
      %get3A_664 = arith.index_cast %get3A_663 : i32 to index
      %get3A_665 = arith.index_cast %scan3A_633 : i32 to index
      %get3A_666 = arith.constant 48 : index
      %get3A_667 = tpu.vector_load %arg6[%get3A_664, %get3A_665, %get3A_666] {strides = array<i32>} : memref<2x160x128xf32, #tpu.memory_space<vmem>>, vector<1x1x16xf32>,
      %get3A_668 = vector.shape_cast %get3A_667 : vector<1x1x16xf32> to vector<16xf32>
      %add3A_669 = arith.addf %scan3A_637, %get3A_668 : vector<16xf32>
      %get3A_670 = arith.constant 0 : i32
      %get3A_671 = arith.index_cast %get3A_670 : i32 to index
      %get3A_672 = arith.index_cast %scan3A_633 : i32 to index
      %get3A_673 = arith.constant 64 : index
      %get3A_674 = tpu.vector_load %arg6[%get3A_671, %get3A_672, %get3A_673] {strides = array<i32>} : memref<2x160x128xf32, #tpu.memory_space<vmem>>, vector<1x1x16xf32>,
      %get3A_675 = vector.shape_cast %get3A_674 : vector<1x1x16xf32> to vector<16xf32>
      %add3A_676 = arith.addf %scan3A_638, %get3A_675 : vector<16xf32>
      %get3A_677 = arith.constant 0 : i32
      %get3A_678 = arith.index_cast %get3A_677 : i32 to index
      %get3A_679 = arith.index_cast %scan3A_633 : i32 to index
      %get3A_680 = arith.constant 80 : index
      %get3A_681 = tpu.vector_load %arg6[%get3A_678, %get3A_679, %get3A_680] {strides = array<i32>} : memref<2x160x128xf32, #tpu.memory_space<vmem>>, vector<1x1x16xf32>,
      %get3A_682 = vector.shape_cast %get3A_681 : vector<1x1x16xf32> to vector<16xf32>
      %add3A_683 = arith.addf %scan3A_639, %get3A_682 : vector<16xf32>
      %get3A_684 = arith.constant 0 : i32
      %get3A_685 = arith.index_cast %get3A_684 : i32 to index
      %get3A_686 = arith.index_cast %scan3A_633 : i32 to index
      %get3A_687 = arith.constant 96 : index
      %get3A_688 = tpu.vector_load %arg6[%get3A_685, %get3A_686, %get3A_687] {strides = array<i32>} : memref<2x160x128xf32, #tpu.memory_space<vmem>>, vector<1x1x16xf32>,
      %get3A_689 = vector.shape_cast %get3A_688 : vector<1x1x16xf32> to vector<16xf32>
      %add3A_690 = arith.addf %scan3A_640, %get3A_689 : vector<16xf32>
      %get3A_691 = arith.constant 0 : i32
      %get3A_692 = arith.index_cast %get3A_691 : i32 to index
      %get3A_693 = arith.index_cast %scan3A_633 : i32 to index
      %get3A_694 = arith.constant 112 : index
      %get3A_695 = tpu.vector_load %arg6[%get3A_692, %get3A_693, %get3A_694] {strides = array<i32>} : memref<2x160x128xf32, #tpu.memory_space<vmem>>, vector<1x1x16xf32>,
      %get3A_696 = vector.shape_cast %get3A_695 : vector<1x1x16xf32> to vector<16xf32>
      %add3A_697 = arith.addf %scan3A_641, %get3A_696 : vector<16xf32>
      scf.yield %add3A_648, %add3A_655, %add3A_662, %add3A_669, %add3A_676, %add3A_683, %add3A_690, %add3A_697 : vector<16xf32>, vector<16xf32>, vector<16xf32>, vector<16xf32>, vector<16xf32>, vector<16xf32>, vector<16xf32>, vector<16xf32>
    }
    %scan3A_421 = arith.constant 160 : i32
    %add3A_422 = arith.constant 320 : i32
    %add3A_423 = arith.addi %mul3A_401, %add3A_422 : i32
    %run_scoped3A_424 = arith.constant 0 : i32
    "tpu.region"() ({
      %run_scoped3A_633 = tpu.sem_alloc : memref<!tpu.dma_semaphore, #tpu.memory_space<semaphore_mem>>
      %dma_start3A_634 = arith.constant 0 : i32
      %dma_start3A_635 = arith.constant 0 : i32
      %dma_start3A_636 = tpu.memref_slice %arg6[%run_scoped3A_424, %dma_start3A_634, %dma_start3A_635] : memref<2x160x128xf32, #tpu.memory_space<vmem>> -> memref<1x160x128xf32, #tpu.memory_space<vmem>>
      %dma_start3A_637 = tpu.memref_squeeze %dma_start3A_636 : memref<1x160x128xf32, #tpu.memory_space<vmem>> -> memref<160x128xf32, #tpu.memory_space<vmem>>
      %dma_start3A_638 = arith.constant 0 : i32
      %dma_start3A_639 = arith.constant 0 : i32
      %dma_start3A_640 = tpu.memref_slice %dma_start3A_637[%dma_start3A_638, %dma_start3A_639] : memref<160x128xf32, #tpu.memory_space<vmem>> -> memref<160x128xf32, #tpu.memory_space<vmem>>
      %dma_start3A_641 = arith.constant 0 : i32
      %dma_start3A_642 = tpu.memref_slice %arg14[%add3A_423, %dma_start3A_641] : memref<10240x128xf32, #tpu.memory_space<vmem_shared>> -> memref<160x128xf32, #tpu.memory_space<vmem_shared>>
      %dma_start3A_643 = arith.constant 0 : i32
      %dma_start3A_644 = arith.constant 0 : i32
      %dma_start3A_645 = tpu.memref_slice %arg6[%run_scoped3A_424, %dma_start3A_643, %dma_start3A_644] : memref<2x160x128xf32, #tpu.memory_space<vmem>> -> memref<1x160x128xf32, #tpu.memory_space<vmem>>
      %dma_start3A_646 = tpu.memref_squeeze %dma_start3A_645 : memref<1x160x128xf32, #tpu.memory_space<vmem>> -> memref<160x128xf32, #tpu.memory_space<vmem>>
      %dma_start3A_647 = arith.constant 0 : i32
      %dma_start3A_648 = arith.constant 0 : i32
      %dma_start3A_649 = tpu.memref_slice %dma_start3A_646[%dma_start3A_647, %dma_start3A_648] : memref<160x128xf32, #tpu.memory_space<vmem>> -> memref<160x128xf32, #tpu.memory_space<vmem>>
      %dma_start3A_650 = arith.constant 0 : i32
      %dma_start3A_651 = tpu.memref_slice %arg14[%add3A_423, %dma_start3A_650] : memref<10240x128xf32, #tpu.memory_space<vmem_shared>> -> memref<160x128xf32, #tpu.memory_space<vmem_shared>>
      tpu.enqueue_dma source(%dma_start3A_651 : memref<160x128xf32, #tpu.memory_space<vmem_shared>>) target(%dma_start3A_649 : memref<160x128xf32, #tpu.memory_space<vmem>>) target_semaphore(%run_scoped3A_633 : memref<!tpu.dma_semaphore, #tpu.memory_space<semaphore_mem>>)
      %dma_wait3A_652 = arith.constant 0 : i32
      %dma_wait3A_653 = arith.constant 0 : i32
      %dma_wait3A_654 = tpu.memref_slice %arg6[%run_scoped3A_424, %dma_wait3A_652, %dma_wait3A_653] : memref<2x160x128xf32, #tpu.memory_space<vmem>> -> memref<1x160x128xf32, #tpu.memory_space<vmem>>
      %dma_wait3A_655 = tpu.memref_squeeze %dma_wait3A_654 : memref<1x160x128xf32, #tpu.memory_space<vmem>> -> memref<160x128xf32, #tpu.memory_space<vmem>>
      %dma_wait3A_656 = arith.constant 0 : i32
      %dma_wait3A_657 = arith.constant 0 : i32
      %dma_wait3A_658 = tpu.memref_slice %dma_wait3A_655[%dma_wait3A_656, %dma_wait3A_657] : memref<160x128xf32, #tpu.memory_space<vmem>> -> memref<160x128xf32, #tpu.memory_space<vmem>>
      %dma_wait3A_659 = arith.constant 0 : i32
      %dma_wait3A_660 = tpu.memref_slice %arg14[%add3A_423, %dma_wait3A_659] : memref<10240x128xf32, #tpu.memory_space<vmem_shared>> -> memref<160x128xf32, #tpu.memory_space<vmem_shared>>
      %dma_wait3A_661 = arith.constant 0 : i32
      %dma_wait3A_662 = arith.constant 0 : i32
      %dma_wait3A_663 = tpu.memref_slice %arg6[%run_scoped3A_424, %dma_wait3A_661, %dma_wait3A_662] : memref<2x160x128xf32, #tpu.memory_space<vmem>> -> memref<1x160x128xf32, #tpu.memory_space<vmem>>
      %dma_wait3A_664 = tpu.memref_squeeze %dma_wait3A_663 : memref<1x160x128xf32, #tpu.memory_space<vmem>> -> memref<160x128xf32, #tpu.memory_space<vmem>>
      %dma_wait3A_665 = arith.constant 0 : i32
      %dma_wait3A_666 = arith.constant 0 : i32
      %dma_wait3A_667 = tpu.memref_slice %dma_wait3A_664[%dma_wait3A_665, %dma_wait3A_666] : memref<160x128xf32, #tpu.memory_space<vmem>> -> memref<160x128xf32, #tpu.memory_space<vmem>>
      %dma_wait3A_668 = arith.constant 0 : i32
      %dma_wait3A_669 = tpu.memref_slice %arg14[%add3A_423, %dma_wait3A_668] : memref<10240x128xf32, #tpu.memory_space<vmem_shared>> -> memref<160x128xf32, #tpu.memory_space<vmem_shared>>
      tpu.wait_dma2 semaphore(%run_scoped3A_633 : memref<!tpu.dma_semaphore, #tpu.memory_space<semaphore_mem>>) src(%dma_wait3A_669 : memref<160x128xf32, #tpu.memory_space<vmem_shared>>) dst(%dma_wait3A_667 : memref<160x128xf32, #tpu.memory_space<vmem>>)
      tpu.yield
    }) : () -> ()
    %scan3A_425 = arith.constant 0 : i32
    %scan3A_426 = arith.constant 160 : i32
    %scan3A_427 = arith.addi %scan3A_425, %scan3A_426 : i32
    %scan3A_428 = arith.constant 1 : i32
    %scan3A_429:8 = scf.for %scan3A_633 = %scan3A_425 to %scan3A_427 step %scan3A_428 iter_args(%scan3A_634 = %scan3A_420#0, %scan3A_635 = %scan3A_420#1, %scan3A_636 = %scan3A_420#2, %scan3A_637 = %scan3A_420#3, %scan3A_638 = %scan3A_420#4, %scan3A_639 = %scan3A_420#5, %scan3A_640 = %scan3A_420#6, %scan3A_641 = %scan3A_420#7) -> (vector<16xf32>, vector<16xf32>, vector<16xf32>, vector<16xf32>, vector<16xf32>, vector<16xf32>, vector<16xf32>, vector<16xf32>)  : i32 {
      %get3A_642 = arith.constant 0 : i32
      %get3A_643 = arith.index_cast %get3A_642 : i32 to index
      %get3A_644 = arith.index_cast %scan3A_633 : i32 to index
      %get3A_645 = arith.constant 0 : index
      %get3A_646 = tpu.vector_load %arg6[%get3A_643, %get3A_644, %get3A_645] {strides = array<i32>} : memref<2x160x128xf32, #tpu.memory_space<vmem>>, vector<1x1x16xf32>,
      %get3A_647 = vector.shape_cast %get3A_646 : vector<1x1x16xf32> to vector<16xf32>
      %add3A_648 = arith.addf %scan3A_634, %get3A_647 : vector<16xf32>
      %get3A_649 = arith.constant 0 : i32
      %get3A_650 = arith.index_cast %get3A_649 : i32 to index
      %get3A_651 = arith.index_cast %scan3A_633 : i32 to index
      %get3A_652 = arith.constant 16 : index
      %get3A_653 = tpu.vector_load %arg6[%get3A_650, %get3A_651, %get3A_652] {strides = array<i32>} : memref<2x160x128xf32, #tpu.memory_space<vmem>>, vector<1x1x16xf32>,
      %get3A_654 = vector.shape_cast %get3A_653 : vector<1x1x16xf32> to vector<16xf32>
      %add3A_655 = arith.addf %scan3A_635, %get3A_654 : vector<16xf32>
      %get3A_656 = arith.constant 0 : i32
      %get3A_657 = arith.index_cast %get3A_656 : i32 to index
      %get3A_658 = arith.index_cast %scan3A_633 : i32 to index
      %get3A_659 = arith.constant 32 : index
      %get3A_660 = tpu.vector_load %arg6[%get3A_657, %get3A_658, %get3A_659] {strides = array<i32>} : memref<2x160x128xf32, #tpu.memory_space<vmem>>, vector<1x1x16xf32>,
      %get3A_661 = vector.shape_cast %get3A_660 : vector<1x1x16xf32> to vector<16xf32>
      %add3A_662 = arith.addf %scan3A_636, %get3A_661 : vector<16xf32>
      %get3A_663 = arith.constant 0 : i32
      %get3A_664 = arith.index_cast %get3A_663 : i32 to index
      %get3A_665 = arith.index_cast %scan3A_633 : i32 to index
      %get3A_666 = arith.constant 48 : index
      %get3A_667 = tpu.vector_load %arg6[%get3A_664, %get3A_665, %get3A_666] {strides = array<i32>} : memref<2x160x128xf32, #tpu.memory_space<vmem>>, vector<1x1x16xf32>,
      %get3A_668 = vector.shape_cast %get3A_667 : vector<1x1x16xf32> to vector<16xf32>
      %add3A_669 = arith.addf %scan3A_637, %get3A_668 : vector<16xf32>
      %get3A_670 = arith.constant 0 : i32
      %get3A_671 = arith.index_cast %get3A_670 : i32 to index
      %get3A_672 = arith.index_cast %scan3A_633 : i32 to index
      %get3A_673 = arith.constant 64 : index
      %get3A_674 = tpu.vector_load %arg6[%get3A_671, %get3A_672, %get3A_673] {strides = array<i32>} : memref<2x160x128xf32, #tpu.memory_space<vmem>>, vector<1x1x16xf32>,
      %get3A_675 = vector.shape_cast %get3A_674 : vector<1x1x16xf32> to vector<16xf32>
      %add3A_676 = arith.addf %scan3A_638, %get3A_675 : vector<16xf32>
      %get3A_677 = arith.constant 0 : i32
      %get3A_678 = arith.index_cast %get3A_677 : i32 to index
      %get3A_679 = arith.index_cast %scan3A_633 : i32 to index
      %get3A_680 = arith.constant 80 : index
      %get3A_681 = tpu.vector_load %arg6[%get3A_678, %get3A_679, %get3A_680] {strides = array<i32>} : memref<2x160x128xf32, #tpu.memory_space<vmem>>, vector<1x1x16xf32>,
      %get3A_682 = vector.shape_cast %get3A_681 : vector<1x1x16xf32> to vector<16xf32>
      %add3A_683 = arith.addf %scan3A_639, %get3A_682 : vector<16xf32>
      %get3A_684 = arith.constant 0 : i32
      %get3A_685 = arith.index_cast %get3A_684 : i32 to index
      %get3A_686 = arith.index_cast %scan3A_633 : i32 to index
      %get3A_687 = arith.constant 96 : index
      %get3A_688 = tpu.vector_load %arg6[%get3A_685, %get3A_686, %get3A_687] {strides = array<i32>} : memref<2x160x128xf32, #tpu.memory_space<vmem>>, vector<1x1x16xf32>,
      %get3A_689 = vector.shape_cast %get3A_688 : vector<1x1x16xf32> to vector<16xf32>
      %add3A_690 = arith.addf %scan3A_640, %get3A_689 : vector<16xf32>
      %get3A_691 = arith.constant 0 : i32
      %get3A_692 = arith.index_cast %get3A_691 : i32 to index
      %get3A_693 = arith.index_cast %scan3A_633 : i32 to index
      %get3A_694 = arith.constant 112 : index
      %get3A_695 = tpu.vector_load %arg6[%get3A_692, %get3A_693, %get3A_694] {strides = array<i32>} : memref<2x160x128xf32, #tpu.memory_space<vmem>>, vector<1x1x16xf32>,
      %get3A_696 = vector.shape_cast %get3A_695 : vector<1x1x16xf32> to vector<16xf32>
      %add3A_697 = arith.addf %scan3A_641, %get3A_696 : vector<16xf32>
      scf.yield %add3A_648, %add3A_655, %add3A_662, %add3A_669, %add3A_676, %add3A_683, %add3A_690, %add3A_697 : vector<16xf32>, vector<16xf32>, vector<16xf32>, vector<16xf32>, vector<16xf32>, vector<16xf32>, vector<16xf32>, vector<16xf32>
    }
    %scan3A_430 = arith.constant 160 : i32
    %add3A_431 = arith.constant 480 : i32
    %add3A_432 = arith.addi %mul3A_401, %add3A_431 : i32
    %run_scoped3A_433 = arith.constant 0 : i32
    "tpu.region"() ({
      %run_scoped3A_633 = tpu.sem_alloc : memref<!tpu.dma_semaphore, #tpu.memory_space<semaphore_mem>>
      %dma_start3A_634 = arith.constant 0 : i32
      %dma_start3A_635 = arith.constant 0 : i32
      %dma_start3A_636 = tpu.memref_slice %arg6[%run_scoped3A_433, %dma_start3A_634, %dma_start3A_635] : memref<2x160x128xf32, #tpu.memory_space<vmem>> -> memref<1x160x128xf32, #tpu.memory_space<vmem>>
      %dma_start3A_637 = tpu.memref_squeeze %dma_start3A_636 : memref<1x160x128xf32, #tpu.memory_space<vmem>> -> memref<160x128xf32, #tpu.memory_space<vmem>>
      %dma_start3A_638 = arith.constant 0 : i32
      %dma_start3A_639 = arith.constant 0 : i32
      %dma_start3A_640 = tpu.memref_slice %dma_start3A_637[%dma_start3A_638, %dma_start3A_639] : memref<160x128xf32, #tpu.memory_space<vmem>> -> memref<145x128xf32, #tpu.memory_space<vmem>>
      %dma_start3A_641 = arith.constant 0 : i32
      %dma_start3A_642 = tpu.memref_slice %arg14[%add3A_432, %dma_start3A_641] : memref<10240x128xf32, #tpu.memory_space<vmem_shared>> -> memref<145x128xf32, #tpu.memory_space<vmem_shared>>
      %dma_start3A_643 = arith.constant 0 : i32
      %dma_start3A_644 = arith.constant 0 : i32
      %dma_start3A_645 = tpu.memref_slice %arg6[%run_scoped3A_433, %dma_start3A_643, %dma_start3A_644] : memref<2x160x128xf32, #tpu.memory_space<vmem>> -> memref<1x160x128xf32, #tpu.memory_space<vmem>>
      %dma_start3A_646 = tpu.memref_squeeze %dma_start3A_645 : memref<1x160x128xf32, #tpu.memory_space<vmem>> -> memref<160x128xf32, #tpu.memory_space<vmem>>
      %dma_start3A_647 = arith.constant 0 : i32
      %dma_start3A_648 = arith.constant 0 : i32
      %dma_start3A_649 = tpu.memref_slice %dma_start3A_646[%dma_start3A_647, %dma_start3A_648] : memref<160x128xf32, #tpu.memory_space<vmem>> -> memref<145x128xf32, #tpu.memory_space<vmem>>
      %dma_start3A_650 = arith.constant 0 : i32
      %dma_start3A_651 = tpu.memref_slice %arg14[%add3A_432, %dma_start3A_650] : memref<10240x128xf32, #tpu.memory_space<vmem_shared>> -> memref<145x128xf32, #tpu.memory_space<vmem_shared>>
      tpu.enqueue_dma source(%dma_start3A_651 : memref<145x128xf32, #tpu.memory_space<vmem_shared>>) target(%dma_start3A_649 : memref<145x128xf32, #tpu.memory_space<vmem>>) target_semaphore(%run_scoped3A_633 : memref<!tpu.dma_semaphore, #tpu.memory_space<semaphore_mem>>)
      %dma_wait3A_652 = arith.constant 0 : i32
      %dma_wait3A_653 = arith.constant 0 : i32
      %dma_wait3A_654 = tpu.memref_slice %arg6[%run_scoped3A_433, %dma_wait3A_652, %dma_wait3A_653] : memref<2x160x128xf32, #tpu.memory_space<vmem>> -> memref<1x160x128xf32, #tpu.memory_space<vmem>>
      %dma_wait3A_655 = tpu.memref_squeeze %dma_wait3A_654 : memref<1x160x128xf32, #tpu.memory_space<vmem>> -> memref<160x128xf32, #tpu.memory_space<vmem>>
      %dma_wait3A_656 = arith.constant 0 : i32
      %dma_wait3A_657 = arith.constant 0 : i32
      %dma_wait3A_658 = tpu.memref_slice %dma_wait3A_655[%dma_wait3A_656, %dma_wait3A_657] : memref<160x128xf32, #tpu.memory_space<vmem>> -> memref<145x128xf32, #tpu.memory_space<vmem>>
      %dma_wait3A_659 = arith.constant 0 : i32
      %dma_wait3A_660 = tpu.memref_slice %arg14[%add3A_432, %dma_wait3A_659] : memref<10240x128xf32, #tpu.memory_space<vmem_shared>> -> memref<145x128xf32, #tpu.memory_space<vmem_shared>>
      %dma_wait3A_661 = arith.constant 0 : i32
      %dma_wait3A_662 = arith.constant 0 : i32
      %dma_wait3A_663 = tpu.memref_slice %arg6[%run_scoped3A_433, %dma_wait3A_661, %dma_wait3A_662] : memref<2x160x128xf32, #tpu.memory_space<vmem>> -> memref<1x160x128xf32, #tpu.memory_space<vmem>>
      %dma_wait3A_664 = tpu.memref_squeeze %dma_wait3A_663 : memref<1x160x128xf32, #tpu.memory_space<vmem>> -> memref<160x128xf32, #tpu.memory_space<vmem>>
      %dma_wait3A_665 = arith.constant 0 : i32
      %dma_wait3A_666 = arith.constant 0 : i32
      %dma_wait3A_667 = tpu.memref_slice %dma_wait3A_664[%dma_wait3A_665, %dma_wait3A_666] : memref<160x128xf32, #tpu.memory_space<vmem>> -> memref<145x128xf32, #tpu.memory_space<vmem>>
      %dma_wait3A_668 = arith.constant 0 : i32
      %dma_wait3A_669 = tpu.memref_slice %arg14[%add3A_432, %dma_wait3A_668] : memref<10240x128xf32, #tpu.memory_space<vmem_shared>> -> memref<145x128xf32, #tpu.memory_space<vmem_shared>>
      tpu.wait_dma2 semaphore(%run_scoped3A_633 : memref<!tpu.dma_semaphore, #tpu.memory_space<semaphore_mem>>) src(%dma_wait3A_669 : memref<145x128xf32, #tpu.memory_space<vmem_shared>>) dst(%dma_wait3A_667 : memref<145x128xf32, #tpu.memory_space<vmem>>)
      tpu.yield
    }) : () -> ()
    %scan3A_434 = arith.constant 0 : i32
    %scan3A_435 = arith.constant 145 : i32
    %scan3A_436 = arith.addi %scan3A_434, %scan3A_435 : i32
    %scan3A_437 = arith.constant 1 : i32
    %scan3A_438:8 = scf.for %scan3A_633 = %scan3A_434 to %scan3A_436 step %scan3A_437 iter_args(%scan3A_634 = %scan3A_429#0, %scan3A_635 = %scan3A_429#1, %scan3A_636 = %scan3A_429#2, %scan3A_637 = %scan3A_429#3, %scan3A_638 = %scan3A_429#4, %scan3A_639 = %scan3A_429#5, %scan3A_640 = %scan3A_429#6, %scan3A_641 = %scan3A_429#7) -> (vector<16xf32>, vector<16xf32>, vector<16xf32>, vector<16xf32>, vector<16xf32>, vector<16xf32>, vector<16xf32>, vector<16xf32>)  : i32 {
      %get3A_642 = arith.constant 0 : i32
      %get3A_643 = arith.index_cast %get3A_642 : i32 to index
      %get3A_644 = arith.index_cast %scan3A_633 : i32 to index
      %get3A_645 = arith.constant 0 : index
      %get3A_646 = tpu.vector_load %arg6[%get3A_643, %get3A_644, %get3A_645] {strides = array<i32>} : memref<2x160x128xf32, #tpu.memory_space<vmem>>, vector<1x1x16xf32>,
      %get3A_647 = vector.shape_cast %get3A_646 : vector<1x1x16xf32> to vector<16xf32>
      %add3A_648 = arith.addf %scan3A_634, %get3A_647 : vector<16xf32>
      %get3A_649 = arith.constant 0 : i32
      %get3A_650 = arith.index_cast %get3A_649 : i32 to index
      %get3A_651 = arith.index_cast %scan3A_633 : i32 to index
      %get3A_652 = arith.constant 16 : index
      %get3A_653 = tpu.vector_load %arg6[%get3A_650, %get3A_651, %get3A_652] {strides = array<i32>} : memref<2x160x128xf32, #tpu.memory_space<vmem>>, vector<1x1x16xf32>,
      %get3A_654 = vector.shape_cast %get3A_653 : vector<1x1x16xf32> to vector<16xf32>
      %add3A_655 = arith.addf %scan3A_635, %get3A_654 : vector<16xf32>
      %get3A_656 = arith.constant 0 : i32
      %get3A_657 = arith.index_cast %get3A_656 : i32 to index
      %get3A_658 = arith.index_cast %scan3A_633 : i32 to index
      %get3A_659 = arith.constant 32 : index
      %get3A_660 = tpu.vector_load %arg6[%get3A_657, %get3A_658, %get3A_659] {strides = array<i32>} : memref<2x160x128xf32, #tpu.memory_space<vmem>>, vector<1x1x16xf32>,
      %get3A_661 = vector.shape_cast %get3A_660 : vector<1x1x16xf32> to vector<16xf32>
      %add3A_662 = arith.addf %scan3A_636, %get3A_661 : vector<16xf32>
      %get3A_663 = arith.constant 0 : i32
      %get3A_664 = arith.index_cast %get3A_663 : i32 to index
      %get3A_665 = arith.index_cast %scan3A_633 : i32 to index
      %get3A_666 = arith.constant 48 : index
      %get3A_667 = tpu.vector_load %arg6[%get3A_664, %get3A_665, %get3A_666] {strides = array<i32>} : memref<2x160x128xf32, #tpu.memory_space<vmem>>, vector<1x1x16xf32>,
      %get3A_668 = vector.shape_cast %get3A_667 : vector<1x1x16xf32> to vector<16xf32>
      %add3A_669 = arith.addf %scan3A_637, %get3A_668 : vector<16xf32>
      %get3A_670 = arith.constant 0 : i32
      %get3A_671 = arith.index_cast %get3A_670 : i32 to index
      %get3A_672 = arith.index_cast %scan3A_633 : i32 to index
      %get3A_673 = arith.constant 64 : index
      %get3A_674 = tpu.vector_load %arg6[%get3A_671, %get3A_672, %get3A_673] {strides = array<i32>} : memref<2x160x128xf32, #tpu.memory_space<vmem>>, vector<1x1x16xf32>,
      %get3A_675 = vector.shape_cast %get3A_674 : vector<1x1x16xf32> to vector<16xf32>
      %add3A_676 = arith.addf %scan3A_638, %get3A_675 : vector<16xf32>
      %get3A_677 = arith.constant 0 : i32
      %get3A_678 = arith.index_cast %get3A_677 : i32 to index
      %get3A_679 = arith.index_cast %scan3A_633 : i32 to index
      %get3A_680 = arith.constant 80 : index
      %get3A_681 = tpu.vector_load %arg6[%get3A_678, %get3A_679, %get3A_680] {strides = array<i32>} : memref<2x160x128xf32, #tpu.memory_space<vmem>>, vector<1x1x16xf32>,
      %get3A_682 = vector.shape_cast %get3A_681 : vector<1x1x16xf32> to vector<16xf32>
      %add3A_683 = arith.addf %scan3A_639, %get3A_682 : vector<16xf32>
      %get3A_684 = arith.constant 0 : i32
      %get3A_685 = arith.index_cast %get3A_684 : i32 to index
      %get3A_686 = arith.index_cast %scan3A_633 : i32 to index
      %get3A_687 = arith.constant 96 : index
      %get3A_688 = tpu.vector_load %arg6[%get3A_685, %get3A_686, %get3A_687] {strides = array<i32>} : memref<2x160x128xf32, #tpu.memory_space<vmem>>, vector<1x1x16xf32>,
      %get3A_689 = vector.shape_cast %get3A_688 : vector<1x1x16xf32> to vector<16xf32>
      %add3A_690 = arith.addf %scan3A_640, %get3A_689 : vector<16xf32>
      %get3A_691 = arith.constant 0 : i32
      %get3A_692 = arith.index_cast %get3A_691 : i32 to index
      %get3A_693 = arith.index_cast %scan3A_633 : i32 to index
      %get3A_694 = arith.constant 112 : index
      %get3A_695 = tpu.vector_load %arg6[%get3A_692, %get3A_693, %get3A_694] {strides = array<i32>} : memref<2x160x128xf32, #tpu.memory_space<vmem>>, vector<1x1x16xf32>,
      %get3A_696 = vector.shape_cast %get3A_695 : vector<1x1x16xf32> to vector<16xf32>
      %add3A_697 = arith.addf %scan3A_641, %get3A_696 : vector<16xf32>
      scf.yield %add3A_648, %add3A_655, %add3A_662, %add3A_669, %add3A_676, %add3A_683, %add3A_690, %add3A_697 : vector<16xf32>, vector<16xf32>, vector<16xf32>, vector<16xf32>, vector<16xf32>, vector<16xf32>, vector<16xf32>, vector<16xf32>
    }
    %scan3A_439 = arith.constant 145 : i32
    %scan3A_440 = arith.constant 0 : i32
    %scan3A_441 = arith.constant 0 : i32
    %scan3A_442 = arith.constant 16 : i32
    %scan3A_443 = arith.addi %scan3A_441, %scan3A_442 : i32
    %scan3A_444 = arith.constant 1 : i32
    scf.for %scan3A_633 = %scan3A_441 to %scan3A_443 step %scan3A_444  : i32 {
      %broadcast_in_dim3A_634 = arith.constant 0.000000e+00 : f32
      %broadcast_in_dim3A_635 = vector.broadcast %broadcast_in_dim3A_634 : f32 to vector<16xf32>
      %swap3A_636 = arith.index_cast %scan3A_633 : i32 to index
      %swap3A_637 = arith.constant 0 : index
      %swap3A_638 = tpu.vector_load %arg11[%swap3A_636, %swap3A_637] {strides = array<i32>} : memref<16x128xf32, #tpu.memory_space<vmem>>, vector<1x16xf32>,
      %swap3A_639 = vector.shape_cast %swap3A_638 : vector<1x16xf32> to vector<16xf32>
      %swap3A_640 = vector.shape_cast %broadcast_in_dim3A_635 : vector<16xf32> to vector<1x16xf32>
      tpu.vector_store %arg11[%swap3A_636, %swap3A_637], %swap3A_640 {strides = array<i32>} : memref<16x128xf32, #tpu.memory_space<vmem>>, vector<1x16xf32>,
      %broadcast_in_dim3A_641 = arith.constant 0.000000e+00 : f32
      %broadcast_in_dim3A_642 = vector.broadcast %broadcast_in_dim3A_641 : f32 to vector<16xf32>
      %swap3A_643 = arith.index_cast %scan3A_633 : i32 to index
      %swap3A_644 = arith.constant 16 : index
      %swap3A_645 = tpu.vector_load %arg11[%swap3A_643, %swap3A_644] {strides = array<i32>} : memref<16x128xf32, #tpu.memory_space<vmem>>, vector<1x16xf32>,
      %swap3A_646 = vector.shape_cast %swap3A_645 : vector<1x16xf32> to vector<16xf32>
      %swap3A_647 = vector.shape_cast %broadcast_in_dim3A_642 : vector<16xf32> to vector<1x16xf32>
      tpu.vector_store %arg11[%swap3A_643, %swap3A_644], %swap3A_647 {strides = array<i32>} : memref<16x128xf32, #tpu.memory_space<vmem>>, vector<1x16xf32>,
      %broadcast_in_dim3A_648 = arith.constant 0.000000e+00 : f32
      %broadcast_in_dim3A_649 = vector.broadcast %broadcast_in_dim3A_648 : f32 to vector<16xf32>
      %swap3A_650 = arith.index_cast %scan3A_633 : i32 to index
      %swap3A_651 = arith.constant 32 : index
      %swap3A_652 = tpu.vector_load %arg11[%swap3A_650, %swap3A_651] {strides = array<i32>} : memref<16x128xf32, #tpu.memory_space<vmem>>, vector<1x16xf32>,
      %swap3A_653 = vector.shape_cast %swap3A_652 : vector<1x16xf32> to vector<16xf32>
      %swap3A_654 = vector.shape_cast %broadcast_in_dim3A_649 : vector<16xf32> to vector<1x16xf32>
      tpu.vector_store %arg11[%swap3A_650, %swap3A_651], %swap3A_654 {strides = array<i32>} : memref<16x128xf32, #tpu.memory_space<vmem>>, vector<1x16xf32>,
      %broadcast_in_dim3A_655 = arith.constant 0.000000e+00 : f32
      %broadcast_in_dim3A_656 = vector.broadcast %broadcast_in_dim3A_655 : f32 to vector<16xf32>
      %swap3A_657 = arith.index_cast %scan3A_633 : i32 to index
      %swap3A_658 = arith.constant 48 : index
      %swap3A_659 = tpu.vector_load %arg11[%swap3A_657, %swap3A_658] {strides = array<i32>} : memref<16x128xf32, #tpu.memory_space<vmem>>, vector<1x16xf32>,
      %swap3A_660 = vector.shape_cast %swap3A_659 : vector<1x16xf32> to vector<16xf32>
      %swap3A_661 = vector.shape_cast %broadcast_in_dim3A_656 : vector<16xf32> to vector<1x16xf32>
      tpu.vector_store %arg11[%swap3A_657, %swap3A_658], %swap3A_661 {strides = array<i32>} : memref<16x128xf32, #tpu.memory_space<vmem>>, vector<1x16xf32>,
      %broadcast_in_dim3A_662 = arith.constant 0.000000e+00 : f32
      %broadcast_in_dim3A_663 = vector.broadcast %broadcast_in_dim3A_662 : f32 to vector<16xf32>
      %swap3A_664 = arith.index_cast %scan3A_633 : i32 to index
      %swap3A_665 = arith.constant 64 : index
      %swap3A_666 = tpu.vector_load %arg11[%swap3A_664, %swap3A_665] {strides = array<i32>} : memref<16x128xf32, #tpu.memory_space<vmem>>, vector<1x16xf32>,
      %swap3A_667 = vector.shape_cast %swap3A_666 : vector<1x16xf32> to vector<16xf32>
      %swap3A_668 = vector.shape_cast %broadcast_in_dim3A_663 : vector<16xf32> to vector<1x16xf32>
      tpu.vector_store %arg11[%swap3A_664, %swap3A_665], %swap3A_668 {strides = array<i32>} : memref<16x128xf32, #tpu.memory_space<vmem>>, vector<1x16xf32>,
      %broadcast_in_dim3A_669 = arith.constant 0.000000e+00 : f32
      %broadcast_in_dim3A_670 = vector.broadcast %broadcast_in_dim3A_669 : f32 to vector<16xf32>
      %swap3A_671 = arith.index_cast %scan3A_633 : i32 to index
      %swap3A_672 = arith.constant 80 : index
      %swap3A_673 = tpu.vector_load %arg11[%swap3A_671, %swap3A_672] {strides = array<i32>} : memref<16x128xf32, #tpu.memory_space<vmem>>, vector<1x16xf32>,
      %swap3A_674 = vector.shape_cast %swap3A_673 : vector<1x16xf32> to vector<16xf32>
      %swap3A_675 = vector.shape_cast %broadcast_in_dim3A_670 : vector<16xf32> to vector<1x16xf32>
      tpu.vector_store %arg11[%swap3A_671, %swap3A_672], %swap3A_675 {strides = array<i32>} : memref<16x128xf32, #tpu.memory_space<vmem>>, vector<1x16xf32>,
      %broadcast_in_dim3A_676 = arith.constant 0.000000e+00 : f32
      %broadcast_in_dim3A_677 = vector.broadcast %broadcast_in_dim3A_676 : f32 to vector<16xf32>
      %swap3A_678 = arith.index_cast %scan3A_633 : i32 to index
      %swap3A_679 = arith.constant 96 : index
      %swap3A_680 = tpu.vector_load %arg11[%swap3A_678, %swap3A_679] {strides = array<i32>} : memref<16x128xf32, #tpu.memory_space<vmem>>, vector<1x16xf32>,
      %swap3A_681 = vector.shape_cast %swap3A_680 : vector<1x16xf32> to vector<16xf32>
      %swap3A_682 = vector.shape_cast %broadcast_in_dim3A_677 : vector<16xf32> to vector<1x16xf32>
      tpu.vector_store %arg11[%swap3A_678, %swap3A_679], %swap3A_682 {strides = array<i32>} : memref<16x128xf32, #tpu.memory_space<vmem>>, vector<1x16xf32>,
      %broadcast_in_dim3A_683 = arith.constant 0.000000e+00 : f32
      %broadcast_in_dim3A_684 = vector.broadcast %broadcast_in_dim3A_683 : f32 to vector<16xf32>
      %swap3A_685 = arith.index_cast %scan3A_633 : i32 to index
      %swap3A_686 = arith.constant 112 : index
      %swap3A_687 = tpu.vector_load %arg11[%swap3A_685, %swap3A_686] {strides = array<i32>} : memref<16x128xf32, #tpu.memory_space<vmem>>, vector<1x16xf32>,
      %swap3A_688 = vector.shape_cast %swap3A_687 : vector<1x16xf32> to vector<16xf32>
      %swap3A_689 = vector.shape_cast %broadcast_in_dim3A_684 : vector<16xf32> to vector<1x16xf32>
      tpu.vector_store %arg11[%swap3A_685, %swap3A_686], %swap3A_689 {strides = array<i32>} : memref<16x128xf32, #tpu.memory_space<vmem>>, vector<1x16xf32>,
    }
    %scan3A_445 = arith.constant 16 : i32
    %swap3A_446 = arith.constant 0 : i32
    %swap3A_447 = arith.index_cast %swap3A_446 : i32 to index
    %swap3A_448 = arith.constant 0 : index
    %swap3A_449 = tpu.vector_load %arg11[%swap3A_447, %swap3A_448] {strides = array<i32>} : memref<16x128xf32, #tpu.memory_space<vmem>>, vector<1x16xf32>,
    %swap3A_450 = vector.shape_cast %swap3A_449 : vector<1x16xf32> to vector<16xf32>
    %swap3A_451 = vector.shape_cast %scan3A_438#0 : vector<16xf32> to vector<1x16xf32>
    tpu.vector_store %arg11[%swap3A_447, %swap3A_448], %swap3A_451 {strides = array<i32>} : memref<16x128xf32, #tpu.memory_space<vmem>>, vector<1x16xf32>,
    %swap3A_452 = arith.constant 0 : i32
    %swap3A_453 = arith.index_cast %swap3A_452 : i32 to index
    %swap3A_454 = arith.constant 16 : index
    %swap3A_455 = tpu.vector_load %arg11[%swap3A_453, %swap3A_454] {strides = array<i32>} : memref<16x128xf32, #tpu.memory_space<vmem>>, vector<1x16xf32>,
    %swap3A_456 = vector.shape_cast %swap3A_455 : vector<1x16xf32> to vector<16xf32>
    %swap3A_457 = vector.shape_cast %scan3A_438#1 : vector<16xf32> to vector<1x16xf32>
    tpu.vector_store %arg11[%swap3A_453, %swap3A_454], %swap3A_457 {strides = array<i32>} : memref<16x128xf32, #tpu.memory_space<vmem>>, vector<1x16xf32>,
    %swap3A_458 = arith.constant 0 : i32
    %swap3A_459 = arith.index_cast %swap3A_458 : i32 to index
    %swap3A_460 = arith.constant 32 : index
    %swap3A_461 = tpu.vector_load %arg11[%swap3A_459, %swap3A_460] {strides = array<i32>} : memref<16x128xf32, #tpu.memory_space<vmem>>, vector<1x16xf32>,
    %swap3A_462 = vector.shape_cast %swap3A_461 : vector<1x16xf32> to vector<16xf32>
    %swap3A_463 = vector.shape_cast %scan3A_438#2 : vector<16xf32> to vector<1x16xf32>
    tpu.vector_store %arg11[%swap3A_459, %swap3A_460], %swap3A_463 {strides = array<i32>} : memref<16x128xf32, #tpu.memory_space<vmem>>, vector<1x16xf32>,
    %swap3A_464 = arith.constant 0 : i32
    %swap3A_465 = arith.index_cast %swap3A_464 : i32 to index
    %swap3A_466 = arith.constant 48 : index
    %swap3A_467 = tpu.vector_load %arg11[%swap3A_465, %swap3A_466] {strides = array<i32>} : memref<16x128xf32, #tpu.memory_space<vmem>>, vector<1x16xf32>,
    %swap3A_468 = vector.shape_cast %swap3A_467 : vector<1x16xf32> to vector<16xf32>
    %swap3A_469 = vector.shape_cast %scan3A_438#3 : vector<16xf32> to vector<1x16xf32>
    tpu.vector_store %arg11[%swap3A_465, %swap3A_466], %swap3A_469 {strides = array<i32>} : memref<16x128xf32, #tpu.memory_space<vmem>>, vector<1x16xf32>,
    %swap3A_470 = arith.constant 0 : i32
    %swap3A_471 = arith.index_cast %swap3A_470 : i32 to index
    %swap3A_472 = arith.constant 64 : index
    %swap3A_473 = tpu.vector_load %arg11[%swap3A_471, %swap3A_472] {strides = array<i32>} : memref<16x128xf32, #tpu.memory_space<vmem>>, vector<1x16xf32>,
    %swap3A_474 = vector.shape_cast %swap3A_473 : vector<1x16xf32> to vector<16xf32>
    %swap3A_475 = vector.shape_cast %scan3A_438#4 : vector<16xf32> to vector<1x16xf32>
    tpu.vector_store %arg11[%swap3A_471, %swap3A_472], %swap3A_475 {strides = array<i32>} : memref<16x128xf32, #tpu.memory_space<vmem>>, vector<1x16xf32>,
    %swap3A_476 = arith.constant 0 : i32
    %swap3A_477 = arith.index_cast %swap3A_476 : i32 to index
    %swap3A_478 = arith.constant 80 : index
    %swap3A_479 = tpu.vector_load %arg11[%swap3A_477, %swap3A_478] {strides = array<i32>} : memref<16x128xf32, #tpu.memory_space<vmem>>, vector<1x16xf32>,
    %swap3A_480 = vector.shape_cast %swap3A_479 : vector<1x16xf32> to vector<16xf32>
    %swap3A_481 = vector.shape_cast %scan3A_438#5 : vector<16xf32> to vector<1x16xf32>
    tpu.vector_store %arg11[%swap3A_477, %swap3A_478], %swap3A_481 {strides = array<i32>} : memref<16x128xf32, #tpu.memory_space<vmem>>, vector<1x16xf32>,
    %swap3A_482 = arith.constant 0 : i32
    %swap3A_483 = arith.index_cast %swap3A_482 : i32 to index
    %swap3A_484 = arith.constant 96 : index
    %swap3A_485 = tpu.vector_load %arg11[%swap3A_483, %swap3A_484] {strides = array<i32>} : memref<16x128xf32, #tpu.memory_space<vmem>>, vector<1x16xf32>,
    %swap3A_486 = vector.shape_cast %swap3A_485 : vector<1x16xf32> to vector<16xf32>
    %swap3A_487 = vector.shape_cast %scan3A_438#6 : vector<16xf32> to vector<1x16xf32>
    tpu.vector_store %arg11[%swap3A_483, %swap3A_484], %swap3A_487 {strides = array<i32>} : memref<16x128xf32, #tpu.memory_space<vmem>>, vector<1x16xf32>,
    %swap3A_488 = arith.constant 0 : i32
    %swap3A_489 = arith.index_cast %swap3A_488 : i32 to index
    %swap3A_490 = arith.constant 112 : index
    %swap3A_491 = tpu.vector_load %arg11[%swap3A_489, %swap3A_490] {strides = array<i32>} : memref<16x128xf32, #tpu.memory_space<vmem>>, vector<1x16xf32>,
    %swap3A_492 = vector.shape_cast %swap3A_491 : vector<1x16xf32> to vector<16xf32>
    %swap3A_493 = vector.shape_cast %scan3A_438#7 : vector<16xf32> to vector<1x16xf32>
    tpu.vector_store %arg11[%swap3A_489, %swap3A_490], %swap3A_493 {strides = array<i32>} : memref<16x128xf32, #tpu.memory_space<vmem>>, vector<1x16xf32>,
    %add3A_494 = arith.constant 10000 : i32
    %add3A_495 = vector.broadcast %add3A_494 : i32 to vector<16xi32>
    %add3A_496 = arith.addi %iota3A, %add3A_495 : vector<16xi32>
    %swap3A_497 = arith.constant 0 : index
    %swap3A_498 = tpu.vector_load %arg12[%swap3A_497] {strides = array<i32>} : memref<16xi32, #tpu.memory_space<vmem>>, vector<16xi32>,
    %swap3A_499 = vector.shape_cast %swap3A_498 : vector<16xi32> to vector<16xi32>
    %swap3A_500 = vector.shape_cast %add3A_496 : vector<16xi32> to vector<16xi32>
    tpu.vector_store %arg12[%swap3A_497], %swap3A_500 {strides = array<i32>} : memref<16xi32, #tpu.memory_space<vmem>>, vector<16xi32>,
    "tpu.region"() ({
      %run_scoped3A_633 = tpu.sem_alloc : memref<!tpu.dma_semaphore, #tpu.memory_space<semaphore_mem>>
      %dma_start3A_634 = arith.constant 0 : i32
      %dma_start3A_635 = arith.constant 0 : i32
      %dma_start3A_636 = tpu.memref_slice %arg14[%dma_start3A_634, %dma_start3A_635] : memref<10240x128xf32, #tpu.memory_space<vmem_shared>> -> memref<10240x128xf32, #tpu.memory_space<vmem_shared>>
      tpu.enqueue_indirect_dma source(%arg11 : memref<16x128xf32, #tpu.memory_space<vmem>>) target(%dma_start3A_636 : memref<10240x128xf32, #tpu.memory_space<vmem_shared>>) offsets(%arg12 : memref<16xi32, #tpu.memory_space<vmem>>) semaphore(%run_scoped3A_633 : memref<!tpu.dma_semaphore, #tpu.memory_space<semaphore_mem>>) {add = true}
      %dma_wait3A_637 = arith.constant 0 : i32
      %dma_wait3A_638 = arith.constant 0 : i32
      %dma_wait3A_639 = tpu.memref_slice %arg14[%dma_wait3A_637, %dma_wait3A_638] : memref<10240x128xf32, #tpu.memory_space<vmem_shared>> -> memref<10240x128xf32, #tpu.memory_space<vmem_shared>>
      tpu.wait_indirect_dma semaphore(%run_scoped3A_633 : memref<!tpu.dma_semaphore, #tpu.memory_space<semaphore_mem>>) src(%arg11 : memref<16x128xf32, #tpu.memory_space<vmem>>) dst(%dma_wait3A_639 : memref<10240x128xf32, #tpu.memory_space<vmem_shared>>)
      tpu.yield
    }) : () -> ()
    "tpu.region"() ({
      %run_scoped3A_633 = tpu.sem_alloc : memref<!tpu.dma_semaphore, #tpu.memory_space<semaphore_mem>>
      %dma_start3A_634 = arith.constant 10048 : i32
      %dma_start3A_635 = arith.constant 0 : i32
      %dma_start3A_636 = tpu.memref_slice %arg14[%dma_start3A_634, %dma_start3A_635] : memref<10240x128xf32, #tpu.memory_space<vmem_shared>> -> memref<16x128xf32, #tpu.memory_space<vmem_shared>>
      %dma_start3A_637 = arith.constant 10048 : i32
      %dma_start3A_638 = arith.constant 0 : i32
      %dma_start3A_639 = tpu.memref_slice %arg14[%dma_start3A_637, %dma_start3A_638] : memref<10240x128xf32, #tpu.memory_space<vmem_shared>> -> memref<16x128xf32, #tpu.memory_space<vmem_shared>>
      tpu.enqueue_dma source(%dma_start3A_639 : memref<16x128xf32, #tpu.memory_space<vmem_shared>>) target(%arg11 : memref<16x128xf32, #tpu.memory_space<vmem>>) target_semaphore(%run_scoped3A_633 : memref<!tpu.dma_semaphore, #tpu.memory_space<semaphore_mem>>)
      %dma_wait3A_640 = arith.constant 10048 : i32
      %dma_wait3A_641 = arith.constant 0 : i32
      %dma_wait3A_642 = tpu.memref_slice %arg14[%dma_wait3A_640, %dma_wait3A_641] : memref<10240x128xf32, #tpu.memory_space<vmem_shared>> -> memref<16x128xf32, #tpu.memory_space<vmem_shared>>
      %dma_wait3A_643 = arith.constant 10048 : i32
      %dma_wait3A_644 = arith.constant 0 : i32
      %dma_wait3A_645 = tpu.memref_slice %arg14[%dma_wait3A_643, %dma_wait3A_644] : memref<10240x128xf32, #tpu.memory_space<vmem_shared>> -> memref<16x128xf32, #tpu.memory_space<vmem_shared>>
      tpu.wait_dma2 semaphore(%run_scoped3A_633 : memref<!tpu.dma_semaphore, #tpu.memory_space<semaphore_mem>>) src(%dma_wait3A_645 : memref<16x128xf32, #tpu.memory_space<vmem_shared>>) dst(%arg11 : memref<16x128xf32, #tpu.memory_space<vmem>>)
      tpu.yield
    }) : () -> ()
    %get3A_501 = arith.constant 0 : i32
    %get3A_502 = arith.index_cast %get3A_501 : i32 to index
    %get3A_503 = arith.constant 0 : index
    %get3A_504 = tpu.vector_load %arg11[%get3A_502, %get3A_503] {strides = array<i32>} : memref<16x128xf32, #tpu.memory_space<vmem>>, vector<1x16xf32>,
    %get3A_505 = vector.shape_cast %get3A_504 : vector<1x16xf32> to vector<16xf32>
    %slice3A = vector.extract_strided_slice %get3A_505 {offsets = [0], sizes = [1], strides = [1]} : vector<16xf32> to vector<1xf32>
    %squeeze3A = vector.extract %slice3A[0] : f32 from vector<1xf32>
    %slice3A_506 = vector.extract_strided_slice %get3A_505 {offsets = [1], sizes = [1], strides = [1]} : vector<16xf32> to vector<1xf32>
    %squeeze3A_507 = vector.extract %slice3A_506[0] : f32 from vector<1xf32>
    %add3A_508 = arith.addf %squeeze3A, %squeeze3A_507 : f32
    %slice3A_509 = vector.extract_strided_slice %get3A_505 {offsets = [2], sizes = [1], strides = [1]} : vector<16xf32> to vector<1xf32>
    %squeeze3A_510 = vector.extract %slice3A_509[0] : f32 from vector<1xf32>
    %add3A_511 = arith.addf %add3A_508, %squeeze3A_510 : f32
    %slice3A_512 = vector.extract_strided_slice %get3A_505 {offsets = [3], sizes = [1], strides = [1]} : vector<16xf32> to vector<1xf32>
    %squeeze3A_513 = vector.extract %slice3A_512[0] : f32 from vector<1xf32>
    %add3A_514 = arith.addf %add3A_511, %squeeze3A_513 : f32
    %slice3A_515 = vector.extract_strided_slice %get3A_505 {offsets = [4], sizes = [1], strides = [1]} : vector<16xf32> to vector<1xf32>
    %squeeze3A_516 = vector.extract %slice3A_515[0] : f32 from vector<1xf32>
    %add3A_517 = arith.addf %add3A_514, %squeeze3A_516 : f32
    %slice3A_518 = vector.extract_strided_slice %get3A_505 {offsets = [5], sizes = [1], strides = [1]} : vector<16xf32> to vector<1xf32>
    %squeeze3A_519 = vector.extract %slice3A_518[0] : f32 from vector<1xf32>
    %add3A_520 = arith.addf %add3A_517, %squeeze3A_519 : f32
    %slice3A_521 = vector.extract_strided_slice %get3A_505 {offsets = [6], sizes = [1], strides = [1]} : vector<16xf32> to vector<1xf32>
    %squeeze3A_522 = vector.extract %slice3A_521[0] : f32 from vector<1xf32>
    %add3A_523 = arith.addf %add3A_520, %squeeze3A_522 : f32
    %slice3A_524 = vector.extract_strided_slice %get3A_505 {offsets = [7], sizes = [1], strides = [1]} : vector<16xf32> to vector<1xf32>
    %squeeze3A_525 = vector.extract %slice3A_524[0] : f32 from vector<1xf32>
    %add3A_526 = arith.addf %add3A_523, %squeeze3A_525 : f32
    %slice3A_527 = vector.extract_strided_slice %get3A_505 {offsets = [8], sizes = [1], strides = [1]} : vector<16xf32> to vector<1xf32>
    %squeeze3A_528 = vector.extract %slice3A_527[0] : f32 from vector<1xf32>
    %add3A_529 = arith.addf %add3A_526, %squeeze3A_528 : f32
    %slice3A_530 = vector.extract_strided_slice %get3A_505 {offsets = [9], sizes = [1], strides = [1]} : vector<16xf32> to vector<1xf32>
    %squeeze3A_531 = vector.extract %slice3A_530[0] : f32 from vector<1xf32>
    %add3A_532 = arith.addf %add3A_529, %squeeze3A_531 : f32
    %slice3A_533 = vector.extract_strided_slice %get3A_505 {offsets = [10], sizes = [1], strides = [1]} : vector<16xf32> to vector<1xf32>
    %squeeze3A_534 = vector.extract %slice3A_533[0] : f32 from vector<1xf32>
    %add3A_535 = arith.addf %add3A_532, %squeeze3A_534 : f32
    %slice3A_536 = vector.extract_strided_slice %get3A_505 {offsets = [11], sizes = [1], strides = [1]} : vector<16xf32> to vector<1xf32>
    %squeeze3A_537 = vector.extract %slice3A_536[0] : f32 from vector<1xf32>
    %add3A_538 = arith.addf %add3A_535, %squeeze3A_537 : f32
    %slice3A_539 = vector.extract_strided_slice %get3A_505 {offsets = [12], sizes = [1], strides = [1]} : vector<16xf32> to vector<1xf32>
    %squeeze3A_540 = vector.extract %slice3A_539[0] : f32 from vector<1xf32>
    %add3A_541 = arith.addf %add3A_538, %squeeze3A_540 : f32
    %slice3A_542 = vector.extract_strided_slice %get3A_505 {offsets = [13], sizes = [1], strides = [1]} : vector<16xf32> to vector<1xf32>
    %squeeze3A_543 = vector.extract %slice3A_542[0] : f32 from vector<1xf32>
    %add3A_544 = arith.addf %add3A_541, %squeeze3A_543 : f32
    %slice3A_545 = vector.extract_strided_slice %get3A_505 {offsets = [14], sizes = [1], strides = [1]} : vector<16xf32> to vector<1xf32>
    %squeeze3A_546 = vector.extract %slice3A_545[0] : f32 from vector<1xf32>
    %add3A_547 = arith.addf %add3A_544, %squeeze3A_546 : f32
    %slice3A_548 = vector.extract_strided_slice %get3A_505 {offsets = [15], sizes = [1], strides = [1]} : vector<16xf32> to vector<1xf32>
    %squeeze3A_549 = vector.extract %slice3A_548[0] : f32 from vector<1xf32>
    %add3A_550 = arith.addf %add3A_547, %squeeze3A_549 : f32
    %ne3A = arith.constant 0.000000e+00 : f32
    %ne3A_551 = arith.cmpf one, %add3A_550, %ne3A : f32
    %barrier3A_552 = arith.constant 0 : index
    tpu.barrier barrier_id(%barrier3A_552)
    %add3A_553 = arith.constant 0 : i32
    %add3A_554 = arith.addi %mul3A_0, %add3A_553 : i32
    %run_scoped3A_555 = arith.constant 0 : i32
    "tpu.region"() ({
      %run_scoped3A_633 = tpu.sem_alloc : memref<!tpu.dma_semaphore, #tpu.memory_space<semaphore_mem>>
      %dma_start3A_634 = arith.constant 0 : i32
      %dma_start3A_635 = arith.constant 0 : i32
      %dma_start3A_636 = tpu.memref_slice %arg6[%run_scoped3A_555, %dma_start3A_634, %dma_start3A_635] : memref<2x160x128xf32, #tpu.memory_space<vmem>> -> memref<1x160x128xf32, #tpu.memory_space<vmem>>
      %dma_start3A_637 = tpu.memref_squeeze %dma_start3A_636 : memref<1x160x128xf32, #tpu.memory_space<vmem>> -> memref<160x128xf32, #tpu.memory_space<vmem>>
      %dma_start3A_638 = arith.constant 0 : i32
      %dma_start3A_639 = tpu.memref_slice %arg14[%add3A_554, %dma_start3A_638] : memref<10240x128xf32, #tpu.memory_space<vmem_shared>> -> memref<160x128xf32, #tpu.memory_space<vmem_shared>>
      %dma_start3A_640 = arith.constant 0 : i32
      %dma_start3A_641 = arith.constant 0 : i32
      %dma_start3A_642 = tpu.memref_slice %arg6[%run_scoped3A_555, %dma_start3A_640, %dma_start3A_641] : memref<2x160x128xf32, #tpu.memory_space<vmem>> -> memref<1x160x128xf32, #tpu.memory_space<vmem>>
      %dma_start3A_643 = tpu.memref_squeeze %dma_start3A_642 : memref<1x160x128xf32, #tpu.memory_space<vmem>> -> memref<160x128xf32, #tpu.memory_space<vmem>>
      %dma_start3A_644 = arith.constant 0 : i32
      %dma_start3A_645 = tpu.memref_slice %arg14[%add3A_554, %dma_start3A_644] : memref<10240x128xf32, #tpu.memory_space<vmem_shared>> -> memref<160x128xf32, #tpu.memory_space<vmem_shared>>
      tpu.enqueue_dma source(%dma_start3A_645 : memref<160x128xf32, #tpu.memory_space<vmem_shared>>) target(%dma_start3A_643 : memref<160x128xf32, #tpu.memory_space<vmem>>) target_semaphore(%run_scoped3A_633 : memref<!tpu.dma_semaphore, #tpu.memory_space<semaphore_mem>>)
      %dma_wait3A_646 = arith.constant 0 : i32
      %dma_wait3A_647 = arith.constant 0 : i32
      %dma_wait3A_648 = tpu.memref_slice %arg6[%run_scoped3A_555, %dma_wait3A_646, %dma_wait3A_647] : memref<2x160x128xf32, #tpu.memory_space<vmem>> -> memref<1x160x128xf32, #tpu.memory_space<vmem>>
      %dma_wait3A_649 = tpu.memref_squeeze %dma_wait3A_648 : memref<1x160x128xf32, #tpu.memory_space<vmem>> -> memref<160x128xf32, #tpu.memory_space<vmem>>
      %dma_wait3A_650 = arith.constant 0 : i32
      %dma_wait3A_651 = tpu.memref_slice %arg14[%add3A_554, %dma_wait3A_650] : memref<10240x128xf32, #tpu.memory_space<vmem_shared>> -> memref<160x128xf32, #tpu.memory_space<vmem_shared>>
      %dma_wait3A_652 = arith.constant 0 : i32
      %dma_wait3A_653 = arith.constant 0 : i32
      %dma_wait3A_654 = tpu.memref_slice %arg6[%run_scoped3A_555, %dma_wait3A_652, %dma_wait3A_653] : memref<2x160x128xf32, #tpu.memory_space<vmem>> -> memref<1x160x128xf32, #tpu.memory_space<vmem>>
      %dma_wait3A_655 = tpu.memref_squeeze %dma_wait3A_654 : memref<1x160x128xf32, #tpu.memory_space<vmem>> -> memref<160x128xf32, #tpu.memory_space<vmem>>
      %dma_wait3A_656 = arith.constant 0 : i32
      %dma_wait3A_657 = tpu.memref_slice %arg14[%add3A_554, %dma_wait3A_656] : memref<10240x128xf32, #tpu.memory_space<vmem_shared>> -> memref<160x128xf32, #tpu.memory_space<vmem_shared>>
      tpu.wait_dma2 semaphore(%run_scoped3A_633 : memref<!tpu.dma_semaphore, #tpu.memory_space<semaphore_mem>>) src(%dma_wait3A_657 : memref<160x128xf32, #tpu.memory_space<vmem_shared>>) dst(%dma_wait3A_655 : memref<160x128xf32, #tpu.memory_space<vmem>>)
      tpu.yield
    }) : () -> ()
    %add3A_556 = arith.constant 0 : i32
    %add3A_557 = arith.addi %add3A_556, %mul3A_0 : i32
    %add3A_558 = arith.constant 0 : i32
    %add3A_559 = arith.addi %add3A_557, %add3A_558 : i32
    %run_scoped3A_560 = arith.constant 0 : i32
    "tpu.region"() ({
      %run_scoped3A_633 = tpu.sem_alloc : memref<!tpu.dma_semaphore, #tpu.memory_space<semaphore_mem>>
      %dma_start3A_634 = arith.constant 0 : i32
      %dma_start3A_635 = arith.constant 0 : i32
      %dma_start3A_636 = tpu.memref_slice %arg6[%run_scoped3A_560, %dma_start3A_634, %dma_start3A_635] : memref<2x160x128xf32, #tpu.memory_space<vmem>> -> memref<1x160x128xf32, #tpu.memory_space<vmem>>
      %dma_start3A_637 = tpu.memref_squeeze %dma_start3A_636 : memref<1x160x128xf32, #tpu.memory_space<vmem>> -> memref<160x128xf32, #tpu.memory_space<vmem>>
      %dma_start3A_638 = arith.constant 0 : i32
      %dma_start3A_639 = tpu.memref_slice %arg5[%arg0, %add3A_559, %dma_start3A_638] : memref<2x18000x128xf32, #tpu.memory_space<hbm>> -> memref<1x160x128xf32, #tpu.memory_space<hbm>>
      %dma_start3A_640 = tpu.memref_squeeze %dma_start3A_639 : memref<1x160x128xf32, #tpu.memory_space<hbm>> -> memref<160x128xf32, #tpu.memory_space<hbm>>
      %dma_start3A_641 = arith.constant 0 : i32
      %dma_start3A_642 = tpu.memref_slice %arg5[%arg0, %add3A_559, %dma_start3A_641] : memref<2x18000x128xf32, #tpu.memory_space<hbm>> -> memref<1x160x128xf32, #tpu.memory_space<hbm>>
      %dma_start3A_643 = tpu.memref_squeeze %dma_start3A_642 : memref<1x160x128xf32, #tpu.memory_space<hbm>> -> memref<160x128xf32, #tpu.memory_space<hbm>>
      %dma_start3A_644 = arith.constant 0 : i32
      %dma_start3A_645 = arith.constant 0 : i32
      %dma_start3A_646 = tpu.memref_slice %arg6[%run_scoped3A_560, %dma_start3A_644, %dma_start3A_645] : memref<2x160x128xf32, #tpu.memory_space<vmem>> -> memref<1x160x128xf32, #tpu.memory_space<vmem>>
      %dma_start3A_647 = tpu.memref_squeeze %dma_start3A_646 : memref<1x160x128xf32, #tpu.memory_space<vmem>> -> memref<160x128xf32, #tpu.memory_space<vmem>>
      tpu.enqueue_dma source(%dma_start3A_647 : memref<160x128xf32, #tpu.memory_space<vmem>>) target(%dma_start3A_643 : memref<160x128xf32, #tpu.memory_space<hbm>>) target_semaphore(%run_scoped3A_633 : memref<!tpu.dma_semaphore, #tpu.memory_space<semaphore_mem>>)
      %dma_wait3A_648 = arith.constant 0 : i32
      %dma_wait3A_649 = arith.constant 0 : i32
      %dma_wait3A_650 = tpu.memref_slice %arg6[%run_scoped3A_560, %dma_wait3A_648, %dma_wait3A_649] : memref<2x160x128xf32, #tpu.memory_space<vmem>> -> memref<1x160x128xf32, #tpu.memory_space<vmem>>
      %dma_wait3A_651 = tpu.memref_squeeze %dma_wait3A_650 : memref<1x160x128xf32, #tpu.memory_space<vmem>> -> memref<160x128xf32, #tpu.memory_space<vmem>>
      %dma_wait3A_652 = arith.constant 0 : i32
      %dma_wait3A_653 = tpu.memref_slice %arg5[%arg0, %add3A_559, %dma_wait3A_652] : memref<2x18000x128xf32, #tpu.memory_space<hbm>> -> memref<1x160x128xf32, #tpu.memory_space<hbm>>
      %dma_wait3A_654 = tpu.memref_squeeze %dma_wait3A_653 : memref<1x160x128xf32, #tpu.memory_space<hbm>> -> memref<160x128xf32, #tpu.memory_space<hbm>>
      %dma_wait3A_655 = arith.constant 0 : i32
      %dma_wait3A_656 = tpu.memref_slice %arg5[%arg0, %add3A_559, %dma_wait3A_655] : memref<2x18000x128xf32, #tpu.memory_space<hbm>> -> memref<1x160x128xf32, #tpu.memory_space<hbm>>
      %dma_wait3A_657 = tpu.memref_squeeze %dma_wait3A_656 : memref<1x160x128xf32, #tpu.memory_space<hbm>> -> memref<160x128xf32, #tpu.memory_space<hbm>>
      %dma_wait3A_658 = arith.constant 0 : i32
      %dma_wait3A_659 = arith.constant 0 : i32
      %dma_wait3A_660 = tpu.memref_slice %arg6[%run_scoped3A_560, %dma_wait3A_658, %dma_wait3A_659] : memref<2x160x128xf32, #tpu.memory_space<vmem>> -> memref<1x160x128xf32, #tpu.memory_space<vmem>>
      %dma_wait3A_661 = tpu.memref_squeeze %dma_wait3A_660 : memref<1x160x128xf32, #tpu.memory_space<vmem>> -> memref<160x128xf32, #tpu.memory_space<vmem>>
      tpu.wait_dma2 semaphore(%run_scoped3A_633 : memref<!tpu.dma_semaphore, #tpu.memory_space<semaphore_mem>>) src(%dma_wait3A_661 : memref<160x128xf32, #tpu.memory_space<vmem>>) dst(%dma_wait3A_657 : memref<160x128xf32, #tpu.memory_space<hbm>>)
      tpu.yield
    }) : () -> ()
    %add3A_561 = arith.constant 160 : i32
    %add3A_562 = arith.addi %mul3A_0, %add3A_561 : i32
    %run_scoped3A_563 = arith.constant 0 : i32
    "tpu.region"() ({
      %run_scoped3A_633 = tpu.sem_alloc : memref<!tpu.dma_semaphore, #tpu.memory_space<semaphore_mem>>
      %dma_start3A_634 = arith.constant 0 : i32
      %dma_start3A_635 = arith.constant 0 : i32
      %dma_start3A_636 = tpu.memref_slice %arg6[%run_scoped3A_563, %dma_start3A_634, %dma_start3A_635] : memref<2x160x128xf32, #tpu.memory_space<vmem>> -> memref<1x160x128xf32, #tpu.memory_space<vmem>>
      %dma_start3A_637 = tpu.memref_squeeze %dma_start3A_636 : memref<1x160x128xf32, #tpu.memory_space<vmem>> -> memref<160x128xf32, #tpu.memory_space<vmem>>
      %dma_start3A_638 = arith.constant 0 : i32
      %dma_start3A_639 = tpu.memref_slice %arg14[%add3A_562, %dma_start3A_638] : memref<10240x128xf32, #tpu.memory_space<vmem_shared>> -> memref<160x128xf32, #tpu.memory_space<vmem_shared>>
      %dma_start3A_640 = arith.constant 0 : i32
      %dma_start3A_641 = arith.constant 0 : i32
      %dma_start3A_642 = tpu.memref_slice %arg6[%run_scoped3A_563, %dma_start3A_640, %dma_start3A_641] : memref<2x160x128xf32, #tpu.memory_space<vmem>> -> memref<1x160x128xf32, #tpu.memory_space<vmem>>
      %dma_start3A_643 = tpu.memref_squeeze %dma_start3A_642 : memref<1x160x128xf32, #tpu.memory_space<vmem>> -> memref<160x128xf32, #tpu.memory_space<vmem>>
      %dma_start3A_644 = arith.constant 0 : i32
      %dma_start3A_645 = tpu.memref_slice %arg14[%add3A_562, %dma_start3A_644] : memref<10240x128xf32, #tpu.memory_space<vmem_shared>> -> memref<160x128xf32, #tpu.memory_space<vmem_shared>>
      tpu.enqueue_dma source(%dma_start3A_645 : memref<160x128xf32, #tpu.memory_space<vmem_shared>>) target(%dma_start3A_643 : memref<160x128xf32, #tpu.memory_space<vmem>>) target_semaphore(%run_scoped3A_633 : memref<!tpu.dma_semaphore, #tpu.memory_space<semaphore_mem>>)
      %dma_wait3A_646 = arith.constant 0 : i32
      %dma_wait3A_647 = arith.constant 0 : i32
      %dma_wait3A_648 = tpu.memref_slice %arg6[%run_scoped3A_563, %dma_wait3A_646, %dma_wait3A_647] : memref<2x160x128xf32, #tpu.memory_space<vmem>> -> memref<1x160x128xf32, #tpu.memory_space<vmem>>
      %dma_wait3A_649 = tpu.memref_squeeze %dma_wait3A_648 : memref<1x160x128xf32, #tpu.memory_space<vmem>> -> memref<160x128xf32, #tpu.memory_space<vmem>>
      %dma_wait3A_650 = arith.constant 0 : i32
      %dma_wait3A_651 = tpu.memref_slice %arg14[%add3A_562, %dma_wait3A_650] : memref<10240x128xf32, #tpu.memory_space<vmem_shared>> -> memref<160x128xf32, #tpu.memory_space<vmem_shared>>
      %dma_wait3A_652 = arith.constant 0 : i32
      %dma_wait3A_653 = arith.constant 0 : i32
      %dma_wait3A_654 = tpu.memref_slice %arg6[%run_scoped3A_563, %dma_wait3A_652, %dma_wait3A_653] : memref<2x160x128xf32, #tpu.memory_space<vmem>> -> memref<1x160x128xf32, #tpu.memory_space<vmem>>
      %dma_wait3A_655 = tpu.memref_squeeze %dma_wait3A_654 : memref<1x160x128xf32, #tpu.memory_space<vmem>> -> memref<160x128xf32, #tpu.memory_space<vmem>>
      %dma_wait3A_656 = arith.constant 0 : i32
      %dma_wait3A_657 = tpu.memref_slice %arg14[%add3A_562, %dma_wait3A_656] : memref<10240x128xf32, #tpu.memory_space<vmem_shared>> -> memref<160x128xf32, #tpu.memory_space<vmem_shared>>
      tpu.wait_dma2 semaphore(%run_scoped3A_633 : memref<!tpu.dma_semaphore, #tpu.memory_space<semaphore_mem>>) src(%dma_wait3A_657 : memref<160x128xf32, #tpu.memory_space<vmem_shared>>) dst(%dma_wait3A_655 : memref<160x128xf32, #tpu.memory_space<vmem>>)
      tpu.yield
    }) : () -> ()
    %add3A_564 = arith.constant 0 : i32
    %add3A_565 = arith.addi %add3A_564, %mul3A_0 : i32
    %add3A_566 = arith.constant 160 : i32
    %add3A_567 = arith.addi %add3A_565, %add3A_566 : i32
    %run_scoped3A_568 = arith.constant 0 : i32
    "tpu.region"() ({
      %run_scoped3A_633 = tpu.sem_alloc : memref<!tpu.dma_semaphore, #tpu.memory_space<semaphore_mem>>
      %dma_start3A_634 = arith.constant 0 : i32
      %dma_start3A_635 = arith.constant 0 : i32
      %dma_start3A_636 = tpu.memref_slice %arg6[%run_scoped3A_568, %dma_start3A_634, %dma_start3A_635] : memref<2x160x128xf32, #tpu.memory_space<vmem>> -> memref<1x160x128xf32, #tpu.memory_space<vmem>>
      %dma_start3A_637 = tpu.memref_squeeze %dma_start3A_636 : memref<1x160x128xf32, #tpu.memory_space<vmem>> -> memref<160x128xf32, #tpu.memory_space<vmem>>
      %dma_start3A_638 = arith.constant 0 : i32
      %dma_start3A_639 = tpu.memref_slice %arg5[%arg0, %add3A_567, %dma_start3A_638] : memref<2x18000x128xf32, #tpu.memory_space<hbm>> -> memref<1x160x128xf32, #tpu.memory_space<hbm>>
      %dma_start3A_640 = tpu.memref_squeeze %dma_start3A_639 : memref<1x160x128xf32, #tpu.memory_space<hbm>> -> memref<160x128xf32, #tpu.memory_space<hbm>>
      %dma_start3A_641 = arith.constant 0 : i32
      %dma_start3A_642 = tpu.memref_slice %arg5[%arg0, %add3A_567, %dma_start3A_641] : memref<2x18000x128xf32, #tpu.memory_space<hbm>> -> memref<1x160x128xf32, #tpu.memory_space<hbm>>
      %dma_start3A_643 = tpu.memref_squeeze %dma_start3A_642 : memref<1x160x128xf32, #tpu.memory_space<hbm>> -> memref<160x128xf32, #tpu.memory_space<hbm>>
      %dma_start3A_644 = arith.constant 0 : i32
      %dma_start3A_645 = arith.constant 0 : i32
      %dma_start3A_646 = tpu.memref_slice %arg6[%run_scoped3A_568, %dma_start3A_644, %dma_start3A_645] : memref<2x160x128xf32, #tpu.memory_space<vmem>> -> memref<1x160x128xf32, #tpu.memory_space<vmem>>
      %dma_start3A_647 = tpu.memref_squeeze %dma_start3A_646 : memref<1x160x128xf32, #tpu.memory_space<vmem>> -> memref<160x128xf32, #tpu.memory_space<vmem>>
      tpu.enqueue_dma source(%dma_start3A_647 : memref<160x128xf32, #tpu.memory_space<vmem>>) target(%dma_start3A_643 : memref<160x128xf32, #tpu.memory_space<hbm>>) target_semaphore(%run_scoped3A_633 : memref<!tpu.dma_semaphore, #tpu.memory_space<semaphore_mem>>)
      %dma_wait3A_648 = arith.constant 0 : i32
      %dma_wait3A_649 = arith.constant 0 : i32
      %dma_wait3A_650 = tpu.memref_slice %arg6[%run_scoped3A_568, %dma_wait3A_648, %dma_wait3A_649] : memref<2x160x128xf32, #tpu.memory_space<vmem>> -> memref<1x160x128xf32, #tpu.memory_space<vmem>>
      %dma_wait3A_651 = tpu.memref_squeeze %dma_wait3A_650 : memref<1x160x128xf32, #tpu.memory_space<vmem>> -> memref<160x128xf32, #tpu.memory_space<vmem>>
      %dma_wait3A_652 = arith.constant 0 : i32
      %dma_wait3A_653 = tpu.memref_slice %arg5[%arg0, %add3A_567, %dma_wait3A_652] : memref<2x18000x128xf32, #tpu.memory_space<hbm>> -> memref<1x160x128xf32, #tpu.memory_space<hbm>>
      %dma_wait3A_654 = tpu.memref_squeeze %dma_wait3A_653 : memref<1x160x128xf32, #tpu.memory_space<hbm>> -> memref<160x128xf32, #tpu.memory_space<hbm>>
      %dma_wait3A_655 = arith.constant 0 : i32
      %dma_wait3A_656 = tpu.memref_slice %arg5[%arg0, %add3A_567, %dma_wait3A_655] : memref<2x18000x128xf32, #tpu.memory_space<hbm>> -> memref<1x160x128xf32, #tpu.memory_space<hbm>>
      %dma_wait3A_657 = tpu.memref_squeeze %dma_wait3A_656 : memref<1x160x128xf32, #tpu.memory_space<hbm>> -> memref<160x128xf32, #tpu.memory_space<hbm>>
      %dma_wait3A_658 = arith.constant 0 : i32
      %dma_wait3A_659 = arith.constant 0 : i32
      %dma_wait3A_660 = tpu.memref_slice %arg6[%run_scoped3A_568, %dma_wait3A_658, %dma_wait3A_659] : memref<2x160x128xf32, #tpu.memory_space<vmem>> -> memref<1x160x128xf32, #tpu.memory_space<vmem>>
      %dma_wait3A_661 = tpu.memref_squeeze %dma_wait3A_660 : memref<1x160x128xf32, #tpu.memory_space<vmem>> -> memref<160x128xf32, #tpu.memory_space<vmem>>
      tpu.wait_dma2 semaphore(%run_scoped3A_633 : memref<!tpu.dma_semaphore, #tpu.memory_space<semaphore_mem>>) src(%dma_wait3A_661 : memref<160x128xf32, #tpu.memory_space<vmem>>) dst(%dma_wait3A_657 : memref<160x128xf32, #tpu.memory_space<hbm>>)
      tpu.yield
    }) : () -> ()
    %add3A_569 = arith.constant 320 : i32
    %add3A_570 = arith.addi %mul3A_0, %add3A_569 : i32
    %run_scoped3A_571 = arith.constant 0 : i32
    "tpu.region"() ({
      %run_scoped3A_633 = tpu.sem_alloc : memref<!tpu.dma_semaphore, #tpu.memory_space<semaphore_mem>>
      %dma_start3A_634 = arith.constant 0 : i32
      %dma_start3A_635 = arith.constant 0 : i32
      %dma_start3A_636 = tpu.memref_slice %arg6[%run_scoped3A_571, %dma_start3A_634, %dma_start3A_635] : memref<2x160x128xf32, #tpu.memory_space<vmem>> -> memref<1x160x128xf32, #tpu.memory_space<vmem>>
      %dma_start3A_637 = tpu.memref_squeeze %dma_start3A_636 : memref<1x160x128xf32, #tpu.memory_space<vmem>> -> memref<160x128xf32, #tpu.memory_space<vmem>>
      %dma_start3A_638 = arith.constant 0 : i32
      %dma_start3A_639 = tpu.memref_slice %arg14[%add3A_570, %dma_start3A_638] : memref<10240x128xf32, #tpu.memory_space<vmem_shared>> -> memref<160x128xf32, #tpu.memory_space<vmem_shared>>
      %dma_start3A_640 = arith.constant 0 : i32
      %dma_start3A_641 = arith.constant 0 : i32
      %dma_start3A_642 = tpu.memref_slice %arg6[%run_scoped3A_571, %dma_start3A_640, %dma_start3A_641] : memref<2x160x128xf32, #tpu.memory_space<vmem>> -> memref<1x160x128xf32, #tpu.memory_space<vmem>>
      %dma_start3A_643 = tpu.memref_squeeze %dma_start3A_642 : memref<1x160x128xf32, #tpu.memory_space<vmem>> -> memref<160x128xf32, #tpu.memory_space<vmem>>
      %dma_start3A_644 = arith.constant 0 : i32
      %dma_start3A_645 = tpu.memref_slice %arg14[%add3A_570, %dma_start3A_644] : memref<10240x128xf32, #tpu.memory_space<vmem_shared>> -> memref<160x128xf32, #tpu.memory_space<vmem_shared>>
      tpu.enqueue_dma source(%dma_start3A_645 : memref<160x128xf32, #tpu.memory_space<vmem_shared>>) target(%dma_start3A_643 : memref<160x128xf32, #tpu.memory_space<vmem>>) target_semaphore(%run_scoped3A_633 : memref<!tpu.dma_semaphore, #tpu.memory_space<semaphore_mem>>)
      %dma_wait3A_646 = arith.constant 0 : i32
      %dma_wait3A_647 = arith.constant 0 : i32
      %dma_wait3A_648 = tpu.memref_slice %arg6[%run_scoped3A_571, %dma_wait3A_646, %dma_wait3A_647] : memref<2x160x128xf32, #tpu.memory_space<vmem>> -> memref<1x160x128xf32, #tpu.memory_space<vmem>>
      %dma_wait3A_649 = tpu.memref_squeeze %dma_wait3A_648 : memref<1x160x128xf32, #tpu.memory_space<vmem>> -> memref<160x128xf32, #tpu.memory_space<vmem>>
      %dma_wait3A_650 = arith.constant 0 : i32
      %dma_wait3A_651 = tpu.memref_slice %arg14[%add3A_570, %dma_wait3A_650] : memref<10240x128xf32, #tpu.memory_space<vmem_shared>> -> memref<160x128xf32, #tpu.memory_space<vmem_shared>>
      %dma_wait3A_652 = arith.constant 0 : i32
      %dma_wait3A_653 = arith.constant 0 : i32
      %dma_wait3A_654 = tpu.memref_slice %arg6[%run_scoped3A_571, %dma_wait3A_652, %dma_wait3A_653] : memref<2x160x128xf32, #tpu.memory_space<vmem>> -> memref<1x160x128xf32, #tpu.memory_space<vmem>>
      %dma_wait3A_655 = tpu.memref_squeeze %dma_wait3A_654 : memref<1x160x128xf32, #tpu.memory_space<vmem>> -> memref<160x128xf32, #tpu.memory_space<vmem>>
      %dma_wait3A_656 = arith.constant 0 : i32
      %dma_wait3A_657 = tpu.memref_slice %arg14[%add3A_570, %dma_wait3A_656] : memref<10240x128xf32, #tpu.memory_space<vmem_shared>> -> memref<160x128xf32, #tpu.memory_space<vmem_shared>>
      tpu.wait_dma2 semaphore(%run_scoped3A_633 : memref<!tpu.dma_semaphore, #tpu.memory_space<semaphore_mem>>) src(%dma_wait3A_657 : memref<160x128xf32, #tpu.memory_space<vmem_shared>>) dst(%dma_wait3A_655 : memref<160x128xf32, #tpu.memory_space<vmem>>)
      tpu.yield
    }) : () -> ()
    %add3A_572 = arith.constant 0 : i32
    %add3A_573 = arith.addi %add3A_572, %mul3A_0 : i32
    %add3A_574 = arith.constant 320 : i32
    %add3A_575 = arith.addi %add3A_573, %add3A_574 : i32
    %run_scoped3A_576 = arith.constant 0 : i32
    "tpu.region"() ({
      %run_scoped3A_633 = tpu.sem_alloc : memref<!tpu.dma_semaphore, #tpu.memory_space<semaphore_mem>>
      %dma_start3A_634 = arith.constant 0 : i32
      %dma_start3A_635 = arith.constant 0 : i32
      %dma_start3A_636 = tpu.memref_slice %arg6[%run_scoped3A_576, %dma_start3A_634, %dma_start3A_635] : memref<2x160x128xf32, #tpu.memory_space<vmem>> -> memref<1x160x128xf32, #tpu.memory_space<vmem>>
      %dma_start3A_637 = tpu.memref_squeeze %dma_start3A_636 : memref<1x160x128xf32, #tpu.memory_space<vmem>> -> memref<160x128xf32, #tpu.memory_space<vmem>>
      %dma_start3A_638 = arith.constant 0 : i32
      %dma_start3A_639 = tpu.memref_slice %arg5[%arg0, %add3A_575, %dma_start3A_638] : memref<2x18000x128xf32, #tpu.memory_space<hbm>> -> memref<1x160x128xf32, #tpu.memory_space<hbm>>
      %dma_start3A_640 = tpu.memref_squeeze %dma_start3A_639 : memref<1x160x128xf32, #tpu.memory_space<hbm>> -> memref<160x128xf32, #tpu.memory_space<hbm>>
      %dma_start3A_641 = arith.constant 0 : i32
      %dma_start3A_642 = tpu.memref_slice %arg5[%arg0, %add3A_575, %dma_start3A_641] : memref<2x18000x128xf32, #tpu.memory_space<hbm>> -> memref<1x160x128xf32, #tpu.memory_space<hbm>>
      %dma_start3A_643 = tpu.memref_squeeze %dma_start3A_642 : memref<1x160x128xf32, #tpu.memory_space<hbm>> -> memref<160x128xf32, #tpu.memory_space<hbm>>
      %dma_start3A_644 = arith.constant 0 : i32
      %dma_start3A_645 = arith.constant 0 : i32
      %dma_start3A_646 = tpu.memref_slice %arg6[%run_scoped3A_576, %dma_start3A_644, %dma_start3A_645] : memref<2x160x128xf32, #tpu.memory_space<vmem>> -> memref<1x160x128xf32, #tpu.memory_space<vmem>>
      %dma_start3A_647 = tpu.memref_squeeze %dma_start3A_646 : memref<1x160x128xf32, #tpu.memory_space<vmem>> -> memref<160x128xf32, #tpu.memory_space<vmem>>
      tpu.enqueue_dma source(%dma_start3A_647 : memref<160x128xf32, #tpu.memory_space<vmem>>) target(%dma_start3A_643 : memref<160x128xf32, #tpu.memory_space<hbm>>) target_semaphore(%run_scoped3A_633 : memref<!tpu.dma_semaphore, #tpu.memory_space<semaphore_mem>>)
      %dma_wait3A_648 = arith.constant 0 : i32
      %dma_wait3A_649 = arith.constant 0 : i32
      %dma_wait3A_650 = tpu.memref_slice %arg6[%run_scoped3A_576, %dma_wait3A_648, %dma_wait3A_649] : memref<2x160x128xf32, #tpu.memory_space<vmem>> -> memref<1x160x128xf32, #tpu.memory_space<vmem>>
      %dma_wait3A_651 = tpu.memref_squeeze %dma_wait3A_650 : memref<1x160x128xf32, #tpu.memory_space<vmem>> -> memref<160x128xf32, #tpu.memory_space<vmem>>
      %dma_wait3A_652 = arith.constant 0 : i32
      %dma_wait3A_653 = tpu.memref_slice %arg5[%arg0, %add3A_575, %dma_wait3A_652] : memref<2x18000x128xf32, #tpu.memory_space<hbm>> -> memref<1x160x128xf32, #tpu.memory_space<hbm>>
      %dma_wait3A_654 = tpu.memref_squeeze %dma_wait3A_653 : memref<1x160x128xf32, #tpu.memory_space<hbm>> -> memref<160x128xf32, #tpu.memory_space<hbm>>
      %dma_wait3A_655 = arith.constant 0 : i32
      %dma_wait3A_656 = tpu.memref_slice %arg5[%arg0, %add3A_575, %dma_wait3A_655] : memref<2x18000x128xf32, #tpu.memory_space<hbm>> -> memref<1x160x128xf32, #tpu.memory_space<hbm>>
      %dma_wait3A_657 = tpu.memref_squeeze %dma_wait3A_656 : memref<1x160x128xf32, #tpu.memory_space<hbm>> -> memref<160x128xf32, #tpu.memory_space<hbm>>
      %dma_wait3A_658 = arith.constant 0 : i32
      %dma_wait3A_659 = arith.constant 0 : i32
      %dma_wait3A_660 = tpu.memref_slice %arg6[%run_scoped3A_576, %dma_wait3A_658, %dma_wait3A_659] : memref<2x160x128xf32, #tpu.memory_space<vmem>> -> memref<1x160x128xf32, #tpu.memory_space<vmem>>
      %dma_wait3A_661 = tpu.memref_squeeze %dma_wait3A_660 : memref<1x160x128xf32, #tpu.memory_space<vmem>> -> memref<160x128xf32, #tpu.memory_space<vmem>>
      tpu.wait_dma2 semaphore(%run_scoped3A_633 : memref<!tpu.dma_semaphore, #tpu.memory_space<semaphore_mem>>) src(%dma_wait3A_661 : memref<160x128xf32, #tpu.memory_space<vmem>>) dst(%dma_wait3A_657 : memref<160x128xf32, #tpu.memory_space<hbm>>)
      tpu.yield
    }) : () -> ()
    %add3A_577 = arith.constant 480 : i32
    %add3A_578 = arith.addi %mul3A_0, %add3A_577 : i32
    %run_scoped3A_579 = arith.constant 0 : i32
    "tpu.region"() ({
      %run_scoped3A_633 = tpu.sem_alloc : memref<!tpu.dma_semaphore, #tpu.memory_space<semaphore_mem>>
      %dma_start3A_634 = arith.constant 0 : i32
      %dma_start3A_635 = arith.constant 0 : i32
      %dma_start3A_636 = tpu.memref_slice %arg6[%run_scoped3A_579, %dma_start3A_634, %dma_start3A_635] : memref<2x160x128xf32, #tpu.memory_space<vmem>> -> memref<1x160x128xf32, #tpu.memory_space<vmem>>
      %dma_start3A_637 = tpu.memref_squeeze %dma_start3A_636 : memref<1x160x128xf32, #tpu.memory_space<vmem>> -> memref<160x128xf32, #tpu.memory_space<vmem>>
      %dma_start3A_638 = arith.constant 0 : i32
      %dma_start3A_639 = tpu.memref_slice %arg14[%add3A_578, %dma_start3A_638] : memref<10240x128xf32, #tpu.memory_space<vmem_shared>> -> memref<160x128xf32, #tpu.memory_space<vmem_shared>>
      %dma_start3A_640 = arith.constant 0 : i32
      %dma_start3A_641 = arith.constant 0 : i32
      %dma_start3A_642 = tpu.memref_slice %arg6[%run_scoped3A_579, %dma_start3A_640, %dma_start3A_641] : memref<2x160x128xf32, #tpu.memory_space<vmem>> -> memref<1x160x128xf32, #tpu.memory_space<vmem>>
      %dma_start3A_643 = tpu.memref_squeeze %dma_start3A_642 : memref<1x160x128xf32, #tpu.memory_space<vmem>> -> memref<160x128xf32, #tpu.memory_space<vmem>>
      %dma_start3A_644 = arith.constant 0 : i32
      %dma_start3A_645 = tpu.memref_slice %arg14[%add3A_578, %dma_start3A_644] : memref<10240x128xf32, #tpu.memory_space<vmem_shared>> -> memref<160x128xf32, #tpu.memory_space<vmem_shared>>
      tpu.enqueue_dma source(%dma_start3A_645 : memref<160x128xf32, #tpu.memory_space<vmem_shared>>) target(%dma_start3A_643 : memref<160x128xf32, #tpu.memory_space<vmem>>) target_semaphore(%run_scoped3A_633 : memref<!tpu.dma_semaphore, #tpu.memory_space<semaphore_mem>>)
      %dma_wait3A_646 = arith.constant 0 : i32
      %dma_wait3A_647 = arith.constant 0 : i32
      %dma_wait3A_648 = tpu.memref_slice %arg6[%run_scoped3A_579, %dma_wait3A_646, %dma_wait3A_647] : memref<2x160x128xf32, #tpu.memory_space<vmem>> -> memref<1x160x128xf32, #tpu.memory_space<vmem>>
      %dma_wait3A_649 = tpu.memref_squeeze %dma_wait3A_648 : memref<1x160x128xf32, #tpu.memory_space<vmem>> -> memref<160x128xf32, #tpu.memory_space<vmem>>
      %dma_wait3A_650 = arith.constant 0 : i32
      %dma_wait3A_651 = tpu.memref_slice %arg14[%add3A_578, %dma_wait3A_650] : memref<10240x128xf32, #tpu.memory_space<vmem_shared>> -> memref<160x128xf32, #tpu.memory_space<vmem_shared>>
      %dma_wait3A_652 = arith.constant 0 : i32
      %dma_wait3A_653 = arith.constant 0 : i32
      %dma_wait3A_654 = tpu.memref_slice %arg6[%run_scoped3A_579, %dma_wait3A_652, %dma_wait3A_653] : memref<2x160x128xf32, #tpu.memory_space<vmem>> -> memref<1x160x128xf32, #tpu.memory_space<vmem>>
      %dma_wait3A_655 = tpu.memref_squeeze %dma_wait3A_654 : memref<1x160x128xf32, #tpu.memory_space<vmem>> -> memref<160x128xf32, #tpu.memory_space<vmem>>
      %dma_wait3A_656 = arith.constant 0 : i32
      %dma_wait3A_657 = tpu.memref_slice %arg14[%add3A_578, %dma_wait3A_656] : memref<10240x128xf32, #tpu.memory_space<vmem_shared>> -> memref<160x128xf32, #tpu.memory_space<vmem_shared>>
      tpu.wait_dma2 semaphore(%run_scoped3A_633 : memref<!tpu.dma_semaphore, #tpu.memory_space<semaphore_mem>>) src(%dma_wait3A_657 : memref<160x128xf32, #tpu.memory_space<vmem_shared>>) dst(%dma_wait3A_655 : memref<160x128xf32, #tpu.memory_space<vmem>>)
      tpu.yield
    }) : () -> ()
    %add3A_580 = arith.constant 0 : i32
    %add3A_581 = arith.addi %add3A_580, %mul3A_0 : i32
    %add3A_582 = arith.constant 480 : i32
    %add3A_583 = arith.addi %add3A_581, %add3A_582 : i32
    %run_scoped3A_584 = arith.constant 0 : i32
    "tpu.region"() ({
      %run_scoped3A_633 = tpu.sem_alloc : memref<!tpu.dma_semaphore, #tpu.memory_space<semaphore_mem>>
      %dma_start3A_634 = arith.constant 0 : i32
      %dma_start3A_635 = arith.constant 0 : i32
      %dma_start3A_636 = tpu.memref_slice %arg6[%run_scoped3A_584, %dma_start3A_634, %dma_start3A_635] : memref<2x160x128xf32, #tpu.memory_space<vmem>> -> memref<1x160x128xf32, #tpu.memory_space<vmem>>
      %dma_start3A_637 = tpu.memref_squeeze %dma_start3A_636 : memref<1x160x128xf32, #tpu.memory_space<vmem>> -> memref<160x128xf32, #tpu.memory_space<vmem>>
      %dma_start3A_638 = arith.constant 0 : i32
      %dma_start3A_639 = tpu.memref_slice %arg5[%arg0, %add3A_583, %dma_start3A_638] : memref<2x18000x128xf32, #tpu.memory_space<hbm>> -> memref<1x160x128xf32, #tpu.memory_space<hbm>>
      %dma_start3A_640 = tpu.memref_squeeze %dma_start3A_639 : memref<1x160x128xf32, #tpu.memory_space<hbm>> -> memref<160x128xf32, #tpu.memory_space<hbm>>
      %dma_start3A_641 = arith.constant 0 : i32
      %dma_start3A_642 = tpu.memref_slice %arg5[%arg0, %add3A_583, %dma_start3A_641] : memref<2x18000x128xf32, #tpu.memory_space<hbm>> -> memref<1x160x128xf32, #tpu.memory_space<hbm>>
      %dma_start3A_643 = tpu.memref_squeeze %dma_start3A_642 : memref<1x160x128xf32, #tpu.memory_space<hbm>> -> memref<160x128xf32, #tpu.memory_space<hbm>>
      %dma_start3A_644 = arith.constant 0 : i32
      %dma_start3A_645 = arith.constant 0 : i32
      %dma_start3A_646 = tpu.memref_slice %arg6[%run_scoped3A_584, %dma_start3A_644, %dma_start3A_645] : memref<2x160x128xf32, #tpu.memory_space<vmem>> -> memref<1x160x128xf32, #tpu.memory_space<vmem>>
      %dma_start3A_647 = tpu.memref_squeeze %dma_start3A_646 : memref<1x160x128xf32, #tpu.memory_space<vmem>> -> memref<160x128xf32, #tpu.memory_space<vmem>>
      tpu.enqueue_dma source(%dma_start3A_647 : memref<160x128xf32, #tpu.memory_space<vmem>>) target(%dma_start3A_643 : memref<160x128xf32, #tpu.memory_space<hbm>>) target_semaphore(%run_scoped3A_633 : memref<!tpu.dma_semaphore, #tpu.memory_space<semaphore_mem>>)
      %dma_wait3A_648 = arith.constant 0 : i32
      %dma_wait3A_649 = arith.constant 0 : i32
      %dma_wait3A_650 = tpu.memref_slice %arg6[%run_scoped3A_584, %dma_wait3A_648, %dma_wait3A_649] : memref<2x160x128xf32, #tpu.memory_space<vmem>> -> memref<1x160x128xf32, #tpu.memory_space<vmem>>
      %dma_wait3A_651 = tpu.memref_squeeze %dma_wait3A_650 : memref<1x160x128xf32, #tpu.memory_space<vmem>> -> memref<160x128xf32, #tpu.memory_space<vmem>>
      %dma_wait3A_652 = arith.constant 0 : i32
      %dma_wait3A_653 = tpu.memref_slice %arg5[%arg0, %add3A_583, %dma_wait3A_652] : memref<2x18000x128xf32, #tpu.memory_space<hbm>> -> memref<1x160x128xf32, #tpu.memory_space<hbm>>
      %dma_wait3A_654 = tpu.memref_squeeze %dma_wait3A_653 : memref<1x160x128xf32, #tpu.memory_space<hbm>> -> memref<160x128xf32, #tpu.memory_space<hbm>>
      %dma_wait3A_655 = arith.constant 0 : i32
      %dma_wait3A_656 = tpu.memref_slice %arg5[%arg0, %add3A_583, %dma_wait3A_655] : memref<2x18000x128xf32, #tpu.memory_space<hbm>> -> memref<1x160x128xf32, #tpu.memory_space<hbm>>
      %dma_wait3A_657 = tpu.memref_squeeze %dma_wait3A_656 : memref<1x160x128xf32, #tpu.memory_space<hbm>> -> memref<160x128xf32, #tpu.memory_space<hbm>>
      %dma_wait3A_658 = arith.constant 0 : i32
      %dma_wait3A_659 = arith.constant 0 : i32
      %dma_wait3A_660 = tpu.memref_slice %arg6[%run_scoped3A_584, %dma_wait3A_658, %dma_wait3A_659] : memref<2x160x128xf32, #tpu.memory_space<vmem>> -> memref<1x160x128xf32, #tpu.memory_space<vmem>>
      %dma_wait3A_661 = tpu.memref_squeeze %dma_wait3A_660 : memref<1x160x128xf32, #tpu.memory_space<vmem>> -> memref<160x128xf32, #tpu.memory_space<vmem>>
      tpu.wait_dma2 semaphore(%run_scoped3A_633 : memref<!tpu.dma_semaphore, #tpu.memory_space<semaphore_mem>>) src(%dma_wait3A_661 : memref<160x128xf32, #tpu.memory_space<vmem>>) dst(%dma_wait3A_657 : memref<160x128xf32, #tpu.memory_space<hbm>>)
      tpu.yield
    }) : () -> ()
    %scan3A_585 = arith.constant 0 : i32
    %scan3A_586 = arith.constant 0 : i32
    %scan3A_587 = arith.constant 0 : i32
    %scan3A_588 = arith.constant 160 : i32
    %scan3A_589 = arith.addi %scan3A_587, %scan3A_588 : i32
    %scan3A_590 = arith.constant 1 : i32
    scf.for %scan3A_633 = %scan3A_587 to %scan3A_589 step %scan3A_590  : i32 {
      %broadcast_in_dim3A_634 = arith.constant 0.000000e+00 : f32
      %broadcast_in_dim3A_635 = vector.broadcast %broadcast_in_dim3A_634 : f32 to vector<16xf32>
      %swap3A_636 = arith.constant 0 : i32
      %swap3A_637 = arith.constant 0 : i32
      %swap3A_638 = tpu.memref_slice %arg6[%scan3A_586, %swap3A_636, %swap3A_637] : memref<2x160x128xf32, #tpu.memory_space<vmem>> -> memref<1x160x128xf32, #tpu.memory_space<vmem>>
      %swap3A_639 = tpu.memref_squeeze %swap3A_638 : memref<1x160x128xf32, #tpu.memory_space<vmem>> -> memref<160x128xf32, #tpu.memory_space<vmem>>
      %swap3A_640 = arith.index_cast %scan3A_633 : i32 to index
      %swap3A_641 = arith.constant 0 : index
      %swap3A_642 = tpu.vector_load %swap3A_639[%swap3A_640, %swap3A_641] {strides = array<i32>} : memref<160x128xf32, #tpu.memory_space<vmem>>, vector<1x16xf32>,
      %swap3A_643 = vector.shape_cast %swap3A_642 : vector<1x16xf32> to vector<16xf32>
      %swap3A_644 = vector.shape_cast %broadcast_in_dim3A_635 : vector<16xf32> to vector<1x16xf32>
      tpu.vector_store %swap3A_639[%swap3A_640, %swap3A_641], %swap3A_644 {strides = array<i32>} : memref<160x128xf32, #tpu.memory_space<vmem>>, vector<1x16xf32>,
      %broadcast_in_dim3A_645 = arith.constant 0.000000e+00 : f32
      %broadcast_in_dim3A_646 = vector.broadcast %broadcast_in_dim3A_645 : f32 to vector<16xf32>
      %swap3A_647 = arith.constant 0 : i32
      %swap3A_648 = arith.constant 0 : i32
      %swap3A_649 = tpu.memref_slice %arg6[%scan3A_586, %swap3A_647, %swap3A_648] : memref<2x160x128xf32, #tpu.memory_space<vmem>> -> memref<1x160x128xf32, #tpu.memory_space<vmem>>
      %swap3A_650 = tpu.memref_squeeze %swap3A_649 : memref<1x160x128xf32, #tpu.memory_space<vmem>> -> memref<160x128xf32, #tpu.memory_space<vmem>>
      %swap3A_651 = arith.index_cast %scan3A_633 : i32 to index
      %swap3A_652 = arith.constant 16 : index
      %swap3A_653 = tpu.vector_load %swap3A_650[%swap3A_651, %swap3A_652] {strides = array<i32>} : memref<160x128xf32, #tpu.memory_space<vmem>>, vector<1x16xf32>,
      %swap3A_654 = vector.shape_cast %swap3A_653 : vector<1x16xf32> to vector<16xf32>
      %swap3A_655 = vector.shape_cast %broadcast_in_dim3A_646 : vector<16xf32> to vector<1x16xf32>
      tpu.vector_store %swap3A_650[%swap3A_651, %swap3A_652], %swap3A_655 {strides = array<i32>} : memref<160x128xf32, #tpu.memory_space<vmem>>, vector<1x16xf32>,
      %broadcast_in_dim3A_656 = arith.constant 0.000000e+00 : f32
      %broadcast_in_dim3A_657 = vector.broadcast %broadcast_in_dim3A_656 : f32 to vector<16xf32>
      %swap3A_658 = arith.constant 0 : i32
      %swap3A_659 = arith.constant 0 : i32
      %swap3A_660 = tpu.memref_slice %arg6[%scan3A_586, %swap3A_658, %swap3A_659] : memref<2x160x128xf32, #tpu.memory_space<vmem>> -> memref<1x160x128xf32, #tpu.memory_space<vmem>>
      %swap3A_661 = tpu.memref_squeeze %swap3A_660 : memref<1x160x128xf32, #tpu.memory_space<vmem>> -> memref<160x128xf32, #tpu.memory_space<vmem>>
      %swap3A_662 = arith.index_cast %scan3A_633 : i32 to index
      %swap3A_663 = arith.constant 32 : index
      %swap3A_664 = tpu.vector_load %swap3A_661[%swap3A_662, %swap3A_663] {strides = array<i32>} : memref<160x128xf32, #tpu.memory_space<vmem>>, vector<1x16xf32>,
      %swap3A_665 = vector.shape_cast %swap3A_664 : vector<1x16xf32> to vector<16xf32>
      %swap3A_666 = vector.shape_cast %broadcast_in_dim3A_657 : vector<16xf32> to vector<1x16xf32>
      tpu.vector_store %swap3A_661[%swap3A_662, %swap3A_663], %swap3A_666 {strides = array<i32>} : memref<160x128xf32, #tpu.memory_space<vmem>>, vector<1x16xf32>,
      %broadcast_in_dim3A_667 = arith.constant 0.000000e+00 : f32
      %broadcast_in_dim3A_668 = vector.broadcast %broadcast_in_dim3A_667 : f32 to vector<16xf32>
      %swap3A_669 = arith.constant 0 : i32
      %swap3A_670 = arith.constant 0 : i32
      %swap3A_671 = tpu.memref_slice %arg6[%scan3A_586, %swap3A_669, %swap3A_670] : memref<2x160x128xf32, #tpu.memory_space<vmem>> -> memref<1x160x128xf32, #tpu.memory_space<vmem>>
      %swap3A_672 = tpu.memref_squeeze %swap3A_671 : memref<1x160x128xf32, #tpu.memory_space<vmem>> -> memref<160x128xf32, #tpu.memory_space<vmem>>
      %swap3A_673 = arith.index_cast %scan3A_633 : i32 to index
      %swap3A_674 = arith.constant 48 : index
      %swap3A_675 = tpu.vector_load %swap3A_672[%swap3A_673, %swap3A_674] {strides = array<i32>} : memref<160x128xf32, #tpu.memory_space<vmem>>, vector<1x16xf32>,
      %swap3A_676 = vector.shape_cast %swap3A_675 : vector<1x16xf32> to vector<16xf32>
      %swap3A_677 = vector.shape_cast %broadcast_in_dim3A_668 : vector<16xf32> to vector<1x16xf32>
      tpu.vector_store %swap3A_672[%swap3A_673, %swap3A_674], %swap3A_677 {strides = array<i32>} : memref<160x128xf32, #tpu.memory_space<vmem>>, vector<1x16xf32>,
      %broadcast_in_dim3A_678 = arith.constant 0.000000e+00 : f32
      %broadcast_in_dim3A_679 = vector.broadcast %broadcast_in_dim3A_678 : f32 to vector<16xf32>
      %swap3A_680 = arith.constant 0 : i32
      %swap3A_681 = arith.constant 0 : i32
      %swap3A_682 = tpu.memref_slice %arg6[%scan3A_586, %swap3A_680, %swap3A_681] : memref<2x160x128xf32, #tpu.memory_space<vmem>> -> memref<1x160x128xf32, #tpu.memory_space<vmem>>
      %swap3A_683 = tpu.memref_squeeze %swap3A_682 : memref<1x160x128xf32, #tpu.memory_space<vmem>> -> memref<160x128xf32, #tpu.memory_space<vmem>>
      %swap3A_684 = arith.index_cast %scan3A_633 : i32 to index
      %swap3A_685 = arith.constant 64 : index
      %swap3A_686 = tpu.vector_load %swap3A_683[%swap3A_684, %swap3A_685] {strides = array<i32>} : memref<160x128xf32, #tpu.memory_space<vmem>>, vector<1x16xf32>,
      %swap3A_687 = vector.shape_cast %swap3A_686 : vector<1x16xf32> to vector<16xf32>
      %swap3A_688 = vector.shape_cast %broadcast_in_dim3A_679 : vector<16xf32> to vector<1x16xf32>
      tpu.vector_store %swap3A_683[%swap3A_684, %swap3A_685], %swap3A_688 {strides = array<i32>} : memref<160x128xf32, #tpu.memory_space<vmem>>, vector<1x16xf32>,
      %broadcast_in_dim3A_689 = arith.constant 0.000000e+00 : f32
      %broadcast_in_dim3A_690 = vector.broadcast %broadcast_in_dim3A_689 : f32 to vector<16xf32>
      %swap3A_691 = arith.constant 0 : i32
      %swap3A_692 = arith.constant 0 : i32
      %swap3A_693 = tpu.memref_slice %arg6[%scan3A_586, %swap3A_691, %swap3A_692] : memref<2x160x128xf32, #tpu.memory_space<vmem>> -> memref<1x160x128xf32, #tpu.memory_space<vmem>>
      %swap3A_694 = tpu.memref_squeeze %swap3A_693 : memref<1x160x128xf32, #tpu.memory_space<vmem>> -> memref<160x128xf32, #tpu.memory_space<vmem>>
      %swap3A_695 = arith.index_cast %scan3A_633 : i32 to index
      %swap3A_696 = arith.constant 80 : index
      %swap3A_697 = tpu.vector_load %swap3A_694[%swap3A_695, %swap3A_696] {strides = array<i32>} : memref<160x128xf32, #tpu.memory_space<vmem>>, vector<1x16xf32>,
      %swap3A_698 = vector.shape_cast %swap3A_697 : vector<1x16xf32> to vector<16xf32>
      %swap3A_699 = vector.shape_cast %broadcast_in_dim3A_690 : vector<16xf32> to vector<1x16xf32>
      tpu.vector_store %swap3A_694[%swap3A_695, %swap3A_696], %swap3A_699 {strides = array<i32>} : memref<160x128xf32, #tpu.memory_space<vmem>>, vector<1x16xf32>,
      %broadcast_in_dim3A_700 = arith.constant 0.000000e+00 : f32
      %broadcast_in_dim3A_701 = vector.broadcast %broadcast_in_dim3A_700 : f32 to vector<16xf32>
      %swap3A_702 = arith.constant 0 : i32
      %swap3A_703 = arith.constant 0 : i32
      %swap3A_704 = tpu.memref_slice %arg6[%scan3A_586, %swap3A_702, %swap3A_703] : memref<2x160x128xf32, #tpu.memory_space<vmem>> -> memref<1x160x128xf32, #tpu.memory_space<vmem>>
      %swap3A_705 = tpu.memref_squeeze %swap3A_704 : memref<1x160x128xf32, #tpu.memory_space<vmem>> -> memref<160x128xf32, #tpu.memory_space<vmem>>
      %swap3A_706 = arith.index_cast %scan3A_633 : i32 to index
      %swap3A_707 = arith.constant 96 : index
      %swap3A_708 = tpu.vector_load %swap3A_705[%swap3A_706, %swap3A_707] {strides = array<i32>} : memref<160x128xf32, #tpu.memory_space<vmem>>, vector<1x16xf32>,
      %swap3A_709 = vector.shape_cast %swap3A_708 : vector<1x16xf32> to vector<16xf32>
      %swap3A_710 = vector.shape_cast %broadcast_in_dim3A_701 : vector<16xf32> to vector<1x16xf32>
      tpu.vector_store %swap3A_705[%swap3A_706, %swap3A_707], %swap3A_710 {strides = array<i32>} : memref<160x128xf32, #tpu.memory_space<vmem>>, vector<1x16xf32>,
      %broadcast_in_dim3A_711 = arith.constant 0.000000e+00 : f32
      %broadcast_in_dim3A_712 = vector.broadcast %broadcast_in_dim3A_711 : f32 to vector<16xf32>
      %swap3A_713 = arith.constant 0 : i32
      %swap3A_714 = arith.constant 0 : i32
      %swap3A_715 = tpu.memref_slice %arg6[%scan3A_586, %swap3A_713, %swap3A_714] : memref<2x160x128xf32, #tpu.memory_space<vmem>> -> memref<1x160x128xf32, #tpu.memory_space<vmem>>
      %swap3A_716 = tpu.memref_squeeze %swap3A_715 : memref<1x160x128xf32, #tpu.memory_space<vmem>> -> memref<160x128xf32, #tpu.memory_space<vmem>>
      %swap3A_717 = arith.index_cast %scan3A_633 : i32 to index
      %swap3A_718 = arith.constant 112 : index
      %swap3A_719 = tpu.vector_load %swap3A_716[%swap3A_717, %swap3A_718] {strides = array<i32>} : memref<160x128xf32, #tpu.memory_space<vmem>>, vector<1x16xf32>,
      %swap3A_720 = vector.shape_cast %swap3A_719 : vector<1x16xf32> to vector<16xf32>
      %swap3A_721 = vector.shape_cast %broadcast_in_dim3A_712 : vector<16xf32> to vector<1x16xf32>
      tpu.vector_store %swap3A_716[%swap3A_717, %swap3A_718], %swap3A_721 {strides = array<i32>} : memref<160x128xf32, #tpu.memory_space<vmem>>, vector<1x16xf32>,
    }
    %scan3A_591 = arith.constant 160 : i32
    %convert_element_type3A_592 = arith.extui %ne3A_551 : i1 to i32
    %cond3A = arith.constant 0 : i32
    %cond3A_593 = arith.constant 0 : i32
    %cond3A_594 = arith.cmpi ne, %convert_element_type3A_592, %cond3A_593 : i32
    scf.if %cond3A_594 {
      %add3A_633 = arith.constant 0 : i32
      %add3A_634 = arith.addi %mul3A_0, %add3A_633 : i32
      "tpu.region"() ({
        %run_scoped3A_641 = tpu.sem_alloc : memref<!tpu.dma_semaphore, #tpu.memory_space<semaphore_mem>>
        %dma_start3A_642 = arith.constant 0 : i32
        %dma_start3A_643 = arith.constant 0 : i32
        %dma_start3A_644 = tpu.memref_slice %arg6[%cond3A, %dma_start3A_642, %dma_start3A_643] : memref<2x160x128xf32, #tpu.memory_space<vmem>> -> memref<1x160x128xf32, #tpu.memory_space<vmem>>
        %dma_start3A_645 = tpu.memref_squeeze %dma_start3A_644 : memref<1x160x128xf32, #tpu.memory_space<vmem>> -> memref<160x128xf32, #tpu.memory_space<vmem>>
        %dma_start3A_646 = arith.constant 0 : i32
        %dma_start3A_647 = tpu.memref_slice %arg14[%add3A_634, %dma_start3A_646] : memref<10240x128xf32, #tpu.memory_space<vmem_shared>> -> memref<160x128xf32, #tpu.memory_space<vmem_shared>>
        %dma_start3A_648 = arith.constant 0 : i32
        %dma_start3A_649 = tpu.memref_slice %arg14[%add3A_634, %dma_start3A_648] : memref<10240x128xf32, #tpu.memory_space<vmem_shared>> -> memref<160x128xf32, #tpu.memory_space<vmem_shared>>
        %dma_start3A_650 = arith.constant 0 : i32
        %dma_start3A_651 = arith.constant 0 : i32
        %dma_start3A_652 = tpu.memref_slice %arg6[%cond3A, %dma_start3A_650, %dma_start3A_651] : memref<2x160x128xf32, #tpu.memory_space<vmem>> -> memref<1x160x128xf32, #tpu.memory_space<vmem>>
        %dma_start3A_653 = tpu.memref_squeeze %dma_start3A_652 : memref<1x160x128xf32, #tpu.memory_space<vmem>> -> memref<160x128xf32, #tpu.memory_space<vmem>>
        tpu.enqueue_dma source(%dma_start3A_653 : memref<160x128xf32, #tpu.memory_space<vmem>>) target(%dma_start3A_649 : memref<160x128xf32, #tpu.memory_space<vmem_shared>>) target_semaphore(%run_scoped3A_641 : memref<!tpu.dma_semaphore, #tpu.memory_space<semaphore_mem>>)
        %dma_wait3A_654 = arith.constant 0 : i32
        %dma_wait3A_655 = arith.constant 0 : i32
        %dma_wait3A_656 = tpu.memref_slice %arg6[%cond3A, %dma_wait3A_654, %dma_wait3A_655] : memref<2x160x128xf32, #tpu.memory_space<vmem>> -> memref<1x160x128xf32, #tpu.memory_space<vmem>>
        %dma_wait3A_657 = tpu.memref_squeeze %dma_wait3A_656 : memref<1x160x128xf32, #tpu.memory_space<vmem>> -> memref<160x128xf32, #tpu.memory_space<vmem>>
        %dma_wait3A_658 = arith.constant 0 : i32
        %dma_wait3A_659 = tpu.memref_slice %arg14[%add3A_634, %dma_wait3A_658] : memref<10240x128xf32, #tpu.memory_space<vmem_shared>> -> memref<160x128xf32, #tpu.memory_space<vmem_shared>>
        %dma_wait3A_660 = arith.constant 0 : i32
        %dma_wait3A_661 = tpu.memref_slice %arg14[%add3A_634, %dma_wait3A_660] : memref<10240x128xf32, #tpu.memory_space<vmem_shared>> -> memref<160x128xf32, #tpu.memory_space<vmem_shared>>
        %dma_wait3A_662 = arith.constant 0 : i32
        %dma_wait3A_663 = arith.constant 0 : i32
        %dma_wait3A_664 = tpu.memref_slice %arg6[%cond3A, %dma_wait3A_662, %dma_wait3A_663] : memref<2x160x128xf32, #tpu.memory_space<vmem>> -> memref<1x160x128xf32, #tpu.memory_space<vmem>>
        %dma_wait3A_665 = tpu.memref_squeeze %dma_wait3A_664 : memref<1x160x128xf32, #tpu.memory_space<vmem>> -> memref<160x128xf32, #tpu.memory_space<vmem>>
        tpu.wait_dma2 semaphore(%run_scoped3A_641 : memref<!tpu.dma_semaphore, #tpu.memory_space<semaphore_mem>>) src(%dma_wait3A_665 : memref<160x128xf32, #tpu.memory_space<vmem>>) dst(%dma_wait3A_661 : memref<160x128xf32, #tpu.memory_space<vmem_shared>>)
        tpu.yield
      }) : () -> ()
      %add3A_635 = arith.constant 160 : i32
      %add3A_636 = arith.addi %mul3A_0, %add3A_635 : i32
      "tpu.region"() ({
        %run_scoped3A_641 = tpu.sem_alloc : memref<!tpu.dma_semaphore, #tpu.memory_space<semaphore_mem>>
        %dma_start3A_642 = arith.constant 0 : i32
        %dma_start3A_643 = arith.constant 0 : i32
        %dma_start3A_644 = tpu.memref_slice %arg6[%cond3A, %dma_start3A_642, %dma_start3A_643] : memref<2x160x128xf32, #tpu.memory_space<vmem>> -> memref<1x160x128xf32, #tpu.memory_space<vmem>>
        %dma_start3A_645 = tpu.memref_squeeze %dma_start3A_644 : memref<1x160x128xf32, #tpu.memory_space<vmem>> -> memref<160x128xf32, #tpu.memory_space<vmem>>
        %dma_start3A_646 = arith.constant 0 : i32
        %dma_start3A_647 = tpu.memref_slice %arg14[%add3A_636, %dma_start3A_646] : memref<10240x128xf32, #tpu.memory_space<vmem_shared>> -> memref<160x128xf32, #tpu.memory_space<vmem_shared>>
        %dma_start3A_648 = arith.constant 0 : i32
        %dma_start3A_649 = tpu.memref_slice %arg14[%add3A_636, %dma_start3A_648] : memref<10240x128xf32, #tpu.memory_space<vmem_shared>> -> memref<160x128xf32, #tpu.memory_space<vmem_shared>>
        %dma_start3A_650 = arith.constant 0 : i32
        %dma_start3A_651 = arith.constant 0 : i32
        %dma_start3A_652 = tpu.memref_slice %arg6[%cond3A, %dma_start3A_650, %dma_start3A_651] : memref<2x160x128xf32, #tpu.memory_space<vmem>> -> memref<1x160x128xf32, #tpu.memory_space<vmem>>
        %dma_start3A_653 = tpu.memref_squeeze %dma_start3A_652 : memref<1x160x128xf32, #tpu.memory_space<vmem>> -> memref<160x128xf32, #tpu.memory_space<vmem>>
        tpu.enqueue_dma source(%dma_start3A_653 : memref<160x128xf32, #tpu.memory_space<vmem>>) target(%dma_start3A_649 : memref<160x128xf32, #tpu.memory_space<vmem_shared>>) target_semaphore(%run_scoped3A_641 : memref<!tpu.dma_semaphore, #tpu.memory_space<semaphore_mem>>)
        %dma_wait3A_654 = arith.constant 0 : i32
        %dma_wait3A_655 = arith.constant 0 : i32
        %dma_wait3A_656 = tpu.memref_slice %arg6[%cond3A, %dma_wait3A_654, %dma_wait3A_655] : memref<2x160x128xf32, #tpu.memory_space<vmem>> -> memref<1x160x128xf32, #tpu.memory_space<vmem>>
        %dma_wait3A_657 = tpu.memref_squeeze %dma_wait3A_656 : memref<1x160x128xf32, #tpu.memory_space<vmem>> -> memref<160x128xf32, #tpu.memory_space<vmem>>
        %dma_wait3A_658 = arith.constant 0 : i32
        %dma_wait3A_659 = tpu.memref_slice %arg14[%add3A_636, %dma_wait3A_658] : memref<10240x128xf32, #tpu.memory_space<vmem_shared>> -> memref<160x128xf32, #tpu.memory_space<vmem_shared>>
        %dma_wait3A_660 = arith.constant 0 : i32
        %dma_wait3A_661 = tpu.memref_slice %arg14[%add3A_636, %dma_wait3A_660] : memref<10240x128xf32, #tpu.memory_space<vmem_shared>> -> memref<160x128xf32, #tpu.memory_space<vmem_shared>>
        %dma_wait3A_662 = arith.constant 0 : i32
        %dma_wait3A_663 = arith.constant 0 : i32
        %dma_wait3A_664 = tpu.memref_slice %arg6[%cond3A, %dma_wait3A_662, %dma_wait3A_663] : memref<2x160x128xf32, #tpu.memory_space<vmem>> -> memref<1x160x128xf32, #tpu.memory_space<vmem>>
        %dma_wait3A_665 = tpu.memref_squeeze %dma_wait3A_664 : memref<1x160x128xf32, #tpu.memory_space<vmem>> -> memref<160x128xf32, #tpu.memory_space<vmem>>
        tpu.wait_dma2 semaphore(%run_scoped3A_641 : memref<!tpu.dma_semaphore, #tpu.memory_space<semaphore_mem>>) src(%dma_wait3A_665 : memref<160x128xf32, #tpu.memory_space<vmem>>) dst(%dma_wait3A_661 : memref<160x128xf32, #tpu.memory_space<vmem_shared>>)
        tpu.yield
      }) : () -> ()
      %add3A_637 = arith.constant 320 : i32
      %add3A_638 = arith.addi %mul3A_0, %add3A_637 : i32
      "tpu.region"() ({
        %run_scoped3A_641 = tpu.sem_alloc : memref<!tpu.dma_semaphore, #tpu.memory_space<semaphore_mem>>
        %dma_start3A_642 = arith.constant 0 : i32
        %dma_start3A_643 = arith.constant 0 : i32
        %dma_start3A_644 = tpu.memref_slice %arg6[%cond3A, %dma_start3A_642, %dma_start3A_643] : memref<2x160x128xf32, #tpu.memory_space<vmem>> -> memref<1x160x128xf32, #tpu.memory_space<vmem>>
        %dma_start3A_645 = tpu.memref_squeeze %dma_start3A_644 : memref<1x160x128xf32, #tpu.memory_space<vmem>> -> memref<160x128xf32, #tpu.memory_space<vmem>>
        %dma_start3A_646 = arith.constant 0 : i32
        %dma_start3A_647 = tpu.memref_slice %arg14[%add3A_638, %dma_start3A_646] : memref<10240x128xf32, #tpu.memory_space<vmem_shared>> -> memref<160x128xf32, #tpu.memory_space<vmem_shared>>
        %dma_start3A_648 = arith.constant 0 : i32
        %dma_start3A_649 = tpu.memref_slice %arg14[%add3A_638, %dma_start3A_648] : memref<10240x128xf32, #tpu.memory_space<vmem_shared>> -> memref<160x128xf32, #tpu.memory_space<vmem_shared>>
        %dma_start3A_650 = arith.constant 0 : i32
        %dma_start3A_651 = arith.constant 0 : i32
        %dma_start3A_652 = tpu.memref_slice %arg6[%cond3A, %dma_start3A_650, %dma_start3A_651] : memref<2x160x128xf32, #tpu.memory_space<vmem>> -> memref<1x160x128xf32, #tpu.memory_space<vmem>>
        %dma_start3A_653 = tpu.memref_squeeze %dma_start3A_652 : memref<1x160x128xf32, #tpu.memory_space<vmem>> -> memref<160x128xf32, #tpu.memory_space<vmem>>
        tpu.enqueue_dma source(%dma_start3A_653 : memref<160x128xf32, #tpu.memory_space<vmem>>) target(%dma_start3A_649 : memref<160x128xf32, #tpu.memory_space<vmem_shared>>) target_semaphore(%run_scoped3A_641 : memref<!tpu.dma_semaphore, #tpu.memory_space<semaphore_mem>>)
        %dma_wait3A_654 = arith.constant 0 : i32
        %dma_wait3A_655 = arith.constant 0 : i32
        %dma_wait3A_656 = tpu.memref_slice %arg6[%cond3A, %dma_wait3A_654, %dma_wait3A_655] : memref<2x160x128xf32, #tpu.memory_space<vmem>> -> memref<1x160x128xf32, #tpu.memory_space<vmem>>
        %dma_wait3A_657 = tpu.memref_squeeze %dma_wait3A_656 : memref<1x160x128xf32, #tpu.memory_space<vmem>> -> memref<160x128xf32, #tpu.memory_space<vmem>>
        %dma_wait3A_658 = arith.constant 0 : i32
        %dma_wait3A_659 = tpu.memref_slice %arg14[%add3A_638, %dma_wait3A_658] : memref<10240x128xf32, #tpu.memory_space<vmem_shared>> -> memref<160x128xf32, #tpu.memory_space<vmem_shared>>
        %dma_wait3A_660 = arith.constant 0 : i32
        %dma_wait3A_661 = tpu.memref_slice %arg14[%add3A_638, %dma_wait3A_660] : memref<10240x128xf32, #tpu.memory_space<vmem_shared>> -> memref<160x128xf32, #tpu.memory_space<vmem_shared>>
        %dma_wait3A_662 = arith.constant 0 : i32
        %dma_wait3A_663 = arith.constant 0 : i32
        %dma_wait3A_664 = tpu.memref_slice %arg6[%cond3A, %dma_wait3A_662, %dma_wait3A_663] : memref<2x160x128xf32, #tpu.memory_space<vmem>> -> memref<1x160x128xf32, #tpu.memory_space<vmem>>
        %dma_wait3A_665 = tpu.memref_squeeze %dma_wait3A_664 : memref<1x160x128xf32, #tpu.memory_space<vmem>> -> memref<160x128xf32, #tpu.memory_space<vmem>>
        tpu.wait_dma2 semaphore(%run_scoped3A_641 : memref<!tpu.dma_semaphore, #tpu.memory_space<semaphore_mem>>) src(%dma_wait3A_665 : memref<160x128xf32, #tpu.memory_space<vmem>>) dst(%dma_wait3A_661 : memref<160x128xf32, #tpu.memory_space<vmem_shared>>)
        tpu.yield
      }) : () -> ()
      %add3A_639 = arith.constant 480 : i32
      %add3A_640 = arith.addi %mul3A_0, %add3A_639 : i32
      "tpu.region"() ({
        %run_scoped3A_641 = tpu.sem_alloc : memref<!tpu.dma_semaphore, #tpu.memory_space<semaphore_mem>>
        %dma_start3A_642 = arith.constant 0 : i32
        %dma_start3A_643 = arith.constant 0 : i32
        %dma_start3A_644 = tpu.memref_slice %arg6[%cond3A, %dma_start3A_642, %dma_start3A_643] : memref<2x160x128xf32, #tpu.memory_space<vmem>> -> memref<1x160x128xf32, #tpu.memory_space<vmem>>
        %dma_start3A_645 = tpu.memref_squeeze %dma_start3A_644 : memref<1x160x128xf32, #tpu.memory_space<vmem>> -> memref<160x128xf32, #tpu.memory_space<vmem>>
        %dma_start3A_646 = arith.constant 0 : i32
        %dma_start3A_647 = tpu.memref_slice %arg14[%add3A_640, %dma_start3A_646] : memref<10240x128xf32, #tpu.memory_space<vmem_shared>> -> memref<160x128xf32, #tpu.memory_space<vmem_shared>>
        %dma_start3A_648 = arith.constant 0 : i32
        %dma_start3A_649 = tpu.memref_slice %arg14[%add3A_640, %dma_start3A_648] : memref<10240x128xf32, #tpu.memory_space<vmem_shared>> -> memref<160x128xf32, #tpu.memory_space<vmem_shared>>
        %dma_start3A_650 = arith.constant 0 : i32
        %dma_start3A_651 = arith.constant 0 : i32
        %dma_start3A_652 = tpu.memref_slice %arg6[%cond3A, %dma_start3A_650, %dma_start3A_651] : memref<2x160x128xf32, #tpu.memory_space<vmem>> -> memref<1x160x128xf32, #tpu.memory_space<vmem>>
        %dma_start3A_653 = tpu.memref_squeeze %dma_start3A_652 : memref<1x160x128xf32, #tpu.memory_space<vmem>> -> memref<160x128xf32, #tpu.memory_space<vmem>>
        tpu.enqueue_dma source(%dma_start3A_653 : memref<160x128xf32, #tpu.memory_space<vmem>>) target(%dma_start3A_649 : memref<160x128xf32, #tpu.memory_space<vmem_shared>>) target_semaphore(%run_scoped3A_641 : memref<!tpu.dma_semaphore, #tpu.memory_space<semaphore_mem>>)
        %dma_wait3A_654 = arith.constant 0 : i32
        %dma_wait3A_655 = arith.constant 0 : i32
        %dma_wait3A_656 = tpu.memref_slice %arg6[%cond3A, %dma_wait3A_654, %dma_wait3A_655] : memref<2x160x128xf32, #tpu.memory_space<vmem>> -> memref<1x160x128xf32, #tpu.memory_space<vmem>>
        %dma_wait3A_657 = tpu.memref_squeeze %dma_wait3A_656 : memref<1x160x128xf32, #tpu.memory_space<vmem>> -> memref<160x128xf32, #tpu.memory_space<vmem>>
        %dma_wait3A_658 = arith.constant 0 : i32
        %dma_wait3A_659 = tpu.memref_slice %arg14[%add3A_640, %dma_wait3A_658] : memref<10240x128xf32, #tpu.memory_space<vmem_shared>> -> memref<160x128xf32, #tpu.memory_space<vmem_shared>>
        %dma_wait3A_660 = arith.constant 0 : i32
        %dma_wait3A_661 = tpu.memref_slice %arg14[%add3A_640, %dma_wait3A_660] : memref<10240x128xf32, #tpu.memory_space<vmem_shared>> -> memref<160x128xf32, #tpu.memory_space<vmem_shared>>
        %dma_wait3A_662 = arith.constant 0 : i32
        %dma_wait3A_663 = arith.constant 0 : i32
        %dma_wait3A_664 = tpu.memref_slice %arg6[%cond3A, %dma_wait3A_662, %dma_wait3A_663] : memref<2x160x128xf32, #tpu.memory_space<vmem>> -> memref<1x160x128xf32, #tpu.memory_space<vmem>>
        %dma_wait3A_665 = tpu.memref_squeeze %dma_wait3A_664 : memref<1x160x128xf32, #tpu.memory_space<vmem>> -> memref<160x128xf32, #tpu.memory_space<vmem>>
        tpu.wait_dma2 semaphore(%run_scoped3A_641 : memref<!tpu.dma_semaphore, #tpu.memory_space<semaphore_mem>>) src(%dma_wait3A_665 : memref<160x128xf32, #tpu.memory_space<vmem>>) dst(%dma_wait3A_661 : memref<160x128xf32, #tpu.memory_space<vmem_shared>>)
        tpu.yield
      }) : () -> ()
    } else {
    }
    %barrier3A_595 = arith.constant 0 : index
    tpu.barrier barrier_id(%barrier3A_595)
    %convert_element_type3A_596 = arith.extui %ne3A_551 : i1 to i32
    %cond3A_597 = arith.constant 0 : i32
    %cond3A_598 = arith.constant 0 : i32
    %cond3A_599 = arith.cmpi ne, %convert_element_type3A_596, %cond3A_598 : i32
    scf.if %cond3A_599 {
      %scan3A_633 = arith.constant 0 : i32
      %scan3A_634 = arith.constant 0 : i32
      %scan3A_635 = arith.constant 125 : i32
      %scan3A_636 = arith.addi %scan3A_634, %scan3A_635 : i32
      %scan3A_637 = arith.constant 1 : i32
      scf.for %scan3A_639 = %scan3A_634 to %scan3A_636 step %scan3A_637  : i32 {
        %mul3A_640 = arith.constant 16 : i32
        %mul3A_641 = arith.muli %scan3A_639, %mul3A_640 : i32
        %get3A_642 = arith.index_cast %mul3A_641 : i32 to index
        %get3A_643 = tpu.vector_load %arg13[%get3A_642] {strides = array<i32>} : memref<2000xi32, #tpu.memory_space<vmem>>, vector<16xi32>,
        %get3A_644 = vector.shape_cast %get3A_643 : vector<16xi32> to vector<16xi32>
        %slice3A_645 = vector.extract_strided_slice %get3A_644 {offsets = [0], sizes = [1], strides = [1]} : vector<16xi32> to vector<1xi32>
        %squeeze3A_646 = vector.extract %slice3A_645[0] : i32 from vector<1xi32>
        %slice3A_647 = vector.extract_strided_slice %get3A_644 {offsets = [1], sizes = [1], strides = [1]} : vector<16xi32> to vector<1xi32>
        %squeeze3A_648 = vector.extract %slice3A_647[0] : i32 from vector<1xi32>
        %or3A_649 = arith.ori %squeeze3A_646, %squeeze3A_648 : i32
        %slice3A_650 = vector.extract_strided_slice %get3A_644 {offsets = [2], sizes = [1], strides = [1]} : vector<16xi32> to vector<1xi32>
        %squeeze3A_651 = vector.extract %slice3A_650[0] : i32 from vector<1xi32>
        %or3A_652 = arith.ori %or3A_649, %squeeze3A_651 : i32
        %slice3A_653 = vector.extract_strided_slice %get3A_644 {offsets = [3], sizes = [1], strides = [1]} : vector<16xi32> to vector<1xi32>
        %squeeze3A_654 = vector.extract %slice3A_653[0] : i32 from vector<1xi32>
        %or3A_655 = arith.ori %or3A_652, %squeeze3A_654 : i32
        %slice3A_656 = vector.extract_strided_slice %get3A_644 {offsets = [4], sizes = [1], strides = [1]} : vector<16xi32> to vector<1xi32>
        %squeeze3A_657 = vector.extract %slice3A_656[0] : i32 from vector<1xi32>
        %or3A_658 = arith.ori %or3A_655, %squeeze3A_657 : i32
        %slice3A_659 = vector.extract_strided_slice %get3A_644 {offsets = [5], sizes = [1], strides = [1]} : vector<16xi32> to vector<1xi32>
        %squeeze3A_660 = vector.extract %slice3A_659[0] : i32 from vector<1xi32>
        %or3A_661 = arith.ori %or3A_658, %squeeze3A_660 : i32
        %slice3A_662 = vector.extract_strided_slice %get3A_644 {offsets = [6], sizes = [1], strides = [1]} : vector<16xi32> to vector<1xi32>
        %squeeze3A_663 = vector.extract %slice3A_662[0] : i32 from vector<1xi32>
        %or3A_664 = arith.ori %or3A_661, %squeeze3A_663 : i32
        %slice3A_665 = vector.extract_strided_slice %get3A_644 {offsets = [7], sizes = [1], strides = [1]} : vector<16xi32> to vector<1xi32>
        %squeeze3A_666 = vector.extract %slice3A_665[0] : i32 from vector<1xi32>
        %or3A_667 = arith.ori %or3A_664, %squeeze3A_666 : i32
        %slice3A_668 = vector.extract_strided_slice %get3A_644 {offsets = [8], sizes = [1], strides = [1]} : vector<16xi32> to vector<1xi32>
        %squeeze3A_669 = vector.extract %slice3A_668[0] : i32 from vector<1xi32>
        %or3A_670 = arith.ori %or3A_667, %squeeze3A_669 : i32
        %slice3A_671 = vector.extract_strided_slice %get3A_644 {offsets = [9], sizes = [1], strides = [1]} : vector<16xi32> to vector<1xi32>
        %squeeze3A_672 = vector.extract %slice3A_671[0] : i32 from vector<1xi32>
        %or3A_673 = arith.ori %or3A_670, %squeeze3A_672 : i32
        %slice3A_674 = vector.extract_strided_slice %get3A_644 {offsets = [10], sizes = [1], strides = [1]} : vector<16xi32> to vector<1xi32>
        %squeeze3A_675 = vector.extract %slice3A_674[0] : i32 from vector<1xi32>
        %or3A_676 = arith.ori %or3A_673, %squeeze3A_675 : i32
        %slice3A_677 = vector.extract_strided_slice %get3A_644 {offsets = [11], sizes = [1], strides = [1]} : vector<16xi32> to vector<1xi32>
        %squeeze3A_678 = vector.extract %slice3A_677[0] : i32 from vector<1xi32>
        %or3A_679 = arith.ori %or3A_676, %squeeze3A_678 : i32
        %slice3A_680 = vector.extract_strided_slice %get3A_644 {offsets = [12], sizes = [1], strides = [1]} : vector<16xi32> to vector<1xi32>
        %squeeze3A_681 = vector.extract %slice3A_680[0] : i32 from vector<1xi32>
        %or3A_682 = arith.ori %or3A_679, %squeeze3A_681 : i32
        %slice3A_683 = vector.extract_strided_slice %get3A_644 {offsets = [13], sizes = [1], strides = [1]} : vector<16xi32> to vector<1xi32>
        %squeeze3A_684 = vector.extract %slice3A_683[0] : i32 from vector<1xi32>
        %or3A_685 = arith.ori %or3A_682, %squeeze3A_684 : i32
        %slice3A_686 = vector.extract_strided_slice %get3A_644 {offsets = [14], sizes = [1], strides = [1]} : vector<16xi32> to vector<1xi32>
        %squeeze3A_687 = vector.extract %slice3A_686[0] : i32 from vector<1xi32>
        %or3A_688 = arith.ori %or3A_685, %squeeze3A_687 : i32
        %slice3A_689 = vector.extract_strided_slice %get3A_644 {offsets = [15], sizes = [1], strides = [1]} : vector<16xi32> to vector<1xi32>
        %squeeze3A_690 = vector.extract %slice3A_689[0] : i32 from vector<1xi32>
        %or3A_691 = arith.ori %or3A_688, %squeeze3A_690 : i32
        %ne3A_692 = arith.constant 0 : i32
        %ne3A_693 = arith.cmpi ne, %or3A_691, %ne3A_692 : i32
        %convert_element_type3A_694 = arith.extui %ne3A_693 : i1 to i32
        %cond3A_695 = arith.constant 0 : i32
        %cond3A_696 = arith.cmpi ne, %convert_element_type3A_694, %cond3A_695 : i32
        scf.if %cond3A_696 {
          %mul3A_697 = arith.constant 160 : i32
          %mul3A_698 = arith.muli %scan3A_639, %mul3A_697 : i32
          %add3A_699 = arith.addi %mul3A_2, %mul3A_698 : i32
          "tpu.region"() ({
            %run_scoped3A_1081 = tpu.sem_alloc : memref<!tpu.dma_semaphore, #tpu.memory_space<semaphore_mem>>
            %dma_start3A_1082 = tpu.memref_slice %arg3[%add3A_699] : memref<320000xi32, #tpu.memory_space<hbm>> -> memref<160xi32, #tpu.memory_space<hbm>>
            %dma_start3A_1083 = tpu.memref_slice %arg3[%add3A_699] : memref<320000xi32, #tpu.memory_space<hbm>> -> memref<160xi32, #tpu.memory_space<hbm>>
            tpu.enqueue_dma source(%dma_start3A_1083 : memref<160xi32, #tpu.memory_space<hbm>>) target(%arg7 : memref<160xi32, #tpu.memory_space<vmem>>) target_semaphore(%run_scoped3A_1081 : memref<!tpu.dma_semaphore, #tpu.memory_space<semaphore_mem>>)
            %dma_wait3A_1084 = tpu.memref_slice %arg3[%add3A_699] : memref<320000xi32, #tpu.memory_space<hbm>> -> memref<160xi32, #tpu.memory_space<hbm>>
            %dma_wait3A_1085 = tpu.memref_slice %arg3[%add3A_699] : memref<320000xi32, #tpu.memory_space<hbm>> -> memref<160xi32, #tpu.memory_space<hbm>>
            tpu.wait_dma2 semaphore(%run_scoped3A_1081 : memref<!tpu.dma_semaphore, #tpu.memory_space<semaphore_mem>>) src(%dma_wait3A_1085 : memref<160xi32, #tpu.memory_space<hbm>>) dst(%arg7 : memref<160xi32, #tpu.memory_space<vmem>>)
            tpu.yield
          }) : () -> ()
          "tpu.region"() ({
            %run_scoped3A_1081 = tpu.sem_alloc : memref<!tpu.dma_semaphore, #tpu.memory_space<semaphore_mem>>
            %dma_start3A_1082 = tpu.memref_slice %arg4[%add3A_699] : memref<320000xi32, #tpu.memory_space<hbm>> -> memref<160xi32, #tpu.memory_space<hbm>>
            %dma_start3A_1083 = tpu.memref_slice %arg4[%add3A_699] : memref<320000xi32, #tpu.memory_space<hbm>> -> memref<160xi32, #tpu.memory_space<hbm>>
            tpu.enqueue_dma source(%dma_start3A_1083 : memref<160xi32, #tpu.memory_space<hbm>>) target(%arg8 : memref<160xi32, #tpu.memory_space<vmem>>) target_semaphore(%run_scoped3A_1081 : memref<!tpu.dma_semaphore, #tpu.memory_space<semaphore_mem>>)
            %dma_wait3A_1084 = tpu.memref_slice %arg4[%add3A_699] : memref<320000xi32, #tpu.memory_space<hbm>> -> memref<160xi32, #tpu.memory_space<hbm>>
            %dma_wait3A_1085 = tpu.memref_slice %arg4[%add3A_699] : memref<320000xi32, #tpu.memory_space<hbm>> -> memref<160xi32, #tpu.memory_space<hbm>>
            tpu.wait_dma2 semaphore(%run_scoped3A_1081 : memref<!tpu.dma_semaphore, #tpu.memory_space<semaphore_mem>>) src(%dma_wait3A_1085 : memref<160xi32, #tpu.memory_space<hbm>>) dst(%arg8 : memref<160xi32, #tpu.memory_space<vmem>>)
            tpu.yield
          }) : () -> ()
          "tpu.region"() ({
            %run_scoped3A_1081 = tpu.sem_alloc : memref<!tpu.dma_semaphore, #tpu.memory_space<semaphore_mem>>
            %dma_start3A_1082 = arith.constant 0 : i32
            %dma_start3A_1083 = arith.constant 0 : i32
            %dma_start3A_1084 = tpu.memref_slice %arg6[%cond3A_597, %dma_start3A_1082, %dma_start3A_1083] : memref<2x160x128xf32, #tpu.memory_space<vmem>> -> memref<1x160x128xf32, #tpu.memory_space<vmem>>
            %dma_start3A_1085 = tpu.memref_squeeze %dma_start3A_1084 : memref<1x160x128xf32, #tpu.memory_space<vmem>> -> memref<160x128xf32, #tpu.memory_space<vmem>>
            %dma_start3A_1086 = arith.constant 0 : i32
            %dma_start3A_1087 = tpu.memref_slice %arg2[%add3A_699, %dma_start3A_1086] : memref<320000x128xf32, #tpu.memory_space<hbm>> -> memref<160x128xf32, #tpu.memory_space<hbm>>
            %dma_start3A_1088 = arith.constant 0 : i32
            %dma_start3A_1089 = arith.constant 0 : i32
            %dma_start3A_1090 = tpu.memref_slice %arg6[%cond3A_597, %dma_start3A_1088, %dma_start3A_1089] : memref<2x160x128xf32, #tpu.memory_space<vmem>> -> memref<1x160x128xf32, #tpu.memory_space<vmem>>
            %dma_start3A_1091 = tpu.memref_squeeze %dma_start3A_1090 : memref<1x160x128xf32, #tpu.memory_space<vmem>> -> memref<160x128xf32, #tpu.memory_space<vmem>>
            %dma_start3A_1092 = arith.constant 0 : i32
            %dma_start3A_1093 = tpu.memref_slice %arg2[%add3A_699, %dma_start3A_1092] : memref<320000x128xf32, #tpu.memory_space<hbm>> -> memref<160x128xf32, #tpu.memory_space<hbm>>
            tpu.enqueue_dma source(%dma_start3A_1093 : memref<160x128xf32, #tpu.memory_space<hbm>>) target(%dma_start3A_1091 : memref<160x128xf32, #tpu.memory_space<vmem>>) target_semaphore(%run_scoped3A_1081 : memref<!tpu.dma_semaphore, #tpu.memory_space<semaphore_mem>>)
            %dma_wait3A_1094 = arith.constant 0 : i32
            %dma_wait3A_1095 = arith.constant 0 : i32
            %dma_wait3A_1096 = tpu.memref_slice %arg6[%cond3A_597, %dma_wait3A_1094, %dma_wait3A_1095] : memref<2x160x128xf32, #tpu.memory_space<vmem>> -> memref<1x160x128xf32, #tpu.memory_space<vmem>>
            %dma_wait3A_1097 = tpu.memref_squeeze %dma_wait3A_1096 : memref<1x160x128xf32, #tpu.memory_space<vmem>> -> memref<160x128xf32, #tpu.memory_space<vmem>>
            %dma_wait3A_1098 = arith.constant 0 : i32
            %dma_wait3A_1099 = tpu.memref_slice %arg2[%add3A_699, %dma_wait3A_1098] : memref<320000x128xf32, #tpu.memory_space<hbm>> -> memref<160x128xf32, #tpu.memory_space<hbm>>
            %dma_wait3A_1100 = arith.constant 0 : i32
            %dma_wait3A_1101 = arith.constant 0 : i32
            %dma_wait3A_1102 = tpu.memref_slice %arg6[%cond3A_597, %dma_wait3A_1100, %dma_wait3A_1101] : memref<2x160x128xf32, #tpu.memory_space<vmem>> -> memref<1x160x128xf32, #tpu.memory_space<vmem>>
            %dma_wait3A_1103 = tpu.memref_squeeze %dma_wait3A_1102 : memref<1x160x128xf32, #tpu.memory_space<vmem>> -> memref<160x128xf32, #tpu.memory_space<vmem>>
            %dma_wait3A_1104 = arith.constant 0 : i32
            %dma_wait3A_1105 = tpu.memref_slice %arg2[%add3A_699, %dma_wait3A_1104] : memref<320000x128xf32, #tpu.memory_space<hbm>> -> memref<160x128xf32, #tpu.memory_space<hbm>>
            tpu.wait_dma2 semaphore(%run_scoped3A_1081 : memref<!tpu.dma_semaphore, #tpu.memory_space<semaphore_mem>>) src(%dma_wait3A_1105 : memref<160x128xf32, #tpu.memory_space<hbm>>) dst(%dma_wait3A_1103 : memref<160x128xf32, #tpu.memory_space<vmem>>)
            tpu.yield
          }) : () -> ()
          %get3A_700 = arith.constant 0 : index
          %get3A_701 = tpu.vector_load %arg7[%get3A_700] {strides = array<i32>} : memref<160xi32, #tpu.memory_space<vmem>>, vector<16xi32>,
          %get3A_702 = vector.shape_cast %get3A_701 : vector<16xi32> to vector<16xi32>
          %get3A_703 = arith.constant 0 : index
          %get3A_704 = tpu.vector_load %arg8[%get3A_703] {strides = array<i32>} : memref<160xi32, #tpu.memory_space<vmem>>, vector<16xi32>,
          %get3A_705 = vector.shape_cast %get3A_704 : vector<16xi32> to vector<16xi32>
          %eq3A_706 = arith.cmpi eq, %get3A_702, %get3A_705 : vector<16xi32>
          %jit3A_707 = arith.constant 1 : i32
          %jit3A_708 = arith.constant 0 : i32
          %broadcast_in_dim3A_709 = vector.broadcast %jit3A_707 : i32 to vector<16xi32>
          %broadcast_in_dim3A_710 = vector.broadcast %jit3A_708 : i32 to vector<16xi32>
          %select_n3A_711 = arith.select %eq3A_706, %broadcast_in_dim3A_709, %broadcast_in_dim3A_710 : vector<16xi1>, vector<16xi32>
          %lt3A = arith.constant 5000 : i32
          %lt3A_712 = vector.broadcast %lt3A : i32 to vector<16xi32>
          %lt3A_713 = arith.cmpi slt, %get3A_702, %lt3A_712 : vector<16xi32>
          %sub3A_714 = arith.constant 1 : i32
          %sub3A_715 = arith.subi %sub3A_714, %arg0 : i32
          %broadcast_in_dim3A_716 = vector.broadcast %sub3A_715 : i32 to vector<16xi32>
          %broadcast_in_dim3A_717 = vector.broadcast %arg0 : i32 to vector<16xi32>
          %select_n3A_718 = arith.select %lt3A_713, %broadcast_in_dim3A_716, %broadcast_in_dim3A_717 : vector<16xi1>, vector<16xi32>
          %mul3A_719 = arith.muli %select_n3A_711, %select_n3A_718 : vector<16xi32>
          %mul3A_720 = arith.constant 5000 : i32
          %mul3A_721 = arith.muli %arg0, %mul3A_720 : i32
          %sub3A_722 = vector.broadcast %mul3A_721 : i32 to vector<16xi32>
          %sub3A_723 = arith.subi %get3A_702, %sub3A_722 : vector<16xi32>
          %eq3A_724 = arith.constant 1 : i32
          %eq3A_725 = vector.broadcast %eq3A_724 : i32 to vector<16xi32>
          %eq3A_726 = arith.cmpi eq, %mul3A_719, %eq3A_725 : vector<16xi32>
          %add3A_727 = arith.constant 10032 : i32
          %add3A_728 = vector.broadcast %add3A_727 : i32 to vector<16xi32>
          %add3A_729 = arith.addi %add3A_728, %iota3A : vector<16xi32>
          %select_n3A_730 = arith.select %eq3A_726, %sub3A_723, %add3A_729 : vector<16xi1>, vector<16xi32>
          %swap3A_731 = arith.constant 0 : i32
          %swap3A_732 = arith.index_cast %swap3A_731 : i32 to index
          %swap3A_733 = arith.constant 0 : index
          %swap3A_734 = tpu.vector_load %arg10[%swap3A_732, %swap3A_733] {strides = array<i32>} : memref<2x80xi32, #tpu.memory_space<vmem>>, vector<1x16xi32>,
          %swap3A_735 = vector.shape_cast %swap3A_734 : vector<1x16xi32> to vector<16xi32>
          %swap3A_736 = vector.shape_cast %select_n3A_730 : vector<16xi32> to vector<1x16xi32>
          tpu.vector_store %arg10[%swap3A_732, %swap3A_733], %swap3A_736 {strides = array<i32>} : memref<2x80xi32, #tpu.memory_space<vmem>>, vector<1x16xi32>,
          %get3A_737 = arith.constant 16 : index
          %get3A_738 = tpu.vector_load %arg7[%get3A_737] {strides = array<i32>} : memref<160xi32, #tpu.memory_space<vmem>>, vector<16xi32>,
          %get3A_739 = vector.shape_cast %get3A_738 : vector<16xi32> to vector<16xi32>
          %get3A_740 = arith.constant 16 : index
          %get3A_741 = tpu.vector_load %arg8[%get3A_740] {strides = array<i32>} : memref<160xi32, #tpu.memory_space<vmem>>, vector<16xi32>,
          %get3A_742 = vector.shape_cast %get3A_741 : vector<16xi32> to vector<16xi32>
          %eq3A_743 = arith.cmpi eq, %get3A_739, %get3A_742 : vector<16xi32>
          %jit3A_744 = arith.constant 1 : i32
          %jit3A_745 = arith.constant 0 : i32
          %broadcast_in_dim3A_746 = vector.broadcast %jit3A_744 : i32 to vector<16xi32>
          %broadcast_in_dim3A_747 = vector.broadcast %jit3A_745 : i32 to vector<16xi32>
          %select_n3A_748 = arith.select %eq3A_743, %broadcast_in_dim3A_746, %broadcast_in_dim3A_747 : vector<16xi1>, vector<16xi32>
          %lt3A_749 = arith.constant 5000 : i32
          %lt3A_750 = vector.broadcast %lt3A_749 : i32 to vector<16xi32>
          %lt3A_751 = arith.cmpi slt, %get3A_739, %lt3A_750 : vector<16xi32>
          %sub3A_752 = arith.constant 1 : i32
          %sub3A_753 = arith.subi %sub3A_752, %arg0 : i32
          %broadcast_in_dim3A_754 = vector.broadcast %sub3A_753 : i32 to vector<16xi32>
          %broadcast_in_dim3A_755 = vector.broadcast %arg0 : i32 to vector<16xi32>
          %select_n3A_756 = arith.select %lt3A_751, %broadcast_in_dim3A_754, %broadcast_in_dim3A_755 : vector<16xi1>, vector<16xi32>
          %mul3A_757 = arith.muli %select_n3A_748, %select_n3A_756 : vector<16xi32>
          %mul3A_758 = arith.constant 5000 : i32
          %mul3A_759 = arith.muli %arg0, %mul3A_758 : i32
          %sub3A_760 = vector.broadcast %mul3A_759 : i32 to vector<16xi32>
          %sub3A_761 = arith.subi %get3A_739, %sub3A_760 : vector<16xi32>
          %eq3A_762 = arith.constant 1 : i32
          %eq3A_763 = vector.broadcast %eq3A_762 : i32 to vector<16xi32>
          %eq3A_764 = arith.cmpi eq, %mul3A_757, %eq3A_763 : vector<16xi32>
          %add3A_765 = arith.constant 10032 : i32
          %add3A_766 = vector.broadcast %add3A_765 : i32 to vector<16xi32>
          %add3A_767 = arith.addi %add3A_766, %iota3A : vector<16xi32>
          %select_n3A_768 = arith.select %eq3A_764, %sub3A_761, %add3A_767 : vector<16xi1>, vector<16xi32>
          %swap3A_769 = arith.constant 0 : i32
          %swap3A_770 = arith.index_cast %swap3A_769 : i32 to index
          %swap3A_771 = arith.constant 16 : index
          %swap3A_772 = tpu.vector_load %arg10[%swap3A_770, %swap3A_771] {strides = array<i32>} : memref<2x80xi32, #tpu.memory_space<vmem>>, vector<1x16xi32>,
          %swap3A_773 = vector.shape_cast %swap3A_772 : vector<1x16xi32> to vector<16xi32>
          %swap3A_774 = vector.shape_cast %select_n3A_768 : vector<16xi32> to vector<1x16xi32>
          tpu.vector_store %arg10[%swap3A_770, %swap3A_771], %swap3A_774 {strides = array<i32>} : memref<2x80xi32, #tpu.memory_space<vmem>>, vector<1x16xi32>,
          %get3A_775 = arith.constant 32 : index
          %get3A_776 = tpu.vector_load %arg7[%get3A_775] {strides = array<i32>} : memref<160xi32, #tpu.memory_space<vmem>>, vector<16xi32>,
          %get3A_777 = vector.shape_cast %get3A_776 : vector<16xi32> to vector<16xi32>
          %get3A_778 = arith.constant 32 : index
          %get3A_779 = tpu.vector_load %arg8[%get3A_778] {strides = array<i32>} : memref<160xi32, #tpu.memory_space<vmem>>, vector<16xi32>,
          %get3A_780 = vector.shape_cast %get3A_779 : vector<16xi32> to vector<16xi32>
          %eq3A_781 = arith.cmpi eq, %get3A_777, %get3A_780 : vector<16xi32>
          %jit3A_782 = arith.constant 1 : i32
          %jit3A_783 = arith.constant 0 : i32
          %broadcast_in_dim3A_784 = vector.broadcast %jit3A_782 : i32 to vector<16xi32>
          %broadcast_in_dim3A_785 = vector.broadcast %jit3A_783 : i32 to vector<16xi32>
          %select_n3A_786 = arith.select %eq3A_781, %broadcast_in_dim3A_784, %broadcast_in_dim3A_785 : vector<16xi1>, vector<16xi32>
          %lt3A_787 = arith.constant 5000 : i32
          %lt3A_788 = vector.broadcast %lt3A_787 : i32 to vector<16xi32>
          %lt3A_789 = arith.cmpi slt, %get3A_777, %lt3A_788 : vector<16xi32>
          %sub3A_790 = arith.constant 1 : i32
          %sub3A_791 = arith.subi %sub3A_790, %arg0 : i32
          %broadcast_in_dim3A_792 = vector.broadcast %sub3A_791 : i32 to vector<16xi32>
          %broadcast_in_dim3A_793 = vector.broadcast %arg0 : i32 to vector<16xi32>
          %select_n3A_794 = arith.select %lt3A_789, %broadcast_in_dim3A_792, %broadcast_in_dim3A_793 : vector<16xi1>, vector<16xi32>
          %mul3A_795 = arith.muli %select_n3A_786, %select_n3A_794 : vector<16xi32>
          %mul3A_796 = arith.constant 5000 : i32
          %mul3A_797 = arith.muli %arg0, %mul3A_796 : i32
          %sub3A_798 = vector.broadcast %mul3A_797 : i32 to vector<16xi32>
          %sub3A_799 = arith.subi %get3A_777, %sub3A_798 : vector<16xi32>
          %eq3A_800 = arith.constant 1 : i32
          %eq3A_801 = vector.broadcast %eq3A_800 : i32 to vector<16xi32>
          %eq3A_802 = arith.cmpi eq, %mul3A_795, %eq3A_801 : vector<16xi32>
          %add3A_803 = arith.constant 10032 : i32
          %add3A_804 = vector.broadcast %add3A_803 : i32 to vector<16xi32>
          %add3A_805 = arith.addi %add3A_804, %iota3A : vector<16xi32>
          %select_n3A_806 = arith.select %eq3A_802, %sub3A_799, %add3A_805 : vector<16xi1>, vector<16xi32>
          %swap3A_807 = arith.constant 0 : i32
          %swap3A_808 = arith.index_cast %swap3A_807 : i32 to index
          %swap3A_809 = arith.constant 32 : index
          %swap3A_810 = tpu.vector_load %arg10[%swap3A_808, %swap3A_809] {strides = array<i32>} : memref<2x80xi32, #tpu.memory_space<vmem>>, vector<1x16xi32>,
          %swap3A_811 = vector.shape_cast %swap3A_810 : vector<1x16xi32> to vector<16xi32>
          %swap3A_812 = vector.shape_cast %select_n3A_806 : vector<16xi32> to vector<1x16xi32>
          tpu.vector_store %arg10[%swap3A_808, %swap3A_809], %swap3A_812 {strides = array<i32>} : memref<2x80xi32, #tpu.memory_space<vmem>>, vector<1x16xi32>,
          %get3A_813 = arith.constant 48 : index
          %get3A_814 = tpu.vector_load %arg7[%get3A_813] {strides = array<i32>} : memref<160xi32, #tpu.memory_space<vmem>>, vector<16xi32>,
          %get3A_815 = vector.shape_cast %get3A_814 : vector<16xi32> to vector<16xi32>
          %get3A_816 = arith.constant 48 : index
          %get3A_817 = tpu.vector_load %arg8[%get3A_816] {strides = array<i32>} : memref<160xi32, #tpu.memory_space<vmem>>, vector<16xi32>,
          %get3A_818 = vector.shape_cast %get3A_817 : vector<16xi32> to vector<16xi32>
          %eq3A_819 = arith.cmpi eq, %get3A_815, %get3A_818 : vector<16xi32>
          %jit3A_820 = arith.constant 1 : i32
          %jit3A_821 = arith.constant 0 : i32
          %broadcast_in_dim3A_822 = vector.broadcast %jit3A_820 : i32 to vector<16xi32>
          %broadcast_in_dim3A_823 = vector.broadcast %jit3A_821 : i32 to vector<16xi32>
          %select_n3A_824 = arith.select %eq3A_819, %broadcast_in_dim3A_822, %broadcast_in_dim3A_823 : vector<16xi1>, vector<16xi32>
          %lt3A_825 = arith.constant 5000 : i32
          %lt3A_826 = vector.broadcast %lt3A_825 : i32 to vector<16xi32>
          %lt3A_827 = arith.cmpi slt, %get3A_815, %lt3A_826 : vector<16xi32>
          %sub3A_828 = arith.constant 1 : i32
          %sub3A_829 = arith.subi %sub3A_828, %arg0 : i32
          %broadcast_in_dim3A_830 = vector.broadcast %sub3A_829 : i32 to vector<16xi32>
          %broadcast_in_dim3A_831 = vector.broadcast %arg0 : i32 to vector<16xi32>
          %select_n3A_832 = arith.select %lt3A_827, %broadcast_in_dim3A_830, %broadcast_in_dim3A_831 : vector<16xi1>, vector<16xi32>
          %mul3A_833 = arith.muli %select_n3A_824, %select_n3A_832 : vector<16xi32>
          %mul3A_834 = arith.constant 5000 : i32
          %mul3A_835 = arith.muli %arg0, %mul3A_834 : i32
          %sub3A_836 = vector.broadcast %mul3A_835 : i32 to vector<16xi32>
          %sub3A_837 = arith.subi %get3A_815, %sub3A_836 : vector<16xi32>
          %eq3A_838 = arith.constant 1 : i32
          %eq3A_839 = vector.broadcast %eq3A_838 : i32 to vector<16xi32>
          %eq3A_840 = arith.cmpi eq, %mul3A_833, %eq3A_839 : vector<16xi32>
          %add3A_841 = arith.constant 10032 : i32
          %add3A_842 = vector.broadcast %add3A_841 : i32 to vector<16xi32>
          %add3A_843 = arith.addi %add3A_842, %iota3A : vector<16xi32>
          %select_n3A_844 = arith.select %eq3A_840, %sub3A_837, %add3A_843 : vector<16xi1>, vector<16xi32>
          %swap3A_845 = arith.constant 0 : i32
          %swap3A_846 = arith.index_cast %swap3A_845 : i32 to index
          %swap3A_847 = arith.constant 48 : index
          %swap3A_848 = tpu.vector_load %arg10[%swap3A_846, %swap3A_847] {strides = array<i32>} : memref<2x80xi32, #tpu.memory_space<vmem>>, vector<1x16xi32>,
          %swap3A_849 = vector.shape_cast %swap3A_848 : vector<1x16xi32> to vector<16xi32>
          %swap3A_850 = vector.shape_cast %select_n3A_844 : vector<16xi32> to vector<1x16xi32>
          tpu.vector_store %arg10[%swap3A_846, %swap3A_847], %swap3A_850 {strides = array<i32>} : memref<2x80xi32, #tpu.memory_space<vmem>>, vector<1x16xi32>,
          %get3A_851 = arith.constant 64 : index
          %get3A_852 = tpu.vector_load %arg7[%get3A_851] {strides = array<i32>} : memref<160xi32, #tpu.memory_space<vmem>>, vector<16xi32>,
          %get3A_853 = vector.shape_cast %get3A_852 : vector<16xi32> to vector<16xi32>
          %get3A_854 = arith.constant 64 : index
          %get3A_855 = tpu.vector_load %arg8[%get3A_854] {strides = array<i32>} : memref<160xi32, #tpu.memory_space<vmem>>, vector<16xi32>,
          %get3A_856 = vector.shape_cast %get3A_855 : vector<16xi32> to vector<16xi32>
          %eq3A_857 = arith.cmpi eq, %get3A_853, %get3A_856 : vector<16xi32>
          %jit3A_858 = arith.constant 1 : i32
          %jit3A_859 = arith.constant 0 : i32
          %broadcast_in_dim3A_860 = vector.broadcast %jit3A_858 : i32 to vector<16xi32>
          %broadcast_in_dim3A_861 = vector.broadcast %jit3A_859 : i32 to vector<16xi32>
          %select_n3A_862 = arith.select %eq3A_857, %broadcast_in_dim3A_860, %broadcast_in_dim3A_861 : vector<16xi1>, vector<16xi32>
          %lt3A_863 = arith.constant 5000 : i32
          %lt3A_864 = vector.broadcast %lt3A_863 : i32 to vector<16xi32>
          %lt3A_865 = arith.cmpi slt, %get3A_853, %lt3A_864 : vector<16xi32>
          %sub3A_866 = arith.constant 1 : i32
          %sub3A_867 = arith.subi %sub3A_866, %arg0 : i32
          %broadcast_in_dim3A_868 = vector.broadcast %sub3A_867 : i32 to vector<16xi32>
          %broadcast_in_dim3A_869 = vector.broadcast %arg0 : i32 to vector<16xi32>
          %select_n3A_870 = arith.select %lt3A_865, %broadcast_in_dim3A_868, %broadcast_in_dim3A_869 : vector<16xi1>, vector<16xi32>
          %mul3A_871 = arith.muli %select_n3A_862, %select_n3A_870 : vector<16xi32>
          %mul3A_872 = arith.constant 5000 : i32
          %mul3A_873 = arith.muli %arg0, %mul3A_872 : i32
          %sub3A_874 = vector.broadcast %mul3A_873 : i32 to vector<16xi32>
          %sub3A_875 = arith.subi %get3A_853, %sub3A_874 : vector<16xi32>
          %eq3A_876 = arith.constant 1 : i32
          %eq3A_877 = vector.broadcast %eq3A_876 : i32 to vector<16xi32>
          %eq3A_878 = arith.cmpi eq, %mul3A_871, %eq3A_877 : vector<16xi32>
          %add3A_879 = arith.constant 10032 : i32
          %add3A_880 = vector.broadcast %add3A_879 : i32 to vector<16xi32>
          %add3A_881 = arith.addi %add3A_880, %iota3A : vector<16xi32>
          %select_n3A_882 = arith.select %eq3A_878, %sub3A_875, %add3A_881 : vector<16xi1>, vector<16xi32>
          %swap3A_883 = arith.constant 0 : i32
          %swap3A_884 = arith.index_cast %swap3A_883 : i32 to index
          %swap3A_885 = arith.constant 64 : index
          %swap3A_886 = tpu.vector_load %arg10[%swap3A_884, %swap3A_885] {strides = array<i32>} : memref<2x80xi32, #tpu.memory_space<vmem>>, vector<1x16xi32>,
          %swap3A_887 = vector.shape_cast %swap3A_886 : vector<1x16xi32> to vector<16xi32>
          %swap3A_888 = vector.shape_cast %select_n3A_882 : vector<16xi32> to vector<1x16xi32>
          tpu.vector_store %arg10[%swap3A_884, %swap3A_885], %swap3A_888 {strides = array<i32>} : memref<2x80xi32, #tpu.memory_space<vmem>>, vector<1x16xi32>,
          %get3A_889 = arith.constant 80 : index
          %get3A_890 = tpu.vector_load %arg7[%get3A_889] {strides = array<i32>} : memref<160xi32, #tpu.memory_space<vmem>>, vector<16xi32>,
          %get3A_891 = vector.shape_cast %get3A_890 : vector<16xi32> to vector<16xi32>
          %get3A_892 = arith.constant 80 : index
          %get3A_893 = tpu.vector_load %arg8[%get3A_892] {strides = array<i32>} : memref<160xi32, #tpu.memory_space<vmem>>, vector<16xi32>,
          %get3A_894 = vector.shape_cast %get3A_893 : vector<16xi32> to vector<16xi32>
          %eq3A_895 = arith.cmpi eq, %get3A_891, %get3A_894 : vector<16xi32>
          %jit3A_896 = arith.constant 1 : i32
          %jit3A_897 = arith.constant 0 : i32
          %broadcast_in_dim3A_898 = vector.broadcast %jit3A_896 : i32 to vector<16xi32>
          %broadcast_in_dim3A_899 = vector.broadcast %jit3A_897 : i32 to vector<16xi32>
          %select_n3A_900 = arith.select %eq3A_895, %broadcast_in_dim3A_898, %broadcast_in_dim3A_899 : vector<16xi1>, vector<16xi32>
          %lt3A_901 = arith.constant 5000 : i32
          %lt3A_902 = vector.broadcast %lt3A_901 : i32 to vector<16xi32>
          %lt3A_903 = arith.cmpi slt, %get3A_891, %lt3A_902 : vector<16xi32>
          %sub3A_904 = arith.constant 1 : i32
          %sub3A_905 = arith.subi %sub3A_904, %arg0 : i32
          %broadcast_in_dim3A_906 = vector.broadcast %sub3A_905 : i32 to vector<16xi32>
          %broadcast_in_dim3A_907 = vector.broadcast %arg0 : i32 to vector<16xi32>
          %select_n3A_908 = arith.select %lt3A_903, %broadcast_in_dim3A_906, %broadcast_in_dim3A_907 : vector<16xi1>, vector<16xi32>
          %mul3A_909 = arith.muli %select_n3A_900, %select_n3A_908 : vector<16xi32>
          %mul3A_910 = arith.constant 5000 : i32
          %mul3A_911 = arith.muli %arg0, %mul3A_910 : i32
          %sub3A_912 = vector.broadcast %mul3A_911 : i32 to vector<16xi32>
          %sub3A_913 = arith.subi %get3A_891, %sub3A_912 : vector<16xi32>
          %eq3A_914 = arith.constant 1 : i32
          %eq3A_915 = vector.broadcast %eq3A_914 : i32 to vector<16xi32>
          %eq3A_916 = arith.cmpi eq, %mul3A_909, %eq3A_915 : vector<16xi32>
          %add3A_917 = arith.constant 10032 : i32
          %add3A_918 = vector.broadcast %add3A_917 : i32 to vector<16xi32>
          %add3A_919 = arith.addi %add3A_918, %iota3A : vector<16xi32>
          %select_n3A_920 = arith.select %eq3A_916, %sub3A_913, %add3A_919 : vector<16xi1>, vector<16xi32>
          %swap3A_921 = arith.constant 1 : i32
          %swap3A_922 = arith.index_cast %swap3A_921 : i32 to index
          %swap3A_923 = arith.constant 0 : index
          %swap3A_924 = tpu.vector_load %arg10[%swap3A_922, %swap3A_923] {strides = array<i32>} : memref<2x80xi32, #tpu.memory_space<vmem>>, vector<1x16xi32>,
          %swap3A_925 = vector.shape_cast %swap3A_924 : vector<1x16xi32> to vector<16xi32>
          %swap3A_926 = vector.shape_cast %select_n3A_920 : vector<16xi32> to vector<1x16xi32>
          tpu.vector_store %arg10[%swap3A_922, %swap3A_923], %swap3A_926 {strides = array<i32>} : memref<2x80xi32, #tpu.memory_space<vmem>>, vector<1x16xi32>,
          %get3A_927 = arith.constant 96 : index
          %get3A_928 = tpu.vector_load %arg7[%get3A_927] {strides = array<i32>} : memref<160xi32, #tpu.memory_space<vmem>>, vector<16xi32>,
          %get3A_929 = vector.shape_cast %get3A_928 : vector<16xi32> to vector<16xi32>
          %get3A_930 = arith.constant 96 : index
          %get3A_931 = tpu.vector_load %arg8[%get3A_930] {strides = array<i32>} : memref<160xi32, #tpu.memory_space<vmem>>, vector<16xi32>,
          %get3A_932 = vector.shape_cast %get3A_931 : vector<16xi32> to vector<16xi32>
          %eq3A_933 = arith.cmpi eq, %get3A_929, %get3A_932 : vector<16xi32>
          %jit3A_934 = arith.constant 1 : i32
          %jit3A_935 = arith.constant 0 : i32
          %broadcast_in_dim3A_936 = vector.broadcast %jit3A_934 : i32 to vector<16xi32>
          %broadcast_in_dim3A_937 = vector.broadcast %jit3A_935 : i32 to vector<16xi32>
          %select_n3A_938 = arith.select %eq3A_933, %broadcast_in_dim3A_936, %broadcast_in_dim3A_937 : vector<16xi1>, vector<16xi32>
          %lt3A_939 = arith.constant 5000 : i32
          %lt3A_940 = vector.broadcast %lt3A_939 : i32 to vector<16xi32>
          %lt3A_941 = arith.cmpi slt, %get3A_929, %lt3A_940 : vector<16xi32>
          %sub3A_942 = arith.constant 1 : i32
          %sub3A_943 = arith.subi %sub3A_942, %arg0 : i32
          %broadcast_in_dim3A_944 = vector.broadcast %sub3A_943 : i32 to vector<16xi32>
          %broadcast_in_dim3A_945 = vector.broadcast %arg0 : i32 to vector<16xi32>
          %select_n3A_946 = arith.select %lt3A_941, %broadcast_in_dim3A_944, %broadcast_in_dim3A_945 : vector<16xi1>, vector<16xi32>
          %mul3A_947 = arith.muli %select_n3A_938, %select_n3A_946 : vector<16xi32>
          %mul3A_948 = arith.constant 5000 : i32
          %mul3A_949 = arith.muli %arg0, %mul3A_948 : i32
          %sub3A_950 = vector.broadcast %mul3A_949 : i32 to vector<16xi32>
          %sub3A_951 = arith.subi %get3A_929, %sub3A_950 : vector<16xi32>
          %eq3A_952 = arith.constant 1 : i32
          %eq3A_953 = vector.broadcast %eq3A_952 : i32 to vector<16xi32>
          %eq3A_954 = arith.cmpi eq, %mul3A_947, %eq3A_953 : vector<16xi32>
          %add3A_955 = arith.constant 10032 : i32
          %add3A_956 = vector.broadcast %add3A_955 : i32 to vector<16xi32>
          %add3A_957 = arith.addi %add3A_956, %iota3A : vector<16xi32>
          %select_n3A_958 = arith.select %eq3A_954, %sub3A_951, %add3A_957 : vector<16xi1>, vector<16xi32>
          %swap3A_959 = arith.constant 1 : i32
          %swap3A_960 = arith.index_cast %swap3A_959 : i32 to index
          %swap3A_961 = arith.constant 16 : index
          %swap3A_962 = tpu.vector_load %arg10[%swap3A_960, %swap3A_961] {strides = array<i32>} : memref<2x80xi32, #tpu.memory_space<vmem>>, vector<1x16xi32>,
          %swap3A_963 = vector.shape_cast %swap3A_962 : vector<1x16xi32> to vector<16xi32>
          %swap3A_964 = vector.shape_cast %select_n3A_958 : vector<16xi32> to vector<1x16xi32>
          tpu.vector_store %arg10[%swap3A_960, %swap3A_961], %swap3A_964 {strides = array<i32>} : memref<2x80xi32, #tpu.memory_space<vmem>>, vector<1x16xi32>,
          %get3A_965 = arith.constant 112 : index
          %get3A_966 = tpu.vector_load %arg7[%get3A_965] {strides = array<i32>} : memref<160xi32, #tpu.memory_space<vmem>>, vector<16xi32>,
          %get3A_967 = vector.shape_cast %get3A_966 : vector<16xi32> to vector<16xi32>
          %get3A_968 = arith.constant 112 : index
          %get3A_969 = tpu.vector_load %arg8[%get3A_968] {strides = array<i32>} : memref<160xi32, #tpu.memory_space<vmem>>, vector<16xi32>,
          %get3A_970 = vector.shape_cast %get3A_969 : vector<16xi32> to vector<16xi32>
          %eq3A_971 = arith.cmpi eq, %get3A_967, %get3A_970 : vector<16xi32>
          %jit3A_972 = arith.constant 1 : i32
          %jit3A_973 = arith.constant 0 : i32
          %broadcast_in_dim3A_974 = vector.broadcast %jit3A_972 : i32 to vector<16xi32>
          %broadcast_in_dim3A_975 = vector.broadcast %jit3A_973 : i32 to vector<16xi32>
          %select_n3A_976 = arith.select %eq3A_971, %broadcast_in_dim3A_974, %broadcast_in_dim3A_975 : vector<16xi1>, vector<16xi32>
          %lt3A_977 = arith.constant 5000 : i32
          %lt3A_978 = vector.broadcast %lt3A_977 : i32 to vector<16xi32>
          %lt3A_979 = arith.cmpi slt, %get3A_967, %lt3A_978 : vector<16xi32>
          %sub3A_980 = arith.constant 1 : i32
          %sub3A_981 = arith.subi %sub3A_980, %arg0 : i32
          %broadcast_in_dim3A_982 = vector.broadcast %sub3A_981 : i32 to vector<16xi32>
          %broadcast_in_dim3A_983 = vector.broadcast %arg0 : i32 to vector<16xi32>
          %select_n3A_984 = arith.select %lt3A_979, %broadcast_in_dim3A_982, %broadcast_in_dim3A_983 : vector<16xi1>, vector<16xi32>
          %mul3A_985 = arith.muli %select_n3A_976, %select_n3A_984 : vector<16xi32>
          %mul3A_986 = arith.constant 5000 : i32
          %mul3A_987 = arith.muli %arg0, %mul3A_986 : i32
          %sub3A_988 = vector.broadcast %mul3A_987 : i32 to vector<16xi32>
          %sub3A_989 = arith.subi %get3A_967, %sub3A_988 : vector<16xi32>
          %eq3A_990 = arith.constant 1 : i32
          %eq3A_991 = vector.broadcast %eq3A_990 : i32 to vector<16xi32>
          %eq3A_992 = arith.cmpi eq, %mul3A_985, %eq3A_991 : vector<16xi32>
          %add3A_993 = arith.constant 10032 : i32
          %add3A_994 = vector.broadcast %add3A_993 : i32 to vector<16xi32>
          %add3A_995 = arith.addi %add3A_994, %iota3A : vector<16xi32>
          %select_n3A_996 = arith.select %eq3A_992, %sub3A_989, %add3A_995 : vector<16xi1>, vector<16xi32>
          %swap3A_997 = arith.constant 1 : i32
          %swap3A_998 = arith.index_cast %swap3A_997 : i32 to index
          %swap3A_999 = arith.constant 32 : index
          %swap3A_1000 = tpu.vector_load %arg10[%swap3A_998, %swap3A_999] {strides = array<i32>} : memref<2x80xi32, #tpu.memory_space<vmem>>, vector<1x16xi32>,
          %swap3A_1001 = vector.shape_cast %swap3A_1000 : vector<1x16xi32> to vector<16xi32>
          %swap3A_1002 = vector.shape_cast %select_n3A_996 : vector<16xi32> to vector<1x16xi32>
          tpu.vector_store %arg10[%swap3A_998, %swap3A_999], %swap3A_1002 {strides = array<i32>} : memref<2x80xi32, #tpu.memory_space<vmem>>, vector<1x16xi32>,
          %get3A_1003 = arith.constant 128 : index
          %get3A_1004 = tpu.vector_load %arg7[%get3A_1003] {strides = array<i32>} : memref<160xi32, #tpu.memory_space<vmem>>, vector<16xi32>,
          %get3A_1005 = vector.shape_cast %get3A_1004 : vector<16xi32> to vector<16xi32>
          %get3A_1006 = arith.constant 128 : index
          %get3A_1007 = tpu.vector_load %arg8[%get3A_1006] {strides = array<i32>} : memref<160xi32, #tpu.memory_space<vmem>>, vector<16xi32>,
          %get3A_1008 = vector.shape_cast %get3A_1007 : vector<16xi32> to vector<16xi32>
          %eq3A_1009 = arith.cmpi eq, %get3A_1005, %get3A_1008 : vector<16xi32>
          %jit3A_1010 = arith.constant 1 : i32
          %jit3A_1011 = arith.constant 0 : i32
          %broadcast_in_dim3A_1012 = vector.broadcast %jit3A_1010 : i32 to vector<16xi32>
          %broadcast_in_dim3A_1013 = vector.broadcast %jit3A_1011 : i32 to vector<16xi32>
          %select_n3A_1014 = arith.select %eq3A_1009, %broadcast_in_dim3A_1012, %broadcast_in_dim3A_1013 : vector<16xi1>, vector<16xi32>
          %lt3A_1015 = arith.constant 5000 : i32
          %lt3A_1016 = vector.broadcast %lt3A_1015 : i32 to vector<16xi32>
          %lt3A_1017 = arith.cmpi slt, %get3A_1005, %lt3A_1016 : vector<16xi32>
          %sub3A_1018 = arith.constant 1 : i32
          %sub3A_1019 = arith.subi %sub3A_1018, %arg0 : i32
          %broadcast_in_dim3A_1020 = vector.broadcast %sub3A_1019 : i32 to vector<16xi32>
          %broadcast_in_dim3A_1021 = vector.broadcast %arg0 : i32 to vector<16xi32>
          %select_n3A_1022 = arith.select %lt3A_1017, %broadcast_in_dim3A_1020, %broadcast_in_dim3A_1021 : vector<16xi1>, vector<16xi32>
          %mul3A_1023 = arith.muli %select_n3A_1014, %select_n3A_1022 : vector<16xi32>
          %mul3A_1024 = arith.constant 5000 : i32
          %mul3A_1025 = arith.muli %arg0, %mul3A_1024 : i32
          %sub3A_1026 = vector.broadcast %mul3A_1025 : i32 to vector<16xi32>
          %sub3A_1027 = arith.subi %get3A_1005, %sub3A_1026 : vector<16xi32>
          %eq3A_1028 = arith.constant 1 : i32
          %eq3A_1029 = vector.broadcast %eq3A_1028 : i32 to vector<16xi32>
          %eq3A_1030 = arith.cmpi eq, %mul3A_1023, %eq3A_1029 : vector<16xi32>
          %add3A_1031 = arith.constant 10032 : i32
          %add3A_1032 = vector.broadcast %add3A_1031 : i32 to vector<16xi32>
          %add3A_1033 = arith.addi %add3A_1032, %iota3A : vector<16xi32>
          %select_n3A_1034 = arith.select %eq3A_1030, %sub3A_1027, %add3A_1033 : vector<16xi1>, vector<16xi32>
          %swap3A_1035 = arith.constant 1 : i32
          %swap3A_1036 = arith.index_cast %swap3A_1035 : i32 to index
          %swap3A_1037 = arith.constant 48 : index
          %swap3A_1038 = tpu.vector_load %arg10[%swap3A_1036, %swap3A_1037] {strides = array<i32>} : memref<2x80xi32, #tpu.memory_space<vmem>>, vector<1x16xi32>,
          %swap3A_1039 = vector.shape_cast %swap3A_1038 : vector<1x16xi32> to vector<16xi32>
          %swap3A_1040 = vector.shape_cast %select_n3A_1034 : vector<16xi32> to vector<1x16xi32>
          tpu.vector_store %arg10[%swap3A_1036, %swap3A_1037], %swap3A_1040 {strides = array<i32>} : memref<2x80xi32, #tpu.memory_space<vmem>>, vector<1x16xi32>,
          %get3A_1041 = arith.constant 144 : index
          %get3A_1042 = tpu.vector_load %arg7[%get3A_1041] {strides = array<i32>} : memref<160xi32, #tpu.memory_space<vmem>>, vector<16xi32>,
          %get3A_1043 = vector.shape_cast %get3A_1042 : vector<16xi32> to vector<16xi32>
          %get3A_1044 = arith.constant 144 : index
          %get3A_1045 = tpu.vector_load %arg8[%get3A_1044] {strides = array<i32>} : memref<160xi32, #tpu.memory_space<vmem>>, vector<16xi32>,
          %get3A_1046 = vector.shape_cast %get3A_1045 : vector<16xi32> to vector<16xi32>
          %eq3A_1047 = arith.cmpi eq, %get3A_1043, %get3A_1046 : vector<16xi32>
          %jit3A_1048 = arith.constant 1 : i32
          %jit3A_1049 = arith.constant 0 : i32
          %broadcast_in_dim3A_1050 = vector.broadcast %jit3A_1048 : i32 to vector<16xi32>
          %broadcast_in_dim3A_1051 = vector.broadcast %jit3A_1049 : i32 to vector<16xi32>
          %select_n3A_1052 = arith.select %eq3A_1047, %broadcast_in_dim3A_1050, %broadcast_in_dim3A_1051 : vector<16xi1>, vector<16xi32>
          %lt3A_1053 = arith.constant 5000 : i32
          %lt3A_1054 = vector.broadcast %lt3A_1053 : i32 to vector<16xi32>
          %lt3A_1055 = arith.cmpi slt, %get3A_1043, %lt3A_1054 : vector<16xi32>
          %sub3A_1056 = arith.constant 1 : i32
          %sub3A_1057 = arith.subi %sub3A_1056, %arg0 : i32
          %broadcast_in_dim3A_1058 = vector.broadcast %sub3A_1057 : i32 to vector<16xi32>
          %broadcast_in_dim3A_1059 = vector.broadcast %arg0 : i32 to vector<16xi32>
          %select_n3A_1060 = arith.select %lt3A_1055, %broadcast_in_dim3A_1058, %broadcast_in_dim3A_1059 : vector<16xi1>, vector<16xi32>
          %mul3A_1061 = arith.muli %select_n3A_1052, %select_n3A_1060 : vector<16xi32>
          %mul3A_1062 = arith.constant 5000 : i32
          %mul3A_1063 = arith.muli %arg0, %mul3A_1062 : i32
          %sub3A_1064 = vector.broadcast %mul3A_1063 : i32 to vector<16xi32>
          %sub3A_1065 = arith.subi %get3A_1043, %sub3A_1064 : vector<16xi32>
          %eq3A_1066 = arith.constant 1 : i32
          %eq3A_1067 = vector.broadcast %eq3A_1066 : i32 to vector<16xi32>
          %eq3A_1068 = arith.cmpi eq, %mul3A_1061, %eq3A_1067 : vector<16xi32>
          %add3A_1069 = arith.constant 10032 : i32
          %add3A_1070 = vector.broadcast %add3A_1069 : i32 to vector<16xi32>
          %add3A_1071 = arith.addi %add3A_1070, %iota3A : vector<16xi32>
          %select_n3A_1072 = arith.select %eq3A_1068, %sub3A_1065, %add3A_1071 : vector<16xi1>, vector<16xi32>
          %swap3A_1073 = arith.constant 1 : i32
          %swap3A_1074 = arith.index_cast %swap3A_1073 : i32 to index
          %swap3A_1075 = arith.constant 64 : index
          %swap3A_1076 = tpu.vector_load %arg10[%swap3A_1074, %swap3A_1075] {strides = array<i32>} : memref<2x80xi32, #tpu.memory_space<vmem>>, vector<1x16xi32>,
          %swap3A_1077 = vector.shape_cast %swap3A_1076 : vector<1x16xi32> to vector<16xi32>
          %swap3A_1078 = vector.shape_cast %select_n3A_1072 : vector<16xi32> to vector<1x16xi32>
          tpu.vector_store %arg10[%swap3A_1074, %swap3A_1075], %swap3A_1078 {strides = array<i32>} : memref<2x80xi32, #tpu.memory_space<vmem>>, vector<1x16xi32>,
          %run_scoped3A_1079 = arith.constant 0 : i32
          "tpu.region"() ({
            %run_scoped3A_1081 = tpu.sem_alloc : memref<!tpu.dma_semaphore, #tpu.memory_space<semaphore_mem>>
            %dma_start3A_1082 = arith.constant 0 : i32
            %dma_start3A_1083 = arith.constant 0 : i32
            %dma_start3A_1084 = tpu.memref_slice %arg6[%cond3A_597, %dma_start3A_1082, %dma_start3A_1083] : memref<2x160x128xf32, #tpu.memory_space<vmem>> -> memref<1x160x128xf32, #tpu.memory_space<vmem>>
            %dma_start3A_1085 = tpu.memref_squeeze %dma_start3A_1084 : memref<1x160x128xf32, #tpu.memory_space<vmem>> -> memref<160x128xf32, #tpu.memory_space<vmem>>
            %dma_start3A_1086 = arith.constant 0 : i32
            %dma_start3A_1087 = arith.constant 0 : i32
            %dma_start3A_1088 = tpu.memref_slice %dma_start3A_1085[%dma_start3A_1086, %dma_start3A_1087] : memref<160x128xf32, #tpu.memory_space<vmem>> -> memref<80x128xf32, #tpu.memory_space<vmem>>
            %dma_start3A_1089 = arith.constant 0 : i32
            %dma_start3A_1090 = tpu.memref_slice %arg10[%run_scoped3A_1079, %dma_start3A_1089] : memref<2x80xi32, #tpu.memory_space<vmem>> -> memref<1x80xi32, #tpu.memory_space<vmem>>
            %dma_start3A_1091 = tpu.memref_squeeze %dma_start3A_1090 : memref<1x80xi32, #tpu.memory_space<vmem>> -> memref<80xi32, #tpu.memory_space<vmem>>
            %dma_start3A_1092 = arith.constant 0 : i32
            %dma_start3A_1093 = arith.constant 0 : i32
            %dma_start3A_1094 = tpu.memref_slice %arg14[%dma_start3A_1092, %dma_start3A_1093] : memref<10240x128xf32, #tpu.memory_space<vmem_shared>> -> memref<10240x128xf32, #tpu.memory_space<vmem_shared>>
            tpu.enqueue_indirect_dma source(%dma_start3A_1088 : memref<80x128xf32, #tpu.memory_space<vmem>>) target(%dma_start3A_1094 : memref<10240x128xf32, #tpu.memory_space<vmem_shared>>) offsets(%dma_start3A_1091 : memref<80xi32, #tpu.memory_space<vmem>>) semaphore(%run_scoped3A_1081 : memref<!tpu.dma_semaphore, #tpu.memory_space<semaphore_mem>>) {add = true}
            %dma_wait3A_1095 = arith.constant 0 : i32
            %dma_wait3A_1096 = arith.constant 0 : i32
            %dma_wait3A_1097 = tpu.memref_slice %arg6[%cond3A_597, %dma_wait3A_1095, %dma_wait3A_1096] : memref<2x160x128xf32, #tpu.memory_space<vmem>> -> memref<1x160x128xf32, #tpu.memory_space<vmem>>
            %dma_wait3A_1098 = tpu.memref_squeeze %dma_wait3A_1097 : memref<1x160x128xf32, #tpu.memory_space<vmem>> -> memref<160x128xf32, #tpu.memory_space<vmem>>
            %dma_wait3A_1099 = arith.constant 0 : i32
            %dma_wait3A_1100 = arith.constant 0 : i32
            %dma_wait3A_1101 = tpu.memref_slice %dma_wait3A_1098[%dma_wait3A_1099, %dma_wait3A_1100] : memref<160x128xf32, #tpu.memory_space<vmem>> -> memref<80x128xf32, #tpu.memory_space<vmem>>
            %dma_wait3A_1102 = arith.constant 0 : i32
            %dma_wait3A_1103 = tpu.memref_slice %arg10[%run_scoped3A_1079, %dma_wait3A_1102] : memref<2x80xi32, #tpu.memory_space<vmem>> -> memref<1x80xi32, #tpu.memory_space<vmem>>
            %dma_wait3A_1104 = tpu.memref_squeeze %dma_wait3A_1103 : memref<1x80xi32, #tpu.memory_space<vmem>> -> memref<80xi32, #tpu.memory_space<vmem>>
            %dma_wait3A_1105 = arith.constant 0 : i32
            %dma_wait3A_1106 = arith.constant 0 : i32
            %dma_wait3A_1107 = tpu.memref_slice %arg14[%dma_wait3A_1105, %dma_wait3A_1106] : memref<10240x128xf32, #tpu.memory_space<vmem_shared>> -> memref<10240x128xf32, #tpu.memory_space<vmem_shared>>
            tpu.wait_indirect_dma semaphore(%run_scoped3A_1081 : memref<!tpu.dma_semaphore, #tpu.memory_space<semaphore_mem>>) src(%dma_wait3A_1101 : memref<80x128xf32, #tpu.memory_space<vmem>>) dst(%dma_wait3A_1107 : memref<10240x128xf32, #tpu.memory_space<vmem_shared>>)
            tpu.yield
          }) : () -> ()
          %run_scoped3A_1080 = arith.constant 1 : i32
          "tpu.region"() ({
            %run_scoped3A_1081 = tpu.sem_alloc : memref<!tpu.dma_semaphore, #tpu.memory_space<semaphore_mem>>
            %dma_start3A_1082 = arith.constant 0 : i32
            %dma_start3A_1083 = arith.constant 0 : i32
            %dma_start3A_1084 = tpu.memref_slice %arg6[%cond3A_597, %dma_start3A_1082, %dma_start3A_1083] : memref<2x160x128xf32, #tpu.memory_space<vmem>> -> memref<1x160x128xf32, #tpu.memory_space<vmem>>
            %dma_start3A_1085 = tpu.memref_squeeze %dma_start3A_1084 : memref<1x160x128xf32, #tpu.memory_space<vmem>> -> memref<160x128xf32, #tpu.memory_space<vmem>>
            %dma_start3A_1086 = arith.constant 80 : i32
            %dma_start3A_1087 = arith.constant 0 : i32
            %dma_start3A_1088 = tpu.memref_slice %dma_start3A_1085[%dma_start3A_1086, %dma_start3A_1087] : memref<160x128xf32, #tpu.memory_space<vmem>> -> memref<80x128xf32, #tpu.memory_space<vmem>>
            %dma_start3A_1089 = arith.constant 0 : i32
            %dma_start3A_1090 = tpu.memref_slice %arg10[%run_scoped3A_1080, %dma_start3A_1089] : memref<2x80xi32, #tpu.memory_space<vmem>> -> memref<1x80xi32, #tpu.memory_space<vmem>>
            %dma_start3A_1091 = tpu.memref_squeeze %dma_start3A_1090 : memref<1x80xi32, #tpu.memory_space<vmem>> -> memref<80xi32, #tpu.memory_space<vmem>>
            %dma_start3A_1092 = arith.constant 0 : i32
            %dma_start3A_1093 = arith.constant 0 : i32
            %dma_start3A_1094 = tpu.memref_slice %arg14[%dma_start3A_1092, %dma_start3A_1093] : memref<10240x128xf32, #tpu.memory_space<vmem_shared>> -> memref<10240x128xf32, #tpu.memory_space<vmem_shared>>
            tpu.enqueue_indirect_dma source(%dma_start3A_1088 : memref<80x128xf32, #tpu.memory_space<vmem>>) target(%dma_start3A_1094 : memref<10240x128xf32, #tpu.memory_space<vmem_shared>>) offsets(%dma_start3A_1091 : memref<80xi32, #tpu.memory_space<vmem>>) semaphore(%run_scoped3A_1081 : memref<!tpu.dma_semaphore, #tpu.memory_space<semaphore_mem>>) {add = true}
            %dma_wait3A_1095 = arith.constant 0 : i32
            %dma_wait3A_1096 = arith.constant 0 : i32
            %dma_wait3A_1097 = tpu.memref_slice %arg6[%cond3A_597, %dma_wait3A_1095, %dma_wait3A_1096] : memref<2x160x128xf32, #tpu.memory_space<vmem>> -> memref<1x160x128xf32, #tpu.memory_space<vmem>>
            %dma_wait3A_1098 = tpu.memref_squeeze %dma_wait3A_1097 : memref<1x160x128xf32, #tpu.memory_space<vmem>> -> memref<160x128xf32, #tpu.memory_space<vmem>>
            %dma_wait3A_1099 = arith.constant 80 : i32
            %dma_wait3A_1100 = arith.constant 0 : i32
            %dma_wait3A_1101 = tpu.memref_slice %dma_wait3A_1098[%dma_wait3A_1099, %dma_wait3A_1100] : memref<160x128xf32, #tpu.memory_space<vmem>> -> memref<80x128xf32, #tpu.memory_space<vmem>>
            %dma_wait3A_1102 = arith.constant 0 : i32
            %dma_wait3A_1103 = tpu.memref_slice %arg10[%run_scoped3A_1080, %dma_wait3A_1102] : memref<2x80xi32, #tpu.memory_space<vmem>> -> memref<1x80xi32, #tpu.memory_space<vmem>>
            %dma_wait3A_1104 = tpu.memref_squeeze %dma_wait3A_1103 : memref<1x80xi32, #tpu.memory_space<vmem>> -> memref<80xi32, #tpu.memory_space<vmem>>
            %dma_wait3A_1105 = arith.constant 0 : i32
            %dma_wait3A_1106 = arith.constant 0 : i32
            %dma_wait3A_1107 = tpu.memref_slice %arg14[%dma_wait3A_1105, %dma_wait3A_1106] : memref<10240x128xf32, #tpu.memory_space<vmem_shared>> -> memref<10240x128xf32, #tpu.memory_space<vmem_shared>>
            tpu.wait_indirect_dma semaphore(%run_scoped3A_1081 : memref<!tpu.dma_semaphore, #tpu.memory_space<semaphore_mem>>) src(%dma_wait3A_1101 : memref<80x128xf32, #tpu.memory_space<vmem>>) dst(%dma_wait3A_1107 : memref<10240x128xf32, #tpu.memory_space<vmem_shared>>)
            tpu.yield
          }) : () -> ()
        } else {
        }
      }
      %scan3A_638 = arith.constant 125 : i32
    } else {
    }
    %barrier3A_600 = arith.constant 0 : index
    tpu.barrier barrier_id(%barrier3A_600)
    %convert_element_type3A_601 = arith.extui %ne3A_551 : i1 to i32
    %cond3A_602 = arith.constant 0 : i32
    %cond3A_603 = arith.constant 0 : i32
    %cond3A_604 = arith.cmpi ne, %convert_element_type3A_601, %cond3A_603 : i32
    scf.if %cond3A_604 {
      %mul3A_633 = arith.constant 320 : i32
      %mul3A_634 = arith.muli %arg1, %mul3A_633 : i32
      %broadcast_in_dim3A_635 = arith.constant 0.000000e+00 : f32
      %broadcast_in_dim3A_636 = vector.broadcast %broadcast_in_dim3A_635 : f32 to vector<16xf32>
      %add3A_637 = arith.constant 0 : i32
      %add3A_638 = arith.addi %mul3A_634, %add3A_637 : i32
      "tpu.region"() ({
        %run_scoped3A_714 = tpu.sem_alloc : memref<!tpu.dma_semaphore, #tpu.memory_space<semaphore_mem>>
        %dma_start3A_715 = arith.constant 0 : i32
        %dma_start3A_716 = arith.constant 0 : i32
        %dma_start3A_717 = tpu.memref_slice %arg6[%cond3A_602, %dma_start3A_715, %dma_start3A_716] : memref<2x160x128xf32, #tpu.memory_space<vmem>> -> memref<1x160x128xf32, #tpu.memory_space<vmem>>
        %dma_start3A_718 = tpu.memref_squeeze %dma_start3A_717 : memref<1x160x128xf32, #tpu.memory_space<vmem>> -> memref<160x128xf32, #tpu.memory_space<vmem>>
        %dma_start3A_719 = arith.constant 0 : i32
        %dma_start3A_720 = arith.constant 0 : i32
        %dma_start3A_721 = tpu.memref_slice %dma_start3A_718[%dma_start3A_719, %dma_start3A_720] : memref<160x128xf32, #tpu.memory_space<vmem>> -> memref<160x128xf32, #tpu.memory_space<vmem>>
        %dma_start3A_722 = arith.constant 0 : i32
        %dma_start3A_723 = tpu.memref_slice %arg14[%add3A_638, %dma_start3A_722] : memref<10240x128xf32, #tpu.memory_space<vmem_shared>> -> memref<160x128xf32, #tpu.memory_space<vmem_shared>>
        %dma_start3A_724 = arith.constant 0 : i32
        %dma_start3A_725 = arith.constant 0 : i32
        %dma_start3A_726 = tpu.memref_slice %arg6[%cond3A_602, %dma_start3A_724, %dma_start3A_725] : memref<2x160x128xf32, #tpu.memory_space<vmem>> -> memref<1x160x128xf32, #tpu.memory_space<vmem>>
        %dma_start3A_727 = tpu.memref_squeeze %dma_start3A_726 : memref<1x160x128xf32, #tpu.memory_space<vmem>> -> memref<160x128xf32, #tpu.memory_space<vmem>>
        %dma_start3A_728 = arith.constant 0 : i32
        %dma_start3A_729 = arith.constant 0 : i32
        %dma_start3A_730 = tpu.memref_slice %dma_start3A_727[%dma_start3A_728, %dma_start3A_729] : memref<160x128xf32, #tpu.memory_space<vmem>> -> memref<160x128xf32, #tpu.memory_space<vmem>>
        %dma_start3A_731 = arith.constant 0 : i32
        %dma_start3A_732 = tpu.memref_slice %arg14[%add3A_638, %dma_start3A_731] : memref<10240x128xf32, #tpu.memory_space<vmem_shared>> -> memref<160x128xf32, #tpu.memory_space<vmem_shared>>
        tpu.enqueue_dma source(%dma_start3A_732 : memref<160x128xf32, #tpu.memory_space<vmem_shared>>) target(%dma_start3A_730 : memref<160x128xf32, #tpu.memory_space<vmem>>) target_semaphore(%run_scoped3A_714 : memref<!tpu.dma_semaphore, #tpu.memory_space<semaphore_mem>>)
        %dma_wait3A_733 = arith.constant 0 : i32
        %dma_wait3A_734 = arith.constant 0 : i32
        %dma_wait3A_735 = tpu.memref_slice %arg6[%cond3A_602, %dma_wait3A_733, %dma_wait3A_734] : memref<2x160x128xf32, #tpu.memory_space<vmem>> -> memref<1x160x128xf32, #tpu.memory_space<vmem>>
        %dma_wait3A_736 = tpu.memref_squeeze %dma_wait3A_735 : memref<1x160x128xf32, #tpu.memory_space<vmem>> -> memref<160x128xf32, #tpu.memory_space<vmem>>
        %dma_wait3A_737 = arith.constant 0 : i32
        %dma_wait3A_738 = arith.constant 0 : i32
        %dma_wait3A_739 = tpu.memref_slice %dma_wait3A_736[%dma_wait3A_737, %dma_wait3A_738] : memref<160x128xf32, #tpu.memory_space<vmem>> -> memref<160x128xf32, #tpu.memory_space<vmem>>
        %dma_wait3A_740 = arith.constant 0 : i32
        %dma_wait3A_741 = tpu.memref_slice %arg14[%add3A_638, %dma_wait3A_740] : memref<10240x128xf32, #tpu.memory_space<vmem_shared>> -> memref<160x128xf32, #tpu.memory_space<vmem_shared>>
        %dma_wait3A_742 = arith.constant 0 : i32
        %dma_wait3A_743 = arith.constant 0 : i32
        %dma_wait3A_744 = tpu.memref_slice %arg6[%cond3A_602, %dma_wait3A_742, %dma_wait3A_743] : memref<2x160x128xf32, #tpu.memory_space<vmem>> -> memref<1x160x128xf32, #tpu.memory_space<vmem>>
        %dma_wait3A_745 = tpu.memref_squeeze %dma_wait3A_744 : memref<1x160x128xf32, #tpu.memory_space<vmem>> -> memref<160x128xf32, #tpu.memory_space<vmem>>
        %dma_wait3A_746 = arith.constant 0 : i32
        %dma_wait3A_747 = arith.constant 0 : i32
        %dma_wait3A_748 = tpu.memref_slice %dma_wait3A_745[%dma_wait3A_746, %dma_wait3A_747] : memref<160x128xf32, #tpu.memory_space<vmem>> -> memref<160x128xf32, #tpu.memory_space<vmem>>
        %dma_wait3A_749 = arith.constant 0 : i32
        %dma_wait3A_750 = tpu.memref_slice %arg14[%add3A_638, %dma_wait3A_749] : memref<10240x128xf32, #tpu.memory_space<vmem_shared>> -> memref<160x128xf32, #tpu.memory_space<vmem_shared>>
        tpu.wait_dma2 semaphore(%run_scoped3A_714 : memref<!tpu.dma_semaphore, #tpu.memory_space<semaphore_mem>>) src(%dma_wait3A_750 : memref<160x128xf32, #tpu.memory_space<vmem_shared>>) dst(%dma_wait3A_748 : memref<160x128xf32, #tpu.memory_space<vmem>>)
        tpu.yield
      }) : () -> ()
      %scan3A_639 = arith.constant 0 : i32
      %scan3A_640 = arith.constant 160 : i32
      %scan3A_641 = arith.addi %scan3A_639, %scan3A_640 : i32
      %scan3A_642 = arith.constant 1 : i32
      %scan3A_643:8 = scf.for %scan3A_714 = %scan3A_639 to %scan3A_641 step %scan3A_642 iter_args(%scan3A_715 = %broadcast_in_dim3A_636, %scan3A_716 = %broadcast_in_dim3A_636, %scan3A_717 = %broadcast_in_dim3A_636, %scan3A_718 = %broadcast_in_dim3A_636, %scan3A_719 = %broadcast_in_dim3A_636, %scan3A_720 = %broadcast_in_dim3A_636, %scan3A_721 = %broadcast_in_dim3A_636, %scan3A_722 = %broadcast_in_dim3A_636) -> (vector<16xf32>, vector<16xf32>, vector<16xf32>, vector<16xf32>, vector<16xf32>, vector<16xf32>, vector<16xf32>, vector<16xf32>)  : i32 {
        %get3A_723 = arith.constant 0 : i32
        %get3A_724 = arith.index_cast %get3A_723 : i32 to index
        %get3A_725 = arith.index_cast %scan3A_714 : i32 to index
        %get3A_726 = arith.constant 0 : index
        %get3A_727 = tpu.vector_load %arg6[%get3A_724, %get3A_725, %get3A_726] {strides = array<i32>} : memref<2x160x128xf32, #tpu.memory_space<vmem>>, vector<1x1x16xf32>,
        %get3A_728 = vector.shape_cast %get3A_727 : vector<1x1x16xf32> to vector<16xf32>
        %add3A_729 = arith.addf %scan3A_715, %get3A_728 : vector<16xf32>
        %get3A_730 = arith.constant 0 : i32
        %get3A_731 = arith.index_cast %get3A_730 : i32 to index
        %get3A_732 = arith.index_cast %scan3A_714 : i32 to index
        %get3A_733 = arith.constant 16 : index
        %get3A_734 = tpu.vector_load %arg6[%get3A_731, %get3A_732, %get3A_733] {strides = array<i32>} : memref<2x160x128xf32, #tpu.memory_space<vmem>>, vector<1x1x16xf32>,
        %get3A_735 = vector.shape_cast %get3A_734 : vector<1x1x16xf32> to vector<16xf32>
        %add3A_736 = arith.addf %scan3A_716, %get3A_735 : vector<16xf32>
        %get3A_737 = arith.constant 0 : i32
        %get3A_738 = arith.index_cast %get3A_737 : i32 to index
        %get3A_739 = arith.index_cast %scan3A_714 : i32 to index
        %get3A_740 = arith.constant 32 : index
        %get3A_741 = tpu.vector_load %arg6[%get3A_738, %get3A_739, %get3A_740] {strides = array<i32>} : memref<2x160x128xf32, #tpu.memory_space<vmem>>, vector<1x1x16xf32>,
        %get3A_742 = vector.shape_cast %get3A_741 : vector<1x1x16xf32> to vector<16xf32>
        %add3A_743 = arith.addf %scan3A_717, %get3A_742 : vector<16xf32>
        %get3A_744 = arith.constant 0 : i32
        %get3A_745 = arith.index_cast %get3A_744 : i32 to index
        %get3A_746 = arith.index_cast %scan3A_714 : i32 to index
        %get3A_747 = arith.constant 48 : index
        %get3A_748 = tpu.vector_load %arg6[%get3A_745, %get3A_746, %get3A_747] {strides = array<i32>} : memref<2x160x128xf32, #tpu.memory_space<vmem>>, vector<1x1x16xf32>,
        %get3A_749 = vector.shape_cast %get3A_748 : vector<1x1x16xf32> to vector<16xf32>
        %add3A_750 = arith.addf %scan3A_718, %get3A_749 : vector<16xf32>
        %get3A_751 = arith.constant 0 : i32
        %get3A_752 = arith.index_cast %get3A_751 : i32 to index
        %get3A_753 = arith.index_cast %scan3A_714 : i32 to index
        %get3A_754 = arith.constant 64 : index
        %get3A_755 = tpu.vector_load %arg6[%get3A_752, %get3A_753, %get3A_754] {strides = array<i32>} : memref<2x160x128xf32, #tpu.memory_space<vmem>>, vector<1x1x16xf32>,
        %get3A_756 = vector.shape_cast %get3A_755 : vector<1x1x16xf32> to vector<16xf32>
        %add3A_757 = arith.addf %scan3A_719, %get3A_756 : vector<16xf32>
        %get3A_758 = arith.constant 0 : i32
        %get3A_759 = arith.index_cast %get3A_758 : i32 to index
        %get3A_760 = arith.index_cast %scan3A_714 : i32 to index
        %get3A_761 = arith.constant 80 : index
        %get3A_762 = tpu.vector_load %arg6[%get3A_759, %get3A_760, %get3A_761] {strides = array<i32>} : memref<2x160x128xf32, #tpu.memory_space<vmem>>, vector<1x1x16xf32>,
        %get3A_763 = vector.shape_cast %get3A_762 : vector<1x1x16xf32> to vector<16xf32>
        %add3A_764 = arith.addf %scan3A_720, %get3A_763 : vector<16xf32>
        %get3A_765 = arith.constant 0 : i32
        %get3A_766 = arith.index_cast %get3A_765 : i32 to index
        %get3A_767 = arith.index_cast %scan3A_714 : i32 to index
        %get3A_768 = arith.constant 96 : index
        %get3A_769 = tpu.vector_load %arg6[%get3A_766, %get3A_767, %get3A_768] {strides = array<i32>} : memref<2x160x128xf32, #tpu.memory_space<vmem>>, vector<1x1x16xf32>,
        %get3A_770 = vector.shape_cast %get3A_769 : vector<1x1x16xf32> to vector<16xf32>
        %add3A_771 = arith.addf %scan3A_721, %get3A_770 : vector<16xf32>
        %get3A_772 = arith.constant 0 : i32
        %get3A_773 = arith.index_cast %get3A_772 : i32 to index
        %get3A_774 = arith.index_cast %scan3A_714 : i32 to index
        %get3A_775 = arith.constant 112 : index
        %get3A_776 = tpu.vector_load %arg6[%get3A_773, %get3A_774, %get3A_775] {strides = array<i32>} : memref<2x160x128xf32, #tpu.memory_space<vmem>>, vector<1x1x16xf32>,
        %get3A_777 = vector.shape_cast %get3A_776 : vector<1x1x16xf32> to vector<16xf32>
        %add3A_778 = arith.addf %scan3A_722, %get3A_777 : vector<16xf32>
        scf.yield %add3A_729, %add3A_736, %add3A_743, %add3A_750, %add3A_757, %add3A_764, %add3A_771, %add3A_778 : vector<16xf32>, vector<16xf32>, vector<16xf32>, vector<16xf32>, vector<16xf32>, vector<16xf32>, vector<16xf32>, vector<16xf32>
      }
      %scan3A_644 = arith.constant 160 : i32
      %add3A_645 = arith.constant 160 : i32
      %add3A_646 = arith.addi %mul3A_634, %add3A_645 : i32
      "tpu.region"() ({
        %run_scoped3A_714 = tpu.sem_alloc : memref<!tpu.dma_semaphore, #tpu.memory_space<semaphore_mem>>
        %dma_start3A_715 = arith.constant 0 : i32
        %dma_start3A_716 = arith.constant 0 : i32
        %dma_start3A_717 = tpu.memref_slice %arg6[%cond3A_602, %dma_start3A_715, %dma_start3A_716] : memref<2x160x128xf32, #tpu.memory_space<vmem>> -> memref<1x160x128xf32, #tpu.memory_space<vmem>>
        %dma_start3A_718 = tpu.memref_squeeze %dma_start3A_717 : memref<1x160x128xf32, #tpu.memory_space<vmem>> -> memref<160x128xf32, #tpu.memory_space<vmem>>
        %dma_start3A_719 = arith.constant 0 : i32
        %dma_start3A_720 = arith.constant 0 : i32
        %dma_start3A_721 = tpu.memref_slice %dma_start3A_718[%dma_start3A_719, %dma_start3A_720] : memref<160x128xf32, #tpu.memory_space<vmem>> -> memref<160x128xf32, #tpu.memory_space<vmem>>
        %dma_start3A_722 = arith.constant 0 : i32
        %dma_start3A_723 = tpu.memref_slice %arg14[%add3A_646, %dma_start3A_722] : memref<10240x128xf32, #tpu.memory_space<vmem_shared>> -> memref<160x128xf32, #tpu.memory_space<vmem_shared>>
        %dma_start3A_724 = arith.constant 0 : i32
        %dma_start3A_725 = arith.constant 0 : i32
        %dma_start3A_726 = tpu.memref_slice %arg6[%cond3A_602, %dma_start3A_724, %dma_start3A_725] : memref<2x160x128xf32, #tpu.memory_space<vmem>> -> memref<1x160x128xf32, #tpu.memory_space<vmem>>
        %dma_start3A_727 = tpu.memref_squeeze %dma_start3A_726 : memref<1x160x128xf32, #tpu.memory_space<vmem>> -> memref<160x128xf32, #tpu.memory_space<vmem>>
        %dma_start3A_728 = arith.constant 0 : i32
        %dma_start3A_729 = arith.constant 0 : i32
        %dma_start3A_730 = tpu.memref_slice %dma_start3A_727[%dma_start3A_728, %dma_start3A_729] : memref<160x128xf32, #tpu.memory_space<vmem>> -> memref<160x128xf32, #tpu.memory_space<vmem>>
        %dma_start3A_731 = arith.constant 0 : i32
        %dma_start3A_732 = tpu.memref_slice %arg14[%add3A_646, %dma_start3A_731] : memref<10240x128xf32, #tpu.memory_space<vmem_shared>> -> memref<160x128xf32, #tpu.memory_space<vmem_shared>>
        tpu.enqueue_dma source(%dma_start3A_732 : memref<160x128xf32, #tpu.memory_space<vmem_shared>>) target(%dma_start3A_730 : memref<160x128xf32, #tpu.memory_space<vmem>>) target_semaphore(%run_scoped3A_714 : memref<!tpu.dma_semaphore, #tpu.memory_space<semaphore_mem>>)
        %dma_wait3A_733 = arith.constant 0 : i32
        %dma_wait3A_734 = arith.constant 0 : i32
        %dma_wait3A_735 = tpu.memref_slice %arg6[%cond3A_602, %dma_wait3A_733, %dma_wait3A_734] : memref<2x160x128xf32, #tpu.memory_space<vmem>> -> memref<1x160x128xf32, #tpu.memory_space<vmem>>
        %dma_wait3A_736 = tpu.memref_squeeze %dma_wait3A_735 : memref<1x160x128xf32, #tpu.memory_space<vmem>> -> memref<160x128xf32, #tpu.memory_space<vmem>>
        %dma_wait3A_737 = arith.constant 0 : i32
        %dma_wait3A_738 = arith.constant 0 : i32
        %dma_wait3A_739 = tpu.memref_slice %dma_wait3A_736[%dma_wait3A_737, %dma_wait3A_738] : memref<160x128xf32, #tpu.memory_space<vmem>> -> memref<160x128xf32, #tpu.memory_space<vmem>>
        %dma_wait3A_740 = arith.constant 0 : i32
        %dma_wait3A_741 = tpu.memref_slice %arg14[%add3A_646, %dma_wait3A_740] : memref<10240x128xf32, #tpu.memory_space<vmem_shared>> -> memref<160x128xf32, #tpu.memory_space<vmem_shared>>
        %dma_wait3A_742 = arith.constant 0 : i32
        %dma_wait3A_743 = arith.constant 0 : i32
        %dma_wait3A_744 = tpu.memref_slice %arg6[%cond3A_602, %dma_wait3A_742, %dma_wait3A_743] : memref<2x160x128xf32, #tpu.memory_space<vmem>> -> memref<1x160x128xf32, #tpu.memory_space<vmem>>
        %dma_wait3A_745 = tpu.memref_squeeze %dma_wait3A_744 : memref<1x160x128xf32, #tpu.memory_space<vmem>> -> memref<160x128xf32, #tpu.memory_space<vmem>>
        %dma_wait3A_746 = arith.constant 0 : i32
        %dma_wait3A_747 = arith.constant 0 : i32
        %dma_wait3A_748 = tpu.memref_slice %dma_wait3A_745[%dma_wait3A_746, %dma_wait3A_747] : memref<160x128xf32, #tpu.memory_space<vmem>> -> memref<160x128xf32, #tpu.memory_space<vmem>>
        %dma_wait3A_749 = arith.constant 0 : i32
        %dma_wait3A_750 = tpu.memref_slice %arg14[%add3A_646, %dma_wait3A_749] : memref<10240x128xf32, #tpu.memory_space<vmem_shared>> -> memref<160x128xf32, #tpu.memory_space<vmem_shared>>
        tpu.wait_dma2 semaphore(%run_scoped3A_714 : memref<!tpu.dma_semaphore, #tpu.memory_space<semaphore_mem>>) src(%dma_wait3A_750 : memref<160x128xf32, #tpu.memory_space<vmem_shared>>) dst(%dma_wait3A_748 : memref<160x128xf32, #tpu.memory_space<vmem>>)
        tpu.yield
      }) : () -> ()
      %scan3A_647 = arith.constant 0 : i32
      %scan3A_648 = arith.constant 160 : i32
      %scan3A_649 = arith.addi %scan3A_647, %scan3A_648 : i32
      %scan3A_650 = arith.constant 1 : i32
      %scan3A_651:8 = scf.for %scan3A_714 = %scan3A_647 to %scan3A_649 step %scan3A_650 iter_args(%scan3A_715 = %scan3A_643#0, %scan3A_716 = %scan3A_643#1, %scan3A_717 = %scan3A_643#2, %scan3A_718 = %scan3A_643#3, %scan3A_719 = %scan3A_643#4, %scan3A_720 = %scan3A_643#5, %scan3A_721 = %scan3A_643#6, %scan3A_722 = %scan3A_643#7) -> (vector<16xf32>, vector<16xf32>, vector<16xf32>, vector<16xf32>, vector<16xf32>, vector<16xf32>, vector<16xf32>, vector<16xf32>)  : i32 {
        %get3A_723 = arith.constant 0 : i32
        %get3A_724 = arith.index_cast %get3A_723 : i32 to index
        %get3A_725 = arith.index_cast %scan3A_714 : i32 to index
        %get3A_726 = arith.constant 0 : index
        %get3A_727 = tpu.vector_load %arg6[%get3A_724, %get3A_725, %get3A_726] {strides = array<i32>} : memref<2x160x128xf32, #tpu.memory_space<vmem>>, vector<1x1x16xf32>,
        %get3A_728 = vector.shape_cast %get3A_727 : vector<1x1x16xf32> to vector<16xf32>
        %add3A_729 = arith.addf %scan3A_715, %get3A_728 : vector<16xf32>
        %get3A_730 = arith.constant 0 : i32
        %get3A_731 = arith.index_cast %get3A_730 : i32 to index
        %get3A_732 = arith.index_cast %scan3A_714 : i32 to index
        %get3A_733 = arith.constant 16 : index
        %get3A_734 = tpu.vector_load %arg6[%get3A_731, %get3A_732, %get3A_733] {strides = array<i32>} : memref<2x160x128xf32, #tpu.memory_space<vmem>>, vector<1x1x16xf32>,
        %get3A_735 = vector.shape_cast %get3A_734 : vector<1x1x16xf32> to vector<16xf32>
        %add3A_736 = arith.addf %scan3A_716, %get3A_735 : vector<16xf32>
        %get3A_737 = arith.constant 0 : i32
        %get3A_738 = arith.index_cast %get3A_737 : i32 to index
        %get3A_739 = arith.index_cast %scan3A_714 : i32 to index
        %get3A_740 = arith.constant 32 : index
        %get3A_741 = tpu.vector_load %arg6[%get3A_738, %get3A_739, %get3A_740] {strides = array<i32>} : memref<2x160x128xf32, #tpu.memory_space<vmem>>, vector<1x1x16xf32>,
        %get3A_742 = vector.shape_cast %get3A_741 : vector<1x1x16xf32> to vector<16xf32>
        %add3A_743 = arith.addf %scan3A_717, %get3A_742 : vector<16xf32>
        %get3A_744 = arith.constant 0 : i32
        %get3A_745 = arith.index_cast %get3A_744 : i32 to index
        %get3A_746 = arith.index_cast %scan3A_714 : i32 to index
        %get3A_747 = arith.constant 48 : index
        %get3A_748 = tpu.vector_load %arg6[%get3A_745, %get3A_746, %get3A_747] {strides = array<i32>} : memref<2x160x128xf32, #tpu.memory_space<vmem>>, vector<1x1x16xf32>,
        %get3A_749 = vector.shape_cast %get3A_748 : vector<1x1x16xf32> to vector<16xf32>
        %add3A_750 = arith.addf %scan3A_718, %get3A_749 : vector<16xf32>
        %get3A_751 = arith.constant 0 : i32
        %get3A_752 = arith.index_cast %get3A_751 : i32 to index
        %get3A_753 = arith.index_cast %scan3A_714 : i32 to index
        %get3A_754 = arith.constant 64 : index
        %get3A_755 = tpu.vector_load %arg6[%get3A_752, %get3A_753, %get3A_754] {strides = array<i32>} : memref<2x160x128xf32, #tpu.memory_space<vmem>>, vector<1x1x16xf32>,
        %get3A_756 = vector.shape_cast %get3A_755 : vector<1x1x16xf32> to vector<16xf32>
        %add3A_757 = arith.addf %scan3A_719, %get3A_756 : vector<16xf32>
        %get3A_758 = arith.constant 0 : i32
        %get3A_759 = arith.index_cast %get3A_758 : i32 to index
        %get3A_760 = arith.index_cast %scan3A_714 : i32 to index
        %get3A_761 = arith.constant 80 : index
        %get3A_762 = tpu.vector_load %arg6[%get3A_759, %get3A_760, %get3A_761] {strides = array<i32>} : memref<2x160x128xf32, #tpu.memory_space<vmem>>, vector<1x1x16xf32>,
        %get3A_763 = vector.shape_cast %get3A_762 : vector<1x1x16xf32> to vector<16xf32>
        %add3A_764 = arith.addf %scan3A_720, %get3A_763 : vector<16xf32>
        %get3A_765 = arith.constant 0 : i32
        %get3A_766 = arith.index_cast %get3A_765 : i32 to index
        %get3A_767 = arith.index_cast %scan3A_714 : i32 to index
        %get3A_768 = arith.constant 96 : index
        %get3A_769 = tpu.vector_load %arg6[%get3A_766, %get3A_767, %get3A_768] {strides = array<i32>} : memref<2x160x128xf32, #tpu.memory_space<vmem>>, vector<1x1x16xf32>,
        %get3A_770 = vector.shape_cast %get3A_769 : vector<1x1x16xf32> to vector<16xf32>
        %add3A_771 = arith.addf %scan3A_721, %get3A_770 : vector<16xf32>
        %get3A_772 = arith.constant 0 : i32
        %get3A_773 = arith.index_cast %get3A_772 : i32 to index
        %get3A_774 = arith.index_cast %scan3A_714 : i32 to index
        %get3A_775 = arith.constant 112 : index
        %get3A_776 = tpu.vector_load %arg6[%get3A_773, %get3A_774, %get3A_775] {strides = array<i32>} : memref<2x160x128xf32, #tpu.memory_space<vmem>>, vector<1x1x16xf32>,
        %get3A_777 = vector.shape_cast %get3A_776 : vector<1x1x16xf32> to vector<16xf32>
        %add3A_778 = arith.addf %scan3A_722, %get3A_777 : vector<16xf32>
        scf.yield %add3A_729, %add3A_736, %add3A_743, %add3A_750, %add3A_757, %add3A_764, %add3A_771, %add3A_778 : vector<16xf32>, vector<16xf32>, vector<16xf32>, vector<16xf32>, vector<16xf32>, vector<16xf32>, vector<16xf32>, vector<16xf32>
      }
      %scan3A_652 = arith.constant 160 : i32
      %scan3A_653 = arith.constant 0 : i32
      %scan3A_654 = arith.constant 0 : i32
      %scan3A_655 = arith.constant 16 : i32
      %scan3A_656 = arith.addi %scan3A_654, %scan3A_655 : i32
      %scan3A_657 = arith.constant 1 : i32
      scf.for %scan3A_714 = %scan3A_654 to %scan3A_656 step %scan3A_657  : i32 {
        %broadcast_in_dim3A_715 = arith.constant 0.000000e+00 : f32
        %broadcast_in_dim3A_716 = vector.broadcast %broadcast_in_dim3A_715 : f32 to vector<16xf32>
        %swap3A_717 = arith.index_cast %scan3A_714 : i32 to index
        %swap3A_718 = arith.constant 0 : index
        %swap3A_719 = tpu.vector_load %arg11[%swap3A_717, %swap3A_718] {strides = array<i32>} : memref<16x128xf32, #tpu.memory_space<vmem>>, vector<1x16xf32>,
        %swap3A_720 = vector.shape_cast %swap3A_719 : vector<1x16xf32> to vector<16xf32>
        %swap3A_721 = vector.shape_cast %broadcast_in_dim3A_716 : vector<16xf32> to vector<1x16xf32>
        tpu.vector_store %arg11[%swap3A_717, %swap3A_718], %swap3A_721 {strides = array<i32>} : memref<16x128xf32, #tpu.memory_space<vmem>>, vector<1x16xf32>,
        %broadcast_in_dim3A_722 = arith.constant 0.000000e+00 : f32
        %broadcast_in_dim3A_723 = vector.broadcast %broadcast_in_dim3A_722 : f32 to vector<16xf32>
        %swap3A_724 = arith.index_cast %scan3A_714 : i32 to index
        %swap3A_725 = arith.constant 16 : index
        %swap3A_726 = tpu.vector_load %arg11[%swap3A_724, %swap3A_725] {strides = array<i32>} : memref<16x128xf32, #tpu.memory_space<vmem>>, vector<1x16xf32>,
        %swap3A_727 = vector.shape_cast %swap3A_726 : vector<1x16xf32> to vector<16xf32>
        %swap3A_728 = vector.shape_cast %broadcast_in_dim3A_723 : vector<16xf32> to vector<1x16xf32>
        tpu.vector_store %arg11[%swap3A_724, %swap3A_725], %swap3A_728 {strides = array<i32>} : memref<16x128xf32, #tpu.memory_space<vmem>>, vector<1x16xf32>,
        %broadcast_in_dim3A_729 = arith.constant 0.000000e+00 : f32
        %broadcast_in_dim3A_730 = vector.broadcast %broadcast_in_dim3A_729 : f32 to vector<16xf32>
        %swap3A_731 = arith.index_cast %scan3A_714 : i32 to index
        %swap3A_732 = arith.constant 32 : index
        %swap3A_733 = tpu.vector_load %arg11[%swap3A_731, %swap3A_732] {strides = array<i32>} : memref<16x128xf32, #tpu.memory_space<vmem>>, vector<1x16xf32>,
        %swap3A_734 = vector.shape_cast %swap3A_733 : vector<1x16xf32> to vector<16xf32>
        %swap3A_735 = vector.shape_cast %broadcast_in_dim3A_730 : vector<16xf32> to vector<1x16xf32>
        tpu.vector_store %arg11[%swap3A_731, %swap3A_732], %swap3A_735 {strides = array<i32>} : memref<16x128xf32, #tpu.memory_space<vmem>>, vector<1x16xf32>,
        %broadcast_in_dim3A_736 = arith.constant 0.000000e+00 : f32
        %broadcast_in_dim3A_737 = vector.broadcast %broadcast_in_dim3A_736 : f32 to vector<16xf32>
        %swap3A_738 = arith.index_cast %scan3A_714 : i32 to index
        %swap3A_739 = arith.constant 48 : index
        %swap3A_740 = tpu.vector_load %arg11[%swap3A_738, %swap3A_739] {strides = array<i32>} : memref<16x128xf32, #tpu.memory_space<vmem>>, vector<1x16xf32>,
        %swap3A_741 = vector.shape_cast %swap3A_740 : vector<1x16xf32> to vector<16xf32>
        %swap3A_742 = vector.shape_cast %broadcast_in_dim3A_737 : vector<16xf32> to vector<1x16xf32>
        tpu.vector_store %arg11[%swap3A_738, %swap3A_739], %swap3A_742 {strides = array<i32>} : memref<16x128xf32, #tpu.memory_space<vmem>>, vector<1x16xf32>,
        %broadcast_in_dim3A_743 = arith.constant 0.000000e+00 : f32
        %broadcast_in_dim3A_744 = vector.broadcast %broadcast_in_dim3A_743 : f32 to vector<16xf32>
        %swap3A_745 = arith.index_cast %scan3A_714 : i32 to index
        %swap3A_746 = arith.constant 64 : index
        %swap3A_747 = tpu.vector_load %arg11[%swap3A_745, %swap3A_746] {strides = array<i32>} : memref<16x128xf32, #tpu.memory_space<vmem>>, vector<1x16xf32>,
        %swap3A_748 = vector.shape_cast %swap3A_747 : vector<1x16xf32> to vector<16xf32>
        %swap3A_749 = vector.shape_cast %broadcast_in_dim3A_744 : vector<16xf32> to vector<1x16xf32>
        tpu.vector_store %arg11[%swap3A_745, %swap3A_746], %swap3A_749 {strides = array<i32>} : memref<16x128xf32, #tpu.memory_space<vmem>>, vector<1x16xf32>,
        %broadcast_in_dim3A_750 = arith.constant 0.000000e+00 : f32
        %broadcast_in_dim3A_751 = vector.broadcast %broadcast_in_dim3A_750 : f32 to vector<16xf32>
        %swap3A_752 = arith.index_cast %scan3A_714 : i32 to index
        %swap3A_753 = arith.constant 80 : index
        %swap3A_754 = tpu.vector_load %arg11[%swap3A_752, %swap3A_753] {strides = array<i32>} : memref<16x128xf32, #tpu.memory_space<vmem>>, vector<1x16xf32>,
        %swap3A_755 = vector.shape_cast %swap3A_754 : vector<1x16xf32> to vector<16xf32>
        %swap3A_756 = vector.shape_cast %broadcast_in_dim3A_751 : vector<16xf32> to vector<1x16xf32>
        tpu.vector_store %arg11[%swap3A_752, %swap3A_753], %swap3A_756 {strides = array<i32>} : memref<16x128xf32, #tpu.memory_space<vmem>>, vector<1x16xf32>,
        %broadcast_in_dim3A_757 = arith.constant 0.000000e+00 : f32
        %broadcast_in_dim3A_758 = vector.broadcast %broadcast_in_dim3A_757 : f32 to vector<16xf32>
        %swap3A_759 = arith.index_cast %scan3A_714 : i32 to index
        %swap3A_760 = arith.constant 96 : index
        %swap3A_761 = tpu.vector_load %arg11[%swap3A_759, %swap3A_760] {strides = array<i32>} : memref<16x128xf32, #tpu.memory_space<vmem>>, vector<1x16xf32>,
        %swap3A_762 = vector.shape_cast %swap3A_761 : vector<1x16xf32> to vector<16xf32>
        %swap3A_763 = vector.shape_cast %broadcast_in_dim3A_758 : vector<16xf32> to vector<1x16xf32>
        tpu.vector_store %arg11[%swap3A_759, %swap3A_760], %swap3A_763 {strides = array<i32>} : memref<16x128xf32, #tpu.memory_space<vmem>>, vector<1x16xf32>,
        %broadcast_in_dim3A_764 = arith.constant 0.000000e+00 : f32
        %broadcast_in_dim3A_765 = vector.broadcast %broadcast_in_dim3A_764 : f32 to vector<16xf32>
        %swap3A_766 = arith.index_cast %scan3A_714 : i32 to index
        %swap3A_767 = arith.constant 112 : index
        %swap3A_768 = tpu.vector_load %arg11[%swap3A_766, %swap3A_767] {strides = array<i32>} : memref<16x128xf32, #tpu.memory_space<vmem>>, vector<1x16xf32>,
        %swap3A_769 = vector.shape_cast %swap3A_768 : vector<1x16xf32> to vector<16xf32>
        %swap3A_770 = vector.shape_cast %broadcast_in_dim3A_765 : vector<16xf32> to vector<1x16xf32>
        tpu.vector_store %arg11[%swap3A_766, %swap3A_767], %swap3A_770 {strides = array<i32>} : memref<16x128xf32, #tpu.memory_space<vmem>>, vector<1x16xf32>,
      }
      %scan3A_658 = arith.constant 16 : i32
      %swap3A_659 = arith.constant 0 : i32
      %swap3A_660 = arith.index_cast %swap3A_659 : i32 to index
      %swap3A_661 = arith.constant 0 : index
      %swap3A_662 = tpu.vector_load %arg11[%swap3A_660, %swap3A_661] {strides = array<i32>} : memref<16x128xf32, #tpu.memory_space<vmem>>, vector<1x16xf32>,
      %swap3A_663 = vector.shape_cast %swap3A_662 : vector<1x16xf32> to vector<16xf32>
      %swap3A_664 = vector.shape_cast %scan3A_651#0 : vector<16xf32> to vector<1x16xf32>
      tpu.vector_store %arg11[%swap3A_660, %swap3A_661], %swap3A_664 {strides = array<i32>} : memref<16x128xf32, #tpu.memory_space<vmem>>, vector<1x16xf32>,
      %swap3A_665 = arith.constant 0 : i32
      %swap3A_666 = arith.index_cast %swap3A_665 : i32 to index
      %swap3A_667 = arith.constant 16 : index
      %swap3A_668 = tpu.vector_load %arg11[%swap3A_666, %swap3A_667] {strides = array<i32>} : memref<16x128xf32, #tpu.memory_space<vmem>>, vector<1x16xf32>,
      %swap3A_669 = vector.shape_cast %swap3A_668 : vector<1x16xf32> to vector<16xf32>
      %swap3A_670 = vector.shape_cast %scan3A_651#1 : vector<16xf32> to vector<1x16xf32>
      tpu.vector_store %arg11[%swap3A_666, %swap3A_667], %swap3A_670 {strides = array<i32>} : memref<16x128xf32, #tpu.memory_space<vmem>>, vector<1x16xf32>,
      %swap3A_671 = arith.constant 0 : i32
      %swap3A_672 = arith.index_cast %swap3A_671 : i32 to index
      %swap3A_673 = arith.constant 32 : index
      %swap3A_674 = tpu.vector_load %arg11[%swap3A_672, %swap3A_673] {strides = array<i32>} : memref<16x128xf32, #tpu.memory_space<vmem>>, vector<1x16xf32>,
      %swap3A_675 = vector.shape_cast %swap3A_674 : vector<1x16xf32> to vector<16xf32>
      %swap3A_676 = vector.shape_cast %scan3A_651#2 : vector<16xf32> to vector<1x16xf32>
      tpu.vector_store %arg11[%swap3A_672, %swap3A_673], %swap3A_676 {strides = array<i32>} : memref<16x128xf32, #tpu.memory_space<vmem>>, vector<1x16xf32>,
      %swap3A_677 = arith.constant 0 : i32
      %swap3A_678 = arith.index_cast %swap3A_677 : i32 to index
      %swap3A_679 = arith.constant 48 : index
      %swap3A_680 = tpu.vector_load %arg11[%swap3A_678, %swap3A_679] {strides = array<i32>} : memref<16x128xf32, #tpu.memory_space<vmem>>, vector<1x16xf32>,
      %swap3A_681 = vector.shape_cast %swap3A_680 : vector<1x16xf32> to vector<16xf32>
      %swap3A_682 = vector.shape_cast %scan3A_651#3 : vector<16xf32> to vector<1x16xf32>
      tpu.vector_store %arg11[%swap3A_678, %swap3A_679], %swap3A_682 {strides = array<i32>} : memref<16x128xf32, #tpu.memory_space<vmem>>, vector<1x16xf32>,
      %swap3A_683 = arith.constant 0 : i32
      %swap3A_684 = arith.index_cast %swap3A_683 : i32 to index
      %swap3A_685 = arith.constant 64 : index
      %swap3A_686 = tpu.vector_load %arg11[%swap3A_684, %swap3A_685] {strides = array<i32>} : memref<16x128xf32, #tpu.memory_space<vmem>>, vector<1x16xf32>,
      %swap3A_687 = vector.shape_cast %swap3A_686 : vector<1x16xf32> to vector<16xf32>
      %swap3A_688 = vector.shape_cast %scan3A_651#4 : vector<16xf32> to vector<1x16xf32>
      tpu.vector_store %arg11[%swap3A_684, %swap3A_685], %swap3A_688 {strides = array<i32>} : memref<16x128xf32, #tpu.memory_space<vmem>>, vector<1x16xf32>,
      %swap3A_689 = arith.constant 0 : i32
      %swap3A_690 = arith.index_cast %swap3A_689 : i32 to index
      %swap3A_691 = arith.constant 80 : index
      %swap3A_692 = tpu.vector_load %arg11[%swap3A_690, %swap3A_691] {strides = array<i32>} : memref<16x128xf32, #tpu.memory_space<vmem>>, vector<1x16xf32>,
      %swap3A_693 = vector.shape_cast %swap3A_692 : vector<1x16xf32> to vector<16xf32>
      %swap3A_694 = vector.shape_cast %scan3A_651#5 : vector<16xf32> to vector<1x16xf32>
      tpu.vector_store %arg11[%swap3A_690, %swap3A_691], %swap3A_694 {strides = array<i32>} : memref<16x128xf32, #tpu.memory_space<vmem>>, vector<1x16xf32>,
      %swap3A_695 = arith.constant 0 : i32
      %swap3A_696 = arith.index_cast %swap3A_695 : i32 to index
      %swap3A_697 = arith.constant 96 : index
      %swap3A_698 = tpu.vector_load %arg11[%swap3A_696, %swap3A_697] {strides = array<i32>} : memref<16x128xf32, #tpu.memory_space<vmem>>, vector<1x16xf32>,
      %swap3A_699 = vector.shape_cast %swap3A_698 : vector<1x16xf32> to vector<16xf32>
      %swap3A_700 = vector.shape_cast %scan3A_651#6 : vector<16xf32> to vector<1x16xf32>
      tpu.vector_store %arg11[%swap3A_696, %swap3A_697], %swap3A_700 {strides = array<i32>} : memref<16x128xf32, #tpu.memory_space<vmem>>, vector<1x16xf32>,
      %swap3A_701 = arith.constant 0 : i32
      %swap3A_702 = arith.index_cast %swap3A_701 : i32 to index
      %swap3A_703 = arith.constant 112 : index
      %swap3A_704 = tpu.vector_load %arg11[%swap3A_702, %swap3A_703] {strides = array<i32>} : memref<16x128xf32, #tpu.memory_space<vmem>>, vector<1x16xf32>,
      %swap3A_705 = vector.shape_cast %swap3A_704 : vector<1x16xf32> to vector<16xf32>
      %swap3A_706 = vector.shape_cast %scan3A_651#7 : vector<16xf32> to vector<1x16xf32>
      tpu.vector_store %arg11[%swap3A_702, %swap3A_703], %swap3A_706 {strides = array<i32>} : memref<16x128xf32, #tpu.memory_space<vmem>>, vector<1x16xf32>,
      %add3A_707 = arith.constant 10016 : i32
      %add3A_708 = vector.broadcast %add3A_707 : i32 to vector<16xi32>
      %add3A_709 = arith.addi %iota3A, %add3A_708 : vector<16xi32>
      %swap3A_710 = arith.constant 0 : index
      %swap3A_711 = tpu.vector_load %arg12[%swap3A_710] {strides = array<i32>} : memref<16xi32, #tpu.memory_space<vmem>>, vector<16xi32>,
      %swap3A_712 = vector.shape_cast %swap3A_711 : vector<16xi32> to vector<16xi32>
      %swap3A_713 = vector.shape_cast %add3A_709 : vector<16xi32> to vector<16xi32>
      tpu.vector_store %arg12[%swap3A_710], %swap3A_713 {strides = array<i32>} : memref<16xi32, #tpu.memory_space<vmem>>, vector<16xi32>,
      "tpu.region"() ({
        %run_scoped3A_714 = tpu.sem_alloc : memref<!tpu.dma_semaphore, #tpu.memory_space<semaphore_mem>>
        %dma_start3A_715 = arith.constant 0 : i32
        %dma_start3A_716 = arith.constant 0 : i32
        %dma_start3A_717 = tpu.memref_slice %arg14[%dma_start3A_715, %dma_start3A_716] : memref<10240x128xf32, #tpu.memory_space<vmem_shared>> -> memref<10240x128xf32, #tpu.memory_space<vmem_shared>>
        tpu.enqueue_indirect_dma source(%arg11 : memref<16x128xf32, #tpu.memory_space<vmem>>) target(%dma_start3A_717 : memref<10240x128xf32, #tpu.memory_space<vmem_shared>>) offsets(%arg12 : memref<16xi32, #tpu.memory_space<vmem>>) semaphore(%run_scoped3A_714 : memref<!tpu.dma_semaphore, #tpu.memory_space<semaphore_mem>>) {add = true}
        %dma_wait3A_718 = arith.constant 0 : i32
        %dma_wait3A_719 = arith.constant 0 : i32
        %dma_wait3A_720 = tpu.memref_slice %arg14[%dma_wait3A_718, %dma_wait3A_719] : memref<10240x128xf32, #tpu.memory_space<vmem_shared>> -> memref<10240x128xf32, #tpu.memory_space<vmem_shared>>
        tpu.wait_indirect_dma semaphore(%run_scoped3A_714 : memref<!tpu.dma_semaphore, #tpu.memory_space<semaphore_mem>>) src(%arg11 : memref<16x128xf32, #tpu.memory_space<vmem>>) dst(%dma_wait3A_720 : memref<10240x128xf32, #tpu.memory_space<vmem_shared>>)
        tpu.yield
      }) : () -> ()
    } else {
    }
    %barrier3A_605 = arith.constant 0 : index
    tpu.barrier barrier_id(%barrier3A_605)
    %mul3A_606 = arith.constant 320 : i32
    %mul3A_607 = arith.muli %arg1, %mul3A_606 : i32
    %add3A_608 = arith.constant 0 : i32
    %add3A_609 = arith.addi %mul3A_607, %add3A_608 : i32
    %convert_element_type3A_610 = arith.extui %ne3A_551 : i1 to i32
    %cond3A_611 = arith.constant 0 : i32
    %cond3A_612 = arith.constant 0 : i32
    %cond3A_613 = arith.cmpi ne, %convert_element_type3A_610, %cond3A_612 : i32
    scf.if %cond3A_613 {
      "tpu.region"() ({
        %run_scoped3A_633 = tpu.sem_alloc : memref<!tpu.dma_semaphore, #tpu.memory_space<semaphore_mem>>
        %dma_start3A_634 = arith.constant 0 : i32
        %dma_start3A_635 = arith.constant 0 : i32
        %dma_start3A_636 = tpu.memref_slice %arg6[%cond3A_611, %dma_start3A_634, %dma_start3A_635] : memref<2x160x128xf32, #tpu.memory_space<vmem>> -> memref<1x160x128xf32, #tpu.memory_space<vmem>>
        %dma_start3A_637 = tpu.memref_squeeze %dma_start3A_636 : memref<1x160x128xf32, #tpu.memory_space<vmem>> -> memref<160x128xf32, #tpu.memory_space<vmem>>
        %dma_start3A_638 = arith.constant 0 : i32
        %dma_start3A_639 = tpu.memref_slice %arg14[%add3A_609, %dma_start3A_638] : memref<10240x128xf32, #tpu.memory_space<vmem_shared>> -> memref<160x128xf32, #tpu.memory_space<vmem_shared>>
        %dma_start3A_640 = arith.constant 0 : i32
        %dma_start3A_641 = arith.constant 0 : i32
        %dma_start3A_642 = tpu.memref_slice %arg6[%cond3A_611, %dma_start3A_640, %dma_start3A_641] : memref<2x160x128xf32, #tpu.memory_space<vmem>> -> memref<1x160x128xf32, #tpu.memory_space<vmem>>
        %dma_start3A_643 = tpu.memref_squeeze %dma_start3A_642 : memref<1x160x128xf32, #tpu.memory_space<vmem>> -> memref<160x128xf32, #tpu.memory_space<vmem>>
        %dma_start3A_644 = arith.constant 0 : i32
        %dma_start3A_645 = tpu.memref_slice %arg14[%add3A_609, %dma_start3A_644] : memref<10240x128xf32, #tpu.memory_space<vmem_shared>> -> memref<160x128xf32, #tpu.memory_space<vmem_shared>>
        tpu.enqueue_dma source(%dma_start3A_645 : memref<160x128xf32, #tpu.memory_space<vmem_shared>>) target(%dma_start3A_643 : memref<160x128xf32, #tpu.memory_space<vmem>>) target_semaphore(%run_scoped3A_633 : memref<!tpu.dma_semaphore, #tpu.memory_space<semaphore_mem>>)
        %dma_wait3A_646 = arith.constant 0 : i32
        %dma_wait3A_647 = arith.constant 0 : i32
        %dma_wait3A_648 = tpu.memref_slice %arg6[%cond3A_611, %dma_wait3A_646, %dma_wait3A_647] : memref<2x160x128xf32, #tpu.memory_space<vmem>> -> memref<1x160x128xf32, #tpu.memory_space<vmem>>
        %dma_wait3A_649 = tpu.memref_squeeze %dma_wait3A_648 : memref<1x160x128xf32, #tpu.memory_space<vmem>> -> memref<160x128xf32, #tpu.memory_space<vmem>>
        %dma_wait3A_650 = arith.constant 0 : i32
        %dma_wait3A_651 = tpu.memref_slice %arg14[%add3A_609, %dma_wait3A_650] : memref<10240x128xf32, #tpu.memory_space<vmem_shared>> -> memref<160x128xf32, #tpu.memory_space<vmem_shared>>
        %dma_wait3A_652 = arith.constant 0 : i32
        %dma_wait3A_653 = arith.constant 0 : i32
        %dma_wait3A_654 = tpu.memref_slice %arg6[%cond3A_611, %dma_wait3A_652, %dma_wait3A_653] : memref<2x160x128xf32, #tpu.memory_space<vmem>> -> memref<1x160x128xf32, #tpu.memory_space<vmem>>
        %dma_wait3A_655 = tpu.memref_squeeze %dma_wait3A_654 : memref<1x160x128xf32, #tpu.memory_space<vmem>> -> memref<160x128xf32, #tpu.memory_space<vmem>>
        %dma_wait3A_656 = arith.constant 0 : i32
        %dma_wait3A_657 = tpu.memref_slice %arg14[%add3A_609, %dma_wait3A_656] : memref<10240x128xf32, #tpu.memory_space<vmem_shared>> -> memref<160x128xf32, #tpu.memory_space<vmem_shared>>
        tpu.wait_dma2 semaphore(%run_scoped3A_633 : memref<!tpu.dma_semaphore, #tpu.memory_space<semaphore_mem>>) src(%dma_wait3A_657 : memref<160x128xf32, #tpu.memory_space<vmem_shared>>) dst(%dma_wait3A_655 : memref<160x128xf32, #tpu.memory_space<vmem>>)
        tpu.yield
      }) : () -> ()
    } else {
    }
    %add3A_614 = arith.constant 11000 : i32
    %add3A_615 = arith.addi %add3A_614, %add3A_609 : i32
    %run_scoped3A_616 = arith.constant 0 : i32
    "tpu.region"() ({
      %run_scoped3A_633 = tpu.sem_alloc : memref<!tpu.dma_semaphore, #tpu.memory_space<semaphore_mem>>
      %dma_start3A_634 = arith.constant 0 : i32
      %dma_start3A_635 = arith.constant 0 : i32
      %dma_start3A_636 = tpu.memref_slice %arg6[%run_scoped3A_616, %dma_start3A_634, %dma_start3A_635] : memref<2x160x128xf32, #tpu.memory_space<vmem>> -> memref<1x160x128xf32, #tpu.memory_space<vmem>>
      %dma_start3A_637 = tpu.memref_squeeze %dma_start3A_636 : memref<1x160x128xf32, #tpu.memory_space<vmem>> -> memref<160x128xf32, #tpu.memory_space<vmem>>
      %dma_start3A_638 = arith.constant 0 : i32
      %dma_start3A_639 = tpu.memref_slice %arg5[%arg0, %add3A_615, %dma_start3A_638] : memref<2x18000x128xf32, #tpu.memory_space<hbm>> -> memref<1x160x128xf32, #tpu.memory_space<hbm>>
      %dma_start3A_640 = tpu.memref_squeeze %dma_start3A_639 : memref<1x160x128xf32, #tpu.memory_space<hbm>> -> memref<160x128xf32, #tpu.memory_space<hbm>>
      %dma_start3A_641 = arith.constant 0 : i32
      %dma_start3A_642 = tpu.memref_slice %arg5[%arg0, %add3A_615, %dma_start3A_641] : memref<2x18000x128xf32, #tpu.memory_space<hbm>> -> memref<1x160x128xf32, #tpu.memory_space<hbm>>
      %dma_start3A_643 = tpu.memref_squeeze %dma_start3A_642 : memref<1x160x128xf32, #tpu.memory_space<hbm>> -> memref<160x128xf32, #tpu.memory_space<hbm>>
      %dma_start3A_644 = arith.constant 0 : i32
      %dma_start3A_645 = arith.constant 0 : i32
      %dma_start3A_646 = tpu.memref_slice %arg6[%run_scoped3A_616, %dma_start3A_644, %dma_start3A_645] : memref<2x160x128xf32, #tpu.memory_space<vmem>> -> memref<1x160x128xf32, #tpu.memory_space<vmem>>
      %dma_start3A_647 = tpu.memref_squeeze %dma_start3A_646 : memref<1x160x128xf32, #tpu.memory_space<vmem>> -> memref<160x128xf32, #tpu.memory_space<vmem>>
      tpu.enqueue_dma source(%dma_start3A_647 : memref<160x128xf32, #tpu.memory_space<vmem>>) target(%dma_start3A_643 : memref<160x128xf32, #tpu.memory_space<hbm>>) target_semaphore(%run_scoped3A_633 : memref<!tpu.dma_semaphore, #tpu.memory_space<semaphore_mem>>)
      %dma_wait3A_648 = arith.constant 0 : i32
      %dma_wait3A_649 = arith.constant 0 : i32
      %dma_wait3A_650 = tpu.memref_slice %arg6[%run_scoped3A_616, %dma_wait3A_648, %dma_wait3A_649] : memref<2x160x128xf32, #tpu.memory_space<vmem>> -> memref<1x160x128xf32, #tpu.memory_space<vmem>>
      %dma_wait3A_651 = tpu.memref_squeeze %dma_wait3A_650 : memref<1x160x128xf32, #tpu.memory_space<vmem>> -> memref<160x128xf32, #tpu.memory_space<vmem>>
      %dma_wait3A_652 = arith.constant 0 : i32
      %dma_wait3A_653 = tpu.memref_slice %arg5[%arg0, %add3A_615, %dma_wait3A_652] : memref<2x18000x128xf32, #tpu.memory_space<hbm>> -> memref<1x160x128xf32, #tpu.memory_space<hbm>>
      %dma_wait3A_654 = tpu.memref_squeeze %dma_wait3A_653 : memref<1x160x128xf32, #tpu.memory_space<hbm>> -> memref<160x128xf32, #tpu.memory_space<hbm>>
      %dma_wait3A_655 = arith.constant 0 : i32
      %dma_wait3A_656 = tpu.memref_slice %arg5[%arg0, %add3A_615, %dma_wait3A_655] : memref<2x18000x128xf32, #tpu.memory_space<hbm>> -> memref<1x160x128xf32, #tpu.memory_space<hbm>>
      %dma_wait3A_657 = tpu.memref_squeeze %dma_wait3A_656 : memref<1x160x128xf32, #tpu.memory_space<hbm>> -> memref<160x128xf32, #tpu.memory_space<hbm>>
      %dma_wait3A_658 = arith.constant 0 : i32
      %dma_wait3A_659 = arith.constant 0 : i32
      %dma_wait3A_660 = tpu.memref_slice %arg6[%run_scoped3A_616, %dma_wait3A_658, %dma_wait3A_659] : memref<2x160x128xf32, #tpu.memory_space<vmem>> -> memref<1x160x128xf32, #tpu.memory_space<vmem>>
      %dma_wait3A_661 = tpu.memref_squeeze %dma_wait3A_660 : memref<1x160x128xf32, #tpu.memory_space<vmem>> -> memref<160x128xf32, #tpu.memory_space<vmem>>
      tpu.wait_dma2 semaphore(%run_scoped3A_633 : memref<!tpu.dma_semaphore, #tpu.memory_space<semaphore_mem>>) src(%dma_wait3A_661 : memref<160x128xf32, #tpu.memory_space<vmem>>) dst(%dma_wait3A_657 : memref<160x128xf32, #tpu.memory_space<hbm>>)
      tpu.yield
    }) : () -> ()
    %mul3A_617 = arith.constant 320 : i32
    %mul3A_618 = arith.muli %arg1, %mul3A_617 : i32
    %add3A_619 = arith.constant 160 : i32
    %add3A_620 = arith.addi %mul3A_618, %add3A_619 : i32
    %convert_element_type3A_621 = arith.extui %ne3A_551 : i1 to i32
    %cond3A_622 = arith.constant 0 : i32
    %cond3A_623 = arith.constant 0 : i32
    %cond3A_624 = arith.cmpi ne, %convert_element_type3A_621, %cond3A_623 : i32
    scf.if %cond3A_624 {
      "tpu.region"() ({
        %run_scoped3A_633 = tpu.sem_alloc : memref<!tpu.dma_semaphore, #tpu.memory_space<semaphore_mem>>
        %dma_start3A_634 = arith.constant 0 : i32
        %dma_start3A_635 = arith.constant 0 : i32
        %dma_start3A_636 = tpu.memref_slice %arg6[%cond3A_622, %dma_start3A_634, %dma_start3A_635] : memref<2x160x128xf32, #tpu.memory_space<vmem>> -> memref<1x160x128xf32, #tpu.memory_space<vmem>>
        %dma_start3A_637 = tpu.memref_squeeze %dma_start3A_636 : memref<1x160x128xf32, #tpu.memory_space<vmem>> -> memref<160x128xf32, #tpu.memory_space<vmem>>
        %dma_start3A_638 = arith.constant 0 : i32
        %dma_start3A_639 = tpu.memref_slice %arg14[%add3A_620, %dma_start3A_638] : memref<10240x128xf32, #tpu.memory_space<vmem_shared>> -> memref<160x128xf32, #tpu.memory_space<vmem_shared>>
        %dma_start3A_640 = arith.constant 0 : i32
        %dma_start3A_641 = arith.constant 0 : i32
        %dma_start3A_642 = tpu.memref_slice %arg6[%cond3A_622, %dma_start3A_640, %dma_start3A_641] : memref<2x160x128xf32, #tpu.memory_space<vmem>> -> memref<1x160x128xf32, #tpu.memory_space<vmem>>
        %dma_start3A_643 = tpu.memref_squeeze %dma_start3A_642 : memref<1x160x128xf32, #tpu.memory_space<vmem>> -> memref<160x128xf32, #tpu.memory_space<vmem>>
        %dma_start3A_644 = arith.constant 0 : i32
        %dma_start3A_645 = tpu.memref_slice %arg14[%add3A_620, %dma_start3A_644] : memref<10240x128xf32, #tpu.memory_space<vmem_shared>> -> memref<160x128xf32, #tpu.memory_space<vmem_shared>>
        tpu.enqueue_dma source(%dma_start3A_645 : memref<160x128xf32, #tpu.memory_space<vmem_shared>>) target(%dma_start3A_643 : memref<160x128xf32, #tpu.memory_space<vmem>>) target_semaphore(%run_scoped3A_633 : memref<!tpu.dma_semaphore, #tpu.memory_space<semaphore_mem>>)
        %dma_wait3A_646 = arith.constant 0 : i32
        %dma_wait3A_647 = arith.constant 0 : i32
        %dma_wait3A_648 = tpu.memref_slice %arg6[%cond3A_622, %dma_wait3A_646, %dma_wait3A_647] : memref<2x160x128xf32, #tpu.memory_space<vmem>> -> memref<1x160x128xf32, #tpu.memory_space<vmem>>
        %dma_wait3A_649 = tpu.memref_squeeze %dma_wait3A_648 : memref<1x160x128xf32, #tpu.memory_space<vmem>> -> memref<160x128xf32, #tpu.memory_space<vmem>>
        %dma_wait3A_650 = arith.constant 0 : i32
        %dma_wait3A_651 = tpu.memref_slice %arg14[%add3A_620, %dma_wait3A_650] : memref<10240x128xf32, #tpu.memory_space<vmem_shared>> -> memref<160x128xf32, #tpu.memory_space<vmem_shared>>
        %dma_wait3A_652 = arith.constant 0 : i32
        %dma_wait3A_653 = arith.constant 0 : i32
        %dma_wait3A_654 = tpu.memref_slice %arg6[%cond3A_622, %dma_wait3A_652, %dma_wait3A_653] : memref<2x160x128xf32, #tpu.memory_space<vmem>> -> memref<1x160x128xf32, #tpu.memory_space<vmem>>
        %dma_wait3A_655 = tpu.memref_squeeze %dma_wait3A_654 : memref<1x160x128xf32, #tpu.memory_space<vmem>> -> memref<160x128xf32, #tpu.memory_space<vmem>>
        %dma_wait3A_656 = arith.constant 0 : i32
        %dma_wait3A_657 = tpu.memref_slice %arg14[%add3A_620, %dma_wait3A_656] : memref<10240x128xf32, #tpu.memory_space<vmem_shared>> -> memref<160x128xf32, #tpu.memory_space<vmem_shared>>
        tpu.wait_dma2 semaphore(%run_scoped3A_633 : memref<!tpu.dma_semaphore, #tpu.memory_space<semaphore_mem>>) src(%dma_wait3A_657 : memref<160x128xf32, #tpu.memory_space<vmem_shared>>) dst(%dma_wait3A_655 : memref<160x128xf32, #tpu.memory_space<vmem>>)
        tpu.yield
      }) : () -> ()
    } else {
    }
    %add3A_625 = arith.constant 11000 : i32
    %add3A_626 = arith.addi %add3A_625, %add3A_620 : i32
    %run_scoped3A_627 = arith.constant 0 : i32
    "tpu.region"() ({
      %run_scoped3A_633 = tpu.sem_alloc : memref<!tpu.dma_semaphore, #tpu.memory_space<semaphore_mem>>
      %dma_start3A_634 = arith.constant 0 : i32
      %dma_start3A_635 = arith.constant 0 : i32
      %dma_start3A_636 = tpu.memref_slice %arg6[%run_scoped3A_627, %dma_start3A_634, %dma_start3A_635] : memref<2x160x128xf32, #tpu.memory_space<vmem>> -> memref<1x160x128xf32, #tpu.memory_space<vmem>>
      %dma_start3A_637 = tpu.memref_squeeze %dma_start3A_636 : memref<1x160x128xf32, #tpu.memory_space<vmem>> -> memref<160x128xf32, #tpu.memory_space<vmem>>
      %dma_start3A_638 = arith.constant 0 : i32
      %dma_start3A_639 = tpu.memref_slice %arg5[%arg0, %add3A_626, %dma_start3A_638] : memref<2x18000x128xf32, #tpu.memory_space<hbm>> -> memref<1x160x128xf32, #tpu.memory_space<hbm>>
      %dma_start3A_640 = tpu.memref_squeeze %dma_start3A_639 : memref<1x160x128xf32, #tpu.memory_space<hbm>> -> memref<160x128xf32, #tpu.memory_space<hbm>>
      %dma_start3A_641 = arith.constant 0 : i32
      %dma_start3A_642 = tpu.memref_slice %arg5[%arg0, %add3A_626, %dma_start3A_641] : memref<2x18000x128xf32, #tpu.memory_space<hbm>> -> memref<1x160x128xf32, #tpu.memory_space<hbm>>
      %dma_start3A_643 = tpu.memref_squeeze %dma_start3A_642 : memref<1x160x128xf32, #tpu.memory_space<hbm>> -> memref<160x128xf32, #tpu.memory_space<hbm>>
      %dma_start3A_644 = arith.constant 0 : i32
      %dma_start3A_645 = arith.constant 0 : i32
      %dma_start3A_646 = tpu.memref_slice %arg6[%run_scoped3A_627, %dma_start3A_644, %dma_start3A_645] : memref<2x160x128xf32, #tpu.memory_space<vmem>> -> memref<1x160x128xf32, #tpu.memory_space<vmem>>
      %dma_start3A_647 = tpu.memref_squeeze %dma_start3A_646 : memref<1x160x128xf32, #tpu.memory_space<vmem>> -> memref<160x128xf32, #tpu.memory_space<vmem>>
      tpu.enqueue_dma source(%dma_start3A_647 : memref<160x128xf32, #tpu.memory_space<vmem>>) target(%dma_start3A_643 : memref<160x128xf32, #tpu.memory_space<hbm>>) target_semaphore(%run_scoped3A_633 : memref<!tpu.dma_semaphore, #tpu.memory_space<semaphore_mem>>)
      %dma_wait3A_648 = arith.constant 0 : i32
      %dma_wait3A_649 = arith.constant 0 : i32
      %dma_wait3A_650 = tpu.memref_slice %arg6[%run_scoped3A_627, %dma_wait3A_648, %dma_wait3A_649] : memref<2x160x128xf32, #tpu.memory_space<vmem>> -> memref<1x160x128xf32, #tpu.memory_space<vmem>>
      %dma_wait3A_651 = tpu.memref_squeeze %dma_wait3A_650 : memref<1x160x128xf32, #tpu.memory_space<vmem>> -> memref<160x128xf32, #tpu.memory_space<vmem>>
      %dma_wait3A_652 = arith.constant 0 : i32
      %dma_wait3A_653 = tpu.memref_slice %arg5[%arg0, %add3A_626, %dma_wait3A_652] : memref<2x18000x128xf32, #tpu.memory_space<hbm>> -> memref<1x160x128xf32, #tpu.memory_space<hbm>>
      %dma_wait3A_654 = tpu.memref_squeeze %dma_wait3A_653 : memref<1x160x128xf32, #tpu.memory_space<hbm>> -> memref<160x128xf32, #tpu.memory_space<hbm>>
      %dma_wait3A_655 = arith.constant 0 : i32
      %dma_wait3A_656 = tpu.memref_slice %arg5[%arg0, %add3A_626, %dma_wait3A_655] : memref<2x18000x128xf32, #tpu.memory_space<hbm>> -> memref<1x160x128xf32, #tpu.memory_space<hbm>>
      %dma_wait3A_657 = tpu.memref_squeeze %dma_wait3A_656 : memref<1x160x128xf32, #tpu.memory_space<hbm>> -> memref<160x128xf32, #tpu.memory_space<hbm>>
      %dma_wait3A_658 = arith.constant 0 : i32
      %dma_wait3A_659 = arith.constant 0 : i32
      %dma_wait3A_660 = tpu.memref_slice %arg6[%run_scoped3A_627, %dma_wait3A_658, %dma_wait3A_659] : memref<2x160x128xf32, #tpu.memory_space<vmem>> -> memref<1x160x128xf32, #tpu.memory_space<vmem>>
      %dma_wait3A_661 = tpu.memref_squeeze %dma_wait3A_660 : memref<1x160x128xf32, #tpu.memory_space<vmem>> -> memref<160x128xf32, #tpu.memory_space<vmem>>
      tpu.wait_dma2 semaphore(%run_scoped3A_633 : memref<!tpu.dma_semaphore, #tpu.memory_space<semaphore_mem>>) src(%dma_wait3A_661 : memref<160x128xf32, #tpu.memory_space<vmem>>) dst(%dma_wait3A_657 : memref<160x128xf32, #tpu.memory_space<hbm>>)
      tpu.yield
    }) : () -> ()
    %eq3A_628 = arith.constant 0 : i32
    %eq3A_629 = arith.cmpi eq, %arg1, %eq3A_628 : i32
    %convert_element_type3A_630 = arith.extui %eq3A_629 : i1 to i32
    %cond3A_631 = arith.constant 0 : i32
    %cond3A_632 = arith.cmpi ne, %convert_element_type3A_630, %cond3A_631 : i32
    scf.if %cond3A_632 {
      %scan3A_633 = arith.constant 0 : i32
      %scan3A_634 = arith.constant 0 : i32
      %scan3A_635 = arith.constant 16 : i32
      %scan3A_636 = arith.addi %scan3A_634, %scan3A_635 : i32
      %scan3A_637 = arith.constant 1 : i32
      scf.for %scan3A_642 = %scan3A_634 to %scan3A_636 step %scan3A_637  : i32 {
        %broadcast_in_dim3A_643 = arith.constant 0.000000e+00 : f32
        %broadcast_in_dim3A_644 = vector.broadcast %broadcast_in_dim3A_643 : f32 to vector<16xf32>
        %swap3A_645 = arith.index_cast %scan3A_642 : i32 to index
        %swap3A_646 = arith.constant 0 : index
        %swap3A_647 = tpu.vector_load %arg11[%swap3A_645, %swap3A_646] {strides = array<i32>} : memref<16x128xf32, #tpu.memory_space<vmem>>, vector<1x16xf32>,
        %swap3A_648 = vector.shape_cast %swap3A_647 : vector<1x16xf32> to vector<16xf32>
        %swap3A_649 = vector.shape_cast %broadcast_in_dim3A_644 : vector<16xf32> to vector<1x16xf32>
        tpu.vector_store %arg11[%swap3A_645, %swap3A_646], %swap3A_649 {strides = array<i32>} : memref<16x128xf32, #tpu.memory_space<vmem>>, vector<1x16xf32>,
        %broadcast_in_dim3A_650 = arith.constant 0.000000e+00 : f32
        %broadcast_in_dim3A_651 = vector.broadcast %broadcast_in_dim3A_650 : f32 to vector<16xf32>
        %swap3A_652 = arith.index_cast %scan3A_642 : i32 to index
        %swap3A_653 = arith.constant 16 : index
        %swap3A_654 = tpu.vector_load %arg11[%swap3A_652, %swap3A_653] {strides = array<i32>} : memref<16x128xf32, #tpu.memory_space<vmem>>, vector<1x16xf32>,
        %swap3A_655 = vector.shape_cast %swap3A_654 : vector<1x16xf32> to vector<16xf32>
        %swap3A_656 = vector.shape_cast %broadcast_in_dim3A_651 : vector<16xf32> to vector<1x16xf32>
        tpu.vector_store %arg11[%swap3A_652, %swap3A_653], %swap3A_656 {strides = array<i32>} : memref<16x128xf32, #tpu.memory_space<vmem>>, vector<1x16xf32>,
        %broadcast_in_dim3A_657 = arith.constant 0.000000e+00 : f32
        %broadcast_in_dim3A_658 = vector.broadcast %broadcast_in_dim3A_657 : f32 to vector<16xf32>
        %swap3A_659 = arith.index_cast %scan3A_642 : i32 to index
        %swap3A_660 = arith.constant 32 : index
        %swap3A_661 = tpu.vector_load %arg11[%swap3A_659, %swap3A_660] {strides = array<i32>} : memref<16x128xf32, #tpu.memory_space<vmem>>, vector<1x16xf32>,
        %swap3A_662 = vector.shape_cast %swap3A_661 : vector<1x16xf32> to vector<16xf32>
        %swap3A_663 = vector.shape_cast %broadcast_in_dim3A_658 : vector<16xf32> to vector<1x16xf32>
        tpu.vector_store %arg11[%swap3A_659, %swap3A_660], %swap3A_663 {strides = array<i32>} : memref<16x128xf32, #tpu.memory_space<vmem>>, vector<1x16xf32>,
        %broadcast_in_dim3A_664 = arith.constant 0.000000e+00 : f32
        %broadcast_in_dim3A_665 = vector.broadcast %broadcast_in_dim3A_664 : f32 to vector<16xf32>
        %swap3A_666 = arith.index_cast %scan3A_642 : i32 to index
        %swap3A_667 = arith.constant 48 : index
        %swap3A_668 = tpu.vector_load %arg11[%swap3A_666, %swap3A_667] {strides = array<i32>} : memref<16x128xf32, #tpu.memory_space<vmem>>, vector<1x16xf32>,
        %swap3A_669 = vector.shape_cast %swap3A_668 : vector<1x16xf32> to vector<16xf32>
        %swap3A_670 = vector.shape_cast %broadcast_in_dim3A_665 : vector<16xf32> to vector<1x16xf32>
        tpu.vector_store %arg11[%swap3A_666, %swap3A_667], %swap3A_670 {strides = array<i32>} : memref<16x128xf32, #tpu.memory_space<vmem>>, vector<1x16xf32>,
        %broadcast_in_dim3A_671 = arith.constant 0.000000e+00 : f32
        %broadcast_in_dim3A_672 = vector.broadcast %broadcast_in_dim3A_671 : f32 to vector<16xf32>
        %swap3A_673 = arith.index_cast %scan3A_642 : i32 to index
        %swap3A_674 = arith.constant 64 : index
        %swap3A_675 = tpu.vector_load %arg11[%swap3A_673, %swap3A_674] {strides = array<i32>} : memref<16x128xf32, #tpu.memory_space<vmem>>, vector<1x16xf32>,
        %swap3A_676 = vector.shape_cast %swap3A_675 : vector<1x16xf32> to vector<16xf32>
        %swap3A_677 = vector.shape_cast %broadcast_in_dim3A_672 : vector<16xf32> to vector<1x16xf32>
        tpu.vector_store %arg11[%swap3A_673, %swap3A_674], %swap3A_677 {strides = array<i32>} : memref<16x128xf32, #tpu.memory_space<vmem>>, vector<1x16xf32>,
        %broadcast_in_dim3A_678 = arith.constant 0.000000e+00 : f32
        %broadcast_in_dim3A_679 = vector.broadcast %broadcast_in_dim3A_678 : f32 to vector<16xf32>
        %swap3A_680 = arith.index_cast %scan3A_642 : i32 to index
        %swap3A_681 = arith.constant 80 : index
        %swap3A_682 = tpu.vector_load %arg11[%swap3A_680, %swap3A_681] {strides = array<i32>} : memref<16x128xf32, #tpu.memory_space<vmem>>, vector<1x16xf32>,
        %swap3A_683 = vector.shape_cast %swap3A_682 : vector<1x16xf32> to vector<16xf32>
        %swap3A_684 = vector.shape_cast %broadcast_in_dim3A_679 : vector<16xf32> to vector<1x16xf32>
        tpu.vector_store %arg11[%swap3A_680, %swap3A_681], %swap3A_684 {strides = array<i32>} : memref<16x128xf32, #tpu.memory_space<vmem>>, vector<1x16xf32>,
        %broadcast_in_dim3A_685 = arith.constant 0.000000e+00 : f32
        %broadcast_in_dim3A_686 = vector.broadcast %broadcast_in_dim3A_685 : f32 to vector<16xf32>
        %swap3A_687 = arith.index_cast %scan3A_642 : i32 to index
        %swap3A_688 = arith.constant 96 : index
        %swap3A_689 = tpu.vector_load %arg11[%swap3A_687, %swap3A_688] {strides = array<i32>} : memref<16x128xf32, #tpu.memory_space<vmem>>, vector<1x16xf32>,
        %swap3A_690 = vector.shape_cast %swap3A_689 : vector<1x16xf32> to vector<16xf32>
        %swap3A_691 = vector.shape_cast %broadcast_in_dim3A_686 : vector<16xf32> to vector<1x16xf32>
        tpu.vector_store %arg11[%swap3A_687, %swap3A_688], %swap3A_691 {strides = array<i32>} : memref<16x128xf32, #tpu.memory_space<vmem>>, vector<1x16xf32>,
        %broadcast_in_dim3A_692 = arith.constant 0.000000e+00 : f32
        %broadcast_in_dim3A_693 = vector.broadcast %broadcast_in_dim3A_692 : f32 to vector<16xf32>
        %swap3A_694 = arith.index_cast %scan3A_642 : i32 to index
        %swap3A_695 = arith.constant 112 : index
        %swap3A_696 = tpu.vector_load %arg11[%swap3A_694, %swap3A_695] {strides = array<i32>} : memref<16x128xf32, #tpu.memory_space<vmem>>, vector<1x16xf32>,
        %swap3A_697 = vector.shape_cast %swap3A_696 : vector<1x16xf32> to vector<16xf32>
        %swap3A_698 = vector.shape_cast %broadcast_in_dim3A_693 : vector<16xf32> to vector<1x16xf32>
        tpu.vector_store %arg11[%swap3A_694, %swap3A_695], %swap3A_698 {strides = array<i32>} : memref<16x128xf32, #tpu.memory_space<vmem>>, vector<1x16xf32>,
      }
      %scan3A_638 = arith.constant 16 : i32
      %convert_element_type3A_639 = arith.extui %ne3A_551 : i1 to i32
      %cond3A_640 = arith.constant 0 : i32
      %cond3A_641 = arith.cmpi ne, %convert_element_type3A_639, %cond3A_640 : i32
      scf.if %cond3A_641 {
        "tpu.region"() ({
          %run_scoped3A_642 = tpu.sem_alloc : memref<!tpu.dma_semaphore, #tpu.memory_space<semaphore_mem>>
          %dma_start3A_643 = arith.constant 10016 : i32
          %dma_start3A_644 = arith.constant 0 : i32
          %dma_start3A_645 = tpu.memref_slice %arg14[%dma_start3A_643, %dma_start3A_644] : memref<10240x128xf32, #tpu.memory_space<vmem_shared>> -> memref<16x128xf32, #tpu.memory_space<vmem_shared>>
          %dma_start3A_646 = arith.constant 10016 : i32
          %dma_start3A_647 = arith.constant 0 : i32
          %dma_start3A_648 = tpu.memref_slice %arg14[%dma_start3A_646, %dma_start3A_647] : memref<10240x128xf32, #tpu.memory_space<vmem_shared>> -> memref<16x128xf32, #tpu.memory_space<vmem_shared>>
          tpu.enqueue_dma source(%dma_start3A_648 : memref<16x128xf32, #tpu.memory_space<vmem_shared>>) target(%arg11 : memref<16x128xf32, #tpu.memory_space<vmem>>) target_semaphore(%run_scoped3A_642 : memref<!tpu.dma_semaphore, #tpu.memory_space<semaphore_mem>>)
          %dma_wait3A_649 = arith.constant 10016 : i32
          %dma_wait3A_650 = arith.constant 0 : i32
          %dma_wait3A_651 = tpu.memref_slice %arg14[%dma_wait3A_649, %dma_wait3A_650] : memref<10240x128xf32, #tpu.memory_space<vmem_shared>> -> memref<16x128xf32, #tpu.memory_space<vmem_shared>>
          %dma_wait3A_652 = arith.constant 10016 : i32
          %dma_wait3A_653 = arith.constant 0 : i32
          %dma_wait3A_654 = tpu.memref_slice %arg14[%dma_wait3A_652, %dma_wait3A_653] : memref<10240x128xf32, #tpu.memory_space<vmem_shared>> -> memref<16x128xf32, #tpu.memory_space<vmem_shared>>
          tpu.wait_dma2 semaphore(%run_scoped3A_642 : memref<!tpu.dma_semaphore, #tpu.memory_space<semaphore_mem>>) src(%dma_wait3A_654 : memref<16x128xf32, #tpu.memory_space<vmem_shared>>) dst(%arg11 : memref<16x128xf32, #tpu.memory_space<vmem>>)
          tpu.yield
        }) : () -> ()
      } else {
      }
      "tpu.region"() ({
        %run_scoped3A_642 = tpu.sem_alloc : memref<!tpu.dma_semaphore, #tpu.memory_space<semaphore_mem>>
        %dma_start3A_643 = arith.constant 16128 : i32
        %dma_start3A_644 = arith.constant 0 : i32
        %dma_start3A_645 = tpu.memref_slice %arg5[%arg0, %dma_start3A_643, %dma_start3A_644] : memref<2x18000x128xf32, #tpu.memory_space<hbm>> -> memref<1x16x128xf32, #tpu.memory_space<hbm>>
        %dma_start3A_646 = tpu.memref_squeeze %dma_start3A_645 : memref<1x16x128xf32, #tpu.memory_space<hbm>> -> memref<16x128xf32, #tpu.memory_space<hbm>>
        %dma_start3A_647 = arith.constant 16128 : i32
        %dma_start3A_648 = arith.constant 0 : i32
        %dma_start3A_649 = tpu.memref_slice %arg5[%arg0, %dma_start3A_647, %dma_start3A_648] : memref<2x18000x128xf32, #tpu.memory_space<hbm>> -> memref<1x16x128xf32, #tpu.memory_space<hbm>>
        %dma_start3A_650 = tpu.memref_squeeze %dma_start3A_649 : memref<1x16x128xf32, #tpu.memory_space<hbm>> -> memref<16x128xf32, #tpu.memory_space<hbm>>
        tpu.enqueue_dma source(%arg11 : memref<16x128xf32, #tpu.memory_space<vmem>>) target(%dma_start3A_650 : memref<16x128xf32, #tpu.memory_space<hbm>>) target_semaphore(%run_scoped3A_642 : memref<!tpu.dma_semaphore, #tpu.memory_space<semaphore_mem>>)
        %dma_wait3A_651 = arith.constant 16128 : i32
        %dma_wait3A_652 = arith.constant 0 : i32
        %dma_wait3A_653 = tpu.memref_slice %arg5[%arg0, %dma_wait3A_651, %dma_wait3A_652] : memref<2x18000x128xf32, #tpu.memory_space<hbm>> -> memref<1x16x128xf32, #tpu.memory_space<hbm>>
        %dma_wait3A_654 = tpu.memref_squeeze %dma_wait3A_653 : memref<1x16x128xf32, #tpu.memory_space<hbm>> -> memref<16x128xf32, #tpu.memory_space<hbm>>
        %dma_wait3A_655 = arith.constant 16128 : i32
        %dma_wait3A_656 = arith.constant 0 : i32
        %dma_wait3A_657 = tpu.memref_slice %arg5[%arg0, %dma_wait3A_655, %dma_wait3A_656] : memref<2x18000x128xf32, #tpu.memory_space<hbm>> -> memref<1x16x128xf32, #tpu.memory_space<hbm>>
        %dma_wait3A_658 = tpu.memref_squeeze %dma_wait3A_657 : memref<1x16x128xf32, #tpu.memory_space<hbm>> -> memref<16x128xf32, #tpu.memory_space<hbm>>
        tpu.wait_dma2 semaphore(%run_scoped3A_642 : memref<!tpu.dma_semaphore, #tpu.memory_space<semaphore_mem>>) src(%arg11 : memref<16x128xf32, #tpu.memory_space<vmem>>) dst(%dma_wait3A_658 : memref<16x128xf32, #tpu.memory_space<hbm>>)
        tpu.yield
      }) : () -> ()
    } else {
    }
    return
  }
}

module attributes {stable_mosaic.version = 14 : i64} {
  func.func @_tc_body(%arg0: i32, %arg1: memref<1x1000x128xf32, #tpu.memory_space<vmem>>, %arg2: memref<1x1000x128xf32, #tpu.memory_space<vmem>>, %arg3: memref<1x1000x128xf32, #tpu.memory_space<vmem>>, %arg4: memref<1x16x128xf32, #tpu.memory_space<vmem>>, %arg5: memref<2x16x128xf32, #tpu.memory_space<vmem>>, %arg6: memref<5x128x128xf32, #tpu.memory_space<vmem>>, %arg7: memref<1xf32, #tpu.memory_space<smem>>, %arg8: memref<1000x128xf32, #tpu.memory_space<vmem>>) attributes {dimension_semantics = [#tpu.dimension_semantics<arbitrary>], iteration_bounds = array<i64: 10>, scalar_prefetch = 0 : i64, scratch_operands = 0 : i64, tpu.core_type = #tpu.core_type<tc>, window_params = [{transform_indices = @transform_0, window_bounds = array<i64: 1, 1000, 128>}, {transform_indices = @transform_1, window_bounds = array<i64: 1, 1000, 128>}, {transform_indices = @transform_2, window_bounds = array<i64: 1, 1000, 128>}, {transform_indices = @transform_3, window_bounds = array<i64: 1, 16, 128>}, {transform_indices = @transform_4, window_bounds = array<i64: 2, 16, 128>}, {pipeline_mode = #tpu.pipeline_mode<synchronous>, transform_indices = @transform_5, window_bounds = array<i64: 5, 128, 128>}, {transform_indices = @transform_6, window_bounds = array<i64: 1>}, {transform_indices = @transform_7, window_bounds = array<i64: 1000, 128>}]} {
    %get3A = arith.constant 0 : index
    %get3A_0 = arith.constant 0 : index
    %get3A_1 = arith.constant 0 : index
    %get3A_2 = vector.load %arg1[%get3A, %get3A_0, %get3A_1] : memref<1x1000x128xf32, #tpu.memory_space<vmem>>, vector<1x1000x128xf32>
    %get3A_3 = vector.shape_cast %get3A_2 : vector<1x1000x128xf32> to vector<1000x128xf32>
    %get3A_4 = arith.constant 2 : index
    %get3A_5 = arith.constant 0 : index
    %get3A_6 = arith.constant 0 : index
    %get3A_7 = vector.load %arg6[%get3A_4, %get3A_5, %get3A_6] : memref<5x128x128xf32, #tpu.memory_space<vmem>>, vector<1x128x128xf32>
    %get3A_8 = vector.shape_cast %get3A_7 : vector<1x128x128xf32> to vector<128x128xf32>
    %dot_general3A = arith.constant dense<0.000000e+00> : vector<1000x128xf32>
    %dot_general3A_9 = tpu.matmul %get3A_3, %get3A_8, %dot_general3A {dimension_numbers = #tpu.dot_dimension_numbers<[1], [0], [0], [1], [0, 0, 1, 1], [], []>, transpose_lhs_hint = false} : vector<1000x128xf32>, vector<128x128xf32>, vector<1000x128xf32> -> vector<1000x128xf32>
    %get3A_10 = arith.constant 0 : index
    %get3A_11 = arith.constant 0 : index
    %get3A_12 = arith.constant 0 : index
    %get3A_13 = vector.load %arg2[%get3A_10, %get3A_11, %get3A_12] : memref<1x1000x128xf32, #tpu.memory_space<vmem>>, vector<1x1000x128xf32>
    %get3A_14 = vector.shape_cast %get3A_13 : vector<1x1000x128xf32> to vector<1000x128xf32>
    %get3A_15 = arith.constant 3 : index
    %get3A_16 = arith.constant 0 : index
    %get3A_17 = arith.constant 0 : index
    %get3A_18 = vector.load %arg6[%get3A_15, %get3A_16, %get3A_17] : memref<5x128x128xf32, #tpu.memory_space<vmem>>, vector<1x128x128xf32>
    %get3A_19 = vector.shape_cast %get3A_18 : vector<1x128x128xf32> to vector<128x128xf32>
    %dot_general3A_20 = arith.constant dense<0.000000e+00> : vector<1000x128xf32>
    %dot_general3A_21 = tpu.matmul %get3A_14, %get3A_19, %dot_general3A_20 {dimension_numbers = #tpu.dot_dimension_numbers<[1], [0], [0], [1], [0, 0, 1, 1], [], []>, transpose_lhs_hint = false} : vector<1000x128xf32>, vector<128x128xf32>, vector<1000x128xf32> -> vector<1000x128xf32>
    %add3A = arith.addf %dot_general3A_9, %dot_general3A_21 : vector<1000x128xf32>
    %get3A_22 = arith.constant 0 : index
    %get3A_23 = arith.constant 0 : index
    %get3A_24 = arith.constant 0 : index
    %get3A_25 = vector.load %arg3[%get3A_22, %get3A_23, %get3A_24] : memref<1x1000x128xf32, #tpu.memory_space<vmem>>, vector<1x1000x128xf32>
    %get3A_26 = vector.shape_cast %get3A_25 : vector<1x1000x128xf32> to vector<1000x128xf32>
    %get3A_27 = arith.constant 0 : index
    %get3A_28 = arith.constant 0 : index
    %get3A_29 = arith.constant 0 : index
    %get3A_30 = vector.load %arg6[%get3A_27, %get3A_28, %get3A_29] : memref<5x128x128xf32, #tpu.memory_space<vmem>>, vector<1x128x128xf32>
    %get3A_31 = vector.shape_cast %get3A_30 : vector<1x128x128xf32> to vector<128x128xf32>
    %dot_general3A_32 = arith.constant dense<0.000000e+00> : vector<1000x128xf32>
    %dot_general3A_33 = tpu.matmul %get3A_26, %get3A_31, %dot_general3A_32 {dimension_numbers = #tpu.dot_dimension_numbers<[1], [0], [0], [1], [0, 0, 1, 1], [], []>, transpose_lhs_hint = false} : vector<1000x128xf32>, vector<128x128xf32>, vector<1000x128xf32> -> vector<1000x128xf32>
    %add3A_34 = arith.addf %add3A, %dot_general3A_33 : vector<1000x128xf32>
    %get3A_35 = arith.constant 0 : index
    %get3A_36 = arith.constant 0 : index
    %get3A_37 = arith.constant 0 : index
    %get3A_38 = vector.load %arg5[%get3A_35, %get3A_36, %get3A_37] : memref<2x16x128xf32, #tpu.memory_space<vmem>>, vector<1x1x128xf32>
    %get3A_39 = vector.shape_cast %get3A_38 : vector<1x1x128xf32> to vector<1x128xf32>
    %get3A_40 = arith.constant 1 : index
    %get3A_41 = arith.constant 0 : index
    %get3A_42 = arith.constant 0 : index
    %get3A_43 = vector.load %arg5[%get3A_40, %get3A_41, %get3A_42] : memref<2x16x128xf32, #tpu.memory_space<vmem>>, vector<1x1x128xf32>
    %get3A_44 = vector.shape_cast %get3A_43 : vector<1x1x128xf32> to vector<1x128xf32>
    %add3A_45 = arith.addf %get3A_39, %get3A_44 : vector<1x128xf32>
    %get3A_46 = arith.constant 1 : index
    %get3A_47 = arith.constant 0 : index
    %get3A_48 = arith.constant 0 : index
    %get3A_49 = vector.load %arg6[%get3A_46, %get3A_47, %get3A_48] : memref<5x128x128xf32, #tpu.memory_space<vmem>>, vector<1x128x128xf32>
    %get3A_50 = vector.shape_cast %get3A_49 : vector<1x128x128xf32> to vector<128x128xf32>
    %dot_general3A_51 = arith.constant dense<0.000000e+00> : vector<1x128xf32>
    %dot_general3A_52 = tpu.matmul %add3A_45, %get3A_50, %dot_general3A_51 {dimension_numbers = #tpu.dot_dimension_numbers<[1], [0], [0], [1], [0, 0, 1, 1], [], []>, transpose_lhs_hint = false} : vector<1x128xf32>, vector<128x128xf32>, vector<1x128xf32> -> vector<1x128xf32>
    %get3A_53 = arith.constant 0 : index
    %get3A_54 = arith.constant 0 : index
    %get3A_55 = arith.constant 0 : index
    %get3A_56 = vector.load %arg4[%get3A_53, %get3A_54, %get3A_55] : memref<1x16x128xf32, #tpu.memory_space<vmem>>, vector<1x1x128xf32>
    %get3A_57 = vector.shape_cast %get3A_56 : vector<1x1x128xf32> to vector<1x128xf32>
    %get3A_58 = arith.constant 4 : index
    %get3A_59 = arith.constant 0 : index
    %get3A_60 = arith.constant 0 : index
    %get3A_61 = vector.load %arg6[%get3A_58, %get3A_59, %get3A_60] : memref<5x128x128xf32, #tpu.memory_space<vmem>>, vector<1x128x128xf32>
    %get3A_62 = vector.shape_cast %get3A_61 : vector<1x128x128xf32> to vector<128x128xf32>
    %dot_general3A_63 = arith.constant dense<0.000000e+00> : vector<1x128xf32>
    %dot_general3A_64 = tpu.matmul %get3A_57, %get3A_62, %dot_general3A_63 {dimension_numbers = #tpu.dot_dimension_numbers<[1], [0], [0], [1], [0, 0, 1, 1], [], []>, transpose_lhs_hint = false} : vector<1x128xf32>, vector<128x128xf32>, vector<1x128xf32> -> vector<1x128xf32>
    %add3A_65 = arith.addf %dot_general3A_52, %dot_general3A_64 : vector<1x128xf32>
    %add3A_66 = vector.broadcast %add3A_65 : vector<1x128xf32> to vector<1000x128xf32>
    %add3A_67 = arith.addf %add3A_34, %add3A_66 : vector<1000x128xf32>
    %get3A_68 = arith.constant 0 : index
    %get3A_69 = memref.load %arg7[%get3A_68] : memref<1xf32, #tpu.memory_space<smem>>
    %add3A_70 = vector.broadcast %get3A_69 : f32 to vector<1000x128xf32>
    %add3A_71 = arith.addf %add3A_67, %add3A_70 : vector<1000x128xf32>
    %swap3A = arith.constant 0 : index
    %swap3A_72 = arith.constant 0 : index
    %swap3A_73 = vector.load %arg8[%swap3A, %swap3A_72] : memref<1000x128xf32, #tpu.memory_space<vmem>>, vector<1000x128xf32>
    tpu.vector_store %arg8[%swap3A, %swap3A_72], %add3A_71 {strides = array<i32>} : memref<1000x128xf32, #tpu.memory_space<vmem>>, vector<1000x128xf32>,
    return
  }
  func.func @transform_0(%arg0: i32) -> (i32, i32, i32) {
    %c0_i32 = arith.constant 0 : i32
    %c0_i32_0 = arith.constant 0 : i32
    %c0_i32_1 = arith.constant 0 : i32
    return %c0_i32, %arg0, %c0_i32_0 : i32, i32, i32
  }
  func.func @transform_1(%arg0: i32) -> (i32, i32, i32) {
    %c1_i32 = arith.constant 1 : i32
    %c0_i32 = arith.constant 0 : i32
    %c0_i32_0 = arith.constant 0 : i32
    return %c1_i32, %arg0, %c0_i32 : i32, i32, i32
  }
  func.func @transform_2(%arg0: i32) -> (i32, i32, i32) {
    %jit3A = arith.constant 5 : i32
    %div3A = arith.divsi %arg0, %jit3A : i32
    %sign3A = arith.constant 0 : i32
    %sign3A_0 = arith.cmpi sgt, %arg0, %sign3A : i32
    %sign3A_1 = arith.extui %sign3A_0 : i1 to i32
    %sign3A_2 = arith.constant 0 : i32
    %sign3A_3 = arith.cmpi slt, %arg0, %sign3A_2 : i32
    %sign3A_4 = arith.extui %sign3A_3 : i1 to i32
    %sign3A_5 = arith.subi %sign3A_1, %sign3A_4 : i32
    %sign3A_6 = arith.constant 0 : i32
    %sign3A_7 = arith.cmpi sgt, %jit3A, %sign3A_6 : i32
    %sign3A_8 = arith.extui %sign3A_7 : i1 to i32
    %sign3A_9 = arith.constant 0 : i32
    %sign3A_10 = arith.cmpi slt, %jit3A, %sign3A_9 : i32
    %sign3A_11 = arith.extui %sign3A_10 : i1 to i32
    %sign3A_12 = arith.subi %sign3A_8, %sign3A_11 : i32
    %ne3A = arith.cmpi ne, %sign3A_5, %sign3A_12 : i32
    %rem3A = arith.remsi %arg0, %jit3A : i32
    %ne3A_13 = arith.constant 0 : i32
    %ne3A_14 = arith.cmpi ne, %rem3A, %ne3A_13 : i32
    %and3A = arith.andi %ne3A, %ne3A_14 : i1
    %sub3A = arith.constant 1 : i32
    %sub3A_15 = arith.subi %div3A, %sub3A : i32
    %select_n3A = arith.select %and3A, %sub3A_15, %div3A : i32
    %jit3A_16 = arith.constant 5 : i32
    %eq3A = arith.constant 0 : i32
    %eq3A_17 = arith.cmpi eq, %jit3A_16, %eq3A : i32
    %jit3A_18 = arith.constant 1 : i32
    %select_n3A_19 = arith.select %eq3A_17, %jit3A_18, %jit3A_16 : i32
    %rem3A_20 = arith.remsi %arg0, %select_n3A_19 : i32
    %ne3A_21 = arith.constant 0 : i32
    %ne3A_22 = arith.cmpi ne, %rem3A_20, %ne3A_21 : i32
    %lt3A = arith.constant 0 : i32
    %lt3A_23 = arith.cmpi slt, %rem3A_20, %lt3A : i32
    %lt3A_24 = arith.constant 0 : i32
    %lt3A_25 = arith.cmpi slt, %select_n3A_19, %lt3A_24 : i32
    %ne3A_26 = arith.xori %lt3A_23, %lt3A_25 : i1
    %and3A_27 = arith.andi %ne3A_26, %ne3A_22 : i1
    %add3A = arith.addi %rem3A_20, %select_n3A_19 : i32
    %select_n3A_28 = arith.select %and3A_27, %add3A, %rem3A_20 : i32
    %add3A_29 = arith.constant 11 : i32
    %add3A_30 = arith.addi %add3A_29, %select_n3A_28 : i32
    %c0_i32 = arith.constant 0 : i32
    %c0_i32_31 = arith.constant 0 : i32
    return %select_n3A, %add3A_30, %c0_i32 : i32, i32, i32
  }
  func.func @transform_3(%arg0: i32) -> (i32, i32, i32) {
    %c0_i32 = arith.constant 0 : i32
    %c625_i32 = arith.constant 625 : i32
    %c0_i32_0 = arith.constant 0 : i32
    %c0_i32_1 = arith.constant 0 : i32
    return %c0_i32, %c625_i32, %c0_i32_0 : i32, i32, i32
  }
  func.func @transform_4(%arg0: i32) -> (i32, i32, i32) {
    %c0_i32 = arith.constant 0 : i32
    %c1008_i32 = arith.constant 1008 : i32
    %c0_i32_0 = arith.constant 0 : i32
    %c0_i32_1 = arith.constant 0 : i32
    return %c0_i32, %c1008_i32, %c0_i32_0 : i32, i32, i32
  }
  func.func @transform_5(%arg0: i32) -> (i32, i32, i32) {
    %c0_i32 = arith.constant 0 : i32
    %c0_i32_0 = arith.constant 0 : i32
    %c0_i32_1 = arith.constant 0 : i32
    %c0_i32_2 = arith.constant 0 : i32
    return %c0_i32, %c0_i32_0, %c0_i32_1 : i32, i32, i32
  }
  func.func @transform_6(%arg0: i32) -> i32 {
    %c0_i32 = arith.constant 0 : i32
    %c0_i32_0 = arith.constant 0 : i32
    return %c0_i32 : i32
  }
  func.func @transform_7(%arg0: i32) -> (i32, i32) {
    %c0_i32 = arith.constant 0 : i32
    %c0_i32_0 = arith.constant 0 : i32
    return %arg0, %c0_i32 : i32, i32
  }
}

</mosaic_0001>

<sc_bundles>
// kernel: kernel.4.cloned.1.call-start
scs
__scs_entry_jumppad:
0x0: {  	(pc) =	sbr.rel $0x88, $3  }
0x1: {  	(tag) =	ssettag $0x0;
	lr =	simm.s32 $0x1  }
0x2: {  	[smem:$0x3F9C] =	sst lr;
	_ =	strace $0xD0000000  }
0x3: {  	_ = 	snop  }
0x4: {  	_ = 	snop  }
0x5: {  	_ = 	snop  }
0x6: {  	_ = 	snop  }
0x7: {  	_ = 	snop  }
__scs_overlays_trampoline_lowered:
0x8: {  	[smem:$0x3FAB] =	sst s0  }
0x9: {  	[smem:$0x3FAC] =	sst s1  }
0xa: {  	[smem:$0x3FAD] =	sst s2  }
0xb: {  	[smem:$0x3FAE] =	sst s3  }
0xc: {  	[smem:$0x3FAF] =	sst s4  }
0xd: {  	[smem:$0x3FB0] =	sst s5  }
0xe: {  	[smem:$0x3FB1] =	sst s6  }
0xf: {  	[smem:$0x3FB2] =	sst s7  }
0x10: {  	[smem:$0x3FB3] =	sst s8  }
0x11: {  	[smem:$0x3FB4] =	sst s9;
	s0 =	simm.s32 @!p0 $0x0  }
0x12: {  	s1 =	sld [smem:$0x3F9A];
	s0 =	simm.s32 @p0 $0x1  }
0x13: {  	[smem:$0x3FB5] =	sst s0;
	s0 =	simm.s32 @!p1 $0x0  }
0x14: {  	s2 =	sld [smem:$0x3F99];
	s0 =	simm.s32 @p1 $0x1  }
0x15: {  	[smem:$0x3FB6] =	sst s0;
	s0 =	simm.s32 @!p2 $0x0  }
0x16: {  	s3 =	sld [smem:$0x3FDB];
	s0 =	simm.s32 @p2 $0x1  }
0x17: {  	s4 =	simm.s32 $0x1BF5;
	[smem:$0x3FB8] =	sst s0  }
0x18: {  	s0 =	sld [smem:$0x3F9B];
	_ =	swait.ge [sflag:s4], $0x0  }
0x19: {  	s7 =	sld [smem:$0x3F9C]  }
0x1a: {  	s8 =	sadd.s32 $0xFFFFE003, lr  }
0x1b: {  	s9 =	sadd.s32 $0xFFFFFEF7, lr;
	s5 =	simm.s32 $0xFFFFFFFF;
	p2 =	slt.u32 s8, $0xFFFFF086  }
0x1c: {  	p1 =	slt.u32 s9, $0xF7A;
	s5 =	simm.s32 @!p2 $0x0  }
0x1d: {  	s5 =	simm.s32 @p1 $0x1;
	p0 =	seq.s32 s7, s2  }
0x1e: {  	s7 =	smul.u32 @!p0 $0xF7A, s2;
	p2 =	seq.s32 @!p0 s5, $0x0  }
0x1f: {  	s9 =	smul.u32 $0xF7A, s1;
	s8 =	simm.s32 @!p0 $0x1BF5;
	p2 =	por !p2, p0  }
0x20: {  	[sflag:s8] =	ssyncset.s32 @!p0 $0xFFFFF086;
	s6 =	sadd.s32 @!p0 s3, s7;
	s7 =	simm.s32 @!p0 $0x108  }
0x21: {  	s3 =	sadd.s32 s3, s9;
	s6 =	sadd.s32 @!p0 $0x88, s6;
	s7 =	simm.s32 @p2 $0x1082  }
0x22: {  	[simem:s7], [sflag:s8] =	dma.local @!p0 [hbm:s6], $0xF7A  }
0x23: {  	s9 =	sor.u32 $0xD0000000, s2;
	s6 =	simm.s32 $0x108;
	_ =	swait.ge @!p0 [sflag:s8], $0x0  }
0x24: {  	s3 =	sadd.s32 $0x88, s3;
	s6 =	simm.s32 @!p1 $0x1082;
	[sflag:s4] =	ssyncset.s32 $0xFFFFF086  }
0x25: {  	[simem:s6], [sflag:s4] =	dma.local [hbm:s3], $0xF7A  }
0x26: {  	[smem:$0x3F9C] =	sst s1;
	(tag) =	ssettag s2;
	_ =	strace s9  }
0x27: {  	s1 =	sld [smem:$0x3FAC]  }
0x28: {  	s2 =	sld [smem:$0x3FAD]  }
0x29: {  	s4 =	sld [smem:$0x3FAF]  }
0x2a: {  	p0 =	seq.s32 s5, $0x0;
	s5 =	sld [smem:$0x3FB0]  }
0x2b: {  	s6 =	sld [smem:$0x3FB1]  }
0x2c: {  	s7 =	sld [smem:$0x3FB2]  }
0x2d: {  	s3 =	simm.s32 $0x108;
	s8 =	sld [smem:$0x3FB3]  }
0x2e: {  	s3 =	simm.s32 @!p0 $0x1082;
	s9 =	sld [smem:$0x3FB4]  }
0x2f: {  	lr =	sadd.s32 s0, s3;
	s0 =	sld [smem:$0x3FAB]  }
0x30: {  	s3 =	sld [smem:$0x3FAE]  }
0x31: {  	[smem:$0x3FB7] =	sst s10  }
0x32: {  	s10 =	sld [smem:$0x3FB5];
	_ =	sdelay $0x3  }
0x33: {  	p0 =	seq.s32 s10, $0x1;
	s10 =	sld [smem:$0x3FB7];
	_ =	sdelay $0x3  }
0x34: {  	[smem:$0x3FB7] =	sst s10  }
0x35: {  	s10 =	sld [smem:$0x3FB6];
	_ =	sdelay $0x3  }
0x36: {  	p1 =	seq.s32 s10, $0x1;
	s10 =	sld [smem:$0x3FB7];
	_ =	sdelay $0x3  }
0x37: {  	[smem:$0x3FB7] =	sst s10  }
0x38: {  	s10 =	sld [smem:$0x3FB8]  }
0x39: {  	_ = 	snop;
	(pc) =	sbr.ind lr, $3  }
0x3a: {  	_ = 	snop  }
0x3b: {  	_ = 	snop  }
0x3c: {  	p2 =	seq.s32 s10, $0x1;
	s10 =	sld [smem:$0x3FB7]  }
0x3d: {  	_ =	shalt  }
0x3e: {  	_ =	shalt  }
0x3f: {  	_ =	shalt  }
0x40: {  	_ =	shalt  }
0x41: {  	_ =	shalt  }
0x42: {  	_ =	shalt  }
0x43: {  	_ =	shalt  }
0x44: {  	_ =	shalt  }
0x45: {  	_ =	shalt  }
0x46: {  	_ =	shalt  }
0x47: {  	_ =	shalt  }
0x48: {  	_ =	shalt  }
0x49: {  	_ =	shalt  }
0x4a: {  	_ =	shalt  }
0x4b: {  	_ =	shalt  }
0x4c: {  	_ =	shalt  }
0x4d: {  	_ =	shalt  }
0x4e: {  	_ =	shalt  }
0x4f: {  	_ =	shalt  }
0x50: {  	_ =	shalt  }
0x51: {  	_ =	shalt  }
0x52: {  	_ =	shalt  }
0x53: {  	_ =	shalt  }
0x54: {  	_ =	shalt  }
0x55: {  	_ =	shalt  }
0x56: {  	_ =	shalt  }
0x57: {  	_ =	shalt  }
0x58: {  	_ =	shalt  }
0x59: {  	_ =	shalt  }
0x5a: {  	_ =	shalt  }
0x5b: {  	_ =	shalt  }
0x5c: {  	_ =	shalt  }
0x5d: {  	_ =	shalt  }
0x5e: {  	_ =	shalt  }
0x5f: {  	_ =	shalt  }
0x60: {  	_ =	shalt  }
0x61: {  	_ =	shalt  }
0x62: {  	_ =	shalt  }
0x63: {  	_ =	shalt  }
0x64: {  	_ =	shalt  }
0x65: {  	_ =	shalt  }
0x66: {  	_ =	shalt  }
0x67: {  	_ =	shalt  }
0x68: {  	_ =	shalt  }
0x69: {  	_ =	shalt  }
0x6a: {  	_ =	shalt  }
0x6b: {  	_ =	shalt  }
0x6c: {  	_ =	shalt  }
0x6d: {  	_ =	shalt  }
0x6e: {  	_ =	shalt  }
0x6f: {  	_ =	shalt  }
0x70: {  	_ =	shalt  }
0x71: {  	_ =	shalt  }
0x72: {  	_ =	shalt  }
0x73: {  	_ =	shalt  }
0x74: {  	_ =	shalt  }
0x75: {  	_ =	shalt  }
0x76: {  	_ =	shalt  }
0x77: {  	_ =	shalt  }
0x78: {  	_ =	shalt  }
0x79: {  	_ =	shalt  }
0x7a: {  	_ =	shalt  }
0x7b: {  	_ =	shalt  }
0x7c: {  	_ =	shalt  }
0x7d: {  	_ =	shalt  }
0x7e: {  	_ =	shalt  }
0x7f: {  	_ =	shalt  }
0x80: {  	_ =	shalt  }
0x81: {  	_ =	shalt  }
0x82: {  	_ =	shalt  }
0x83: {  	_ =	shalt  }
0x84: {  	_ =	shalt  }
0x85: {  	_ =	shalt  }
0x86: {  	_ =	shalt  }
0x87: {  	_ =	shalt  }
.Lfunc_end0:
.L_simem_size_0:
called_computation_lowered:
.L_overlay_start_0:
0x88: {  	s2 =	sld [smem:$0x3FD9]  }
0x89: {  	s3 =	sld [smem:$0x3FFE];
	_ =	sdelay $0x1  }
0x8a: {  	s1 =	srdreg.scid  }
0x8b: {  	s0 =	sand.u32 $0x1, s1  }
0x8c: {  	s17 =	sshll.u32 s0, $0xA;
	s2 =	sadd.s32 s3, s2  }
0x8d: {  	s2 =	sadd.s32 s2, s17  }
0x8e: {  	[smem:$0x3FC3] =	sst s2  }
0x8f: {  	_ = 	snop  }
0x90: {  	s2 =	sld [smem:$0x3FC9]  }
0x91: {  	s18 =	sld [smem:$0x3FC8]  }
0x92: {  	s4 =	sld [smem:$0x3FC7];
	(tm) =	ssettm $0x1  }
0x93: {  	s5 =	sld [smem:$0x3FFB];
	_ =	sdelay $0x3  }
0x94: {  	_ =	strace s5  }
0x95: {  	s5 =	sld [smem:$0x3FFC];
	_ =	sdelay $0x3  }
0x96: {  	_ =	strace s5  }
0x97: {  	s5 =	sld [smem:$0x3FFD];
	_ =	sdelay $0x3  }
0x98: {  	_ =	strace s5  }
0x99: {  	_ =	strace $0x8FFFFFFF  }
0x9a: {  	s19 =	sld [smem:$0x3FDB];
	_ =	sdelay $0x1  }
0x9b: {  	s6 =	simm.s32 $_scs_section_size  }
0x9c: {  	s7 =	simm.s32 $_size__tile_overlayer_lowered;
	s8 =	simm.s32 $_tile_overlayer_lowered  }
0x9d: {  	s22 =	simm.s32 $0x1BFF;
	s21 =	sshll.u32 s8, $0x1;
	s5 =	sadd.s32 s6, s19  }
0x9e: {  	s9 =	simm.s32 $0x0;
	s20 =	sshll.u32 s7, $0x1;
	s7 =	sadd.s32 s21, s5  }
0x9f: {  	[timem:s9], [sflag:s22] =	dma.local [hbm:s7], s20  }
0xa0: {  	_ =	swait.ge [sflag:s22], s20  }
0xa1: {  	s6 =	ssub.s32 $0x0, s20;
	[sflag:s22] =	ssyncset.done $0x0  }
0xa2: {  	[sflag:s22] =	ssyncadd.s32 s6;
	_ =	sdelay $0x1  }
0xa3: {  	s23 =	simm.s32 $0x1B8B  }
0xa4: {  	_ =	swait.ge [sflag:s23], $0x1  }
0xa5: {  	[sflag:s23] =	ssyncset.done $0x0  }
0xa6: {  	s25 =	simm.s32 $0x1B8E;
	s24 =	sld [smem:$0x3FFE];
	[sflag:s23] =	ssyncadd.s32 $0xFFFFFFFF  }
0xa7: {  	s26 =	simm.s32 $execute0_lowered;
	[smem:$0x3FD2] =	sst s25  }
0xa8: {  	s7 =	sshll.u32 s26, $0x1;
	_ =	strace $0x80000046;
	[dreg:$0x1] =	wrdreg $0xFFFFFFFF  }
0xa9: {  	s28 =	simm.s32 $_size_execute0_lowered;
	s5 =	sadd.s32 s5, s7;
	[dreg:$0x0] =	wrdreg $0x0  }
0xaa: {  	s7 =	sshll.u32 s28, $0x1;
	[dreg:$0x2] =	wrdreg s5  }
0xab: {  	[dreg:$0x3] =	wrdreg s7  }
0xac: {  	[dreg:$0x4] =	wrdreg $0xC0  }
0xad: {  	_ =	task [dreg:s9], $0x5FFFF  }
0xae: {  	[dreg:$0x1] =	wrdreg $0xFFFFFFFF  }
0xaf: {  	[dreg:$0x0] =	wrdreg $0x60  }
0xb0: {  	[dreg:$0x2] =	wrdreg s2  }
0xb1: {  	[dreg:$0x3] =	wrdreg s18  }
0xb2: {  	[dreg:$0x4] =	wrdreg s4  }
0xb3: {  	[dreg:$0x5] =	wrdreg s24  }
0xb4: {  	[dreg:$0x6] =	wrdreg $0xB5800  }
0xb5: {  	[dreg:$0x7] =	wrdreg $0x9  }
0xb6: {  	_ =	task.clear_ibuf [dreg:s9], $0x8FFFF;
	_ =	strace $0x90000046  }
0xb7: {  	s29 =	simm.s32 $0x9;
	_ =	strace $0x80000048  }
0xb8: {  	_ =	swait.ge [sflag:s29], $0x1  }
0xb9: {  	[sflag:s29] =	ssyncadd.s32 $0xFFFFFFFF  }
0xba: {  	_ =	strace $0x90000048  }
0xbb: {  	_ =	sfence  }
0xbc: {  	s30 =	sld [smem:$0x0];
	_ =	sdelay $0x2  }
0xbd: {  	s31 =	sshll.u32 s1, $0xD;
	s1 =	sshrl.u32 s1, $0x2  }
0xbe: {  	s3 =	sand.u32 $0x4000, s31;
	s1 =	sadd.s32 s1, s30  }
0xbf: {  	s0 =	sor.u32 s3, s0;
	s1 =	sshll.u32 s1, $0x11  }
0xc0: {  	s0 =	sor.u32 s1, s0  }
0xc1: {  	s0 =	sadd.s32 $0x8F2B, s0  }
0xc2: {  	[sflag:s0] =	ssyncadd.remote.s32 $0x1  }
0xc3: {  	_ =	sfence.sel $0xFFFF  }
0xc4: {  	[dreg:$0x0] =	wrdreg $0xFFFFFFFF;
	(pc) =	sbr.abs _section_cstart, $3  }
0xc5: {  	[dreg:$0x1] =	wrdreg $0xFFFFFFFF  }
0xc6: {  	_ =	task.clear_ibuf [dreg:s9], $0x2FFFF;
	_ =	strace $0x9FFFFFFF  }
0xc7: {  	(tm) =	ssettm $0x7FFFFFFF  }
tec
execute0_lowered:
.L_overlay_start_1:
0x0: {  	(tag) =	ssettag $0x1  }
0x1: {  	s3 =	rddreg [dreg:$0x0]  }
0x2: {  	s4 =	rddreg [dreg:$0x1]  }
0x3: {  	s5 =	rddreg [dreg:$0x2];
	s7 =	stileid.u32  }
0x4: {  	s6 =	rddreg [dreg:$0x3];
	s9 =	smul.u32 $0x50000, s7  }
0x5: {  	s1 =	rddreg [dreg:$0x4];
	s11 =	smul.u32 $0x14000, s7  }
0x6: {  	s2 =	simm.s32 $0x0;
	s0 =	srdreg.scid;
	s29 =	smul.u32 $0x4E20, s7  }
0x7: {  	s31 =	simm.s32 $0xA000;
	[smem:$0x7FF] =	sst s2;
	s17 =	smul.u32 $0x4E200, s7  }
0x8: {  	s0 =	sand.u32 $0x1, s0;
	s6 =	sadd.s32 $0x800, s6;
	s25 =	smul.u32 $0x9C4, s7  }
0x9: {  	p0 =	sne.s32 s7, $0x0;
	_ =	strace $0x80000047;
	s8 =	ssub.s32 $0x2, s0  }
0xa: {  	s12 =	smul.u32 $0x232800, s0;
	s10 =	sshrl.u32 s8, $0x1;
	s9 =	sshrl.u32 s9, $0x2  }
0xb: {  	s15 =	sadd.s32 $0xA000, s11;
	s16 =	sadd.s32 $0xF000, s11;
	s13 =	sshrl.u32 s29, $0x3  }
0xc: {  	s8 =	ssub.s32 s8, s10;
	s9 =	sadd.s32 s9, s1;
	s14 =	sadd.s32 s4, s13  }
0xd: {  	s13 =	sadd.s32 s5, s13;
	s10 =	sadd.s32 $0xA0, s29;
	[dreg:$0x6] =	wrdreg s9  }
0xe: {  	s19 =	sadd.s32 s12, s15;
	s21 =	sadd.s32 s12, s16;
	[dreg:$0x7] =	wrdreg s14  }
0xf: {  	s29 =	smul.u32 $0x28000, s7;
	s9 =	sadd.s32 $0x5000, s11;
	[dreg:$0x8] =	wrdreg s13  }
0x10: {  	s11 =	sadd.s32 s11, s12;
	s30 =	sshrl.u32 s10, $0x3;
	s20 =	sshrl.u32 s19, $0x3  }
0x11: {  	s22 =	sshrl.u32 s21, $0x3;
	s10 =	sshll.u32 s10, $0x4;
	s13 =	sadd.s32 s25, s4  }
0x12: {  	s19 =	sshrl.u32 s17, $0x2;
	s11 =	sshrl.u32 s11, $0x3;
	s26 =	sadd.s32 s4, s30  }
0x13: {  	s18 =	sadd.s32 s12, s9;
	s28 =	sadd.s32 s5, s30;
	[dreg:$0xd] =	wrdreg s26  }
0x14: {  	s30 =	sadd.s32 s9, s1;
	s9 =	sadd.s32 s15, s1;
	[dreg:$0xe] =	wrdreg s28  }
0x15: {  	s14 =	sadd.s32 s3, s10;
	s15 =	sadd.s32 s3, s17;
	[dreg:$0xf] =	wrdreg s30  }
0x16: {  	s4 =	sshrl.u32 s29, $0x2;
	s3 =	sadd.s32 s19, s1;
	[dreg:$0x1f] =	wrdreg s9  }
0x17: {  	s29 =	sadd.s32 $0x139000, s1;
	s10 =	simm.s32 $0x5000;
	[dreg:$0x10] =	wrdreg s14  }
0x18: {  	s19 =	simm.s32 $0xA400;
	s11 =	sadd.s32 s6, s11;
	[dreg:$0x12] =	wrdreg s3  }
0x19: {  	s4 =	sadd.s32 s4, s1;
	s26 =	sxor.u32 $0x1, s0;
	[dreg:$0x1d] =	wrdreg s29  }
0x1a: {  	s28 =	smul.u32 $0x1388, s0;
	[dreg:$0x11] =	wrdreg s15;
	s30 =	sadd.s32 $0x1E00, s15  }
0x1b: {  	s9 =	simm.s32 $0x2800;
	s15 =	simm.s32 $0xA500;
	[dreg:$0x9] =	wrdreg s11  }
0x1c: {  	v0 =	vmov s0;
	s0 =	simm.s32 $0x6;
	s11 =	sshrl.u32 s18, $0x3;
	[dreg:$0x13] =	wrdreg s4  }
0x1d: {  	s18 =	smul.u32 $0xA000, s7;
	s4 =	sadd.s32 $0x5000, s4;
	[dreg:$0x1e] =	wrdreg s30  }
0x1e: {  	s7 =	simm.s32 $0xA200;
	s11 =	sadd.s32 s6, s11;
	[dreg:$0x1c] =	wrdreg s4  }
0x1f: {  	v1 =	vmov s26;
	s26 =	simm.s32 $0x0;
	s4 =	simm.s32 $0xA100;
	[dreg:$0xa] =	wrdreg s11  }
0x20: {  	s11 =	sadd.s32 s6, s20;
	s23 =	sadd.s32 s12, s18;
	s12 =	sshrl.u32 s12, $0x3  }
0x21: {  	s18 =	sadd.s32 s16, s1;
	s16 =	simm.s32 $0xA300;
	[dreg:$0xb] =	wrdreg s11  }
0x22: {  	s11 =	sadd.s32 s6, s22;
	s24 =	sshrl.u32 s23, $0x3;
	s22 =	smax.u32 s8, $0x1  }
0x23: {  	s23 =	sadd.s32 $0x5000, s3;
	s8 =	simm.s32 $0xA280;
	[dreg:$0xc] =	wrdreg s11  }
0x24: {  	s11 =	sadd.s32 s6, s24;
	s6 =	sadd.s32 s6, s12;
	[dreg:$0x17] =	wrdreg s22  }
0x25: {  	s12 =	sadd.s32 s25, s5;
	[dreg:$0x18] =	wrdreg s23;
	s24 =	sadd.s32 $0xA000, s3  }
0x26: {  	s3 =	sadd.s32 $0xF000, s3;
	s25 =	sadd.s32 $0x13A000, s1;
	[dreg:$0x19] =	wrdreg s24  }
0x27: {  	s23 =	simm.s32 $0x5;
	s5 =	simm.s32 $0x1;
	[dreg:$0x1a] =	wrdreg s3  }
.Ltmp0:
0x28: {  	s20 =	sadd.s32 $0x2AF80, s11;
	[dreg:$0x1b] =	wrdreg s25;
	(pc) =	sbr.rel .LBB2_1-.Ltmp0, $4  }
0x29: {  	s22 =	simm.s32 $0x7800;
	s21 =	sadd.s32 $0x2B980, s11;
	[dreg:$0x14] =	wrdreg s20  }
0x2a: {  	s6 =	sadd.s32 $0x3F000, s6;
	s11 =	simm.s32 $0x2;
	[dreg:$0x15] =	wrdreg s21  }
0x2b: {  	v3 =	vlaneseq.u32;
	v4 =	vimm.f32 $0.0e+00;
	s24 =	simm.s32 $0x3;
	s25 =	simm.s32 $0x4;
	[dreg:$0x16] =	wrdreg s6  }
0x2c: {  	v5 =	vimm.s32 $0x0;
	v6 =	vor.u32 $0x2740, v3;
	v2 =	vmov s28;
	s6 =	simm.s32 $0x50;
	s21 =	simm.s32 $0xA380;
	s20 =	simm.s32 $0xA480  }
.LBB2_35:
0x2d: {  	[tilespmem:s3+$0xA570] =	vst v4  }
0x2e: {  	[tilespmem:s3+$0xA500] =	vst v4  }
0x2f: {  	[tilespmem:s3+$0xA510] =	vst v4  }
0x30: {  	[tilespmem:s3+$0xA520] =	vst v4  }
0x31: {  	[tilespmem:s3+$0xA530] =	vst v4  }
0x32: {  	[tilespmem:s3+$0xA540] =	vst v4  }
0x33: {  	[tilespmem:s3+$0xA550] =	vst v4  }
0x34: {  	[tilespmem:s3+$0xA560] =	vst v4;
	s3 =	simm.s32 @!p1 $0xA500;
	s14 =	rddreg [dreg:$0x1d]  }
0x35: {  	[tilespmem:s3], [sflag:$0x5] =	stream.linear.gather @!p1 [spmem:s14], $0x800, $0x38;
	[tilespmem:$0x1F580] =	vst v63  }
0x36: {  	s3 =	simm.s32 @!p1 $0x5  }
0x37: {  	_ =	swait.ge @!p1 [sflag:s3], $0x800  }
0x38: {  	[sflag:s3] =	ssyncset.done @!p1 $0x0  }
0x39: {  	s30 =	rddreg [dreg:$0x16];
	[sflag:s3] =	ssyncadd.s32 @!p1 $0xFFFFF800  }
0x3a: {  	[hbm4b:s30+s2] =	stream.linear.scatter [tilespmem:s15], [sflag:$0x5], $0x800, $0x38;
	[tilespmem:$0x1F580] =	vst v63  }
0x3b: {  	_ =	swait.ge [sflag:s23], $0x800  }
0x3c: {  	[sflag:s23] =	ssyncset.done $0x0  }
0x3d: {  	[sflag:s23] =	ssyncadd.s32 $0xFFFFF800  }
.LBB2_36:
0x3e: {  	s26 =	sadd.s32 $0x1, s26;
	s3 =	rddreg [dreg:$0x17]  }
0x3f: {  	p1 =	sne.s32 s26, s3  }
.Ltmp1:
0x40: {  	_ = 	snop;
	(pc) =	sbr.rel @!p1 .LBB2_37-.Ltmp1, $1  }
0x41: {  	_ =	sdelay $0x3  }
.LBB2_1:
0x42: {  	s3 =	simm.s32 $0x0;
	s17 =	simm.s32 $0x200  }
.LBB2_2:
0x43: {  	p1 =	sne.s32 s17, $0x13E00;
	[tilespmem:s3+$0x70] =	vst v4  }
0x44: {  	[tilespmem:s3+$0x0] =	vst v4  }
0x45: {  	[tilespmem:s3+$0x10] =	vst v4  }
.Ltmp2:
0x46: {  	[tilespmem:s3+$0x20] =	vst v4;
	(pc) =	sbr.rel @p1 .LBB2_2-.Ltmp2, $4  }
0x47: {  	[tilespmem:s3+$0x30] =	vst v4  }
0x48: {  	[tilespmem:s3+$0x40] =	vst v4  }
0x49: {  	[tilespmem:s3+$0x50] =	vst v4  }
0x4a: {  	[tilespmem:s3+$0x60] =	vst v4;
	s3 =	sshra.s32 s17, $0x2;
	s17 =	sadd.s32 $0x200, s17  }
0x4b: {  	[tilespmem:s3+$0x70] =	vst v4  }
0x4c: {  	[tilespmem:s3+$0x0] =	vst v4  }
0x4d: {  	[tilespmem:s3+$0x10] =	vst v4  }
0x4e: {  	[tilespmem:s3+$0x20] =	vst v4  }
0x4f: {  	[tilespmem:s3+$0x30] =	vst v4  }
0x50: {  	[tilespmem:s3+$0x40] =	vst v4  }
0x51: {  	[tilespmem:s3+$0x50] =	vst v4  }
0x52: {  	[tilespmem:s3+$0x60] =	vst v4;
	s28 =	simm.s32 $0x0;
	s14 =	rddreg [dreg:$0x6]  }
0x53: {  	[spmem:s14] =	stream.linear.scatter [tilespmem:s28], [sflag:$0x5], $0x5000, $0x38;
	[tilespmem:$0x1F580] =	vst v63  }
0x54: {  	_ =	swait.ge [sflag:s23], $0x5000  }
0x55: {  	[sflag:s23] =	ssyncset.done $0x0  }
0x56: {  	s17 =	rddreg [dreg:$0xf];
	[sflag:s23] =	ssyncadd.s32 $0xFFFFB000  }
0x57: {  	[spmem:s17] =	stream.linear.scatter [tilespmem:s28], [sflag:$0x5], $0x5000, $0x38;
	[tilespmem:$0x1F580] =	vst v63  }
0x58: {  	_ =	swait.ge [sflag:s23], $0x5000  }
0x59: {  	[sflag:s23] =	ssyncset.done $0x0  }
0x5a: {  	s29 =	rddreg [dreg:$0x1f];
	[sflag:s23] =	ssyncadd.s32 $0xFFFFB000  }
0x5b: {  	[spmem:s29] =	stream.linear.scatter [tilespmem:s28], [sflag:$0x5], $0x5000, $0x38;
	[tilespmem:$0x1F580] =	vst v63  }
0x5c: {  	_ =	swait.ge [sflag:s23], $0x5000  }
0x5d: {  	[sflag:s23] =	ssyncset.done $0x0  }
0x5e: {  	[sflag:s23] =	ssyncadd.s32 $0xFFFFB000  }
0x5f: {  	[spmem:s18] =	stream.linear.scatter [tilespmem:s28], [sflag:$0x5], $0x5000, $0x38;
	[tilespmem:$0x1F580] =	vst v63  }
0x60: {  	_ =	swait.ge [sflag:s23], $0x5000  }
0x61: {  	[sflag:s23] =	ssyncset.done $0x0  }
0x62: {  	[sflag:s23] =	ssyncadd.s32 $0xFFFFB000  }
0x63: {  	[bflag:$0x0] =	sbarrier.arrive $0xFFFF  }
0x64: {  	s14 =	rddreg [dreg:$0x7]  }
0x65: {  	[tilespmem:s31], [sflag:$0x1] =	stream.linear.gather [hbm4b:s14+s28], $0xA0, $0x38;
	[tilespmem:$0x1F580] =	vst v63  }
0x66: {  	s17 =	rddreg [dreg:$0x8]  }
0x67: {  	[tilespmem:s4], [sflag:$0x1] =	stream.linear.gather [hbm4b:s17+s28], $0xA0, $0x38;
	[tilespmem:$0x1F580] =	vst v63  }
0x68: {  	s29 =	rddreg [dreg:$0x11]  }
0x69: {  	[tilespmem:s28], [sflag:$0x1] =	stream.linear.gather [hbm4b:s29+s28], $0x5000, $0x38;
	[tilespmem:$0x1F580] =	vst v63  }
0x6a: {  	_ =	swait.ge [sflag:s5], $0xA0  }
0x6b: {  	[sflag:s5] =	ssyncset.done $0x0  }
0x6c: {  	[sflag:s5] =	ssyncadd.s32 $0xFFFFFF60  }
0x6d: {  	_ =	swait.ge [sflag:s5], $0xA0  }
0x6e: {  	[sflag:s5] =	ssyncset.done $0x0  }
0x6f: {  	[sflag:s5] =	ssyncadd.s32 $0xFFFFFF60  }
0x70: {  	_ =	swait.ge [sflag:s5], $0x5000  }
0x71: {  	[sflag:s5] =	ssyncset.done $0x0  }
0x72: {  	[sflag:s5] =	ssyncadd.s32 $0xFFFFB000  }
0x73: {  	v7 =	vld [tilespmem:$0xA000]  }
0x74: {  	v8 =	vld [tilespmem:$0xA100]  }
0x75: {  	v9 =	vld [tilespmem:$0xA010]  }
0x76: {  	v10 =	vld [tilespmem:$0xA110]  }
0x77: {  	v11 =	vld [tilespmem:$0xA020]  }
0x78: {  	v12 =	vld [tilespmem:$0xA120]  }
0x79: {  	v13 =	vld [tilespmem:$0xA030]  }
0x7a: {  	v14 =	vld [tilespmem:$0xA130]  }
0x7b: {  	v15 =	vld [tilespmem:$0xA040]  }
0x7c: {  	v17 =	vld [tilespmem:$0xA140]  }
0x7d: {  	v19 =	vld [tilespmem:$0xA050]  }
0x7e: {  	v20 =	vld [tilespmem:$0xA150]  }
0x7f: {  	v21 =	vld [tilespmem:$0xA060]  }
0x80: {  	v49 =	vld [tilespmem:$0xA160]  }
0x81: {  	v51 =	vld [tilespmem:$0xA070]  }
0x82: {  	v23 =	vld [tilespmem:$0xA170]  }
0x83: {  	v53 =	vld [tilespmem:$0xA080]  }
0x84: {  	v54 =	vld [tilespmem:$0xA180]  }
0x85: {  	v56 =	vld [tilespmem:$0xA090];
	v16 =	vsub.s32 v8, v7;
	v18 =	vsub.s32 v10, v9  }
0x86: {  	v58 =	vld [tilespmem:$0xA190];
	vm0 =	veq.s32 v8, v7;
	v8 =	vsub.s32 v12, v11;
	vm1 =	veq.s32 v10, v9  }
0x87: {  	v50 =	vsub.s32 v14, v13;
	v22 =	vsub.s32 v17, v15;
	vm8 =	veq.s32 v12, v11  }
0x88: {  	vm9 =	veq.s32 v14, v13;
	v55 =	vsub.s32 v20, v19;
	vm10 =	veq.s32 v17, v15  }
0x89: {  	v57 =	vsub.s32 v49, v21;
	vm11 =	veq.s32 v20, v19;
	v59 =	vsub.s32 v23, v51  }
0x8a: {  	vm12 =	veq.s32 v49, v21;
	vm13 =	veq.s32 v23, v51;
	v16 =	vmul.u32 v0, v16  }
0x8b: {  	v61 =	vsub.s32 v54, v53;
	v63 =	vsub.s32 v58, v56;
	v18 =	vmul.u32 v0, v18  }
0x8c: {  	vm14 =	veq.s32 v54, v53;
	v8 =	vmul.u32 v0, v8;
	v16 =	vadd.s32 v7, v16  }
0x8d: {  	vm0 =	vmor vm0, vm1;
	v52 =	vmul.u32 v0, v22;
	v7 =	vadd.s32 v9, v18;
	[tilespmem:$0xA200] =	vst v16  }
0x8e: {  	v14 =	vmul.u32 v0, v55;
	vm0 =	vmor vm0, vm8;
	v8 =	vadd.s32 v11, v8;
	[tilespmem:$0xA210] =	vst v7  }
0x8f: {  	v9 =	vmul.u32 v0, v50;
	vm0 =	vmor vm0, vm9;
	v11 =	vadd.s32 v15, v52;
	[tilespmem:$0xA220] =	vst v8  }
0x90: {  	vm0 =	vmor vm0, vm10;
	v7 =	vmul.u32 v0, v57;
	v8 =	vadd.s32 v19, v14;
	[tilespmem:$0xA240] =	vst v11  }
0x91: {  	v60 =	vmul.u32 v0, v59;
	v9 =	vadd.s32 v13, v9;
	vm0 =	vmor vm0, vm11;
	[tilespmem:$0xA280] =	vst v8  }
0x92: {  	v62 =	vmul.u32 v0, v61;
	[tilespmem:$0xA230] =	vst v9;
	v7 =	vadd.s32 v21, v7;
	vm0 =	vmor vm0, vm12  }
0x93: {  	v8 =	vadd.s32 v51, v60;
	[tilespmem:$0xA290] =	vst v7;
	vm0 =	vmor vm0, vm13;
	v7 =	vmul.u32 v0, v63  }
0x94: {  	vm15 =	veq.s32 v58, v56;
	[tilespmem:$0xA2A0] =	vst v8;
	v8 =	vadd.s32 v53, v62;
	vm0 =	vmor vm0, vm14  }
0x95: {  	[tilespmem:$0xA2B0] =	vst v8;
	v7 =	vadd.s32 v56, v7;
	vm0 =	vmor vm0, vm15  }
0x96: {  	[tilespmem:$0xA2C0] =	vst v7;
	v7 =	vsel vm0, $0x1, v5  }
0x97: {  	[tilespmem:$0xAD80] =	vst v7  }
0x98: {  	[spmem:s1] =	stream.indirect.scatter.add.f32 [tilespmem:s28], [sflag:$0x3], $0x80, s7, s6, $0xb8;
	[tilespmem:$0x1F580] =	vst v63  }
0x99: {  	s14 =	rddreg [dreg:$0xd]  }
0x9a: {  	[spmem:s1] =	stream.indirect.scatter.add.f32 [tilespmem:s9], [sflag:$0x3], $0x80, s8, s6, $0xb8;
	[tilespmem:$0x1F580] =	vst v63  }
0x9b: {  	s17 =	rddreg [dreg:$0xe]  }
0x9c: {  	[tilespmem:s31], [sflag:$0x2] =	stream.linear.gather [hbm4b:s14+s28], $0xA0, $0x38;
	[tilespmem:$0x1F580] =	vst v63  }
0x9d: {  	s29 =	rddreg [dreg:$0x10]  }
0x9e: {  	[tilespmem:s4], [sflag:$0x2] =	stream.linear.gather [hbm4b:s17+s28], $0xA0, $0x38;
	[tilespmem:$0x1F580] =	vst v63  }
0x9f: {  	s30 =	simm.s32 $0xADA0;
	s17 =	rddreg [dreg:$0x1e]  }
0xa0: {  	[tilespmem:s10], [sflag:$0x2] =	stream.linear.gather [hbm4b:s29+s28], $0x5000, $0x38;
	[tilespmem:$0x1F580] =	vst v63  }
.LBB2_4:
0xa1: {  	_ =	swait.ge [sflag:s11], $0xA0  }
0xa2: {  	[sflag:s11] =	ssyncset.done $0x0  }
0xa3: {  	[sflag:s11] =	ssyncadd.s32 $0xFFFFFF60  }
0xa4: {  	_ =	swait.ge [sflag:s11], $0xA0  }
0xa5: {  	[sflag:s11] =	ssyncset.done $0x0  }
0xa6: {  	[sflag:s11] =	ssyncadd.s32 $0xFFFFFF60  }
0xa7: {  	_ =	swait.ge [sflag:s11], $0x5000  }
0xa8: {  	[sflag:s11] =	ssyncset.done $0x0  }
0xa9: {  	[sflag:s11] =	ssyncadd.s32 $0xFFFFB000  }
0xaa: {  	v8 =	vld [tilespmem:$0xA000]  }
0xab: {  	v9 =	vld [tilespmem:$0xA100]  }
0xac: {  	v10 =	vld [tilespmem:$0xA010]  }
0xad: {  	v11 =	vld [tilespmem:$0xA110]  }
0xae: {  	v12 =	vld [tilespmem:$0xA020]  }
0xaf: {  	v13 =	vld [tilespmem:$0xA120]  }
0xb0: {  	v14 =	vld [tilespmem:$0xA030]  }
0xb1: {  	v15 =	vld [tilespmem:$0xA130]  }
0xb2: {  	v16 =	vld [tilespmem:$0xA040]  }
0xb3: {  	v18 =	vld [tilespmem:$0xA140]  }
0xb4: {  	v20 =	vld [tilespmem:$0xA050]  }
0xb5: {  	v21 =	vld [tilespmem:$0xA150]  }
0xb6: {  	v22 =	vld [tilespmem:$0xA060]  }
0xb7: {  	v52 =	vld [tilespmem:$0xA160]  }
0xb8: {  	v54 =	vld [tilespmem:$0xA070]  }
0xb9: {  	v24 =	vld [tilespmem:$0xA170]  }
0xba: {  	v56 =	vld [tilespmem:$0xA080]  }
0xbb: {  	v57 =	vld [tilespmem:$0xA180]  }
0xbc: {  	v59 =	vld [tilespmem:$0xA090];
	v17 =	vsub.s32 v9, v8;
	v19 =	vsub.s32 v11, v10  }
0xbd: {  	v61 =	vld [tilespmem:$0xA190];
	vm0 =	veq.s32 v9, v8;
	v51 =	vsub.s32 v13, v12;
	vm1 =	veq.s32 v11, v10  }
0xbe: {  	v53 =	vsub.s32 v15, v14;
	v23 =	vsub.s32 v18, v16;
	vm10 =	veq.s32 v13, v12  }
0xbf: {  	vm11 =	veq.s32 v15, v14;
	v58 =	vsub.s32 v21, v20;
	vm12 =	veq.s32 v18, v16  }
0xc0: {  	v60 =	vsub.s32 v52, v22;
	v62 =	vsub.s32 v24, v54;
	vm13 =	veq.s32 v21, v20  }
0xc1: {  	vm14 =	veq.s32 v52, v22;
	v21 =	vsub.s32 v57, v56;
	v17 =	vmul.u32 v0, v17  }
0xc2: {  	vm15 =	veq.s32 v24, v54;
	v24 =	vsub.s32 v61, v59;
	v19 =	vmul.u32 v0, v19  }
0xc3: {  	vm4 =	veq.s32 v57, v56;
	v9 =	vmul.u32 v0, v51;
	v17 =	vadd.s32 v8, v17  }
0xc4: {  	vm0 =	vmor vm0, vm1;
	v55 =	vmul.u32 v0, v23;
	v8 =	vadd.s32 v10, v19;
	[tilespmem:$0xA300] =	vst v17  }
0xc5: {  	v15 =	vmul.u32 v0, v58;
	vm0 =	vmor vm0, vm10;
	v9 =	vadd.s32 v12, v9;
	[tilespmem:$0xA310] =	vst v8  }
0xc6: {  	v18 =	vmul.u32 v0, v62;
	vm0 =	vmor vm0, vm11;
	v12 =	vadd.s32 v16, v55;
	[tilespmem:$0xA320] =	vst v9  }
0xc7: {  	v63 =	vadd.s32 v20, v15;
	vm0 =	vmor vm0, vm12;
	v8 =	vmul.u32 v0, v60;
	[tilespmem:$0xA340] =	vst v12  }
0xc8: {  	v10 =	vmul.u32 v0, v53;
	v20 =	vadd.s32 v54, v18;
	[tilespmem:$0xA380] =	vst v63;
	vm0 =	vmor vm0, vm13  }
0xc9: {  	[tilespmem:$0xA3A0] =	vst v20;
	v8 =	vadd.s32 v22, v8;
	vm0 =	vmor vm0, vm14;
	v22 =	vmul.u32 v0, v21  }
0xca: {  	v10 =	vadd.s32 v14, v10;
	[tilespmem:$0xA390] =	vst v8;
	vm0 =	vmor vm0, vm15;
	v8 =	vmul.u32 v0, v24  }
0xcb: {  	vm5 =	veq.s32 v61, v59;
	[tilespmem:$0xA330] =	vst v10;
	v9 =	vadd.s32 v56, v22;
	vm0 =	vmor vm0, vm4  }
0xcc: {  	[tilespmem:$0xA3B0] =	vst v9;
	v8 =	vadd.s32 v59, v8;
	vm0 =	vmor vm0, vm5  }
0xcd: {  	[tilespmem:$0xA3C0] =	vst v8;
	v8 =	vsel vm0, $0x1, v5  }
0xce: {  	[tilespmem:s30+$0xFFFFFFF0] =	vst v8  }
0xcf: {  	[spmem:s1] =	stream.indirect.scatter.add.f32 [tilespmem:s10], [sflag:$0x4], $0x80, s16, s6, $0xb8;
	[tilespmem:$0x1F580] =	vst v63  }
0xd0: {  	_ = 	snop  }
0xd1: {  	[spmem:s1] =	stream.indirect.scatter.add.f32 [tilespmem:s22], [sflag:$0x4], $0x80, s21, s6, $0xb8;
	[tilespmem:$0x1F580] =	vst v63  }
0xd2: {  	_ =	swait.ge [sflag:s24], $0x2800  }
0xd3: {  	[sflag:s24] =	ssyncset.done $0x0  }
0xd4: {  	[sflag:s24] =	ssyncadd.s32 $0xFFFFD800  }
0xd5: {  	_ =	swait.ge [sflag:s24], $0x2800  }
0xd6: {  	s29 =	sadd.s32 s28, s13;
	[sflag:s24] =	ssyncset.done $0x0  }
0xd7: {  	s3 =	sadd.s32 $0x28, s29;
	[sflag:s24] =	ssyncadd.s32 $0xFFFFD800  }
0xd8: {  	[tilespmem:s31], [sflag:$0x1] =	stream.linear.gather [hbm4b:s3+s2], $0xA0, $0x38;
	[tilespmem:$0x1F580] =	vst v63  }
0xd9: {  	s3 =	sadd.s32 s28, s12  }
0xda: {  	s14 =	sadd.s32 $0x28, s3  }
0xdb: {  	[tilespmem:s4], [sflag:$0x1] =	stream.linear.gather [hbm4b:s14+s2], $0xA0, $0x38;
	[tilespmem:$0x1F580] =	vst v63  }
0xdc: {  	s14 =	sadd.s32 $0xFFFFF600, s17  }
0xdd: {  	[tilespmem:s2], [sflag:$0x1] =	stream.linear.gather [hbm4b:s14+s2], $0x5000, $0x38;
	[tilespmem:$0x1F580] =	vst v63  }
0xde: {  	_ =	swait.ge [sflag:s5], $0xA0  }
0xdf: {  	[sflag:s5] =	ssyncset.done $0x0  }
0xe0: {  	[sflag:s5] =	ssyncadd.s32 $0xFFFFFF60  }
0xe1: {  	_ =	swait.ge [sflag:s5], $0xA0  }
0xe2: {  	[sflag:s5] =	ssyncset.done $0x0  }
0xe3: {  	[sflag:s5] =	ssyncadd.s32 $0xFFFFFF60  }
0xe4: {  	_ =	swait.ge [sflag:s5], $0x5000  }
0xe5: {  	[sflag:s5] =	ssyncset.done $0x0  }
0xe6: {  	[sflag:s5] =	ssyncadd.s32 $0xFFFFB000  }
0xe7: {  	v25 =	vld [tilespmem:$0xA000]  }
0xe8: {  	v26 =	vld [tilespmem:$0xA100]  }
0xe9: {  	v27 =	vld [tilespmem:$0xA010]  }
0xea: {  	v28 =	vld [tilespmem:$0xA110]  }
0xeb: {  	v29 =	vld [tilespmem:$0xA020]  }
0xec: {  	v30 =	vld [tilespmem:$0xA120]  }
0xed: {  	v31 =	vld [tilespmem:$0xA030]  }
0xee: {  	v32 =	vld [tilespmem:$0xA130]  }
0xef: {  	v33 =	vld [tilespmem:$0xA040]  }
0xf0: {  	v35 =	vld [tilespmem:$0xA140]  }
0xf1: {  	v37 =	vld [tilespmem:$0xA050]  }
0xf2: {  	v38 =	vld [tilespmem:$0xA150]  }
0xf3: {  	v39 =	vld [tilespmem:$0xA060]  }
0xf4: {  	v42 =	vld [tilespmem:$0xA160]  }
0xf5: {  	v47 =	vld [tilespmem:$0xA080]  }
0xf6: {  	v48 =	vld [tilespmem:$0xA180]  }
0xf7: {  	v50 =	vld [tilespmem:$0xA090]  }
0xf8: {  	v52 =	vld [tilespmem:$0xA190];
	v34 =	vsub.s32 v26, v25;
	v36 =	vsub.s32 v28, v27  }
0xf9: {  	vm6 =	veq.s32 v26, v25;
	v41 =	vsub.s32 v30, v29;
	vm7 =	veq.s32 v28, v27  }
0xfa: {  	v43 =	vsub.s32 v32, v31;
	v45 =	vsub.s32 v35, v33;
	vm8 =	veq.s32 v30, v29  }
0xfb: {  	vm9 =	veq.s32 v32, v31;
	v49 =	vsub.s32 v38, v37;
	vm10 =	veq.s32 v35, v33  }
0xfc: {  	v51 =	vsub.s32 v42, v39;
	vm11 =	veq.s32 v38, v37;
	vm12 =	veq.s32 v42, v39  }
0xfd: {  	v57 =	vsub.s32 v48, v47;
	v60 =	vsub.s32 v52, v50;
	v18 =	vmul.u32 v0, v34  }
0xfe: {  	vm14 =	veq.s32 v48, v47;
	v20 =	vmul.u32 v0, v36;
	v10 =	vmul.u32 v0, v41  }
0xff: {  	v44 =	vld [tilespmem:$0xA070];
	vm0 =	vmor vm6, vm7;
	v11 =	vmul.u32 v0, v43;
	v18 =	vadd.s32 v25, v18  }
0x100: {  	v46 =	vmul.u32 v0, v45;
	v16 =	vmul.u32 v0, v49;
	v40 =	vadd.s32 v27, v20;
	v25 =	vld [tilespmem:$0xA170];
	[tilespmem:$0xA200] =	vst v18  }
0x101: {  	v53 =	vmul.u32 v0, v51;
	vm0 =	vmor vm0, vm8;
	v10 =	vadd.s32 v29, v10;
	[tilespmem:$0xA210] =	vst v40  }
0x102: {  	v59 =	vmul.u32 v0, v57;
	v11 =	vadd.s32 v31, v11;
	vm0 =	vmor vm0, vm9;
	[tilespmem:$0xA220] =	vst v10  }
0x103: {  	v61 =	vmul.u32 v0, v60;
	v13 =	vadd.s32 v33, v46;
	vm0 =	vmor vm0, vm10;
	[tilespmem:$0xA230] =	vst v11  }
0x104: {  	v54 =	vadd.s32 v37, v16;
	v9 =	vadd.s32 v39, v53;
	[tilespmem:$0xA240] =	vst v13;
	vm0 =	vmor vm0, vm11  }
0x105: {  	[tilespmem:$0xA280] =	vst v54;
	vm0 =	vmor vm0, vm12;
	v55 =	vsub.s32 v25, v44;
	vm13 =	veq.s32 v25, v44  }
0x106: {  	v62 =	vadd.s32 v47, v59;
	[tilespmem:$0xA290] =	vst v9;
	v56 =	vmul.u32 v0, v55;
	vm0 =	vmor vm0, vm13  }
0x107: {  	vm15 =	veq.s32 v52, v50;
	[tilespmem:$0xA2B0] =	vst v62;
	v9 =	vadd.s32 v50, v61;
	vm0 =	vmor vm0, vm14  }
0x108: {  	[tilespmem:$0xA2C0] =	vst v9;
	v58 =	vadd.s32 v44, v56;
	vm0 =	vmor vm0, vm15  }
0x109: {  	[tilespmem:$0xA2A0] =	vst v58;
	v63 =	vsel vm0, $0x1, v5  }
0x10a: {  	[tilespmem:s30+$0x0] =	vst v63  }
0x10b: {  	[spmem:s1] =	stream.indirect.scatter.add.f32 [tilespmem:s2], [sflag:$0x3], $0x80, s7, s6, $0xb8;
	[tilespmem:$0x1F580] =	vst v63  }
0x10c: {  	_ = 	snop  }
0x10d: {  	[spmem:s1] =	stream.indirect.scatter.add.f32 [tilespmem:s9], [sflag:$0x3], $0x80, s8, s6, $0xb8;
	[tilespmem:$0x1F580] =	vst v63  }
0x10e: {  	p1 =	seq.s32 s28, $0x988;
	_ =	swait.ge [sflag:s25], $0x2800  }
.Ltmp3:
0x10f: {  	[sflag:s25] =	ssyncset.done $0x0;
	(pc) =	sbr.rel @p1 .LBB2_6-.Ltmp3, $4  }
0x110: {  	[sflag:s25] =	ssyncadd.s32 $0xFFFFD800  }
0x111: {  	_ =	swait.ge [sflag:s25], $0x2800  }
0x112: {  	v7 =	vor.u32 v8, v7;
	[sflag:s25] =	ssyncset.done $0x0  }
0x113: {  	v7 =	vor.u32 v63, v7;
	[sflag:s25] =	ssyncadd.s32 $0xFFFFD800  }
0x114: {  	s14 =	sadd.s32 $0x3C, s29  }
0x115: {  	[tilespmem:s31], [sflag:$0x2] =	stream.linear.gather [hbm4b:s14+s2], $0xA0, $0x38;
	[tilespmem:$0x1F580] =	vst v63  }
.Ltmp4:
0x116: {  	s3 =	sadd.s32 $0x3C, s3;
	(pc) =	sbr.rel .LBB2_4-.Ltmp4, $4  }
0x117: {  	[tilespmem:s4], [sflag:$0x2] =	stream.linear.gather [hbm4b:s3+s2], $0xA0, $0x38;
	[tilespmem:$0x1F580] =	vst v63  }
0x118: {  	_ = 	snop  }
0x119: {  	[tilespmem:s10], [sflag:$0x2] =	stream.linear.gather [hbm4b:s17+s2], $0x5000, $0x38;
	[tilespmem:$0x1F580] =	vst v63  }
0x11a: {  	s28 =	sadd.s32 $0x28, s28;
	s30 =	sadd.s32 $0x20, s30;
	s17 =	sadd.s32 $0x1400, s17  }
.LBB2_6:
0x11b: {  	_ =	swait.ge [sflag:s24], $0x2800  }
0x11c: {  	[sflag:s24] =	ssyncset.done $0x0  }
0x11d: {  	[sflag:s24] =	ssyncadd.s32 $0xFFFFD800  }
0x11e: {  	_ =	swait.ge [sflag:s24], $0x2800  }
0x11f: {  	[sflag:s24] =	ssyncset.done $0x0  }
0x120: {  	s3 =	simm.s32 $0x0;
	s17 =	simm.s32 $0x200;
	[sflag:s24] =	ssyncadd.s32 $0xFFFFD800  }
.LBB2_7:
0x121: {  	p1 =	sne.s32 s17, $0x1E00;
	[tilespmem:s3+$0xA570] =	vst v4  }
0x122: {  	[tilespmem:s3+$0xA500] =	vst v4  }
0x123: {  	[tilespmem:s3+$0xA510] =	vst v4  }
.Ltmp5:
0x124: {  	[tilespmem:s3+$0xA520] =	vst v4;
	(pc) =	sbr.rel @p1 .LBB2_7-.Ltmp5, $4  }
0x125: {  	[tilespmem:s3+$0xA530] =	vst v4  }
0x126: {  	[tilespmem:s3+$0xA540] =	vst v4  }
0x127: {  	[tilespmem:s3+$0xA550] =	vst v4  }
0x128: {  	[tilespmem:s3+$0xA560] =	vst v4;
	s3 =	sshra.s32 s17, $0x2;
	s17 =	sadd.s32 $0x200, s17  }
0x129: {  	[tilespmem:s3+$0xA570] =	vst v4  }
0x12a: {  	[tilespmem:s3+$0xA500] =	vst v4  }
0x12b: {  	[tilespmem:s3+$0xA510] =	vst v4  }
0x12c: {  	[tilespmem:s3+$0xA520] =	vst v4  }
0x12d: {  	[tilespmem:s3+$0xA530] =	vst v4  }
0x12e: {  	[tilespmem:s3+$0xA540] =	vst v4  }
0x12f: {  	[tilespmem:s3+$0xA550] =	vst v4  }
0x130: {  	v7 =	vcvt.s32.f32 v7;
	[tilespmem:s3+$0xA560] =	vst v4  }
0x131: {  	[tilespmem:$0xAD00] =	vst v6  }
0x132: {  	s17 =	simm.s32 $0x10;
	s14 =	simm.s32 $0xAD00;
	[tilespmem:$0xA500] =	vst v7  }
0x133: {  	[spmem:s1] =	stream.indirect.scatter.add.f32 [tilespmem:s15], [sflag:$0x5], $0x80, s14, s17, $0xb8;
	[tilespmem:$0x1F580] =	vst v63  }
0x134: {  	_ =	swait.ge [sflag:s23], $0x800  }
0x135: {  	[sflag:s23] =	ssyncset.done $0x0  }
0x136: {  	[sflag:s23] =	ssyncadd.s32 $0xFFFFF800  }
0x137: {  	[bflag:$0x0] =	sbarrier.arrive $0xFFFF  }
0x138: {  	s28 =	simm.s32 $0x0;
	s29 =	rddreg [dreg:$0x12]  }
0x139: {  	[tilespmem:s28], [sflag:$0x5] =	stream.linear.gather [spmem:s29], $0x5000, $0x38;
	[tilespmem:$0x1F580] =	vst v63  }
0x13a: {  	_ =	swait.ge [sflag:s23], $0x5000  }
0x13b: {  	[sflag:s23] =	ssyncset.done $0x0  }
0x13c: {  	s30 =	simm.s32 $0x0;
	[sflag:s23] =	ssyncadd.s32 $0xFFFFB000  }
0x13d: {  	v7 =	vld [tilespmem:s30+$0x70]  }
0x13e: {  	v9 =	vld [tilespmem:s30+$0x0]  }
0x13f: {  	v11 =	vld [tilespmem:s30+$0x10]  }
0x140: {  	v12 =	vld [tilespmem:s30+$0x20]  }
0x141: {  	v15 =	vld [tilespmem:s30+$0x30]  }
0x142: {  	v10 =	vimm.f32 $0.0e+00;
	v16 =	vimm.f32 $0.0e+00;
	v13 =	vld [tilespmem:s30+$0x40]  }
0x143: {  	v17 =	vimm.f32 $0.0e+00;
	v14 =	vimm.f32 $0.0e+00;
	v18 =	vld [tilespmem:s30+$0x50];
	v8 =	vadd.f32 v7, v10  }
0x144: {  	s3 =	simm.s32 $0x80;
	s17 =	simm.s32 $0x400;
	v19 =	vld [tilespmem:s30+$0x60];
	v7 =	vadd.f32 v9, v10;
	v9 =	vadd.f32 v11, v10;
	v11 =	vimm.f32 $0.0e+00  }
.LBB2_9:
0x145: {  	p1 =	sne.s32 s17, $0x13E00;
	v20 =	vld [tilespmem:s3+$0x70];
	v10 =	vadd.f32 v12, v10  }
0x146: {  	v21 =	vld [tilespmem:s3+$0x0];
	v11 =	vadd.f32 v15, v11  }
0x147: {  	v22 =	vld [tilespmem:s3+$0x10];
	v16 =	vadd.f32 v13, v16  }
.Ltmp6:
0x148: {  	v12 =	vld [tilespmem:s3+$0x20];
	v17 =	vadd.f32 v18, v17;
	(pc) =	sbr.rel @p1 .LBB2_9-.Ltmp6, $4  }
0x149: {  	v15 =	vld [tilespmem:s3+$0x30];
	v14 =	vadd.f32 v19, v14  }
0x14a: {  	v13 =	vld [tilespmem:s3+$0x40];
	v8 =	vadd.f32 v20, v8  }
0x14b: {  	v7 =	vadd.f32 v21, v7;
	v18 =	vld [tilespmem:s3+$0x50]  }
0x14c: {  	v9 =	vadd.f32 v22, v9;
	v19 =	vld [tilespmem:s3+$0x60];
	s3 =	sshra.s32 s17, $0x2;
	s17 =	sadd.s32 $0x200, s17  }
0x14d: {  	v20 =	vld [tilespmem:s3+$0x70]  }
0x14e: {  	v21 =	vld [tilespmem:s3+$0x0]  }
0x14f: {  	v22 =	vld [tilespmem:s3+$0x10]  }
0x150: {  	v23 =	vld [tilespmem:s3+$0x20]  }
0x151: {  	v24 =	vld [tilespmem:s3+$0x30]  }
0x152: {  	v25 =	vld [tilespmem:s3+$0x40]  }
0x153: {  	v26 =	vld [tilespmem:s3+$0x50];
	s29 =	simm.s32 $0x0;
	s14 =	rddreg [dreg:$0x18]  }
0x154: {  	v27 =	vld [tilespmem:s3+$0x60];
	[tilespmem:s29], [sflag:$0x5] =	stream.linear.gather [spmem:s14], $0x5000, $0x38  }
0x155: {  	_ =	swait.ge [sflag:s23], $0x5000  }
0x156: {  	[sflag:s23] =	ssyncset.done $0x0  }
0x157: {  	s30 =	simm.s32 $0x0;
	[sflag:s23] =	ssyncadd.s32 $0xFFFFB000  }
0x158: {  	v10 =	vadd.f32 v12, v10;
	v11 =	vadd.f32 v15, v11;
	v12 =	vld [tilespmem:s30+$0x70]  }
0x159: {  	v13 =	vadd.f32 v13, v16;
	v17 =	vadd.f32 v18, v17;
	v28 =	vld [tilespmem:s30+$0x0]  }
0x15a: {  	v14 =	vadd.f32 v19, v14;
	v18 =	vadd.f32 v20, v8;
	v19 =	vld [tilespmem:s30+$0x10]  }
0x15b: {  	v20 =	vadd.f32 v21, v7;
	v63 =	vadd.f32 v22, v9;
	v15 =	vld [tilespmem:s30+$0x20]  }
0x15c: {  	v7 =	vadd.f32 v23, v10;
	v8 =	vadd.f32 v24, v11;
	v16 =	vld [tilespmem:s30+$0x30]  }
0x15d: {  	v9 =	vadd.f32 v25, v13;
	v10 =	vadd.f32 v26, v17;
	v17 =	vld [tilespmem:s30+$0x40]  }
0x15e: {  	v11 =	vadd.f32 v27, v14;
	v12 =	vadd.f32 v12, v18;
	v18 =	vld [tilespmem:s30+$0x50]  }
0x15f: {  	s3 =	simm.s32 $0x80;
	s17 =	simm.s32 $0x400;
	v13 =	vadd.f32 v28, v20;
	v14 =	vadd.f32 v19, v63;
	v19 =	vld [tilespmem:s30+$0x60]  }
.LBB2_11:
0x160: {  	p1 =	sne.s32 s17, $0x13E00;
	v20 =	vld [tilespmem:s3+$0x70];
	v7 =	vadd.f32 v15, v7  }
0x161: {  	v21 =	vld [tilespmem:s3+$0x0];
	v8 =	vadd.f32 v16, v8  }
0x162: {  	v22 =	vld [tilespmem:s3+$0x10];
	v9 =	vadd.f32 v17, v9  }
.Ltmp7:
0x163: {  	v15 =	vld [tilespmem:s3+$0x20];
	v10 =	vadd.f32 v18, v10;
	(pc) =	sbr.rel @p1 .LBB2_11-.Ltmp7, $4  }
0x164: {  	v16 =	vld [tilespmem:s3+$0x30];
	v11 =	vadd.f32 v19, v11  }
0x165: {  	v17 =	vld [tilespmem:s3+$0x40];
	v12 =	vadd.f32 v20, v12  }
0x166: {  	v13 =	vadd.f32 v21, v13;
	v18 =	vld [tilespmem:s3+$0x50]  }
0x167: {  	v14 =	vadd.f32 v22, v14;
	v19 =	vld [tilespmem:s3+$0x60];
	s3 =	sshra.s32 s17, $0x2;
	s17 =	sadd.s32 $0x200, s17  }
0x168: {  	v20 =	vld [tilespmem:s3+$0x70]  }
0x169: {  	v21 =	vld [tilespmem:s3+$0x0]  }
0x16a: {  	v22 =	vld [tilespmem:s3+$0x10]  }
0x16b: {  	v23 =	vld [tilespmem:s3+$0x20]  }
0x16c: {  	v24 =	vld [tilespmem:s3+$0x30]  }
0x16d: {  	v25 =	vld [tilespmem:s3+$0x40]  }
0x16e: {  	v26 =	vld [tilespmem:s3+$0x50];
	s29 =	simm.s32 $0x0;
	s14 =	rddreg [dreg:$0x19]  }
0x16f: {  	v27 =	vld [tilespmem:s3+$0x60];
	[tilespmem:s29], [sflag:$0x5] =	stream.linear.gather [spmem:s14], $0x5000, $0x38  }
0x170: {  	_ =	swait.ge [sflag:s23], $0x5000  }
0x171: {  	[sflag:s23] =	ssyncset.done $0x0  }
0x172: {  	s30 =	simm.s32 $0x0;
	[sflag:s23] =	ssyncadd.s32 $0xFFFFB000  }
0x173: {  	v7 =	vadd.f32 v15, v7;
	v8 =	vadd.f32 v16, v8;
	v28 =	vld [tilespmem:s30+$0x70]  }
0x174: {  	v9 =	vadd.f32 v17, v9;
	v10 =	vadd.f32 v18, v10;
	v29 =	vld [tilespmem:s30+$0x0]  }
0x175: {  	v11 =	vadd.f32 v19, v11;
	v12 =	vadd.f32 v20, v12;
	v19 =	vld [tilespmem:s30+$0x10]  }
0x176: {  	v13 =	vadd.f32 v21, v13;
	v14 =	vadd.f32 v22, v14;
	v15 =	vld [tilespmem:s30+$0x20]  }
0x177: {  	v7 =	vadd.f32 v23, v7;
	v8 =	vadd.f32 v24, v8;
	v16 =	vld [tilespmem:s30+$0x30]  }
0x178: {  	v9 =	vadd.f32 v25, v9;
	v10 =	vadd.f32 v26, v10;
	v17 =	vld [tilespmem:s30+$0x40]  }
0x179: {  	v18 =	vld [tilespmem:s30+$0x50];
	v11 =	vadd.f32 v27, v11;
	v12 =	vadd.f32 v28, v12  }
0x17a: {  	s3 =	simm.s32 $0x80;
	s17 =	simm.s32 $0x400;
	v13 =	vadd.f32 v29, v13;
	v14 =	vadd.f32 v19, v14;
	v19 =	vld [tilespmem:s30+$0x60]  }
.LBB2_13:
0x17b: {  	p1 =	sne.s32 s17, $0x13E00;
	v20 =	vld [tilespmem:s3+$0x70];
	v7 =	vadd.f32 v15, v7  }
0x17c: {  	v21 =	vld [tilespmem:s3+$0x0];
	v8 =	vadd.f32 v16, v8  }
0x17d: {  	v22 =	vld [tilespmem:s3+$0x10];
	v9 =	vadd.f32 v17, v9  }
.Ltmp8:
0x17e: {  	v15 =	vld [tilespmem:s3+$0x20];
	v10 =	vadd.f32 v18, v10;
	(pc) =	sbr.rel @p1 .LBB2_13-.Ltmp8, $4  }
0x17f: {  	v16 =	vld [tilespmem:s3+$0x30];
	v11 =	vadd.f32 v19, v11  }
0x180: {  	v17 =	vld [tilespmem:s3+$0x40];
	v12 =	vadd.f32 v20, v12  }
0x181: {  	v13 =	vadd.f32 v21, v13;
	v18 =	vld [tilespmem:s3+$0x50]  }
0x182: {  	v14 =	vadd.f32 v22, v14;
	v19 =	vld [tilespmem:s3+$0x60];
	s3 =	sshra.s32 s17, $0x2;
	s17 =	sadd.s32 $0x200, s17  }
0x183: {  	v20 =	vld [tilespmem:s3+$0x70]  }
0x184: {  	v21 =	vld [tilespmem:s3+$0x0]  }
0x185: {  	v22 =	vld [tilespmem:s3+$0x10]  }
0x186: {  	v23 =	vld [tilespmem:s3+$0x20]  }
0x187: {  	v24 =	vld [tilespmem:s3+$0x30]  }
0x188: {  	v25 =	vld [tilespmem:s3+$0x40]  }
0x189: {  	v26 =	vld [tilespmem:s3+$0x50];
	s30 =	simm.s32 $0x0;
	s14 =	rddreg [dreg:$0x1a]  }
0x18a: {  	v27 =	vld [tilespmem:s3+$0x60];
	[tilespmem:s30], [sflag:$0x5] =	stream.linear.gather [spmem:s14], $0x4880, $0x38  }
0x18b: {  	_ =	swait.ge [sflag:s23], $0x4880  }
0x18c: {  	[sflag:s23] =	ssyncset.done $0x0  }
0x18d: {  	s3 =	simm.s32 $0x0;
	[sflag:s23] =	ssyncadd.s32 $0xFFFFB780  }
0x18e: {  	v7 =	vadd.f32 v15, v7;
	v8 =	vadd.f32 v16, v8;
	v28 =	vld [tilespmem:s3+$0x70]  }
0x18f: {  	v17 =	vadd.f32 v17, v9;
	v18 =	vadd.f32 v18, v10;
	v29 =	vld [tilespmem:s3+$0x0]  }
0x190: {  	v11 =	vadd.f32 v19, v11;
	v12 =	vadd.f32 v20, v12;
	v19 =	vld [tilespmem:s3+$0x10]  }
0x191: {  	v13 =	vadd.f32 v21, v13;
	v14 =	vadd.f32 v22, v14;
	v15 =	vld [tilespmem:s3+$0x20]  }
0x192: {  	v9 =	vadd.f32 v23, v7;
	v7 =	vadd.f32 v24, v8;
	v16 =	vld [tilespmem:s3+$0x30]  }
0x193: {  	v10 =	vadd.f32 v25, v17;
	v8 =	vadd.f32 v26, v18;
	v17 =	vld [tilespmem:s3+$0x40]  }
0x194: {  	v18 =	vld [tilespmem:s3+$0x50];
	v11 =	vadd.f32 v27, v11;
	v12 =	vadd.f32 v28, v12  }
0x195: {  	s17 =	simm.s32 $0x200;
	s28 =	simm.s32 $0x80;
	s29 =	simm.s32 $0x400;
	v13 =	vadd.f32 v29, v13;
	v14 =	vadd.f32 v19, v14;
	v19 =	vld [tilespmem:s3+$0x60]  }
.LBB2_15:
0x196: {  	p1 =	sne.s32 s29, $0x12000;
	v20 =	vld [tilespmem:s28+$0x70];
	v9 =	vadd.f32 v15, v9  }
0x197: {  	v21 =	vld [tilespmem:s28+$0x0];
	v7 =	vadd.f32 v16, v7  }
0x198: {  	v22 =	vld [tilespmem:s28+$0x10];
	v10 =	vadd.f32 v17, v10  }
.Ltmp9:
0x199: {  	v15 =	vld [tilespmem:s28+$0x20];
	v8 =	vadd.f32 v18, v8;
	(pc) =	sbr.rel @p1 .LBB2_15-.Ltmp9, $4  }
0x19a: {  	v16 =	vld [tilespmem:s28+$0x30];
	v11 =	vadd.f32 v19, v11  }
0x19b: {  	v17 =	vld [tilespmem:s28+$0x40];
	v12 =	vadd.f32 v20, v12  }
0x19c: {  	v13 =	vadd.f32 v21, v13;
	v18 =	vld [tilespmem:s28+$0x50]  }
0x19d: {  	v14 =	vadd.f32 v22, v14;
	v19 =	vld [tilespmem:s28+$0x60];
	s28 =	sshra.s32 s29, $0x2;
	s29 =	sadd.s32 $0x200, s29  }
0x19e: {  	v20 =	vld [tilespmem:s28+$0x70]  }
0x19f: {  	v21 =	vld [tilespmem:s28+$0x0]  }
0x1a0: {  	v22 =	vld [tilespmem:s28+$0x10]  }
0x1a1: {  	v23 =	vld [tilespmem:s28+$0x20]  }
0x1a2: {  	v24 =	vld [tilespmem:s28+$0x30]  }
0x1a3: {  	v25 =	vld [tilespmem:s28+$0x40]  }
0x1a4: {  	v9 =	vadd.f32 v15, v9;
	v15 =	vld [tilespmem:s28+$0x50]  }
0x1a5: {  	v63 =	vld [tilespmem:s28+$0x60];
	v16 =	vadd.f32 v16, v7;
	v10 =	vadd.f32 v17, v10  }
0x1a6: {  	v18 =	vadd.f32 v18, v8;
	v19 =	vadd.f32 v19, v11  }
0x1a7: {  	v7 =	vadd.f32 v20, v12;
	v13 =	vadd.f32 v21, v13  }
0x1a8: {  	v14 =	vadd.f32 v22, v14;
	v8 =	vadd.f32 v23, v9  }
0x1a9: {  	v9 =	vadd.f32 v24, v16;
	v10 =	vadd.f32 v25, v10  }
0x1aa: {  	v11 =	vadd.f32 v15, v18;
	v12 =	vadd.f32 v63, v19  }
.LBB2_17:
0x1ab: {  	p1 =	sne.s32 s17, $0x1E00;
	[tilespmem:s3+$0xA570] =	vst v4  }
0x1ac: {  	[tilespmem:s3+$0xA500] =	vst v4  }
0x1ad: {  	[tilespmem:s3+$0xA510] =	vst v4  }
.Ltmp10:
0x1ae: {  	[tilespmem:s3+$0xA520] =	vst v4;
	(pc) =	sbr.rel @p1 .LBB2_17-.Ltmp10, $4  }
0x1af: {  	[tilespmem:s3+$0xA530] =	vst v4  }
0x1b0: {  	[tilespmem:s3+$0xA540] =	vst v4  }
0x1b1: {  	[tilespmem:s3+$0xA550] =	vst v4  }
0x1b2: {  	[tilespmem:s3+$0xA560] =	vst v4;
	s3 =	sshra.s32 s17, $0x2;
	s17 =	sadd.s32 $0x200, s17  }
0x1b3: {  	[tilespmem:s3+$0xA570] =	vst v4  }
0x1b4: {  	[tilespmem:s3+$0xA500] =	vst v4  }
0x1b5: {  	[tilespmem:s3+$0xA510] =	vst v4  }
0x1b6: {  	[tilespmem:s3+$0xA520] =	vst v4  }
0x1b7: {  	[tilespmem:s3+$0xA530] =	vst v4  }
0x1b8: {  	[tilespmem:s3+$0xA540] =	vst v4  }
0x1b9: {  	[tilespmem:s3+$0xA550] =	vst v4  }
0x1ba: {  	[tilespmem:s3+$0xA560] =	vst v4  }
0x1bb: {  	[tilespmem:$0xA500] =	vst v13  }
0x1bc: {  	[tilespmem:$0xA510] =	vst v14  }
0x1bd: {  	[tilespmem:$0xA520] =	vst v8  }
0x1be: {  	[tilespmem:$0xA530] =	vst v9  }
0x1bf: {  	[tilespmem:$0xA540] =	vst v10  }
0x1c0: {  	[tilespmem:$0xA550] =	vst v11  }
0x1c1: {  	[tilespmem:$0xA560] =	vst v12  }
0x1c2: {  	[tilespmem:$0xA570] =	vst v7;
	v7 =	vor.u32 $0x2710, v3  }
0x1c3: {  	s30 =	simm.s32 $0x10;
	s14 =	simm.s32 $0xAD00;
	s17 =	simm.s32 $0xA500;
	[tilespmem:$0xAD00] =	vst v7  }
0x1c4: {  	[spmem:s1] =	stream.indirect.scatter.add.f32 [tilespmem:s17], [sflag:$0x5], $0x80, s14, s30, $0xb8;
	[tilespmem:$0x1F580] =	vst v63  }
0x1c5: {  	_ =	swait.ge [sflag:s23], $0x800  }
0x1c6: {  	[sflag:s23] =	ssyncset.done $0x0  }
0x1c7: {  	s14 =	rddreg [dreg:$0x1b];
	[sflag:s23] =	ssyncadd.s32 $0xFFFFF800  }
0x1c8: {  	[tilespmem:s17], [sflag:$0x5] =	stream.linear.gather [spmem:s14], $0x800, $0x38;
	[tilespmem:$0x1F580] =	vst v63  }
0x1c9: {  	_ =	swait.ge [sflag:s23], $0x800  }
0x1ca: {  	[sflag:s23] =	ssyncset.done $0x0  }
0x1cb: {  	[sflag:s23] =	ssyncadd.s32 $0xFFFFF800  }
0x1cc: {  	v7 =	vld [tilespmem:$0xA500];
	[bflag:$0x0] =	sbarrier.arrive $0xFFFF  }
0x1cd: {  	s3 =	simm.s32 $0x0;
	s28 =	rddreg [dreg:$0x6]  }
0x1ce: {  	[tilespmem:s3], [sflag:$0x5] =	stream.linear.gather [spmem:s28], $0x5000, $0x38;
	[tilespmem:$0x1F580] =	vst v63  }
0x1cf: {  	_ =	swait.ge [sflag:s23], $0x5000  }
0x1d0: {  	[sflag:s23] =	ssyncset.done $0x0  }
0x1d1: {  	s29 =	rddreg [dreg:$0x9];
	[sflag:s23] =	ssyncadd.s32 $0xFFFFB000  }
0x1d2: {  	[hbm4b:s29+s3] =	stream.linear.scatter [tilespmem:s3], [sflag:$0x5], $0x5000, $0x38;
	[tilespmem:$0x1F580] =	vst v63  }
0x1d3: {  	_ =	swait.ge [sflag:s23], $0x5000  }
0x1d4: {  	[sflag:s23] =	ssyncset.done $0x0  }
0x1d5: {  	s30 =	rddreg [dreg:$0xf];
	[sflag:s23] =	ssyncadd.s32 $0xFFFFB000  }
0x1d6: {  	[tilespmem:s3], [sflag:$0x5] =	stream.linear.gather [spmem:s30], $0x5000, $0x38;
	[tilespmem:$0x1F580] =	vst v63  }
0x1d7: {  	_ =	swait.ge [sflag:s23], $0x5000  }
0x1d8: {  	[sflag:s23] =	ssyncset.done $0x0  }
0x1d9: {  	s17 =	rddreg [dreg:$0xa];
	[sflag:s23] =	ssyncadd.s32 $0xFFFFB000  }
0x1da: {  	[hbm4b:s17+s3] =	stream.linear.scatter [tilespmem:s3], [sflag:$0x5], $0x5000, $0x38;
	[tilespmem:$0x1F580] =	vst v63  }
0x1db: {  	_ =	swait.ge [sflag:s23], $0x5000  }
0x1dc: {  	[sflag:s23] =	ssyncset.done $0x0  }
0x1dd: {  	s28 =	rddreg [dreg:$0x1f];
	[sflag:s23] =	ssyncadd.s32 $0xFFFFB000  }
0x1de: {  	[tilespmem:s3], [sflag:$0x5] =	stream.linear.gather [spmem:s28], $0x5000, $0x38;
	[tilespmem:$0x1F580] =	vst v63  }
0x1df: {  	_ =	swait.ge [sflag:s23], $0x5000  }
0x1e0: {  	[sflag:s23] =	ssyncset.done $0x0  }
0x1e1: {  	s29 =	rddreg [dreg:$0xb];
	[sflag:s23] =	ssyncadd.s32 $0xFFFFB000  }
0x1e2: {  	[hbm4b:s29+s3] =	stream.linear.scatter [tilespmem:s3], [sflag:$0x5], $0x5000, $0x38;
	[tilespmem:$0x1F580] =	vst v63  }
0x1e3: {  	_ =	swait.ge [sflag:s23], $0x5000  }
0x1e4: {  	[sflag:s23] =	ssyncset.done $0x0  }
0x1e5: {  	[sflag:s23] =	ssyncadd.s32 $0xFFFFB000  }
0x1e6: {  	[tilespmem:s3], [sflag:$0x5] =	stream.linear.gather [spmem:s18], $0x5000, $0x38;
	[tilespmem:$0x1F580] =	vst v63  }
0x1e7: {  	_ =	swait.ge [sflag:s23], $0x5000  }
0x1e8: {  	[sflag:s23] =	ssyncset.done $0x0  }
0x1e9: {  	s30 =	rddreg [dreg:$0xc];
	[sflag:s23] =	ssyncadd.s32 $0xFFFFB000  }
0x1ea: {  	[hbm4b:s30+s3] =	stream.linear.scatter [tilespmem:s3], [sflag:$0x5], $0x5000, $0x38;
	[tilespmem:$0x1F580] =	vst v63  }
0x1eb: {  	_ =	swait.ge [sflag:s23], $0x5000  }
0x1ec: {  	s15 =	simm.s32 $0xA500;
	[sflag:s23] =	ssyncset.done $0x0  }
0x1ed: {  	s17 =	simm.s32 $0x200;
	s3 =	simm.s32 $0x0;
	[sflag:s23] =	ssyncadd.s32 $0xFFFFB000  }
.LBB2_19:
0x1ee: {  	p1 =	sne.s32 s17, $0x13E00;
	[tilespmem:s3+$0x70] =	vst v4  }
0x1ef: {  	[tilespmem:s3+$0x0] =	vst v4  }
0x1f0: {  	[tilespmem:s3+$0x10] =	vst v4  }
.Ltmp11:
0x1f1: {  	[tilespmem:s3+$0x20] =	vst v4;
	(pc) =	sbr.rel @p1 .LBB2_19-.Ltmp11, $4  }
0x1f2: {  	[tilespmem:s3+$0x30] =	vst v4  }
0x1f3: {  	[tilespmem:s3+$0x40] =	vst v4  }
0x1f4: {  	[tilespmem:s3+$0x50] =	vst v4  }
0x1f5: {  	[tilespmem:s3+$0x60] =	vst v4;
	s3 =	sshra.s32 s17, $0x2;
	s17 =	sadd.s32 $0x200, s17  }
0x1f6: {  	(v2sf) =	vpush v7, $0x0  }
0x1f7: {  	(v2sf) =	vpush v7, $0x1;
	_ =	sdelay $0x1  }
0x1f8: {  	(v2sf) =	vpush v7, $0x2;
	_ =	sdelay $0x1  }
0x1f9: {  	(v2sf) =	vpush v7, $0x3;
	_ =	sdelay $0x1  }
0x1fa: {  	(v2sf) =	vpush v7, $0x4;
	_ =	sdelay $0x1  }
0x1fb: {  	(v2sf) =	vpush v7, $0x5;
	_ =	sdelay $0x1  }
0x1fc: {  	(v2sf) =	vpush v7, $0x6;
	_ =	sdelay $0x1  }
0x1fd: {  	(v2sf) =	vpush v7, $0x7;
	_ =	sdelay $0x1  }
0x1fe: {  	s14 =	spop (v2sf);
	(v2sf) =	vpush v7, $0x8  }
0x1ff: {  	s17 =	spop (v2sf)  }
0x200: {  	(v2sf) =	vpush v7, $0x9;
	s14 =	sadd.f32 s17, s14  }
0x201: {  	s29 =	spop (v2sf)  }
0x202: {  	(v2sf) =	vpush v7, $0xA;
	s14 =	sadd.f32 s14, s29  }
0x203: {  	s30 =	spop (v2sf)  }
0x204: {  	(v2sf) =	vpush v7, $0xB;
	s14 =	sadd.f32 s14, s30  }
0x205: {  	s28 =	spop (v2sf)  }
0x206: {  	(v2sf) =	vpush v7, $0xC;
	s14 =	sadd.f32 s14, s28  }
0x207: {  	s29 =	spop (v2sf)  }
0x208: {  	(v2sf) =	vpush v7, $0xD;
	s14 =	sadd.f32 s14, s29  }
0x209: {  	s30 =	spop (v2sf)  }
0x20a: {  	(v2sf) =	vpush v7, $0xE;
	s14 =	sadd.f32 s14, s30  }
0x20b: {  	s28 =	spop (v2sf)  }
0x20c: {  	(v2sf) =	vpush v7, $0xF;
	s14 =	sadd.f32 s14, s28  }
0x20d: {  	s29 =	spop (v2sf)  }
0x20e: {  	s14 =	sadd.f32 s14, s29  }
0x20f: {  	s30 =	spop (v2sf)  }
0x210: {  	s14 =	sadd.f32 s14, s30  }
0x211: {  	s28 =	spop (v2sf)  }
0x212: {  	s14 =	sadd.f32 s14, s28  }
0x213: {  	s29 =	spop (v2sf)  }
0x214: {  	s14 =	sadd.f32 s14, s29  }
0x215: {  	s30 =	spop (v2sf)  }
0x216: {  	s14 =	sadd.f32 s14, s30  }
0x217: {  	s28 =	spop (v2sf)  }
0x218: {  	s14 =	sadd.f32 s14, s28  }
0x219: {  	s29 =	spop (v2sf)  }
0x21a: {  	s14 =	sadd.f32 s14, s29  }
0x21b: {  	s30 =	spop (v2sf)  }
0x21c: {  	s14 =	sadd.f32 s14, s30;
	_ =	sdelay $0x1  }
0x21d: {  	p1 =	slt.f32 s14, $0.0e+00;
	p2 =	sgt.f32 s14, $0.0e+00  }
0x21e: {  	[tilespmem:s3+$0x70] =	vst v4  }
0x21f: {  	[tilespmem:s3+$0x0] =	vst v4;
	p1 =	por p2, p1  }
0x220: {  	[tilespmem:s3+$0x10] =	vst v4;
	p1 =	por !p1, !p1  }
.Ltmp12:
0x221: {  	[tilespmem:s3+$0x20] =	vst v4;
	(pc) =	sbr.rel @p1 .LBB2_38-.Ltmp12, $4  }
0x222: {  	[tilespmem:s3+$0x30] =	vst v4  }
0x223: {  	[tilespmem:s3+$0x40] =	vst v4  }
0x224: {  	[tilespmem:s3+$0x50] =	vst v4  }
0x225: {  	[tilespmem:s3+$0x60] =	vst v4  }
0x226: {  	s17 =	simm.s32 $0x0;
	s3 =	rddreg [dreg:$0x6]  }
0x227: {  	[spmem:s3] =	stream.linear.scatter [tilespmem:s17], [sflag:$0x5], $0x5000, $0x38;
	[tilespmem:$0x1F580] =	vst v63  }
0x228: {  	_ =	swait.ge [sflag:s23], $0x5000  }
0x229: {  	[sflag:s23] =	ssyncset.done $0x0  }
0x22a: {  	s14 =	rddreg [dreg:$0xf];
	[sflag:s23] =	ssyncadd.s32 $0xFFFFB000  }
0x22b: {  	[spmem:s14] =	stream.linear.scatter [tilespmem:s17], [sflag:$0x5], $0x5000, $0x38;
	[tilespmem:$0x1F580] =	vst v63  }
0x22c: {  	_ =	swait.ge [sflag:s23], $0x5000  }
0x22d: {  	[sflag:s23] =	ssyncset.done $0x0  }
0x22e: {  	s29 =	rddreg [dreg:$0x1f];
	[sflag:s23] =	ssyncadd.s32 $0xFFFFB000  }
0x22f: {  	[spmem:s29] =	stream.linear.scatter [tilespmem:s17], [sflag:$0x5], $0x5000, $0x38;
	[tilespmem:$0x1F580] =	vst v63  }
0x230: {  	_ =	swait.ge [sflag:s23], $0x5000  }
0x231: {  	[sflag:s23] =	ssyncset.done $0x0  }
0x232: {  	[sflag:s23] =	ssyncadd.s32 $0xFFFFB000  }
0x233: {  	[spmem:s18] =	stream.linear.scatter [tilespmem:s17], [sflag:$0x5], $0x5000, $0x38;
	[tilespmem:$0x1F580] =	vst v63  }
.Ltmp13:
0x234: {  	_ =	swait.ge [sflag:s23], $0x5000;
	(pc) =	sbr.rel .LBB2_22-.Ltmp13, $4  }
0x235: {  	[sflag:s23] =	ssyncset.done $0x0  }
0x236: {  	[sflag:s23] =	ssyncadd.s32 $0xFFFFB000  }
0x237: {  	[bflag:$0x0] =	sbarrier.arrive $0xFFFF  }
0x238: {  	s28 =	simm.s32 $0xAD80;
	s30 =	rddreg [dreg:$0x11]  }
.LBB2_24:
0x239: {  	s17 =	sadd.s32 $0x14, s17  }
0x23a: {  	p2 =	seq.s32 s17, $0x9C4  }
.Ltmp14:
0x23b: {  	_ = 	snop;
	(pc) =	sbr.rel @p2 .LBB2_25-.Ltmp14, $2  }
0x23c: {  	_ =	sdelay $0x2  }
0x23d: {  	s30 =	sadd.s32 $0xA00, s30;
	s28 =	sadd.s32 $0x10, s28  }
.LBB2_22:
0x23e: {  	v7 =	vld [tilespmem:s28+$0x0];
	_ =	sdelay $0x4  }
0x23f: {  	(v2sf) =	vpush v7, $0x0  }
0x240: {  	(v2sf) =	vpush v7, $0x1  }
0x241: {  	(v2sf) =	vpush v7, $0x2  }
0x242: {  	(v2sf) =	vpush v7, $0x3  }
0x243: {  	(v2sf) =	vpush v7, $0x4  }
0x244: {  	(v2sf) =	vpush v7, $0x5  }
0x245: {  	(v2sf) =	vpush v7, $0x6  }
0x246: {  	(v2sf) =	vpush v7, $0x7  }
0x247: {  	(v2sf) =	vpush v7, $0x8  }
0x248: {  	(v2sf) =	vpush v7, $0x9  }
0x249: {  	(v2sf) =	vpush v7, $0xA  }
0x24a: {  	(v2sf) =	vpush v7, $0xB  }
0x24b: {  	(v2sf) =	vpush v7, $0xC  }
0x24c: {  	(v2sf) =	vpush v7, $0xD  }
0x24d: {  	(v2sf) =	vpush v7, $0xE  }
0x24e: {  	s3 =	spop (v2sf);
	(v2sf) =	vpush v7, $0xF  }
0x24f: {  	s14 =	spop (v2sf)  }
0x250: {  	s3 =	sor.u32 s14, s3;
	s29 =	spop (v2sf)  }
0x251: {  	s3 =	sor.u32 s29, s3;
	s29 =	spop (v2sf)  }
0x252: {  	s3 =	sor.u32 s29, s3;
	s29 =	spop (v2sf)  }
0x253: {  	s3 =	sor.u32 s29, s3;
	s29 =	spop (v2sf)  }
0x254: {  	s3 =	sor.u32 s29, s3;
	s29 =	spop (v2sf)  }
0x255: {  	s3 =	sor.u32 s29, s3;
	s29 =	spop (v2sf)  }
0x256: {  	s3 =	sor.u32 s29, s3;
	s29 =	spop (v2sf)  }
0x257: {  	s3 =	sor.u32 s29, s3;
	s29 =	spop (v2sf)  }
0x258: {  	s3 =	sor.u32 s29, s3;
	s29 =	spop (v2sf)  }
0x259: {  	s3 =	sor.u32 s29, s3;
	s29 =	spop (v2sf)  }
0x25a: {  	s3 =	sor.u32 s29, s3;
	s29 =	spop (v2sf)  }
0x25b: {  	s3 =	sor.u32 s29, s3;
	s29 =	spop (v2sf)  }
0x25c: {  	s3 =	sor.u32 s29, s3;
	s29 =	spop (v2sf)  }
0x25d: {  	s3 =	sor.u32 s29, s3;
	s29 =	spop (v2sf)  }
0x25e: {  	s3 =	sor.u32 s29, s3  }
0x25f: {  	p2 =	seq.s32 s3, $0x0  }
.Ltmp15:
0x260: {  	_ = 	snop;
	(pc) =	sbr.rel @p2 .LBB2_24-.Ltmp15, $1  }
0x261: {  	_ =	sdelay $0x3  }
0x262: {  	s3 =	sadd.s32 s17, s13  }
0x263: {  	[tilespmem:s31], [sflag:$0x6] =	stream.linear.gather [hbm4b:s3+s2], $0xA0, $0x38;
	[tilespmem:$0x1F580] =	vst v63  }
0x264: {  	_ =	swait.ge [sflag:s0], $0xA0  }
0x265: {  	[sflag:s0] =	ssyncset.done $0x0  }
0x266: {  	s29 =	sadd.s32 s17, s12;
	[sflag:s0] =	ssyncadd.s32 $0xFFFFFF60  }
0x267: {  	[tilespmem:s4], [sflag:$0x6] =	stream.linear.gather [hbm4b:s29+s2], $0xA0, $0x38;
	[tilespmem:$0x1F580] =	vst v63  }
0x268: {  	_ =	swait.ge [sflag:s0], $0xA0  }
0x269: {  	[sflag:s0] =	ssyncset.done $0x0  }
0x26a: {  	[sflag:s0] =	ssyncadd.s32 $0xFFFFFF60  }
0x26b: {  	[tilespmem:s2], [sflag:$0x6] =	stream.linear.gather [hbm4b:s30+s2], $0x5000, $0x38;
	[tilespmem:$0x1F580] =	vst v63  }
0x26c: {  	_ =	swait.ge [sflag:s0], $0x5000  }
0x26d: {  	[sflag:s0] =	ssyncset.done $0x0  }
0x26e: {  	[sflag:s0] =	ssyncadd.s32 $0xFFFFB000  }
0x26f: {  	v7 =	vld [tilespmem:$0xA000]  }
0x270: {  	v8 =	vld [tilespmem:$0xA100]  }
0x271: {  	v9 =	vld [tilespmem:$0xA010]  }
0x272: {  	v10 =	vld [tilespmem:$0xA110]  }
0x273: {  	v11 =	vld [tilespmem:$0xA020]  }
0x274: {  	v12 =	vld [tilespmem:$0xA120]  }
0x275: {  	v13 =	vld [tilespmem:$0xA030]  }
0x276: {  	v52 =	vor.u32 $0x2730, v3;
	v14 =	vld [tilespmem:$0xA040]  }
0x277: {  	v18 =	vld [tilespmem:$0xA070];
	vm0 =	vlt.s32 v7, $0x1388;
	vm1 =	veq.s32 v7, v8;
	vm11 =	vlt.s32 v9, $0x1388  }
0x278: {  	v15 =	vld [tilespmem:$0xA140];
	v7 =	vsub.s32 v7, v2;
	vm13 =	veq.s32 v9, v10;
	v8 =	vsel vm0, v1, v0  }
0x279: {  	v56 =	vld [tilespmem:$0xA060];
	v9 =	vsub.s32 v9, v2;
	vm2 =	vne.s32 v8, $0x0;
	v8 =	vsel vm11, v1, v0  }
0x27a: {  	vm15 =	vlt.s32 v11, $0x1388;
	vm4 =	veq.s32 v11, v12;
	vm14 =	vne.s32 v8, $0x0;
	v8 =	vld [tilespmem:$0xA130]  }
0x27b: {  	v57 =	vld [tilespmem:$0xA160];
	vm5 =	vlt.s32 v13, $0x1388;
	v11 =	vsub.s32 v11, v2;
	v55 =	vsub.s32 v13, v2  }
0x27c: {  	vm10 =	vlt.s32 v14, $0x1388;
	v61 =	vsub.s32 v18, v2;
	v53 =	vsel vm15, v1, v0  }
0x27d: {  	v16 =	vld [tilespmem:$0xA050];
	v54 =	vsel vm5, v1, v0;
	v17 =	vsel vm10, v1, v0;
	vm5 =	vlt.s32 v18, $0x1388  }
0x27e: {  	vm6 =	vne.s32 v53, $0x0;
	vm9 =	vne.s32 v54, $0x0;
	vm11 =	veq.s32 v14, v15  }
0x27f: {  	v14 =	vsub.s32 v14, v2;
	vm12 =	vmand vm1, vm2;
	vm8 =	veq.s32 v13, v8;
	v8 =	vld [tilespmem:$0xA150]  }
0x280: {  	v21 =	vld [tilespmem:$0xA090];
	vm7 =	vmand vm4, vm6;
	vm4 =	vlt.s32 v56, $0x1388;
	vm6 =	veq.s32 v56, v57  }
0x281: {  	vm1 =	vmand vm13, vm14;
	v7 =	vsel vm12, v7, v52;
	v11 =	vsel vm7, v11, v52  }
0x282: {  	v19 =	vld [tilespmem:$0xA170];
	vm12 =	vne.s32 v17, $0x0;
	vm13 =	vlt.s32 v16, $0x1388;
	v20 =	vsel vm4, v1, v0  }
0x283: {  	v60 =	vld [tilespmem:$0xA190];
	v9 =	vsel vm1, v9, v52;
	vm0 =	vmand vm11, vm12;
	v58 =	vsel vm13, v1, v0  }
0x284: {  	[tilespmem:$0xA400] =	vst v7;
	vm7 =	vne.s32 v20, $0x0;
	v7 =	vsel vm5, v1, v0;
	vm14 =	veq.s32 v16, v8;
	v8 =	vld [tilespmem:$0xA080]  }
0x285: {  	vm12 =	vlt.s32 v21, $0x1388;
	v14 =	vsel vm0, v14, v52;
	vm15 =	vne.s32 v58, $0x0  }
0x286: {  	v59 =	vld [tilespmem:$0xA180];
	v63 =	vsel vm12, v1, v0;
	vm1 =	vmand vm8, vm9;
	vm9 =	vne.s32 v7, $0x0  }
0x287: {  	[tilespmem:$0xA420] =	vst v11;
	v7 =	vsub.s32 v56, v2;
	v12 =	vsel vm1, v55, v52;
	vm1 =	vmand vm6, vm7  }
0x288: {  	[tilespmem:$0xA410] =	vst v9;
	vm8 =	veq.s32 v18, v19;
	v7 =	vsel vm1, v7, v52;
	v16 =	vsub.s32 v16, v2  }
0x289: {  	[tilespmem:$0xA440] =	vst v14;
	vm0 =	vmand vm14, vm15;
	vm14 =	veq.s32 v21, v60;
	vm10 =	vlt.s32 v8, $0x1388  }
0x28a: {  	[tilespmem:$0xA430] =	vst v12;
	vm15 =	vne.s32 v63, $0x0;
	v16 =	vsel vm0, v16, v52;
	v62 =	vsel vm10, v1, v0  }
0x28b: {  	[tilespmem:$0xA490] =	vst v7;
	vm0 =	vmand vm8, vm9;
	vm11 =	veq.s32 v8, v59;
	vm13 =	vne.s32 v62, $0x0  }
0x28c: {  	v9 =	vsel vm0, v61, v52;
	[tilespmem:$0xA480] =	vst v16;
	v7 =	vsub.s32 v8, v2;
	vm1 =	vmand vm11, vm13  }
0x28d: {  	vm0 =	vmand vm14, vm15;
	[tilespmem:$0xA4A0] =	vst v9;
	v8 =	vsub.s32 v21, v2;
	v7 =	vsel vm1, v7, v52  }
0x28e: {  	[tilespmem:$0xA4B0] =	vst v7;
	v7 =	vsel vm0, v8, v52  }
0x28f: {  	[tilespmem:$0xA4C0] =	vst v7  }
0x290: {  	[spmem:s1] =	stream.indirect.scatter.add.f32 [tilespmem:s2], [sflag:$0x6], $0x80, s19, s6, $0xb8;
	[tilespmem:$0x1F580] =	vst v63  }
0x291: {  	_ =	swait.ge [sflag:s0], $0x2800  }
0x292: {  	[sflag:s0] =	ssyncset.done $0x0  }
.Ltmp16:
0x293: {  	[sflag:s0] =	ssyncadd.s32 $0xFFFFD800;
	(pc) =	sbr.rel .LBB2_24-.Ltmp16, $4  }
0x294: {  	[spmem:s1] =	stream.indirect.scatter.add.f32 [tilespmem:s9], [sflag:$0x5], $0x80, s20, s6, $0xb8;
	[tilespmem:$0x1F580] =	vst v63  }
0x295: {  	_ =	swait.ge [sflag:s23], $0x2800  }
0x296: {  	[sflag:s23] =	ssyncset.done $0x0  }
0x297: {  	[sflag:s23] =	ssyncadd.s32 $0xFFFFD800  }
.LBB2_25:
0x298: {  	[bflag:$0x0] =	sbarrier.arrive $0xFFFF  }
0x299: {  	s3 =	simm.s32 $0x0;
	s14 =	rddreg [dreg:$0x13]  }
0x29a: {  	[tilespmem:s3], [sflag:$0x5] =	stream.linear.gather [spmem:s14], $0x5000, $0x38;
	[tilespmem:$0x1F580] =	vst v63  }
0x29b: {  	_ =	swait.ge [sflag:s23], $0x5000  }
0x29c: {  	[sflag:s23] =	ssyncset.done $0x0  }
0x29d: {  	s30 =	simm.s32 $0x0;
	[sflag:s23] =	ssyncadd.s32 $0xFFFFB000  }
0x29e: {  	v7 =	vld [tilespmem:s30+$0x70]  }
0x29f: {  	v9 =	vld [tilespmem:s30+$0x0]  }
0x2a0: {  	v11 =	vld [tilespmem:s30+$0x10]  }
0x2a1: {  	v12 =	vld [tilespmem:s30+$0x20]  }
0x2a2: {  	v15 =	vld [tilespmem:s30+$0x30]  }
0x2a3: {  	v10 =	vimm.f32 $0.0e+00;
	v16 =	vimm.f32 $0.0e+00;
	v13 =	vld [tilespmem:s30+$0x40]  }
0x2a4: {  	v17 =	vimm.f32 $0.0e+00;
	v14 =	vimm.f32 $0.0e+00;
	v18 =	vld [tilespmem:s30+$0x50];
	v8 =	vadd.f32 v7, v10  }
0x2a5: {  	s17 =	simm.s32 $0x400;
	s3 =	simm.s32 $0x80;
	v19 =	vld [tilespmem:s30+$0x60];
	v7 =	vadd.f32 v9, v10;
	v9 =	vadd.f32 v11, v10;
	v11 =	vimm.f32 $0.0e+00  }
.LBB2_26:
0x2a6: {  	p2 =	sne.s32 s17, $0x13E00;
	v20 =	vld [tilespmem:s3+$0x70];
	v10 =	vadd.f32 v12, v10  }
0x2a7: {  	v21 =	vld [tilespmem:s3+$0x0];
	v11 =	vadd.f32 v15, v11  }
0x2a8: {  	v22 =	vld [tilespmem:s3+$0x10];
	v16 =	vadd.f32 v13, v16  }
.Ltmp17:
0x2a9: {  	v12 =	vld [tilespmem:s3+$0x20];
	v17 =	vadd.f32 v18, v17;
	(pc) =	sbr.rel @p2 .LBB2_26-.Ltmp17, $4  }
0x2aa: {  	v15 =	vld [tilespmem:s3+$0x30];
	v14 =	vadd.f32 v19, v14  }
0x2ab: {  	v13 =	vld [tilespmem:s3+$0x40];
	v8 =	vadd.f32 v20, v8  }
0x2ac: {  	v7 =	vadd.f32 v21, v7;
	v18 =	vld [tilespmem:s3+$0x50]  }
0x2ad: {  	v9 =	vadd.f32 v22, v9;
	v19 =	vld [tilespmem:s3+$0x60];
	s3 =	sshra.s32 s17, $0x2;
	s17 =	sadd.s32 $0x200, s17  }
0x2ae: {  	v20 =	vld [tilespmem:s3+$0x70]  }
0x2af: {  	v21 =	vld [tilespmem:s3+$0x0]  }
0x2b0: {  	v22 =	vld [tilespmem:s3+$0x10]  }
0x2b1: {  	v23 =	vld [tilespmem:s3+$0x20]  }
0x2b2: {  	v24 =	vld [tilespmem:s3+$0x30]  }
0x2b3: {  	v25 =	vld [tilespmem:s3+$0x40]  }
0x2b4: {  	v26 =	vld [tilespmem:s3+$0x50];
	s30 =	simm.s32 $0x0;
	s14 =	rddreg [dreg:$0x1c]  }
0x2b5: {  	v27 =	vld [tilespmem:s3+$0x60];
	[tilespmem:s30], [sflag:$0x5] =	stream.linear.gather [spmem:s14], $0x5000, $0x38  }
0x2b6: {  	_ =	swait.ge [sflag:s23], $0x5000  }
0x2b7: {  	[sflag:s23] =	ssyncset.done $0x0  }
0x2b8: {  	s3 =	simm.s32 $0x0;
	[sflag:s23] =	ssyncadd.s32 $0xFFFFB000  }
0x2b9: {  	v10 =	vadd.f32 v12, v10;
	v11 =	vadd.f32 v15, v11;
	v12 =	vld [tilespmem:s3+$0x70]  }
0x2ba: {  	v13 =	vadd.f32 v13, v16;
	v17 =	vadd.f32 v18, v17;
	v28 =	vld [tilespmem:s3+$0x0]  }
0x2bb: {  	v14 =	vadd.f32 v19, v14;
	v18 =	vadd.f32 v20, v8;
	v19 =	vld [tilespmem:s3+$0x10]  }
0x2bc: {  	v20 =	vadd.f32 v21, v7;
	v63 =	vadd.f32 v22, v9;
	v15 =	vld [tilespmem:s3+$0x20]  }
0x2bd: {  	v9 =	vadd.f32 v23, v10;
	v7 =	vadd.f32 v24, v11;
	v16 =	vld [tilespmem:s3+$0x30]  }
0x2be: {  	v10 =	vadd.f32 v25, v13;
	v8 =	vadd.f32 v26, v17;
	v17 =	vld [tilespmem:s3+$0x40]  }
0x2bf: {  	v11 =	vadd.f32 v27, v14;
	v12 =	vadd.f32 v12, v18;
	v18 =	vld [tilespmem:s3+$0x50]  }
0x2c0: {  	s17 =	simm.s32 $0x200;
	s28 =	simm.s32 $0x80;
	s29 =	simm.s32 $0x400;
	v13 =	vadd.f32 v28, v20;
	v14 =	vadd.f32 v19, v63;
	v19 =	vld [tilespmem:s3+$0x60]  }
.LBB2_28:
0x2c1: {  	p2 =	sne.s32 s29, $0x13E00;
	v20 =	vld [tilespmem:s28+$0x70];
	v9 =	vadd.f32 v15, v9  }
0x2c2: {  	v21 =	vld [tilespmem:s28+$0x0];
	v7 =	vadd.f32 v16, v7  }
0x2c3: {  	v22 =	vld [tilespmem:s28+$0x10];
	v10 =	vadd.f32 v17, v10  }
.Ltmp18:
0x2c4: {  	v15 =	vld [tilespmem:s28+$0x20];
	v8 =	vadd.f32 v18, v8;
	(pc) =	sbr.rel @p2 .LBB2_28-.Ltmp18, $4  }
0x2c5: {  	v16 =	vld [tilespmem:s28+$0x30];
	v11 =	vadd.f32 v19, v11  }
0x2c6: {  	v17 =	vld [tilespmem:s28+$0x40];
	v12 =	vadd.f32 v20, v12  }
0x2c7: {  	v13 =	vadd.f32 v21, v13;
	v18 =	vld [tilespmem:s28+$0x50]  }
0x2c8: {  	v14 =	vadd.f32 v22, v14;
	v19 =	vld [tilespmem:s28+$0x60];
	s28 =	sshra.s32 s29, $0x2;
	s29 =	sadd.s32 $0x200, s29  }
0x2c9: {  	v20 =	vld [tilespmem:s28+$0x70]  }
0x2ca: {  	v21 =	vld [tilespmem:s28+$0x0]  }
0x2cb: {  	v22 =	vld [tilespmem:s28+$0x10]  }
0x2cc: {  	v23 =	vld [tilespmem:s28+$0x20]  }
0x2cd: {  	v24 =	vld [tilespmem:s28+$0x30]  }
0x2ce: {  	v25 =	vld [tilespmem:s28+$0x40]  }
0x2cf: {  	v9 =	vadd.f32 v15, v9;
	v15 =	vld [tilespmem:s28+$0x50]  }
0x2d0: {  	v63 =	vld [tilespmem:s28+$0x60];
	v16 =	vadd.f32 v16, v7;
	v10 =	vadd.f32 v17, v10  }
0x2d1: {  	v18 =	vadd.f32 v18, v8;
	v19 =	vadd.f32 v19, v11  }
0x2d2: {  	v7 =	vadd.f32 v20, v12;
	v13 =	vadd.f32 v21, v13  }
0x2d3: {  	v14 =	vadd.f32 v22, v14;
	v8 =	vadd.f32 v23, v9  }
0x2d4: {  	v9 =	vadd.f32 v24, v16;
	v10 =	vadd.f32 v25, v10  }
0x2d5: {  	v11 =	vadd.f32 v15, v18;
	v12 =	vadd.f32 v63, v19  }
.LBB2_30:
0x2d6: {  	p2 =	sne.s32 s17, $0x1E00;
	[tilespmem:s3+$0xA570] =	vst v4  }
0x2d7: {  	[tilespmem:s3+$0xA500] =	vst v4  }
0x2d8: {  	[tilespmem:s3+$0xA510] =	vst v4  }
.Ltmp19:
0x2d9: {  	[tilespmem:s3+$0xA520] =	vst v4;
	(pc) =	sbr.rel @p2 .LBB2_30-.Ltmp19, $4  }
0x2da: {  	[tilespmem:s3+$0xA530] =	vst v4  }
0x2db: {  	[tilespmem:s3+$0xA540] =	vst v4  }
0x2dc: {  	[tilespmem:s3+$0xA550] =	vst v4  }
0x2dd: {  	[tilespmem:s3+$0xA560] =	vst v4;
	s3 =	sshra.s32 s17, $0x2;
	s17 =	sadd.s32 $0x200, s17  }
0x2de: {  	[tilespmem:s3+$0xA570] =	vst v4  }
0x2df: {  	[tilespmem:s3+$0xA500] =	vst v4  }
0x2e0: {  	[tilespmem:s3+$0xA510] =	vst v4  }
0x2e1: {  	[tilespmem:s3+$0xA520] =	vst v4  }
0x2e2: {  	[tilespmem:s3+$0xA530] =	vst v4  }
0x2e3: {  	[tilespmem:s3+$0xA540] =	vst v4  }
0x2e4: {  	[tilespmem:s3+$0xA550] =	vst v4  }
0x2e5: {  	[tilespmem:s3+$0xA560] =	vst v4  }
0x2e6: {  	[tilespmem:$0xA500] =	vst v13  }
0x2e7: {  	[tilespmem:$0xA510] =	vst v14  }
0x2e8: {  	[tilespmem:$0xA520] =	vst v8  }
0x2e9: {  	[tilespmem:$0xA530] =	vst v9  }
0x2ea: {  	[tilespmem:$0xA540] =	vst v10  }
0x2eb: {  	[tilespmem:$0xA550] =	vst v11  }
0x2ec: {  	[tilespmem:$0xA560] =	vst v12  }
0x2ed: {  	[tilespmem:$0xA570] =	vst v7;
	v7 =	vor.u32 $0x2720, v3  }
0x2ee: {  	s29 =	simm.s32 $0x10;
	s14 =	simm.s32 $0xAD00;
	[tilespmem:$0xAD00] =	vst v7  }
0x2ef: {  	[spmem:s1] =	stream.indirect.scatter.add.f32 [tilespmem:s15], [sflag:$0x5], $0x80, s14, s29, $0xb8;
	[tilespmem:$0x1F580] =	vst v63  }
0x2f0: {  	_ =	swait.ge [sflag:s23], $0x800  }
0x2f1: {  	[sflag:s23] =	ssyncset.done $0x0  }
0x2f2: {  	[sflag:s23] =	ssyncadd.s32 $0xFFFFF800  }
0x2f3: {  	[bflag:$0x0] =	sbarrier.arrive $0xFFFF  }
.Ltmp20:
0x2f4: {  	s30 =	rddreg [dreg:$0x13];
	(pc) =	sbr.rel .LBB2_32-.Ltmp20, $4  }
0x2f5: {  	[tilespmem:s2], [sflag:$0x5] =	stream.linear.gather [spmem:s30], $0x5000, $0x38;
	[tilespmem:$0x1F580] =	vst v63  }
0x2f6: {  	_ =	swait.ge [sflag:s23], $0x5000  }
0x2f7: {  	[sflag:s23] =	ssyncset.done $0x0  }
0x2f8: {  	[sflag:s23] =	ssyncadd.s32 $0xFFFFB000  }
.LBB2_38:
0x2f9: {  	[bflag:$0x0] =	sbarrier.arrive $0xFFFF  }
0x2fa: {  	[bflag:$0x0] =	sbarrier.arrive $0xFFFF  }
0x2fb: {  	[bflag:$0x0] =	sbarrier.arrive $0xFFFF  }
.LBB2_32:
0x2fc: {  	s3 =	rddreg [dreg:$0x14]  }
0x2fd: {  	[hbm4b:s3+s2] =	stream.linear.scatter [tilespmem:s2], [sflag:$0x5], $0x5000, $0x38;
	[tilespmem:$0x1F580] =	vst v63  }
0x2fe: {  	_ =	swait.ge [sflag:s23], $0x5000  }
0x2ff: {  	[sflag:s23] =	ssyncset.done $0x0  }
0x300: {  	s3 =	simm.s32 @!p1 $0x0;
	s14 =	rddreg [dreg:$0x1c];
	[sflag:s23] =	ssyncadd.s32 $0xFFFFB000  }
0x301: {  	[tilespmem:s3], [sflag:$0x5] =	stream.linear.gather @!p1 [spmem:s14], $0x5000, $0x38;
	[tilespmem:$0x1F580] =	vst v63  }
0x302: {  	s3 =	simm.s32 @!p1 $0x5  }
0x303: {  	_ =	swait.ge @!p1 [sflag:s3], $0x5000  }
0x304: {  	s17 =	simm.s32 $0x0;
	[sflag:s3] =	ssyncset.done @!p1 $0x0  }
.Ltmp21:
0x305: {  	s30 =	rddreg [dreg:$0x15];
	[sflag:s3] =	ssyncadd.s32 @!p1 $0xFFFFB000;
	(pc) =	sbr.rel @p0 .LBB2_36-.Ltmp21, $4  }
0x306: {  	[hbm4b:s30+s17] =	stream.linear.scatter [tilespmem:s17], [sflag:$0x5], $0x5000, $0x38;
	[tilespmem:$0x1F580] =	vst v63  }
0x307: {  	_ =	swait.ge [sflag:s23], $0x5000  }
0x308: {  	[sflag:s23] =	ssyncset.done $0x0  }
0x309: {  	[sflag:s23] =	ssyncadd.s32 $0xFFFFB000  }
0x30a: {  	s3 =	sshra.s32 s17, $0x2;
	s17 =	sadd.s32 $0x200, s17  }
.LBB2_34:
0x30b: {  	p2 =	sne.s32 s17, $0x1E00;
	[tilespmem:s3+$0xA570] =	vst v4  }
0x30c: {  	[tilespmem:s3+$0xA500] =	vst v4  }
0x30d: {  	[tilespmem:s3+$0xA510] =	vst v4  }
.Ltmp22:
0x30e: {  	[tilespmem:s3+$0xA520] =	vst v4;
	(pc) =	sbr.rel @p2 .LBB2_34-.Ltmp22, $4  }
0x30f: {  	[tilespmem:s3+$0xA530] =	vst v4  }
0x310: {  	[tilespmem:s3+$0xA540] =	vst v4  }
0x311: {  	[tilespmem:s3+$0xA550] =	vst v4  }
0x312: {  	[tilespmem:s3+$0xA560] =	vst v4;
	s3 =	sshra.s32 s17, $0x2;
	s17 =	sadd.s32 $0x200, s17  }
.Ltmp23:
0x313: {  	_ = 	snop;
	(pc) =	sbr.rel .LBB2_35-.Ltmp23, $1  }
0x314: {  	_ =	sdelay $0x3  }
.LBB2_37:
0x315: {  	_ =	sfence.sel $0x180000  }
0x316: {  	[bflag:$0x0] =	sbarrier.arrive $0xFFFF  }
0x317: {  	_ =	strace $0x90000047  }
0x318: {  	[bflag:$0x2] =	sbarrier.arrive $0xFFFF  }
0x319: {  	s0 =	rddreg [dreg:$0x5]  }
0x31a: {  	s0 =	sadd.s32 @!p0 $0x100000, s0  }
0x31b: {  	[sflag:s0] =	ssyncadd.tile.s32 @!p0 $0x1;
	_ =	shalt  }
.Lfunc_end2:
_tile_overlayer_lowered:
.L_overlay_start_2:
0x31c: {  	(tag) =	ssettag $0x2  }
0x31d: {  	s0 =	rddreg [dreg:$0x0];
	s2 =	stileid.u32  }
0x31e: {  	s1 =	rddreg [dreg:$0x1];
	p0 =	sne.s32 s2, $0x0  }
0x31f: {  	s3 =	rddreg [dreg:$0x2];
	[bflag:$0x3] =	sbarrier.arrive $0xFFFF;
	s2 =	simm.s32 @!p0 $0x1C05  }
0x320: {  	[timem:s3], [sflag:s2] =	dma.local @!p0 [hbm:s0], s1  }
0x321: {  	s0 =	simm.s32 @!p0 $0x5  }
0x322: {  	_ =	swait.ge @!p0 [sflag:s0], s1  }
0x323: {  	s1 =	ssub.s32 @!p0 $0x0, s1;
	[sflag:s0] =	ssyncset.done @!p0 $0x0  }
0x324: {  	[sflag:s0] =	ssyncadd.s32 @!p0 s1  }
0x325: {  	[bflag:$0x3] =	sbarrier.arrive $0xFFFF  }
0x326: {  	_ =	shalt  }

</sc_bundles>
